<compile_context>
chip_gen: v7x
topology: tpu7x:2x2x1
jax: 0.10.2.dev20260603
libtpu: 0.0.44.dev20260713+nightly
codegen_flags: <defaults>
</compile_context>

<pallas_src>
import functools

import jax
import jax.numpy as jnp
from jax import lax
from jax.experimental import pallas as pl
from jax.experimental.pallas import tpu as pltpu
from jax.experimental.pallas import tpu_sc as plsc

_VOCAB_TILE = 2560
_IDX_CHUNK = 640


def _cbow_pool_sc(x, emb_table):
    B, CTX = x.shape
    V, E = emb_table.shape
    info = plsc.get_sparse_core_info()
    NC, NS = info.num_cores, info.num_subcores
    NW = NC * NS
    n_tok = (B * CTX) // NW
    n_ch = n_tok // _IDX_CHUNK
    b_per_w = B // NW
    x_t = x.reshape(NW, b_per_w, CTX).transpose(0, 2, 1).reshape(NW, n_tok)
    emb_t = emb_table.T

    mesh = plsc.VectorSubcoreMesh(core_axis_name="c", subcore_axis_name="s")

    @functools.partial(
        pl.kernel,
        mesh=mesh,
        compiler_params=pltpu.CompilerParams(use_tc_tiling_on_sc=False),
        out_type=jax.ShapeDtypeStruct((E, B), jnp.float32),
        scratch_types=[
            pltpu.VMEM((n_tok,), jnp.int32),
            pltpu.VMEM((E * n_tok,), jnp.float32),
            pltpu.VMEM((E, b_per_w), jnp.float32),
            pltpu.SemaphoreType.DMA,
        ],
    )
    def pool(x_hbm, tab_hbm, out_hbm, xv, rows_v, m_v, sem):
        wid = lax.axis_index("s") * NC + lax.axis_index("c")
        pltpu.sync_copy(x_hbm.at[wid], xv)
        waves = []
        for e in range(E):
            waves.append([
                pltpu.async_copy(
                    tab_hbm.at[e].at[xv.at[pl.ds(g * _IDX_CHUNK, _IDX_CHUNK)]],
                    rows_v.at[pl.ds(e * n_tok + g * _IDX_CHUNK, _IDX_CHUNK)],
                    sem,
                )
                for g in range(n_ch)
            ])
            if e >= 3:
                for c in waves[e - 3]:
                    c.wait()
        for wave in waves[E - 3:]:
            for c in wave:
                c.wait()

        scale = jnp.float32(1.0 / CTX)
        n_bg = b_per_w // 16
        for e in range(E):
            for bg in range(n_bg):
                acc = None
                for c in range(CTX):
                    v = rows_v[pl.ds(e * n_tok + c * b_per_w + bg * 16, 16)]
                    acc = v if acc is None else acc + v
                m_v[e, pl.ds(bg * 16, 16)] = acc * scale
        pltpu.sync_copy(m_v, out_hbm.at[:, pl.ds(wid * b_per_w, b_per_w)])

    return pool(x_t, emb_t)


def _project_tc(mT, W, b):
    E, B = mT.shape
    V = W.shape[0]
    T = _VOCAB_TILE
    n_blk = -(-V // T)
    Wt = W.T
    b2 = b.reshape(1, V)

    def body(w_ref, m_ref, b_ref, o_ref):
        o_ref[...] = lax.dot_general(
            w_ref[...], m_ref[...],
            (((0,), (0,)), ((), ())),
            preferred_element_type=jnp.float32,
        ) + b_ref[...].T

    return pl.pallas_call(
        body,
        grid=(n_blk,),
        in_specs=[
            pl.BlockSpec((E, T), lambda i: (0, i)),
            pl.BlockSpec((E, B), lambda i: (0, 0)),
            pl.BlockSpec((1, T), lambda i: (0, i)),
        ],
        out_specs=pl.BlockSpec((T, B), lambda i: (i, 0)),
        out_shape=jax.ShapeDtypeStruct((V, B), jnp.float32),
    )(Wt, mT, b2)


def kernel(x, emb_table, W, b):
    mT = _cbow_pool_sc(x, emb_table)
    return _project_tc(mT, W, b).T

# --- scband reference (transcript-rebuilt; emitter-appended) ---
"""Pipeline reference for scband-cbow-5772436046399 (READ-ONLY COPY).

The authoritative reference and input builder live on the scoring server;
editing this copy changes nothing except your own understanding.
"""

import jax, jax.numpy as jnp
import numpy as np

VOCAB = 100000
EMBED = 16
BATCH = 1024
CTX = 20

def setup_inputs(seed: int = 0) -> dict:
    key = jax.random.key(seed)
    k1, k2, k3, k4 = jax.random.split(key, 4)
    x = jax.random.randint(k1, (BATCH, CTX), 0, VOCAB, dtype=jnp.int64) if jax.config.jax_enable_x64 else jax.random.randint(k1, (BATCH, CTX), 0, VOCAB, dtype=jnp.int32)
    emb_table = jax.random.normal(k2, (VOCAB, EMBED), dtype=jnp.float32) * 0.02
    W = jax.random.normal(k3, (VOCAB, EMBED), dtype=jnp.float32) * (1.0 / np.sqrt(EMBED))
    b = jax.random.normal(k4, (VOCAB,), dtype=jnp.float32) * 0.01
    return {"x": x, "emb_table": emb_table, "W": W, "b": b}

def reference(x, emb_table, W, b):
    # x: [B, CTX] int indices
    e = jnp.take(emb_table, x, axis=0)        # [B, CTX, EMBED] gather
    m = jnp.mean(e, axis=1)                   # [B, EMBED]
    logits = m @ W.T + b                      # [B, VOCAB]
    return logits

if False:  # reference __main__ guard neutralized (emitter)
    inp = setup_inputs()
    out = reference(**inp)
    print(out.shape, out.dtype)

if __name__ == "__main__":
    import jax
    _d = setup_inputs()
    print(jax.jit(kernel)(*tuple(_d.values())))

</pallas_src>

<mosaic_0001>
#map = affine_map<(d0, d1) -> (0, 0)>
module attributes {stable_mosaic.version = 14 : i64} {
  func.func @pool(%arg0: i32, %arg1: i32, %arg2: memref<32x640xi32, #tpu.memory_space<hbm>>, %arg3: memref<16x100000xf32, #tpu.memory_space<hbm>>, %arg4: memref<16x1024xf32, #tpu.memory_space<hbm>>, %arg5: memref<640xi32, #tpu.memory_space<vmem>>, %arg6: memref<10240xf32, #tpu.memory_space<vmem>>, %arg7: memref<16x32xf32, #tpu.memory_space<vmem>>, %arg8: memref<!tpu.dma_semaphore, #tpu.memory_space<semaphore_mem>>) attributes {dimension_semantics = [#tpu.dimension_semantics<core_parallel>, #tpu.dimension_semantics<subcore_parallel>], iteration_bounds = array<i64: 2, 16>, scalar_prefetch = 0 : i64, scratch_operands = 4 : i64, tpu.core_type = #tpu.core_type<sc_vector_subcore>, window_params = [{transform_indices = #map}, {transform_indices = #map}, {transform_indices = #map}]} {
    %mul3A = arith.constant 2 : i32
    %mul3A_0 = arith.muli %arg1, %mul3A : i32
    %add3A = arith.addi %mul3A_0, %arg0 : i32
    "tpu.region"() ({
      %run_scoped3A = tpu.sem_alloc : memref<!tpu.dma_semaphore, #tpu.memory_space<semaphore_mem>>
      %dma_start3A_3135 = arith.constant 0 : i32
      %dma_start3A_3136 = tpu.memref_slice %arg2[%add3A, %dma_start3A_3135] : memref<32x640xi32, #tpu.memory_space<hbm>> -> memref<1x640xi32, #tpu.memory_space<hbm>>
      %dma_start3A_3137 = tpu.memref_squeeze %dma_start3A_3136 : memref<1x640xi32, #tpu.memory_space<hbm>> -> memref<640xi32, #tpu.memory_space<hbm>>
      %dma_start3A_3138 = arith.constant 0 : i32
      %dma_start3A_3139 = tpu.memref_slice %arg2[%add3A, %dma_start3A_3138] : memref<32x640xi32, #tpu.memory_space<hbm>> -> memref<1x640xi32, #tpu.memory_space<hbm>>
      %dma_start3A_3140 = tpu.memref_squeeze %dma_start3A_3139 : memref<1x640xi32, #tpu.memory_space<hbm>> -> memref<640xi32, #tpu.memory_space<hbm>>
      tpu.enqueue_dma source(%dma_start3A_3140 : memref<640xi32, #tpu.memory_space<hbm>>) target(%arg5 : memref<640xi32, #tpu.memory_space<vmem>>) target_semaphore(%run_scoped3A : memref<!tpu.dma_semaphore, #tpu.memory_space<semaphore_mem>>)
      %dma_wait3A_3141 = arith.constant 0 : i32
      %dma_wait3A_3142 = tpu.memref_slice %arg2[%add3A, %dma_wait3A_3141] : memref<32x640xi32, #tpu.memory_space<hbm>> -> memref<1x640xi32, #tpu.memory_space<hbm>>
      %dma_wait3A_3143 = tpu.memref_squeeze %dma_wait3A_3142 : memref<1x640xi32, #tpu.memory_space<hbm>> -> memref<640xi32, #tpu.memory_space<hbm>>
      %dma_wait3A_3144 = arith.constant 0 : i32
      %dma_wait3A_3145 = tpu.memref_slice %arg2[%add3A, %dma_wait3A_3144] : memref<32x640xi32, #tpu.memory_space<hbm>> -> memref<1x640xi32, #tpu.memory_space<hbm>>
      %dma_wait3A_3146 = tpu.memref_squeeze %dma_wait3A_3145 : memref<1x640xi32, #tpu.memory_space<hbm>> -> memref<640xi32, #tpu.memory_space<hbm>>
      tpu.wait_dma2 semaphore(%run_scoped3A : memref<!tpu.dma_semaphore, #tpu.memory_space<semaphore_mem>>) src(%dma_wait3A_3146 : memref<640xi32, #tpu.memory_space<hbm>>) dst(%arg5 : memref<640xi32, #tpu.memory_space<vmem>>)
      tpu.yield
    }) : () -> ()
    %dma_start3A = arith.constant 0 : i32
    %dma_start3A_1 = arith.constant 0 : i32
    %dma_start3A_2 = tpu.memref_slice %arg6[%dma_start3A_1] : memref<10240xf32, #tpu.memory_space<vmem>> -> memref<640xf32, #tpu.memory_space<vmem>>
    %dma_start3A_3 = arith.constant 0 : i32
    %dma_start3A_4 = tpu.memref_slice %arg5[%dma_start3A_3] : memref<640xi32, #tpu.memory_space<vmem>> -> memref<640xi32, #tpu.memory_space<vmem>>
    %dma_start3A_5 = arith.constant 0 : i32
    %dma_start3A_6 = tpu.memref_slice %arg3[%dma_start3A, %dma_start3A_5] : memref<16x100000xf32, #tpu.memory_space<hbm>> -> memref<1x100000xf32, #tpu.memory_space<hbm>>
    %dma_start3A_7 = tpu.memref_squeeze %dma_start3A_6 : memref<1x100000xf32, #tpu.memory_space<hbm>> -> memref<100000xf32, #tpu.memory_space<hbm>>
    %dma_start3A_8 = arith.constant 0 : i32
    %dma_start3A_9 = tpu.memref_slice %dma_start3A_7[%dma_start3A_8] : memref<100000xf32, #tpu.memory_space<hbm>> -> memref<100000xf32, #tpu.memory_space<hbm>>
    tpu.enqueue_indirect_dma source(%dma_start3A_9 : memref<100000xf32, #tpu.memory_space<hbm>>) target(%dma_start3A_2 : memref<640xf32, #tpu.memory_space<vmem>>) offsets(%dma_start3A_4 : memref<640xi32, #tpu.memory_space<vmem>>) semaphore(%arg8 : memref<!tpu.dma_semaphore, #tpu.memory_space<semaphore_mem>>)
    %dma_start3A_10 = arith.constant 1 : i32
    %dma_start3A_11 = arith.constant 640 : i32
    %dma_start3A_12 = tpu.memref_slice %arg6[%dma_start3A_11] : memref<10240xf32, #tpu.memory_space<vmem>> -> memref<640xf32, #tpu.memory_space<vmem>>
    %dma_start3A_13 = arith.constant 0 : i32
    %dma_start3A_14 = tpu.memref_slice %arg5[%dma_start3A_13] : memref<640xi32, #tpu.memory_space<vmem>> -> memref<640xi32, #tpu.memory_space<vmem>>
    %dma_start3A_15 = arith.constant 0 : i32
    %dma_start3A_16 = tpu.memref_slice %arg3[%dma_start3A_10, %dma_start3A_15] : memref<16x100000xf32, #tpu.memory_space<hbm>> -> memref<1x100000xf32, #tpu.memory_space<hbm>>
    %dma_start3A_17 = tpu.memref_squeeze %dma_start3A_16 : memref<1x100000xf32, #tpu.memory_space<hbm>> -> memref<100000xf32, #tpu.memory_space<hbm>>
    %dma_start3A_18 = arith.constant 0 : i32
    %dma_start3A_19 = tpu.memref_slice %dma_start3A_17[%dma_start3A_18] : memref<100000xf32, #tpu.memory_space<hbm>> -> memref<100000xf32, #tpu.memory_space<hbm>>
    tpu.enqueue_indirect_dma source(%dma_start3A_19 : memref<100000xf32, #tpu.memory_space<hbm>>) target(%dma_start3A_12 : memref<640xf32, #tpu.memory_space<vmem>>) offsets(%dma_start3A_14 : memref<640xi32, #tpu.memory_space<vmem>>) semaphore(%arg8 : memref<!tpu.dma_semaphore, #tpu.memory_space<semaphore_mem>>)
    %dma_start3A_20 = arith.constant 2 : i32
    %dma_start3A_21 = arith.constant 1280 : i32
    %dma_start3A_22 = tpu.memref_slice %arg6[%dma_start3A_21] : memref<10240xf32, #tpu.memory_space<vmem>> -> memref<640xf32, #tpu.memory_space<vmem>>
    %dma_start3A_23 = arith.constant 0 : i32
    %dma_start3A_24 = tpu.memref_slice %arg5[%dma_start3A_23] : memref<640xi32, #tpu.memory_space<vmem>> -> memref<640xi32, #tpu.memory_space<vmem>>
    %dma_start3A_25 = arith.constant 0 : i32
    %dma_start3A_26 = tpu.memref_slice %arg3[%dma_start3A_20, %dma_start3A_25] : memref<16x100000xf32, #tpu.memory_space<hbm>> -> memref<1x100000xf32, #tpu.memory_space<hbm>>
    %dma_start3A_27 = tpu.memref_squeeze %dma_start3A_26 : memref<1x100000xf32, #tpu.memory_space<hbm>> -> memref<100000xf32, #tpu.memory_space<hbm>>
    %dma_start3A_28 = arith.constant 0 : i32
    %dma_start3A_29 = tpu.memref_slice %dma_start3A_27[%dma_start3A_28] : memref<100000xf32, #tpu.memory_space<hbm>> -> memref<100000xf32, #tpu.memory_space<hbm>>
    tpu.enqueue_indirect_dma source(%dma_start3A_29 : memref<100000xf32, #tpu.memory_space<hbm>>) target(%dma_start3A_22 : memref<640xf32, #tpu.memory_space<vmem>>) offsets(%dma_start3A_24 : memref<640xi32, #tpu.memory_space<vmem>>) semaphore(%arg8 : memref<!tpu.dma_semaphore, #tpu.memory_space<semaphore_mem>>)
    %dma_start3A_30 = arith.constant 3 : i32
    %dma_start3A_31 = arith.constant 1920 : i32
    %dma_start3A_32 = tpu.memref_slice %arg6[%dma_start3A_31] : memref<10240xf32, #tpu.memory_space<vmem>> -> memref<640xf32, #tpu.memory_space<vmem>>
    %dma_start3A_33 = arith.constant 0 : i32
    %dma_start3A_34 = tpu.memref_slice %arg5[%dma_start3A_33] : memref<640xi32, #tpu.memory_space<vmem>> -> memref<640xi32, #tpu.memory_space<vmem>>
    %dma_start3A_35 = arith.constant 0 : i32
    %dma_start3A_36 = tpu.memref_slice %arg3[%dma_start3A_30, %dma_start3A_35] : memref<16x100000xf32, #tpu.memory_space<hbm>> -> memref<1x100000xf32, #tpu.memory_space<hbm>>
    %dma_start3A_37 = tpu.memref_squeeze %dma_start3A_36 : memref<1x100000xf32, #tpu.memory_space<hbm>> -> memref<100000xf32, #tpu.memory_space<hbm>>
    %dma_start3A_38 = arith.constant 0 : i32
    %dma_start3A_39 = tpu.memref_slice %dma_start3A_37[%dma_start3A_38] : memref<100000xf32, #tpu.memory_space<hbm>> -> memref<100000xf32, #tpu.memory_space<hbm>>
    tpu.enqueue_indirect_dma source(%dma_start3A_39 : memref<100000xf32, #tpu.memory_space<hbm>>) target(%dma_start3A_32 : memref<640xf32, #tpu.memory_space<vmem>>) offsets(%dma_start3A_34 : memref<640xi32, #tpu.memory_space<vmem>>) semaphore(%arg8 : memref<!tpu.dma_semaphore, #tpu.memory_space<semaphore_mem>>)
    %dma_wait3A = arith.constant 0 : i32
    %dma_wait3A_40 = arith.constant 0 : i32
    %dma_wait3A_41 = tpu.memref_slice %arg6[%dma_wait3A_40] : memref<10240xf32, #tpu.memory_space<vmem>> -> memref<640xf32, #tpu.memory_space<vmem>>
    %dma_wait3A_42 = arith.constant 0 : i32
    %dma_wait3A_43 = tpu.memref_slice %arg5[%dma_wait3A_42] : memref<640xi32, #tpu.memory_space<vmem>> -> memref<640xi32, #tpu.memory_space<vmem>>
    %dma_wait3A_44 = arith.constant 0 : i32
    %dma_wait3A_45 = tpu.memref_slice %arg3[%dma_wait3A, %dma_wait3A_44] : memref<16x100000xf32, #tpu.memory_space<hbm>> -> memref<1x100000xf32, #tpu.memory_space<hbm>>
    %dma_wait3A_46 = tpu.memref_squeeze %dma_wait3A_45 : memref<1x100000xf32, #tpu.memory_space<hbm>> -> memref<100000xf32, #tpu.memory_space<hbm>>
    %dma_wait3A_47 = arith.constant 0 : i32
    %dma_wait3A_48 = tpu.memref_slice %dma_wait3A_46[%dma_wait3A_47] : memref<100000xf32, #tpu.memory_space<hbm>> -> memref<100000xf32, #tpu.memory_space<hbm>>
    tpu.wait_indirect_dma semaphore(%arg8 : memref<!tpu.dma_semaphore, #tpu.memory_space<semaphore_mem>>) src(%dma_wait3A_48 : memref<100000xf32, #tpu.memory_space<hbm>>) dst(%dma_wait3A_41 : memref<640xf32, #tpu.memory_space<vmem>>)
    %dma_start3A_49 = arith.constant 4 : i32
    %dma_start3A_50 = arith.constant 2560 : i32
    %dma_start3A_51 = tpu.memref_slice %arg6[%dma_start3A_50] : memref<10240xf32, #tpu.memory_space<vmem>> -> memref<640xf32, #tpu.memory_space<vmem>>
    %dma_start3A_52 = arith.constant 0 : i32
    %dma_start3A_53 = tpu.memref_slice %arg5[%dma_start3A_52] : memref<640xi32, #tpu.memory_space<vmem>> -> memref<640xi32, #tpu.memory_space<vmem>>
    %dma_start3A_54 = arith.constant 0 : i32
    %dma_start3A_55 = tpu.memref_slice %arg3[%dma_start3A_49, %dma_start3A_54] : memref<16x100000xf32, #tpu.memory_space<hbm>> -> memref<1x100000xf32, #tpu.memory_space<hbm>>
    %dma_start3A_56 = tpu.memref_squeeze %dma_start3A_55 : memref<1x100000xf32, #tpu.memory_space<hbm>> -> memref<100000xf32, #tpu.memory_space<hbm>>
    %dma_start3A_57 = arith.constant 0 : i32
    %dma_start3A_58 = tpu.memref_slice %dma_start3A_56[%dma_start3A_57] : memref<100000xf32, #tpu.memory_space<hbm>> -> memref<100000xf32, #tpu.memory_space<hbm>>
    tpu.enqueue_indirect_dma source(%dma_start3A_58 : memref<100000xf32, #tpu.memory_space<hbm>>) target(%dma_start3A_51 : memref<640xf32, #tpu.memory_space<vmem>>) offsets(%dma_start3A_53 : memref<640xi32, #tpu.memory_space<vmem>>) semaphore(%arg8 : memref<!tpu.dma_semaphore, #tpu.memory_space<semaphore_mem>>)
    %dma_wait3A_59 = arith.constant 1 : i32
    %dma_wait3A_60 = arith.constant 640 : i32
    %dma_wait3A_61 = tpu.memref_slice %arg6[%dma_wait3A_60] : memref<10240xf32, #tpu.memory_space<vmem>> -> memref<640xf32, #tpu.memory_space<vmem>>
    %dma_wait3A_62 = arith.constant 0 : i32
    %dma_wait3A_63 = tpu.memref_slice %arg5[%dma_wait3A_62] : memref<640xi32, #tpu.memory_space<vmem>> -> memref<640xi32, #tpu.memory_space<vmem>>
    %dma_wait3A_64 = arith.constant 0 : i32
    %dma_wait3A_65 = tpu.memref_slice %arg3[%dma_wait3A_59, %dma_wait3A_64] : memref<16x100000xf32, #tpu.memory_space<hbm>> -> memref<1x100000xf32, #tpu.memory_space<hbm>>
    %dma_wait3A_66 = tpu.memref_squeeze %dma_wait3A_65 : memref<1x100000xf32, #tpu.memory_space<hbm>> -> memref<100000xf32, #tpu.memory_space<hbm>>
    %dma_wait3A_67 = arith.constant 0 : i32
    %dma_wait3A_68 = tpu.memref_slice %dma_wait3A_66[%dma_wait3A_67] : memref<100000xf32, #tpu.memory_space<hbm>> -> memref<100000xf32, #tpu.memory_space<hbm>>
    tpu.wait_indirect_dma semaphore(%arg8 : memref<!tpu.dma_semaphore, #tpu.memory_space<semaphore_mem>>) src(%dma_wait3A_68 : memref<100000xf32, #tpu.memory_space<hbm>>) dst(%dma_wait3A_61 : memref<640xf32, #tpu.memory_space<vmem>>)
    %dma_start3A_69 = arith.constant 5 : i32
    %dma_start3A_70 = arith.constant 3200 : i32
    %dma_start3A_71 = tpu.memref_slice %arg6[%dma_start3A_70] : memref<10240xf32, #tpu.memory_space<vmem>> -> memref<640xf32, #tpu.memory_space<vmem>>
    %dma_start3A_72 = arith.constant 0 : i32
    %dma_start3A_73 = tpu.memref_slice %arg5[%dma_start3A_72] : memref<640xi32, #tpu.memory_space<vmem>> -> memref<640xi32, #tpu.memory_space<vmem>>
    %dma_start3A_74 = arith.constant 0 : i32
    %dma_start3A_75 = tpu.memref_slice %arg3[%dma_start3A_69, %dma_start3A_74] : memref<16x100000xf32, #tpu.memory_space<hbm>> -> memref<1x100000xf32, #tpu.memory_space<hbm>>
    %dma_start3A_76 = tpu.memref_squeeze %dma_start3A_75 : memref<1x100000xf32, #tpu.memory_space<hbm>> -> memref<100000xf32, #tpu.memory_space<hbm>>
    %dma_start3A_77 = arith.constant 0 : i32
    %dma_start3A_78 = tpu.memref_slice %dma_start3A_76[%dma_start3A_77] : memref<100000xf32, #tpu.memory_space<hbm>> -> memref<100000xf32, #tpu.memory_space<hbm>>
    tpu.enqueue_indirect_dma source(%dma_start3A_78 : memref<100000xf32, #tpu.memory_space<hbm>>) target(%dma_start3A_71 : memref<640xf32, #tpu.memory_space<vmem>>) offsets(%dma_start3A_73 : memref<640xi32, #tpu.memory_space<vmem>>) semaphore(%arg8 : memref<!tpu.dma_semaphore, #tpu.memory_space<semaphore_mem>>)
    %dma_wait3A_79 = arith.constant 2 : i32
    %dma_wait3A_80 = arith.constant 1280 : i32
    %dma_wait3A_81 = tpu.memref_slice %arg6[%dma_wait3A_80] : memref<10240xf32, #tpu.memory_space<vmem>> -> memref<640xf32, #tpu.memory_space<vmem>>
    %dma_wait3A_82 = arith.constant 0 : i32
    %dma_wait3A_83 = tpu.memref_slice %arg5[%dma_wait3A_82] : memref<640xi32, #tpu.memory_space<vmem>> -> memref<640xi32, #tpu.memory_space<vmem>>
    %dma_wait3A_84 = arith.constant 0 : i32
    %dma_wait3A_85 = tpu.memref_slice %arg3[%dma_wait3A_79, %dma_wait3A_84] : memref<16x100000xf32, #tpu.memory_space<hbm>> -> memref<1x100000xf32, #tpu.memory_space<hbm>>
    %dma_wait3A_86 = tpu.memref_squeeze %dma_wait3A_85 : memref<1x100000xf32, #tpu.memory_space<hbm>> -> memref<100000xf32, #tpu.memory_space<hbm>>
    %dma_wait3A_87 = arith.constant 0 : i32
    %dma_wait3A_88 = tpu.memref_slice %dma_wait3A_86[%dma_wait3A_87] : memref<100000xf32, #tpu.memory_space<hbm>> -> memref<100000xf32, #tpu.memory_space<hbm>>
    tpu.wait_indirect_dma semaphore(%arg8 : memref<!tpu.dma_semaphore, #tpu.memory_space<semaphore_mem>>) src(%dma_wait3A_88 : memref<100000xf32, #tpu.memory_space<hbm>>) dst(%dma_wait3A_81 : memref<640xf32, #tpu.memory_space<vmem>>)
    %dma_start3A_89 = arith.constant 6 : i32
    %dma_start3A_90 = arith.constant 3840 : i32
    %dma_start3A_91 = tpu.memref_slice %arg6[%dma_start3A_90] : memref<10240xf32, #tpu.memory_space<vmem>> -> memref<640xf32, #tpu.memory_space<vmem>>
    %dma_start3A_92 = arith.constant 0 : i32
    %dma_start3A_93 = tpu.memref_slice %arg5[%dma_start3A_92] : memref<640xi32, #tpu.memory_space<vmem>> -> memref<640xi32, #tpu.memory_space<vmem>>
    %dma_start3A_94 = arith.constant 0 : i32
    %dma_start3A_95 = tpu.memref_slice %arg3[%dma_start3A_89, %dma_start3A_94] : memref<16x100000xf32, #tpu.memory_space<hbm>> -> memref<1x100000xf32, #tpu.memory_space<hbm>>
    %dma_start3A_96 = tpu.memref_squeeze %dma_start3A_95 : memref<1x100000xf32, #tpu.memory_space<hbm>> -> memref<100000xf32, #tpu.memory_space<hbm>>
    %dma_start3A_97 = arith.constant 0 : i32
    %dma_start3A_98 = tpu.memref_slice %dma_start3A_96[%dma_start3A_97] : memref<100000xf32, #tpu.memory_space<hbm>> -> memref<100000xf32, #tpu.memory_space<hbm>>
    tpu.enqueue_indirect_dma source(%dma_start3A_98 : memref<100000xf32, #tpu.memory_space<hbm>>) target(%dma_start3A_91 : memref<640xf32, #tpu.memory_space<vmem>>) offsets(%dma_start3A_93 : memref<640xi32, #tpu.memory_space<vmem>>) semaphore(%arg8 : memref<!tpu.dma_semaphore, #tpu.memory_space<semaphore_mem>>)
    %dma_wait3A_99 = arith.constant 3 : i32
    %dma_wait3A_100 = arith.constant 1920 : i32
    %dma_wait3A_101 = tpu.memref_slice %arg6[%dma_wait3A_100] : memref<10240xf32, #tpu.memory_space<vmem>> -> memref<640xf32, #tpu.memory_space<vmem>>
    %dma_wait3A_102 = arith.constant 0 : i32
    %dma_wait3A_103 = tpu.memref_slice %arg5[%dma_wait3A_102] : memref<640xi32, #tpu.memory_space<vmem>> -> memref<640xi32, #tpu.memory_space<vmem>>
    %dma_wait3A_104 = arith.constant 0 : i32
    %dma_wait3A_105 = tpu.memref_slice %arg3[%dma_wait3A_99, %dma_wait3A_104] : memref<16x100000xf32, #tpu.memory_space<hbm>> -> memref<1x100000xf32, #tpu.memory_space<hbm>>
    %dma_wait3A_106 = tpu.memref_squeeze %dma_wait3A_105 : memref<1x100000xf32, #tpu.memory_space<hbm>> -> memref<100000xf32, #tpu.memory_space<hbm>>
    %dma_wait3A_107 = arith.constant 0 : i32
    %dma_wait3A_108 = tpu.memref_slice %dma_wait3A_106[%dma_wait3A_107] : memref<100000xf32, #tpu.memory_space<hbm>> -> memref<100000xf32, #tpu.memory_space<hbm>>
    tpu.wait_indirect_dma semaphore(%arg8 : memref<!tpu.dma_semaphore, #tpu.memory_space<semaphore_mem>>) src(%dma_wait3A_108 : memref<100000xf32, #tpu.memory_space<hbm>>) dst(%dma_wait3A_101 : memref<640xf32, #tpu.memory_space<vmem>>)
    %dma_start3A_109 = arith.constant 7 : i32
    %dma_start3A_110 = arith.constant 4480 : i32
    %dma_start3A_111 = tpu.memref_slice %arg6[%dma_start3A_110] : memref<10240xf32, #tpu.memory_space<vmem>> -> memref<640xf32, #tpu.memory_space<vmem>>
    %dma_start3A_112 = arith.constant 0 : i32
    %dma_start3A_113 = tpu.memref_slice %arg5[%dma_start3A_112] : memref<640xi32, #tpu.memory_space<vmem>> -> memref<640xi32, #tpu.memory_space<vmem>>
    %dma_start3A_114 = arith.constant 0 : i32
    %dma_start3A_115 = tpu.memref_slice %arg3[%dma_start3A_109, %dma_start3A_114] : memref<16x100000xf32, #tpu.memory_space<hbm>> -> memref<1x100000xf32, #tpu.memory_space<hbm>>
    %dma_start3A_116 = tpu.memref_squeeze %dma_start3A_115 : memref<1x100000xf32, #tpu.memory_space<hbm>> -> memref<100000xf32, #tpu.memory_space<hbm>>
    %dma_start3A_117 = arith.constant 0 : i32
    %dma_start3A_118 = tpu.memref_slice %dma_start3A_116[%dma_start3A_117] : memref<100000xf32, #tpu.memory_space<hbm>> -> memref<100000xf32, #tpu.memory_space<hbm>>
    tpu.enqueue_indirect_dma source(%dma_start3A_118 : memref<100000xf32, #tpu.memory_space<hbm>>) target(%dma_start3A_111 : memref<640xf32, #tpu.memory_space<vmem>>) offsets(%dma_start3A_113 : memref<640xi32, #tpu.memory_space<vmem>>) semaphore(%arg8 : memref<!tpu.dma_semaphore, #tpu.memory_space<semaphore_mem>>)
    %dma_wait3A_119 = arith.constant 4 : i32
    %dma_wait3A_120 = arith.constant 2560 : i32
    %dma_wait3A_121 = tpu.memref_slice %arg6[%dma_wait3A_120] : memref<10240xf32, #tpu.memory_space<vmem>> -> memref<640xf32, #tpu.memory_space<vmem>>
    %dma_wait3A_122 = arith.constant 0 : i32
    %dma_wait3A_123 = tpu.memref_slice %arg5[%dma_wait3A_122] : memref<640xi32, #tpu.memory_space<vmem>> -> memref<640xi32, #tpu.memory_space<vmem>>
    %dma_wait3A_124 = arith.constant 0 : i32
    %dma_wait3A_125 = tpu.memref_slice %arg3[%dma_wait3A_119, %dma_wait3A_124] : memref<16x100000xf32, #tpu.memory_space<hbm>> -> memref<1x100000xf32, #tpu.memory_space<hbm>>
    %dma_wait3A_126 = tpu.memref_squeeze %dma_wait3A_125 : memref<1x100000xf32, #tpu.memory_space<hbm>> -> memref<100000xf32, #tpu.memory_space<hbm>>
    %dma_wait3A_127 = arith.constant 0 : i32
    %dma_wait3A_128 = tpu.memref_slice %dma_wait3A_126[%dma_wait3A_127] : memref<100000xf32, #tpu.memory_space<hbm>> -> memref<100000xf32, #tpu.memory_space<hbm>>
    tpu.wait_indirect_dma semaphore(%arg8 : memref<!tpu.dma_semaphore, #tpu.memory_space<semaphore_mem>>) src(%dma_wait3A_128 : memref<100000xf32, #tpu.memory_space<hbm>>) dst(%dma_wait3A_121 : memref<640xf32, #tpu.memory_space<vmem>>)
    %dma_start3A_129 = arith.constant 8 : i32
    %dma_start3A_130 = arith.constant 5120 : i32
    %dma_start3A_131 = tpu.memref_slice %arg6[%dma_start3A_130] : memref<10240xf32, #tpu.memory_space<vmem>> -> memref<640xf32, #tpu.memory_space<vmem>>
    %dma_start3A_132 = arith.constant 0 : i32
    %dma_start3A_133 = tpu.memref_slice %arg5[%dma_start3A_132] : memref<640xi32, #tpu.memory_space<vmem>> -> memref<640xi32, #tpu.memory_space<vmem>>
    %dma_start3A_134 = arith.constant 0 : i32
    %dma_start3A_135 = tpu.memref_slice %arg3[%dma_start3A_129, %dma_start3A_134] : memref<16x100000xf32, #tpu.memory_space<hbm>> -> memref<1x100000xf32, #tpu.memory_space<hbm>>
    %dma_start3A_136 = tpu.memref_squeeze %dma_start3A_135 : memref<1x100000xf32, #tpu.memory_space<hbm>> -> memref<100000xf32, #tpu.memory_space<hbm>>
    %dma_start3A_137 = arith.constant 0 : i32
    %dma_start3A_138 = tpu.memref_slice %dma_start3A_136[%dma_start3A_137] : memref<100000xf32, #tpu.memory_space<hbm>> -> memref<100000xf32, #tpu.memory_space<hbm>>
    tpu.enqueue_indirect_dma source(%dma_start3A_138 : memref<100000xf32, #tpu.memory_space<hbm>>) target(%dma_start3A_131 : memref<640xf32, #tpu.memory_space<vmem>>) offsets(%dma_start3A_133 : memref<640xi32, #tpu.memory_space<vmem>>) semaphore(%arg8 : memref<!tpu.dma_semaphore, #tpu.memory_space<semaphore_mem>>)
    %dma_wait3A_139 = arith.constant 5 : i32
    %dma_wait3A_140 = arith.constant 3200 : i32
    %dma_wait3A_141 = tpu.memref_slice %arg6[%dma_wait3A_140] : memref<10240xf32, #tpu.memory_space<vmem>> -> memref<640xf32, #tpu.memory_space<vmem>>
    %dma_wait3A_142 = arith.constant 0 : i32
    %dma_wait3A_143 = tpu.memref_slice %arg5[%dma_wait3A_142] : memref<640xi32, #tpu.memory_space<vmem>> -> memref<640xi32, #tpu.memory_space<vmem>>
    %dma_wait3A_144 = arith.constant 0 : i32
    %dma_wait3A_145 = tpu.memref_slice %arg3[%dma_wait3A_139, %dma_wait3A_144] : memref<16x100000xf32, #tpu.memory_space<hbm>> -> memref<1x100000xf32, #tpu.memory_space<hbm>>
    %dma_wait3A_146 = tpu.memref_squeeze %dma_wait3A_145 : memref<1x100000xf32, #tpu.memory_space<hbm>> -> memref<100000xf32, #tpu.memory_space<hbm>>
    %dma_wait3A_147 = arith.constant 0 : i32
    %dma_wait3A_148 = tpu.memref_slice %dma_wait3A_146[%dma_wait3A_147] : memref<100000xf32, #tpu.memory_space<hbm>> -> memref<100000xf32, #tpu.memory_space<hbm>>
    tpu.wait_indirect_dma semaphore(%arg8 : memref<!tpu.dma_semaphore, #tpu.memory_space<semaphore_mem>>) src(%dma_wait3A_148 : memref<100000xf32, #tpu.memory_space<hbm>>) dst(%dma_wait3A_141 : memref<640xf32, #tpu.memory_space<vmem>>)
    %dma_start3A_149 = arith.constant 9 : i32
    %dma_start3A_150 = arith.constant 5760 : i32
    %dma_start3A_151 = tpu.memref_slice %arg6[%dma_start3A_150] : memref<10240xf32, #tpu.memory_space<vmem>> -> memref<640xf32, #tpu.memory_space<vmem>>
    %dma_start3A_152 = arith.constant 0 : i32
    %dma_start3A_153 = tpu.memref_slice %arg5[%dma_start3A_152] : memref<640xi32, #tpu.memory_space<vmem>> -> memref<640xi32, #tpu.memory_space<vmem>>
    %dma_start3A_154 = arith.constant 0 : i32
    %dma_start3A_155 = tpu.memref_slice %arg3[%dma_start3A_149, %dma_start3A_154] : memref<16x100000xf32, #tpu.memory_space<hbm>> -> memref<1x100000xf32, #tpu.memory_space<hbm>>
    %dma_start3A_156 = tpu.memref_squeeze %dma_start3A_155 : memref<1x100000xf32, #tpu.memory_space<hbm>> -> memref<100000xf32, #tpu.memory_space<hbm>>
    %dma_start3A_157 = arith.constant 0 : i32
    %dma_start3A_158 = tpu.memref_slice %dma_start3A_156[%dma_start3A_157] : memref<100000xf32, #tpu.memory_space<hbm>> -> memref<100000xf32, #tpu.memory_space<hbm>>
    tpu.enqueue_indirect_dma source(%dma_start3A_158 : memref<100000xf32, #tpu.memory_space<hbm>>) target(%dma_start3A_151 : memref<640xf32, #tpu.memory_space<vmem>>) offsets(%dma_start3A_153 : memref<640xi32, #tpu.memory_space<vmem>>) semaphore(%arg8 : memref<!tpu.dma_semaphore, #tpu.memory_space<semaphore_mem>>)
    %dma_wait3A_159 = arith.constant 6 : i32
    %dma_wait3A_160 = arith.constant 3840 : i32
    %dma_wait3A_161 = tpu.memref_slice %arg6[%dma_wait3A_160] : memref<10240xf32, #tpu.memory_space<vmem>> -> memref<640xf32, #tpu.memory_space<vmem>>
    %dma_wait3A_162 = arith.constant 0 : i32
    %dma_wait3A_163 = tpu.memref_slice %arg5[%dma_wait3A_162] : memref<640xi32, #tpu.memory_space<vmem>> -> memref<640xi32, #tpu.memory_space<vmem>>
    %dma_wait3A_164 = arith.constant 0 : i32
    %dma_wait3A_165 = tpu.memref_slice %arg3[%dma_wait3A_159, %dma_wait3A_164] : memref<16x100000xf32, #tpu.memory_space<hbm>> -> memref<1x100000xf32, #tpu.memory_space<hbm>>
    %dma_wait3A_166 = tpu.memref_squeeze %dma_wait3A_165 : memref<1x100000xf32, #tpu.memory_space<hbm>> -> memref<100000xf32, #tpu.memory_space<hbm>>
    %dma_wait3A_167 = arith.constant 0 : i32
    %dma_wait3A_168 = tpu.memref_slice %dma_wait3A_166[%dma_wait3A_167] : memref<100000xf32, #tpu.memory_space<hbm>> -> memref<100000xf32, #tpu.memory_space<hbm>>
    tpu.wait_indirect_dma semaphore(%arg8 : memref<!tpu.dma_semaphore, #tpu.memory_space<semaphore_mem>>) src(%dma_wait3A_168 : memref<100000xf32, #tpu.memory_space<hbm>>) dst(%dma_wait3A_161 : memref<640xf32, #tpu.memory_space<vmem>>)
    %dma_start3A_169 = arith.constant 10 : i32
    %dma_start3A_170 = arith.constant 6400 : i32
    %dma_start3A_171 = tpu.memref_slice %arg6[%dma_start3A_170] : memref<10240xf32, #tpu.memory_space<vmem>> -> memref<640xf32, #tpu.memory_space<vmem>>
    %dma_start3A_172 = arith.constant 0 : i32
    %dma_start3A_173 = tpu.memref_slice %arg5[%dma_start3A_172] : memref<640xi32, #tpu.memory_space<vmem>> -> memref<640xi32, #tpu.memory_space<vmem>>
    %dma_start3A_174 = arith.constant 0 : i32
    %dma_start3A_175 = tpu.memref_slice %arg3[%dma_start3A_169, %dma_start3A_174] : memref<16x100000xf32, #tpu.memory_space<hbm>> -> memref<1x100000xf32, #tpu.memory_space<hbm>>
    %dma_start3A_176 = tpu.memref_squeeze %dma_start3A_175 : memref<1x100000xf32, #tpu.memory_space<hbm>> -> memref<100000xf32, #tpu.memory_space<hbm>>
    %dma_start3A_177 = arith.constant 0 : i32
    %dma_start3A_178 = tpu.memref_slice %dma_start3A_176[%dma_start3A_177] : memref<100000xf32, #tpu.memory_space<hbm>> -> memref<100000xf32, #tpu.memory_space<hbm>>
    tpu.enqueue_indirect_dma source(%dma_start3A_178 : memref<100000xf32, #tpu.memory_space<hbm>>) target(%dma_start3A_171 : memref<640xf32, #tpu.memory_space<vmem>>) offsets(%dma_start3A_173 : memref<640xi32, #tpu.memory_space<vmem>>) semaphore(%arg8 : memref<!tpu.dma_semaphore, #tpu.memory_space<semaphore_mem>>)
    %dma_wait3A_179 = arith.constant 7 : i32
    %dma_wait3A_180 = arith.constant 4480 : i32
    %dma_wait3A_181 = tpu.memref_slice %arg6[%dma_wait3A_180] : memref<10240xf32, #tpu.memory_space<vmem>> -> memref<640xf32, #tpu.memory_space<vmem>>
    %dma_wait3A_182 = arith.constant 0 : i32
    %dma_wait3A_183 = tpu.memref_slice %arg5[%dma_wait3A_182] : memref<640xi32, #tpu.memory_space<vmem>> -> memref<640xi32, #tpu.memory_space<vmem>>
    %dma_wait3A_184 = arith.constant 0 : i32
    %dma_wait3A_185 = tpu.memref_slice %arg3[%dma_wait3A_179, %dma_wait3A_184] : memref<16x100000xf32, #tpu.memory_space<hbm>> -> memref<1x100000xf32, #tpu.memory_space<hbm>>
    %dma_wait3A_186 = tpu.memref_squeeze %dma_wait3A_185 : memref<1x100000xf32, #tpu.memory_space<hbm>> -> memref<100000xf32, #tpu.memory_space<hbm>>
    %dma_wait3A_187 = arith.constant 0 : i32
    %dma_wait3A_188 = tpu.memref_slice %dma_wait3A_186[%dma_wait3A_187] : memref<100000xf32, #tpu.memory_space<hbm>> -> memref<100000xf32, #tpu.memory_space<hbm>>
    tpu.wait_indirect_dma semaphore(%arg8 : memref<!tpu.dma_semaphore, #tpu.memory_space<semaphore_mem>>) src(%dma_wait3A_188 : memref<100000xf32, #tpu.memory_space<hbm>>) dst(%dma_wait3A_181 : memref<640xf32, #tpu.memory_space<vmem>>)
    %dma_start3A_189 = arith.constant 11 : i32
    %dma_start3A_190 = arith.constant 7040 : i32
    %dma_start3A_191 = tpu.memref_slice %arg6[%dma_start3A_190] : memref<10240xf32, #tpu.memory_space<vmem>> -> memref<640xf32, #tpu.memory_space<vmem>>
    %dma_start3A_192 = arith.constant 0 : i32
    %dma_start3A_193 = tpu.memref_slice %arg5[%dma_start3A_192] : memref<640xi32, #tpu.memory_space<vmem>> -> memref<640xi32, #tpu.memory_space<vmem>>
    %dma_start3A_194 = arith.constant 0 : i32
    %dma_start3A_195 = tpu.memref_slice %arg3[%dma_start3A_189, %dma_start3A_194] : memref<16x100000xf32, #tpu.memory_space<hbm>> -> memref<1x100000xf32, #tpu.memory_space<hbm>>
    %dma_start3A_196 = tpu.memref_squeeze %dma_start3A_195 : memref<1x100000xf32, #tpu.memory_space<hbm>> -> memref<100000xf32, #tpu.memory_space<hbm>>
    %dma_start3A_197 = arith.constant 0 : i32
    %dma_start3A_198 = tpu.memref_slice %dma_start3A_196[%dma_start3A_197] : memref<100000xf32, #tpu.memory_space<hbm>> -> memref<100000xf32, #tpu.memory_space<hbm>>
    tpu.enqueue_indirect_dma source(%dma_start3A_198 : memref<100000xf32, #tpu.memory_space<hbm>>) target(%dma_start3A_191 : memref<640xf32, #tpu.memory_space<vmem>>) offsets(%dma_start3A_193 : memref<640xi32, #tpu.memory_space<vmem>>) semaphore(%arg8 : memref<!tpu.dma_semaphore, #tpu.memory_space<semaphore_mem>>)
    %dma_wait3A_199 = arith.constant 8 : i32
    %dma_wait3A_200 = arith.constant 5120 : i32
    %dma_wait3A_201 = tpu.memref_slice %arg6[%dma_wait3A_200] : memref<10240xf32, #tpu.memory_space<vmem>> -> memref<640xf32, #tpu.memory_space<vmem>>
    %dma_wait3A_202 = arith.constant 0 : i32
    %dma_wait3A_203 = tpu.memref_slice %arg5[%dma_wait3A_202] : memref<640xi32, #tpu.memory_space<vmem>> -> memref<640xi32, #tpu.memory_space<vmem>>
    %dma_wait3A_204 = arith.constant 0 : i32
    %dma_wait3A_205 = tpu.memref_slice %arg3[%dma_wait3A_199, %dma_wait3A_204] : memref<16x100000xf32, #tpu.memory_space<hbm>> -> memref<1x100000xf32, #tpu.memory_space<hbm>>
    %dma_wait3A_206 = tpu.memref_squeeze %dma_wait3A_205 : memref<1x100000xf32, #tpu.memory_space<hbm>> -> memref<100000xf32, #tpu.memory_space<hbm>>
    %dma_wait3A_207 = arith.constant 0 : i32
    %dma_wait3A_208 = tpu.memref_slice %dma_wait3A_206[%dma_wait3A_207] : memref<100000xf32, #tpu.memory_space<hbm>> -> memref<100000xf32, #tpu.memory_space<hbm>>
    tpu.wait_indirect_dma semaphore(%arg8 : memref<!tpu.dma_semaphore, #tpu.memory_space<semaphore_mem>>) src(%dma_wait3A_208 : memref<100000xf32, #tpu.memory_space<hbm>>) dst(%dma_wait3A_201 : memref<640xf32, #tpu.memory_space<vmem>>)
    %dma_start3A_209 = arith.constant 12 : i32
    %dma_start3A_210 = arith.constant 7680 : i32
    %dma_start3A_211 = tpu.memref_slice %arg6[%dma_start3A_210] : memref<10240xf32, #tpu.memory_space<vmem>> -> memref<640xf32, #tpu.memory_space<vmem>>
    %dma_start3A_212 = arith.constant 0 : i32
    %dma_start3A_213 = tpu.memref_slice %arg5[%dma_start3A_212] : memref<640xi32, #tpu.memory_space<vmem>> -> memref<640xi32, #tpu.memory_space<vmem>>
    %dma_start3A_214 = arith.constant 0 : i32
    %dma_start3A_215 = tpu.memref_slice %arg3[%dma_start3A_209, %dma_start3A_214] : memref<16x100000xf32, #tpu.memory_space<hbm>> -> memref<1x100000xf32, #tpu.memory_space<hbm>>
    %dma_start3A_216 = tpu.memref_squeeze %dma_start3A_215 : memref<1x100000xf32, #tpu.memory_space<hbm>> -> memref<100000xf32, #tpu.memory_space<hbm>>
    %dma_start3A_217 = arith.constant 0 : i32
    %dma_start3A_218 = tpu.memref_slice %dma_start3A_216[%dma_start3A_217] : memref<100000xf32, #tpu.memory_space<hbm>> -> memref<100000xf32, #tpu.memory_space<hbm>>
    tpu.enqueue_indirect_dma source(%dma_start3A_218 : memref<100000xf32, #tpu.memory_space<hbm>>) target(%dma_start3A_211 : memref<640xf32, #tpu.memory_space<vmem>>) offsets(%dma_start3A_213 : memref<640xi32, #tpu.memory_space<vmem>>) semaphore(%arg8 : memref<!tpu.dma_semaphore, #tpu.memory_space<semaphore_mem>>)
    %dma_wait3A_219 = arith.constant 9 : i32
    %dma_wait3A_220 = arith.constant 5760 : i32
    %dma_wait3A_221 = tpu.memref_slice %arg6[%dma_wait3A_220] : memref<10240xf32, #tpu.memory_space<vmem>> -> memref<640xf32, #tpu.memory_space<vmem>>
    %dma_wait3A_222 = arith.constant 0 : i32
    %dma_wait3A_223 = tpu.memref_slice %arg5[%dma_wait3A_222] : memref<640xi32, #tpu.memory_space<vmem>> -> memref<640xi32, #tpu.memory_space<vmem>>
    %dma_wait3A_224 = arith.constant 0 : i32
    %dma_wait3A_225 = tpu.memref_slice %arg3[%dma_wait3A_219, %dma_wait3A_224] : memref<16x100000xf32, #tpu.memory_space<hbm>> -> memref<1x100000xf32, #tpu.memory_space<hbm>>
    %dma_wait3A_226 = tpu.memref_squeeze %dma_wait3A_225 : memref<1x100000xf32, #tpu.memory_space<hbm>> -> memref<100000xf32, #tpu.memory_space<hbm>>
    %dma_wait3A_227 = arith.constant 0 : i32
    %dma_wait3A_228 = tpu.memref_slice %dma_wait3A_226[%dma_wait3A_227] : memref<100000xf32, #tpu.memory_space<hbm>> -> memref<100000xf32, #tpu.memory_space<hbm>>
    tpu.wait_indirect_dma semaphore(%arg8 : memref<!tpu.dma_semaphore, #tpu.memory_space<semaphore_mem>>) src(%dma_wait3A_228 : memref<100000xf32, #tpu.memory_space<hbm>>) dst(%dma_wait3A_221 : memref<640xf32, #tpu.memory_space<vmem>>)
    %dma_start3A_229 = arith.constant 13 : i32
    %dma_start3A_230 = arith.constant 8320 : i32
    %dma_start3A_231 = tpu.memref_slice %arg6[%dma_start3A_230] : memref<10240xf32, #tpu.memory_space<vmem>> -> memref<640xf32, #tpu.memory_space<vmem>>
    %dma_start3A_232 = arith.constant 0 : i32
    %dma_start3A_233 = tpu.memref_slice %arg5[%dma_start3A_232] : memref<640xi32, #tpu.memory_space<vmem>> -> memref<640xi32, #tpu.memory_space<vmem>>
    %dma_start3A_234 = arith.constant 0 : i32
    %dma_start3A_235 = tpu.memref_slice %arg3[%dma_start3A_229, %dma_start3A_234] : memref<16x100000xf32, #tpu.memory_space<hbm>> -> memref<1x100000xf32, #tpu.memory_space<hbm>>
    %dma_start3A_236 = tpu.memref_squeeze %dma_start3A_235 : memref<1x100000xf32, #tpu.memory_space<hbm>> -> memref<100000xf32, #tpu.memory_space<hbm>>
    %dma_start3A_237 = arith.constant 0 : i32
    %dma_start3A_238 = tpu.memref_slice %dma_start3A_236[%dma_start3A_237] : memref<100000xf32, #tpu.memory_space<hbm>> -> memref<100000xf32, #tpu.memory_space<hbm>>
    tpu.enqueue_indirect_dma source(%dma_start3A_238 : memref<100000xf32, #tpu.memory_space<hbm>>) target(%dma_start3A_231 : memref<640xf32, #tpu.memory_space<vmem>>) offsets(%dma_start3A_233 : memref<640xi32, #tpu.memory_space<vmem>>) semaphore(%arg8 : memref<!tpu.dma_semaphore, #tpu.memory_space<semaphore_mem>>)
    %dma_wait3A_239 = arith.constant 10 : i32
    %dma_wait3A_240 = arith.constant 6400 : i32
    %dma_wait3A_241 = tpu.memref_slice %arg6[%dma_wait3A_240] : memref<10240xf32, #tpu.memory_space<vmem>> -> memref<640xf32, #tpu.memory_space<vmem>>
    %dma_wait3A_242 = arith.constant 0 : i32
    %dma_wait3A_243 = tpu.memref_slice %arg5[%dma_wait3A_242] : memref<640xi32, #tpu.memory_space<vmem>> -> memref<640xi32, #tpu.memory_space<vmem>>
    %dma_wait3A_244 = arith.constant 0 : i32
    %dma_wait3A_245 = tpu.memref_slice %arg3[%dma_wait3A_239, %dma_wait3A_244] : memref<16x100000xf32, #tpu.memory_space<hbm>> -> memref<1x100000xf32, #tpu.memory_space<hbm>>
    %dma_wait3A_246 = tpu.memref_squeeze %dma_wait3A_245 : memref<1x100000xf32, #tpu.memory_space<hbm>> -> memref<100000xf32, #tpu.memory_space<hbm>>
    %dma_wait3A_247 = arith.constant 0 : i32
    %dma_wait3A_248 = tpu.memref_slice %dma_wait3A_246[%dma_wait3A_247] : memref<100000xf32, #tpu.memory_space<hbm>> -> memref<100000xf32, #tpu.memory_space<hbm>>
    tpu.wait_indirect_dma semaphore(%arg8 : memref<!tpu.dma_semaphore, #tpu.memory_space<semaphore_mem>>) src(%dma_wait3A_248 : memref<100000xf32, #tpu.memory_space<hbm>>) dst(%dma_wait3A_241 : memref<640xf32, #tpu.memory_space<vmem>>)
    %dma_start3A_249 = arith.constant 14 : i32
    %dma_start3A_250 = arith.constant 8960 : i32
    %dma_start3A_251 = tpu.memref_slice %arg6[%dma_start3A_250] : memref<10240xf32, #tpu.memory_space<vmem>> -> memref<640xf32, #tpu.memory_space<vmem>>
    %dma_start3A_252 = arith.constant 0 : i32
    %dma_start3A_253 = tpu.memref_slice %arg5[%dma_start3A_252] : memref<640xi32, #tpu.memory_space<vmem>> -> memref<640xi32, #tpu.memory_space<vmem>>
    %dma_start3A_254 = arith.constant 0 : i32
    %dma_start3A_255 = tpu.memref_slice %arg3[%dma_start3A_249, %dma_start3A_254] : memref<16x100000xf32, #tpu.memory_space<hbm>> -> memref<1x100000xf32, #tpu.memory_space<hbm>>
    %dma_start3A_256 = tpu.memref_squeeze %dma_start3A_255 : memref<1x100000xf32, #tpu.memory_space<hbm>> -> memref<100000xf32, #tpu.memory_space<hbm>>
    %dma_start3A_257 = arith.constant 0 : i32
    %dma_start3A_258 = tpu.memref_slice %dma_start3A_256[%dma_start3A_257] : memref<100000xf32, #tpu.memory_space<hbm>> -> memref<100000xf32, #tpu.memory_space<hbm>>
    tpu.enqueue_indirect_dma source(%dma_start3A_258 : memref<100000xf32, #tpu.memory_space<hbm>>) target(%dma_start3A_251 : memref<640xf32, #tpu.memory_space<vmem>>) offsets(%dma_start3A_253 : memref<640xi32, #tpu.memory_space<vmem>>) semaphore(%arg8 : memref<!tpu.dma_semaphore, #tpu.memory_space<semaphore_mem>>)
    %dma_wait3A_259 = arith.constant 11 : i32
    %dma_wait3A_260 = arith.constant 7040 : i32
    %dma_wait3A_261 = tpu.memref_slice %arg6[%dma_wait3A_260] : memref<10240xf32, #tpu.memory_space<vmem>> -> memref<640xf32, #tpu.memory_space<vmem>>
    %dma_wait3A_262 = arith.constant 0 : i32
    %dma_wait3A_263 = tpu.memref_slice %arg5[%dma_wait3A_262] : memref<640xi32, #tpu.memory_space<vmem>> -> memref<640xi32, #tpu.memory_space<vmem>>
    %dma_wait3A_264 = arith.constant 0 : i32
    %dma_wait3A_265 = tpu.memref_slice %arg3[%dma_wait3A_259, %dma_wait3A_264] : memref<16x100000xf32, #tpu.memory_space<hbm>> -> memref<1x100000xf32, #tpu.memory_space<hbm>>
    %dma_wait3A_266 = tpu.memref_squeeze %dma_wait3A_265 : memref<1x100000xf32, #tpu.memory_space<hbm>> -> memref<100000xf32, #tpu.memory_space<hbm>>
    %dma_wait3A_267 = arith.constant 0 : i32
    %dma_wait3A_268 = tpu.memref_slice %dma_wait3A_266[%dma_wait3A_267] : memref<100000xf32, #tpu.memory_space<hbm>> -> memref<100000xf32, #tpu.memory_space<hbm>>
    tpu.wait_indirect_dma semaphore(%arg8 : memref<!tpu.dma_semaphore, #tpu.memory_space<semaphore_mem>>) src(%dma_wait3A_268 : memref<100000xf32, #tpu.memory_space<hbm>>) dst(%dma_wait3A_261 : memref<640xf32, #tpu.memory_space<vmem>>)
    %dma_start3A_269 = arith.constant 15 : i32
    %dma_start3A_270 = arith.constant 9600 : i32
    %dma_start3A_271 = tpu.memref_slice %arg6[%dma_start3A_270] : memref<10240xf32, #tpu.memory_space<vmem>> -> memref<640xf32, #tpu.memory_space<vmem>>
    %dma_start3A_272 = arith.constant 0 : i32
    %dma_start3A_273 = tpu.memref_slice %arg5[%dma_start3A_272] : memref<640xi32, #tpu.memory_space<vmem>> -> memref<640xi32, #tpu.memory_space<vmem>>
    %dma_start3A_274 = arith.constant 0 : i32
    %dma_start3A_275 = tpu.memref_slice %arg3[%dma_start3A_269, %dma_start3A_274] : memref<16x100000xf32, #tpu.memory_space<hbm>> -> memref<1x100000xf32, #tpu.memory_space<hbm>>
    %dma_start3A_276 = tpu.memref_squeeze %dma_start3A_275 : memref<1x100000xf32, #tpu.memory_space<hbm>> -> memref<100000xf32, #tpu.memory_space<hbm>>
    %dma_start3A_277 = arith.constant 0 : i32
    %dma_start3A_278 = tpu.memref_slice %dma_start3A_276[%dma_start3A_277] : memref<100000xf32, #tpu.memory_space<hbm>> -> memref<100000xf32, #tpu.memory_space<hbm>>
    tpu.enqueue_indirect_dma source(%dma_start3A_278 : memref<100000xf32, #tpu.memory_space<hbm>>) target(%dma_start3A_271 : memref<640xf32, #tpu.memory_space<vmem>>) offsets(%dma_start3A_273 : memref<640xi32, #tpu.memory_space<vmem>>) semaphore(%arg8 : memref<!tpu.dma_semaphore, #tpu.memory_space<semaphore_mem>>)
    %dma_wait3A_279 = arith.constant 12 : i32
    %dma_wait3A_280 = arith.constant 7680 : i32
    %dma_wait3A_281 = tpu.memref_slice %arg6[%dma_wait3A_280] : memref<10240xf32, #tpu.memory_space<vmem>> -> memref<640xf32, #tpu.memory_space<vmem>>
    %dma_wait3A_282 = arith.constant 0 : i32
    %dma_wait3A_283 = tpu.memref_slice %arg5[%dma_wait3A_282] : memref<640xi32, #tpu.memory_space<vmem>> -> memref<640xi32, #tpu.memory_space<vmem>>
    %dma_wait3A_284 = arith.constant 0 : i32
    %dma_wait3A_285 = tpu.memref_slice %arg3[%dma_wait3A_279, %dma_wait3A_284] : memref<16x100000xf32, #tpu.memory_space<hbm>> -> memref<1x100000xf32, #tpu.memory_space<hbm>>
    %dma_wait3A_286 = tpu.memref_squeeze %dma_wait3A_285 : memref<1x100000xf32, #tpu.memory_space<hbm>> -> memref<100000xf32, #tpu.memory_space<hbm>>
    %dma_wait3A_287 = arith.constant 0 : i32
    %dma_wait3A_288 = tpu.memref_slice %dma_wait3A_286[%dma_wait3A_287] : memref<100000xf32, #tpu.memory_space<hbm>> -> memref<100000xf32, #tpu.memory_space<hbm>>
    tpu.wait_indirect_dma semaphore(%arg8 : memref<!tpu.dma_semaphore, #tpu.memory_space<semaphore_mem>>) src(%dma_wait3A_288 : memref<100000xf32, #tpu.memory_space<hbm>>) dst(%dma_wait3A_281 : memref<640xf32, #tpu.memory_space<vmem>>)
    %dma_wait3A_289 = arith.constant 13 : i32
    %dma_wait3A_290 = arith.constant 8320 : i32
    %dma_wait3A_291 = tpu.memref_slice %arg6[%dma_wait3A_290] : memref<10240xf32, #tpu.memory_space<vmem>> -> memref<640xf32, #tpu.memory_space<vmem>>
    %dma_wait3A_292 = arith.constant 0 : i32
    %dma_wait3A_293 = tpu.memref_slice %arg5[%dma_wait3A_292] : memref<640xi32, #tpu.memory_space<vmem>> -> memref<640xi32, #tpu.memory_space<vmem>>
    %dma_wait3A_294 = arith.constant 0 : i32
    %dma_wait3A_295 = tpu.memref_slice %arg3[%dma_wait3A_289, %dma_wait3A_294] : memref<16x100000xf32, #tpu.memory_space<hbm>> -> memref<1x100000xf32, #tpu.memory_space<hbm>>
    %dma_wait3A_296 = tpu.memref_squeeze %dma_wait3A_295 : memref<1x100000xf32, #tpu.memory_space<hbm>> -> memref<100000xf32, #tpu.memory_space<hbm>>
    %dma_wait3A_297 = arith.constant 0 : i32
    %dma_wait3A_298 = tpu.memref_slice %dma_wait3A_296[%dma_wait3A_297] : memref<100000xf32, #tpu.memory_space<hbm>> -> memref<100000xf32, #tpu.memory_space<hbm>>
    tpu.wait_indirect_dma semaphore(%arg8 : memref<!tpu.dma_semaphore, #tpu.memory_space<semaphore_mem>>) src(%dma_wait3A_298 : memref<100000xf32, #tpu.memory_space<hbm>>) dst(%dma_wait3A_291 : memref<640xf32, #tpu.memory_space<vmem>>)
    %dma_wait3A_299 = arith.constant 14 : i32
    %dma_wait3A_300 = arith.constant 8960 : i32
    %dma_wait3A_301 = tpu.memref_slice %arg6[%dma_wait3A_300] : memref<10240xf32, #tpu.memory_space<vmem>> -> memref<640xf32, #tpu.memory_space<vmem>>
    %dma_wait3A_302 = arith.constant 0 : i32
    %dma_wait3A_303 = tpu.memref_slice %arg5[%dma_wait3A_302] : memref<640xi32, #tpu.memory_space<vmem>> -> memref<640xi32, #tpu.memory_space<vmem>>
    %dma_wait3A_304 = arith.constant 0 : i32
    %dma_wait3A_305 = tpu.memref_slice %arg3[%dma_wait3A_299, %dma_wait3A_304] : memref<16x100000xf32, #tpu.memory_space<hbm>> -> memref<1x100000xf32, #tpu.memory_space<hbm>>
    %dma_wait3A_306 = tpu.memref_squeeze %dma_wait3A_305 : memref<1x100000xf32, #tpu.memory_space<hbm>> -> memref<100000xf32, #tpu.memory_space<hbm>>
    %dma_wait3A_307 = arith.constant 0 : i32
    %dma_wait3A_308 = tpu.memref_slice %dma_wait3A_306[%dma_wait3A_307] : memref<100000xf32, #tpu.memory_space<hbm>> -> memref<100000xf32, #tpu.memory_space<hbm>>
    tpu.wait_indirect_dma semaphore(%arg8 : memref<!tpu.dma_semaphore, #tpu.memory_space<semaphore_mem>>) src(%dma_wait3A_308 : memref<100000xf32, #tpu.memory_space<hbm>>) dst(%dma_wait3A_301 : memref<640xf32, #tpu.memory_space<vmem>>)
    %dma_wait3A_309 = arith.constant 15 : i32
    %dma_wait3A_310 = arith.constant 9600 : i32
    %dma_wait3A_311 = tpu.memref_slice %arg6[%dma_wait3A_310] : memref<10240xf32, #tpu.memory_space<vmem>> -> memref<640xf32, #tpu.memory_space<vmem>>
    %dma_wait3A_312 = arith.constant 0 : i32
    %dma_wait3A_313 = tpu.memref_slice %arg5[%dma_wait3A_312] : memref<640xi32, #tpu.memory_space<vmem>> -> memref<640xi32, #tpu.memory_space<vmem>>
    %dma_wait3A_314 = arith.constant 0 : i32
    %dma_wait3A_315 = tpu.memref_slice %arg3[%dma_wait3A_309, %dma_wait3A_314] : memref<16x100000xf32, #tpu.memory_space<hbm>> -> memref<1x100000xf32, #tpu.memory_space<hbm>>
    %dma_wait3A_316 = tpu.memref_squeeze %dma_wait3A_315 : memref<1x100000xf32, #tpu.memory_space<hbm>> -> memref<100000xf32, #tpu.memory_space<hbm>>
    %dma_wait3A_317 = arith.constant 0 : i32
    %dma_wait3A_318 = tpu.memref_slice %dma_wait3A_316[%dma_wait3A_317] : memref<100000xf32, #tpu.memory_space<hbm>> -> memref<100000xf32, #tpu.memory_space<hbm>>
    tpu.wait_indirect_dma semaphore(%arg8 : memref<!tpu.dma_semaphore, #tpu.memory_space<semaphore_mem>>) src(%dma_wait3A_318 : memref<100000xf32, #tpu.memory_space<hbm>>) dst(%dma_wait3A_311 : memref<640xf32, #tpu.memory_space<vmem>>)
    %get3A = arith.constant 0 : index
    %get3A_319 = tpu.vector_load %arg6[%get3A] {strides = array<i32>} : memref<10240xf32, #tpu.memory_space<vmem>>, vector<16xf32>,
    %get3A_320 = vector.shape_cast %get3A_319 : vector<16xf32> to vector<16xf32>
    %get3A_321 = arith.constant 32 : index
    %get3A_322 = tpu.vector_load %arg6[%get3A_321] {strides = array<i32>} : memref<10240xf32, #tpu.memory_space<vmem>>, vector<16xf32>,
    %get3A_323 = vector.shape_cast %get3A_322 : vector<16xf32> to vector<16xf32>
    %add3A_324 = arith.addf %get3A_320, %get3A_323 : vector<16xf32>
    %get3A_325 = arith.constant 64 : index
    %get3A_326 = tpu.vector_load %arg6[%get3A_325] {strides = array<i32>} : memref<10240xf32, #tpu.memory_space<vmem>>, vector<16xf32>,
    %get3A_327 = vector.shape_cast %get3A_326 : vector<16xf32> to vector<16xf32>
    %add3A_328 = arith.addf %add3A_324, %get3A_327 : vector<16xf32>
    %get3A_329 = arith.constant 96 : index
    %get3A_330 = tpu.vector_load %arg6[%get3A_329] {strides = array<i32>} : memref<10240xf32, #tpu.memory_space<vmem>>, vector<16xf32>,
    %get3A_331 = vector.shape_cast %get3A_330 : vector<16xf32> to vector<16xf32>
    %add3A_332 = arith.addf %add3A_328, %get3A_331 : vector<16xf32>
    %get3A_333 = arith.constant 128 : index
    %get3A_334 = tpu.vector_load %arg6[%get3A_333] {strides = array<i32>} : memref<10240xf32, #tpu.memory_space<vmem>>, vector<16xf32>,
    %get3A_335 = vector.shape_cast %get3A_334 : vector<16xf32> to vector<16xf32>
    %add3A_336 = arith.addf %add3A_332, %get3A_335 : vector<16xf32>
    %get3A_337 = arith.constant 160 : index
    %get3A_338 = tpu.vector_load %arg6[%get3A_337] {strides = array<i32>} : memref<10240xf32, #tpu.memory_space<vmem>>, vector<16xf32>,
    %get3A_339 = vector.shape_cast %get3A_338 : vector<16xf32> to vector<16xf32>
    %add3A_340 = arith.addf %add3A_336, %get3A_339 : vector<16xf32>
    %get3A_341 = arith.constant 192 : index
    %get3A_342 = tpu.vector_load %arg6[%get3A_341] {strides = array<i32>} : memref<10240xf32, #tpu.memory_space<vmem>>, vector<16xf32>,
    %get3A_343 = vector.shape_cast %get3A_342 : vector<16xf32> to vector<16xf32>
    %add3A_344 = arith.addf %add3A_340, %get3A_343 : vector<16xf32>
    %get3A_345 = arith.constant 224 : index
    %get3A_346 = tpu.vector_load %arg6[%get3A_345] {strides = array<i32>} : memref<10240xf32, #tpu.memory_space<vmem>>, vector<16xf32>,
    %get3A_347 = vector.shape_cast %get3A_346 : vector<16xf32> to vector<16xf32>
    %add3A_348 = arith.addf %add3A_344, %get3A_347 : vector<16xf32>
    %get3A_349 = arith.constant 256 : index
    %get3A_350 = tpu.vector_load %arg6[%get3A_349] {strides = array<i32>} : memref<10240xf32, #tpu.memory_space<vmem>>, vector<16xf32>,
    %get3A_351 = vector.shape_cast %get3A_350 : vector<16xf32> to vector<16xf32>
    %add3A_352 = arith.addf %add3A_348, %get3A_351 : vector<16xf32>
    %get3A_353 = arith.constant 288 : index
    %get3A_354 = tpu.vector_load %arg6[%get3A_353] {strides = array<i32>} : memref<10240xf32, #tpu.memory_space<vmem>>, vector<16xf32>,
    %get3A_355 = vector.shape_cast %get3A_354 : vector<16xf32> to vector<16xf32>
    %add3A_356 = arith.addf %add3A_352, %get3A_355 : vector<16xf32>
    %get3A_357 = arith.constant 320 : index
    %get3A_358 = tpu.vector_load %arg6[%get3A_357] {strides = array<i32>} : memref<10240xf32, #tpu.memory_space<vmem>>, vector<16xf32>,
    %get3A_359 = vector.shape_cast %get3A_358 : vector<16xf32> to vector<16xf32>
    %add3A_360 = arith.addf %add3A_356, %get3A_359 : vector<16xf32>
    %get3A_361 = arith.constant 352 : index
    %get3A_362 = tpu.vector_load %arg6[%get3A_361] {strides = array<i32>} : memref<10240xf32, #tpu.memory_space<vmem>>, vector<16xf32>,
    %get3A_363 = vector.shape_cast %get3A_362 : vector<16xf32> to vector<16xf32>
    %add3A_364 = arith.addf %add3A_360, %get3A_363 : vector<16xf32>
    %get3A_365 = arith.constant 384 : index
    %get3A_366 = tpu.vector_load %arg6[%get3A_365] {strides = array<i32>} : memref<10240xf32, #tpu.memory_space<vmem>>, vector<16xf32>,
    %get3A_367 = vector.shape_cast %get3A_366 : vector<16xf32> to vector<16xf32>
    %add3A_368 = arith.addf %add3A_364, %get3A_367 : vector<16xf32>
    %get3A_369 = arith.constant 416 : index
    %get3A_370 = tpu.vector_load %arg6[%get3A_369] {strides = array<i32>} : memref<10240xf32, #tpu.memory_space<vmem>>, vector<16xf32>,
    %get3A_371 = vector.shape_cast %get3A_370 : vector<16xf32> to vector<16xf32>
    %add3A_372 = arith.addf %add3A_368, %get3A_371 : vector<16xf32>
    %get3A_373 = arith.constant 448 : index
    %get3A_374 = tpu.vector_load %arg6[%get3A_373] {strides = array<i32>} : memref<10240xf32, #tpu.memory_space<vmem>>, vector<16xf32>,
    %get3A_375 = vector.shape_cast %get3A_374 : vector<16xf32> to vector<16xf32>
    %add3A_376 = arith.addf %add3A_372, %get3A_375 : vector<16xf32>
    %get3A_377 = arith.constant 480 : index
    %get3A_378 = tpu.vector_load %arg6[%get3A_377] {strides = array<i32>} : memref<10240xf32, #tpu.memory_space<vmem>>, vector<16xf32>,
    %get3A_379 = vector.shape_cast %get3A_378 : vector<16xf32> to vector<16xf32>
    %add3A_380 = arith.addf %add3A_376, %get3A_379 : vector<16xf32>
    %get3A_381 = arith.constant 512 : index
    %get3A_382 = tpu.vector_load %arg6[%get3A_381] {strides = array<i32>} : memref<10240xf32, #tpu.memory_space<vmem>>, vector<16xf32>,
    %get3A_383 = vector.shape_cast %get3A_382 : vector<16xf32> to vector<16xf32>
    %add3A_384 = arith.addf %add3A_380, %get3A_383 : vector<16xf32>
    %get3A_385 = arith.constant 544 : index
    %get3A_386 = tpu.vector_load %arg6[%get3A_385] {strides = array<i32>} : memref<10240xf32, #tpu.memory_space<vmem>>, vector<16xf32>,
    %get3A_387 = vector.shape_cast %get3A_386 : vector<16xf32> to vector<16xf32>
    %add3A_388 = arith.addf %add3A_384, %get3A_387 : vector<16xf32>
    %get3A_389 = arith.constant 576 : index
    %get3A_390 = tpu.vector_load %arg6[%get3A_389] {strides = array<i32>} : memref<10240xf32, #tpu.memory_space<vmem>>, vector<16xf32>,
    %get3A_391 = vector.shape_cast %get3A_390 : vector<16xf32> to vector<16xf32>
    %add3A_392 = arith.addf %add3A_388, %get3A_391 : vector<16xf32>
    %get3A_393 = arith.constant 608 : index
    %get3A_394 = tpu.vector_load %arg6[%get3A_393] {strides = array<i32>} : memref<10240xf32, #tpu.memory_space<vmem>>, vector<16xf32>,
    %get3A_395 = vector.shape_cast %get3A_394 : vector<16xf32> to vector<16xf32>
    %add3A_396 = arith.addf %add3A_392, %get3A_395 : vector<16xf32>
    %mul3A_397 = arith.constant 5.000000e-02 : f32
    %mul3A_398 = vector.broadcast %mul3A_397 : f32 to vector<16xf32>
    %mul3A_399 = arith.mulf %add3A_396, %mul3A_398 : vector<16xf32>
    %swap3A = arith.constant 0 : i32
    %swap3A_400 = arith.index_cast %swap3A : i32 to index
    %swap3A_401 = arith.constant 0 : index
    %swap3A_402 = tpu.vector_load %arg7[%swap3A_400, %swap3A_401] {strides = array<i32>} : memref<16x32xf32, #tpu.memory_space<vmem>>, vector<1x16xf32>,
    %swap3A_403 = vector.shape_cast %swap3A_402 : vector<1x16xf32> to vector<16xf32>
    %swap3A_404 = vector.shape_cast %mul3A_399 : vector<16xf32> to vector<1x16xf32>
    tpu.vector_store %arg7[%swap3A_400, %swap3A_401], %swap3A_404 {strides = array<i32>} : memref<16x32xf32, #tpu.memory_space<vmem>>, vector<1x16xf32>,
    %get3A_405 = arith.constant 16 : index
    %get3A_406 = tpu.vector_load %arg6[%get3A_405] {strides = array<i32>} : memref<10240xf32, #tpu.memory_space<vmem>>, vector<16xf32>,
    %get3A_407 = vector.shape_cast %get3A_406 : vector<16xf32> to vector<16xf32>
    %get3A_408 = arith.constant 48 : index
    %get3A_409 = tpu.vector_load %arg6[%get3A_408] {strides = array<i32>} : memref<10240xf32, #tpu.memory_space<vmem>>, vector<16xf32>,
    %get3A_410 = vector.shape_cast %get3A_409 : vector<16xf32> to vector<16xf32>
    %add3A_411 = arith.addf %get3A_407, %get3A_410 : vector<16xf32>
    %get3A_412 = arith.constant 80 : index
    %get3A_413 = tpu.vector_load %arg6[%get3A_412] {strides = array<i32>} : memref<10240xf32, #tpu.memory_space<vmem>>, vector<16xf32>,
    %get3A_414 = vector.shape_cast %get3A_413 : vector<16xf32> to vector<16xf32>
    %add3A_415 = arith.addf %add3A_411, %get3A_414 : vector<16xf32>
    %get3A_416 = arith.constant 112 : index
    %get3A_417 = tpu.vector_load %arg6[%get3A_416] {strides = array<i32>} : memref<10240xf32, #tpu.memory_space<vmem>>, vector<16xf32>,
    %get3A_418 = vector.shape_cast %get3A_417 : vector<16xf32> to vector<16xf32>
    %add3A_419 = arith.addf %add3A_415, %get3A_418 : vector<16xf32>
    %get3A_420 = arith.constant 144 : index
    %get3A_421 = tpu.vector_load %arg6[%get3A_420] {strides = array<i32>} : memref<10240xf32, #tpu.memory_space<vmem>>, vector<16xf32>,
    %get3A_422 = vector.shape_cast %get3A_421 : vector<16xf32> to vector<16xf32>
    %add3A_423 = arith.addf %add3A_419, %get3A_422 : vector<16xf32>
    %get3A_424 = arith.constant 176 : index
    %get3A_425 = tpu.vector_load %arg6[%get3A_424] {strides = array<i32>} : memref<10240xf32, #tpu.memory_space<vmem>>, vector<16xf32>,
    %get3A_426 = vector.shape_cast %get3A_425 : vector<16xf32> to vector<16xf32>
    %add3A_427 = arith.addf %add3A_423, %get3A_426 : vector<16xf32>
    %get3A_428 = arith.constant 208 : index
    %get3A_429 = tpu.vector_load %arg6[%get3A_428] {strides = array<i32>} : memref<10240xf32, #tpu.memory_space<vmem>>, vector<16xf32>,
    %get3A_430 = vector.shape_cast %get3A_429 : vector<16xf32> to vector<16xf32>
    %add3A_431 = arith.addf %add3A_427, %get3A_430 : vector<16xf32>
    %get3A_432 = arith.constant 240 : index
    %get3A_433 = tpu.vector_load %arg6[%get3A_432] {strides = array<i32>} : memref<10240xf32, #tpu.memory_space<vmem>>, vector<16xf32>,
    %get3A_434 = vector.shape_cast %get3A_433 : vector<16xf32> to vector<16xf32>
    %add3A_435 = arith.addf %add3A_431, %get3A_434 : vector<16xf32>
    %get3A_436 = arith.constant 272 : index
    %get3A_437 = tpu.vector_load %arg6[%get3A_436] {strides = array<i32>} : memref<10240xf32, #tpu.memory_space<vmem>>, vector<16xf32>,
    %get3A_438 = vector.shape_cast %get3A_437 : vector<16xf32> to vector<16xf32>
    %add3A_439 = arith.addf %add3A_435, %get3A_438 : vector<16xf32>
    %get3A_440 = arith.constant 304 : index
    %get3A_441 = tpu.vector_load %arg6[%get3A_440] {strides = array<i32>} : memref<10240xf32, #tpu.memory_space<vmem>>, vector<16xf32>,
    %get3A_442 = vector.shape_cast %get3A_441 : vector<16xf32> to vector<16xf32>
    %add3A_443 = arith.addf %add3A_439, %get3A_442 : vector<16xf32>
    %get3A_444 = arith.constant 336 : index
    %get3A_445 = tpu.vector_load %arg6[%get3A_444] {strides = array<i32>} : memref<10240xf32, #tpu.memory_space<vmem>>, vector<16xf32>,
    %get3A_446 = vector.shape_cast %get3A_445 : vector<16xf32> to vector<16xf32>
    %add3A_447 = arith.addf %add3A_443, %get3A_446 : vector<16xf32>
    %get3A_448 = arith.constant 368 : index
    %get3A_449 = tpu.vector_load %arg6[%get3A_448] {strides = array<i32>} : memref<10240xf32, #tpu.memory_space<vmem>>, vector<16xf32>,
    %get3A_450 = vector.shape_cast %get3A_449 : vector<16xf32> to vector<16xf32>
    %add3A_451 = arith.addf %add3A_447, %get3A_450 : vector<16xf32>
    %get3A_452 = arith.constant 400 : index
    %get3A_453 = tpu.vector_load %arg6[%get3A_452] {strides = array<i32>} : memref<10240xf32, #tpu.memory_space<vmem>>, vector<16xf32>,
    %get3A_454 = vector.shape_cast %get3A_453 : vector<16xf32> to vector<16xf32>
    %add3A_455 = arith.addf %add3A_451, %get3A_454 : vector<16xf32>
    %get3A_456 = arith.constant 432 : index
    %get3A_457 = tpu.vector_load %arg6[%get3A_456] {strides = array<i32>} : memref<10240xf32, #tpu.memory_space<vmem>>, vector<16xf32>,
    %get3A_458 = vector.shape_cast %get3A_457 : vector<16xf32> to vector<16xf32>
    %add3A_459 = arith.addf %add3A_455, %get3A_458 : vector<16xf32>
    %get3A_460 = arith.constant 464 : index
    %get3A_461 = tpu.vector_load %arg6[%get3A_460] {strides = array<i32>} : memref<10240xf32, #tpu.memory_space<vmem>>, vector<16xf32>,
    %get3A_462 = vector.shape_cast %get3A_461 : vector<16xf32> to vector<16xf32>
    %add3A_463 = arith.addf %add3A_459, %get3A_462 : vector<16xf32>
    %get3A_464 = arith.constant 496 : index
    %get3A_465 = tpu.vector_load %arg6[%get3A_464] {strides = array<i32>} : memref<10240xf32, #tpu.memory_space<vmem>>, vector<16xf32>,
    %get3A_466 = vector.shape_cast %get3A_465 : vector<16xf32> to vector<16xf32>
    %add3A_467 = arith.addf %add3A_463, %get3A_466 : vector<16xf32>
    %get3A_468 = arith.constant 528 : index
    %get3A_469 = tpu.vector_load %arg6[%get3A_468] {strides = array<i32>} : memref<10240xf32, #tpu.memory_space<vmem>>, vector<16xf32>,
    %get3A_470 = vector.shape_cast %get3A_469 : vector<16xf32> to vector<16xf32>
    %add3A_471 = arith.addf %add3A_467, %get3A_470 : vector<16xf32>
    %get3A_472 = arith.constant 560 : index
    %get3A_473 = tpu.vector_load %arg6[%get3A_472] {strides = array<i32>} : memref<10240xf32, #tpu.memory_space<vmem>>, vector<16xf32>,
    %get3A_474 = vector.shape_cast %get3A_473 : vector<16xf32> to vector<16xf32>
    %add3A_475 = arith.addf %add3A_471, %get3A_474 : vector<16xf32>
    %get3A_476 = arith.constant 592 : index
    %get3A_477 = tpu.vector_load %arg6[%get3A_476] {strides = array<i32>} : memref<10240xf32, #tpu.memory_space<vmem>>, vector<16xf32>,
    %get3A_478 = vector.shape_cast %get3A_477 : vector<16xf32> to vector<16xf32>
    %add3A_479 = arith.addf %add3A_475, %get3A_478 : vector<16xf32>
    %get3A_480 = arith.constant 624 : index
    %get3A_481 = tpu.vector_load %arg6[%get3A_480] {strides = array<i32>} : memref<10240xf32, #tpu.memory_space<vmem>>, vector<16xf32>,
    %get3A_482 = vector.shape_cast %get3A_481 : vector<16xf32> to vector<16xf32>
    %add3A_483 = arith.addf %add3A_479, %get3A_482 : vector<16xf32>
    %mul3A_484 = arith.constant 5.000000e-02 : f32
    %mul3A_485 = vector.broadcast %mul3A_484 : f32 to vector<16xf32>
    %mul3A_486 = arith.mulf %add3A_483, %mul3A_485 : vector<16xf32>
    %swap3A_487 = arith.constant 0 : i32
    %swap3A_488 = arith.index_cast %swap3A_487 : i32 to index
    %swap3A_489 = arith.constant 16 : index
    %swap3A_490 = tpu.vector_load %arg7[%swap3A_488, %swap3A_489] {strides = array<i32>} : memref<16x32xf32, #tpu.memory_space<vmem>>, vector<1x16xf32>,
    %swap3A_491 = vector.shape_cast %swap3A_490 : vector<1x16xf32> to vector<16xf32>
    %swap3A_492 = vector.shape_cast %mul3A_486 : vector<16xf32> to vector<1x16xf32>
    tpu.vector_store %arg7[%swap3A_488, %swap3A_489], %swap3A_492 {strides = array<i32>} : memref<16x32xf32, #tpu.memory_space<vmem>>, vector<1x16xf32>,
    %get3A_493 = arith.constant 640 : index
    %get3A_494 = tpu.vector_load %arg6[%get3A_493] {strides = array<i32>} : memref<10240xf32, #tpu.memory_space<vmem>>, vector<16xf32>,
    %get3A_495 = vector.shape_cast %get3A_494 : vector<16xf32> to vector<16xf32>
    %get3A_496 = arith.constant 672 : index
    %get3A_497 = tpu.vector_load %arg6[%get3A_496] {strides = array<i32>} : memref<10240xf32, #tpu.memory_space<vmem>>, vector<16xf32>,
    %get3A_498 = vector.shape_cast %get3A_497 : vector<16xf32> to vector<16xf32>
    %add3A_499 = arith.addf %get3A_495, %get3A_498 : vector<16xf32>
    %get3A_500 = arith.constant 704 : index
    %get3A_501 = tpu.vector_load %arg6[%get3A_500] {strides = array<i32>} : memref<10240xf32, #tpu.memory_space<vmem>>, vector<16xf32>,
    %get3A_502 = vector.shape_cast %get3A_501 : vector<16xf32> to vector<16xf32>
    %add3A_503 = arith.addf %add3A_499, %get3A_502 : vector<16xf32>
    %get3A_504 = arith.constant 736 : index
    %get3A_505 = tpu.vector_load %arg6[%get3A_504] {strides = array<i32>} : memref<10240xf32, #tpu.memory_space<vmem>>, vector<16xf32>,
    %get3A_506 = vector.shape_cast %get3A_505 : vector<16xf32> to vector<16xf32>
    %add3A_507 = arith.addf %add3A_503, %get3A_506 : vector<16xf32>
    %get3A_508 = arith.constant 768 : index
    %get3A_509 = tpu.vector_load %arg6[%get3A_508] {strides = array<i32>} : memref<10240xf32, #tpu.memory_space<vmem>>, vector<16xf32>,
    %get3A_510 = vector.shape_cast %get3A_509 : vector<16xf32> to vector<16xf32>
    %add3A_511 = arith.addf %add3A_507, %get3A_510 : vector<16xf32>
    %get3A_512 = arith.constant 800 : index
    %get3A_513 = tpu.vector_load %arg6[%get3A_512] {strides = array<i32>} : memref<10240xf32, #tpu.memory_space<vmem>>, vector<16xf32>,
    %get3A_514 = vector.shape_cast %get3A_513 : vector<16xf32> to vector<16xf32>
    %add3A_515 = arith.addf %add3A_511, %get3A_514 : vector<16xf32>
    %get3A_516 = arith.constant 832 : index
    %get3A_517 = tpu.vector_load %arg6[%get3A_516] {strides = array<i32>} : memref<10240xf32, #tpu.memory_space<vmem>>, vector<16xf32>,
    %get3A_518 = vector.shape_cast %get3A_517 : vector<16xf32> to vector<16xf32>
    %add3A_519 = arith.addf %add3A_515, %get3A_518 : vector<16xf32>
    %get3A_520 = arith.constant 864 : index
    %get3A_521 = tpu.vector_load %arg6[%get3A_520] {strides = array<i32>} : memref<10240xf32, #tpu.memory_space<vmem>>, vector<16xf32>,
    %get3A_522 = vector.shape_cast %get3A_521 : vector<16xf32> to vector<16xf32>
    %add3A_523 = arith.addf %add3A_519, %get3A_522 : vector<16xf32>
    %get3A_524 = arith.constant 896 : index
    %get3A_525 = tpu.vector_load %arg6[%get3A_524] {strides = array<i32>} : memref<10240xf32, #tpu.memory_space<vmem>>, vector<16xf32>,
    %get3A_526 = vector.shape_cast %get3A_525 : vector<16xf32> to vector<16xf32>
    %add3A_527 = arith.addf %add3A_523, %get3A_526 : vector<16xf32>
    %get3A_528 = arith.constant 928 : index
    %get3A_529 = tpu.vector_load %arg6[%get3A_528] {strides = array<i32>} : memref<10240xf32, #tpu.memory_space<vmem>>, vector<16xf32>,
    %get3A_530 = vector.shape_cast %get3A_529 : vector<16xf32> to vector<16xf32>
    %add3A_531 = arith.addf %add3A_527, %get3A_530 : vector<16xf32>
    %get3A_532 = arith.constant 960 : index
    %get3A_533 = tpu.vector_load %arg6[%get3A_532] {strides = array<i32>} : memref<10240xf32, #tpu.memory_space<vmem>>, vector<16xf32>,
    %get3A_534 = vector.shape_cast %get3A_533 : vector<16xf32> to vector<16xf32>
    %add3A_535 = arith.addf %add3A_531, %get3A_534 : vector<16xf32>
    %get3A_536 = arith.constant 992 : index
    %get3A_537 = tpu.vector_load %arg6[%get3A_536] {strides = array<i32>} : memref<10240xf32, #tpu.memory_space<vmem>>, vector<16xf32>,
    %get3A_538 = vector.shape_cast %get3A_537 : vector<16xf32> to vector<16xf32>
    %add3A_539 = arith.addf %add3A_535, %get3A_538 : vector<16xf32>
    %get3A_540 = arith.constant 1024 : index
    %get3A_541 = tpu.vector_load %arg6[%get3A_540] {strides = array<i32>} : memref<10240xf32, #tpu.memory_space<vmem>>, vector<16xf32>,
    %get3A_542 = vector.shape_cast %get3A_541 : vector<16xf32> to vector<16xf32>
    %add3A_543 = arith.addf %add3A_539, %get3A_542 : vector<16xf32>
    %get3A_544 = arith.constant 1056 : index
    %get3A_545 = tpu.vector_load %arg6[%get3A_544] {strides = array<i32>} : memref<10240xf32, #tpu.memory_space<vmem>>, vector<16xf32>,
    %get3A_546 = vector.shape_cast %get3A_545 : vector<16xf32> to vector<16xf32>
    %add3A_547 = arith.addf %add3A_543, %get3A_546 : vector<16xf32>
    %get3A_548 = arith.constant 1088 : index
    %get3A_549 = tpu.vector_load %arg6[%get3A_548] {strides = array<i32>} : memref<10240xf32, #tpu.memory_space<vmem>>, vector<16xf32>,
    %get3A_550 = vector.shape_cast %get3A_549 : vector<16xf32> to vector<16xf32>
    %add3A_551 = arith.addf %add3A_547, %get3A_550 : vector<16xf32>
    %get3A_552 = arith.constant 1120 : index
    %get3A_553 = tpu.vector_load %arg6[%get3A_552] {strides = array<i32>} : memref<10240xf32, #tpu.memory_space<vmem>>, vector<16xf32>,
    %get3A_554 = vector.shape_cast %get3A_553 : vector<16xf32> to vector<16xf32>
    %add3A_555 = arith.addf %add3A_551, %get3A_554 : vector<16xf32>
    %get3A_556 = arith.constant 1152 : index
    %get3A_557 = tpu.vector_load %arg6[%get3A_556] {strides = array<i32>} : memref<10240xf32, #tpu.memory_space<vmem>>, vector<16xf32>,
    %get3A_558 = vector.shape_cast %get3A_557 : vector<16xf32> to vector<16xf32>
    %add3A_559 = arith.addf %add3A_555, %get3A_558 : vector<16xf32>
    %get3A_560 = arith.constant 1184 : index
    %get3A_561 = tpu.vector_load %arg6[%get3A_560] {strides = array<i32>} : memref<10240xf32, #tpu.memory_space<vmem>>, vector<16xf32>,
    %get3A_562 = vector.shape_cast %get3A_561 : vector<16xf32> to vector<16xf32>
    %add3A_563 = arith.addf %add3A_559, %get3A_562 : vector<16xf32>
    %get3A_564 = arith.constant 1216 : index
    %get3A_565 = tpu.vector_load %arg6[%get3A_564] {strides = array<i32>} : memref<10240xf32, #tpu.memory_space<vmem>>, vector<16xf32>,
    %get3A_566 = vector.shape_cast %get3A_565 : vector<16xf32> to vector<16xf32>
    %add3A_567 = arith.addf %add3A_563, %get3A_566 : vector<16xf32>
    %get3A_568 = arith.constant 1248 : index
    %get3A_569 = tpu.vector_load %arg6[%get3A_568] {strides = array<i32>} : memref<10240xf32, #tpu.memory_space<vmem>>, vector<16xf32>,
    %get3A_570 = vector.shape_cast %get3A_569 : vector<16xf32> to vector<16xf32>
    %add3A_571 = arith.addf %add3A_567, %get3A_570 : vector<16xf32>
    %mul3A_572 = arith.constant 5.000000e-02 : f32
    %mul3A_573 = vector.broadcast %mul3A_572 : f32 to vector<16xf32>
    %mul3A_574 = arith.mulf %add3A_571, %mul3A_573 : vector<16xf32>
    %swap3A_575 = arith.constant 1 : i32
    %swap3A_576 = arith.index_cast %swap3A_575 : i32 to index
    %swap3A_577 = arith.constant 0 : index
    %swap3A_578 = tpu.vector_load %arg7[%swap3A_576, %swap3A_577] {strides = array<i32>} : memref<16x32xf32, #tpu.memory_space<vmem>>, vector<1x16xf32>,
    %swap3A_579 = vector.shape_cast %swap3A_578 : vector<1x16xf32> to vector<16xf32>
    %swap3A_580 = vector.shape_cast %mul3A_574 : vector<16xf32> to vector<1x16xf32>
    tpu.vector_store %arg7[%swap3A_576, %swap3A_577], %swap3A_580 {strides = array<i32>} : memref<16x32xf32, #tpu.memory_space<vmem>>, vector<1x16xf32>,
    %get3A_581 = arith.constant 656 : index
    %get3A_582 = tpu.vector_load %arg6[%get3A_581] {strides = array<i32>} : memref<10240xf32, #tpu.memory_space<vmem>>, vector<16xf32>,
    %get3A_583 = vector.shape_cast %get3A_582 : vector<16xf32> to vector<16xf32>
    %get3A_584 = arith.constant 688 : index
    %get3A_585 = tpu.vector_load %arg6[%get3A_584] {strides = array<i32>} : memref<10240xf32, #tpu.memory_space<vmem>>, vector<16xf32>,
    %get3A_586 = vector.shape_cast %get3A_585 : vector<16xf32> to vector<16xf32>
    %add3A_587 = arith.addf %get3A_583, %get3A_586 : vector<16xf32>
    %get3A_588 = arith.constant 720 : index
    %get3A_589 = tpu.vector_load %arg6[%get3A_588] {strides = array<i32>} : memref<10240xf32, #tpu.memory_space<vmem>>, vector<16xf32>,
    %get3A_590 = vector.shape_cast %get3A_589 : vector<16xf32> to vector<16xf32>
    %add3A_591 = arith.addf %add3A_587, %get3A_590 : vector<16xf32>
    %get3A_592 = arith.constant 752 : index
    %get3A_593 = tpu.vector_load %arg6[%get3A_592] {strides = array<i32>} : memref<10240xf32, #tpu.memory_space<vmem>>, vector<16xf32>,
    %get3A_594 = vector.shape_cast %get3A_593 : vector<16xf32> to vector<16xf32>
    %add3A_595 = arith.addf %add3A_591, %get3A_594 : vector<16xf32>
    %get3A_596 = arith.constant 784 : index
    %get3A_597 = tpu.vector_load %arg6[%get3A_596] {strides = array<i32>} : memref<10240xf32, #tpu.memory_space<vmem>>, vector<16xf32>,
    %get3A_598 = vector.shape_cast %get3A_597 : vector<16xf32> to vector<16xf32>
    %add3A_599 = arith.addf %add3A_595, %get3A_598 : vector<16xf32>
    %get3A_600 = arith.constant 816 : index
    %get3A_601 = tpu.vector_load %arg6[%get3A_600] {strides = array<i32>} : memref<10240xf32, #tpu.memory_space<vmem>>, vector<16xf32>,
    %get3A_602 = vector.shape_cast %get3A_601 : vector<16xf32> to vector<16xf32>
    %add3A_603 = arith.addf %add3A_599, %get3A_602 : vector<16xf32>
    %get3A_604 = arith.constant 848 : index
    %get3A_605 = tpu.vector_load %arg6[%get3A_604] {strides = array<i32>} : memref<10240xf32, #tpu.memory_space<vmem>>, vector<16xf32>,
    %get3A_606 = vector.shape_cast %get3A_605 : vector<16xf32> to vector<16xf32>
    %add3A_607 = arith.addf %add3A_603, %get3A_606 : vector<16xf32>
    %get3A_608 = arith.constant 880 : index
    %get3A_609 = tpu.vector_load %arg6[%get3A_608] {strides = array<i32>} : memref<10240xf32, #tpu.memory_space<vmem>>, vector<16xf32>,
    %get3A_610 = vector.shape_cast %get3A_609 : vector<16xf32> to vector<16xf32>
    %add3A_611 = arith.addf %add3A_607, %get3A_610 : vector<16xf32>
    %get3A_612 = arith.constant 912 : index
    %get3A_613 = tpu.vector_load %arg6[%get3A_612] {strides = array<i32>} : memref<10240xf32, #tpu.memory_space<vmem>>, vector<16xf32>,
    %get3A_614 = vector.shape_cast %get3A_613 : vector<16xf32> to vector<16xf32>
    %add3A_615 = arith.addf %add3A_611, %get3A_614 : vector<16xf32>
    %get3A_616 = arith.constant 944 : index
    %get3A_617 = tpu.vector_load %arg6[%get3A_616] {strides = array<i32>} : memref<10240xf32, #tpu.memory_space<vmem>>, vector<16xf32>,
    %get3A_618 = vector.shape_cast %get3A_617 : vector<16xf32> to vector<16xf32>
    %add3A_619 = arith.addf %add3A_615, %get3A_618 : vector<16xf32>
    %get3A_620 = arith.constant 976 : index
    %get3A_621 = tpu.vector_load %arg6[%get3A_620] {strides = array<i32>} : memref<10240xf32, #tpu.memory_space<vmem>>, vector<16xf32>,
    %get3A_622 = vector.shape_cast %get3A_621 : vector<16xf32> to vector<16xf32>
    %add3A_623 = arith.addf %add3A_619, %get3A_622 : vector<16xf32>
    %get3A_624 = arith.constant 1008 : index
    %get3A_625 = tpu.vector_load %arg6[%get3A_624] {strides = array<i32>} : memref<10240xf32, #tpu.memory_space<vmem>>, vector<16xf32>,
    %get3A_626 = vector.shape_cast %get3A_625 : vector<16xf32> to vector<16xf32>
    %add3A_627 = arith.addf %add3A_623, %get3A_626 : vector<16xf32>
    %get3A_628 = arith.constant 1040 : index
    %get3A_629 = tpu.vector_load %arg6[%get3A_628] {strides = array<i32>} : memref<10240xf32, #tpu.memory_space<vmem>>, vector<16xf32>,
    %get3A_630 = vector.shape_cast %get3A_629 : vector<16xf32> to vector<16xf32>
    %add3A_631 = arith.addf %add3A_627, %get3A_630 : vector<16xf32>
    %get3A_632 = arith.constant 1072 : index
    %get3A_633 = tpu.vector_load %arg6[%get3A_632] {strides = array<i32>} : memref<10240xf32, #tpu.memory_space<vmem>>, vector<16xf32>,
    %get3A_634 = vector.shape_cast %get3A_633 : vector<16xf32> to vector<16xf32>
    %add3A_635 = arith.addf %add3A_631, %get3A_634 : vector<16xf32>
    %get3A_636 = arith.constant 1104 : index
    %get3A_637 = tpu.vector_load %arg6[%get3A_636] {strides = array<i32>} : memref<10240xf32, #tpu.memory_space<vmem>>, vector<16xf32>,
    %get3A_638 = vector.shape_cast %get3A_637 : vector<16xf32> to vector<16xf32>
    %add3A_639 = arith.addf %add3A_635, %get3A_638 : vector<16xf32>
    %get3A_640 = arith.constant 1136 : index
    %get3A_641 = tpu.vector_load %arg6[%get3A_640] {strides = array<i32>} : memref<10240xf32, #tpu.memory_space<vmem>>, vector<16xf32>,
    %get3A_642 = vector.shape_cast %get3A_641 : vector<16xf32> to vector<16xf32>
    %add3A_643 = arith.addf %add3A_639, %get3A_642 : vector<16xf32>
    %get3A_644 = arith.constant 1168 : index
    %get3A_645 = tpu.vector_load %arg6[%get3A_644] {strides = array<i32>} : memref<10240xf32, #tpu.memory_space<vmem>>, vector<16xf32>,
    %get3A_646 = vector.shape_cast %get3A_645 : vector<16xf32> to vector<16xf32>
    %add3A_647 = arith.addf %add3A_643, %get3A_646 : vector<16xf32>
    %get3A_648 = arith.constant 1200 : index
    %get3A_649 = tpu.vector_load %arg6[%get3A_648] {strides = array<i32>} : memref<10240xf32, #tpu.memory_space<vmem>>, vector<16xf32>,
    %get3A_650 = vector.shape_cast %get3A_649 : vector<16xf32> to vector<16xf32>
    %add3A_651 = arith.addf %add3A_647, %get3A_650 : vector<16xf32>
    %get3A_652 = arith.constant 1232 : index
    %get3A_653 = tpu.vector_load %arg6[%get3A_652] {strides = array<i32>} : memref<10240xf32, #tpu.memory_space<vmem>>, vector<16xf32>,
    %get3A_654 = vector.shape_cast %get3A_653 : vector<16xf32> to vector<16xf32>
    %add3A_655 = arith.addf %add3A_651, %get3A_654 : vector<16xf32>
    %get3A_656 = arith.constant 1264 : index
    %get3A_657 = tpu.vector_load %arg6[%get3A_656] {strides = array<i32>} : memref<10240xf32, #tpu.memory_space<vmem>>, vector<16xf32>,
    %get3A_658 = vector.shape_cast %get3A_657 : vector<16xf32> to vector<16xf32>
    %add3A_659 = arith.addf %add3A_655, %get3A_658 : vector<16xf32>
    %mul3A_660 = arith.constant 5.000000e-02 : f32
    %mul3A_661 = vector.broadcast %mul3A_660 : f32 to vector<16xf32>
    %mul3A_662 = arith.mulf %add3A_659, %mul3A_661 : vector<16xf32>
    %swap3A_663 = arith.constant 1 : i32
    %swap3A_664 = arith.index_cast %swap3A_663 : i32 to index
    %swap3A_665 = arith.constant 16 : index
    %swap3A_666 = tpu.vector_load %arg7[%swap3A_664, %swap3A_665] {strides = array<i32>} : memref<16x32xf32, #tpu.memory_space<vmem>>, vector<1x16xf32>,
    %swap3A_667 = vector.shape_cast %swap3A_666 : vector<1x16xf32> to vector<16xf32>
    %swap3A_668 = vector.shape_cast %mul3A_662 : vector<16xf32> to vector<1x16xf32>
    tpu.vector_store %arg7[%swap3A_664, %swap3A_665], %swap3A_668 {strides = array<i32>} : memref<16x32xf32, #tpu.memory_space<vmem>>, vector<1x16xf32>,
    %get3A_669 = arith.constant 1280 : index
    %get3A_670 = tpu.vector_load %arg6[%get3A_669] {strides = array<i32>} : memref<10240xf32, #tpu.memory_space<vmem>>, vector<16xf32>,
    %get3A_671 = vector.shape_cast %get3A_670 : vector<16xf32> to vector<16xf32>
    %get3A_672 = arith.constant 1312 : index
    %get3A_673 = tpu.vector_load %arg6[%get3A_672] {strides = array<i32>} : memref<10240xf32, #tpu.memory_space<vmem>>, vector<16xf32>,
    %get3A_674 = vector.shape_cast %get3A_673 : vector<16xf32> to vector<16xf32>
    %add3A_675 = arith.addf %get3A_671, %get3A_674 : vector<16xf32>
    %get3A_676 = arith.constant 1344 : index
    %get3A_677 = tpu.vector_load %arg6[%get3A_676] {strides = array<i32>} : memref<10240xf32, #tpu.memory_space<vmem>>, vector<16xf32>,
    %get3A_678 = vector.shape_cast %get3A_677 : vector<16xf32> to vector<16xf32>
    %add3A_679 = arith.addf %add3A_675, %get3A_678 : vector<16xf32>
    %get3A_680 = arith.constant 1376 : index
    %get3A_681 = tpu.vector_load %arg6[%get3A_680] {strides = array<i32>} : memref<10240xf32, #tpu.memory_space<vmem>>, vector<16xf32>,
    %get3A_682 = vector.shape_cast %get3A_681 : vector<16xf32> to vector<16xf32>
    %add3A_683 = arith.addf %add3A_679, %get3A_682 : vector<16xf32>
    %get3A_684 = arith.constant 1408 : index
    %get3A_685 = tpu.vector_load %arg6[%get3A_684] {strides = array<i32>} : memref<10240xf32, #tpu.memory_space<vmem>>, vector<16xf32>,
    %get3A_686 = vector.shape_cast %get3A_685 : vector<16xf32> to vector<16xf32>
    %add3A_687 = arith.addf %add3A_683, %get3A_686 : vector<16xf32>
    %get3A_688 = arith.constant 1440 : index
    %get3A_689 = tpu.vector_load %arg6[%get3A_688] {strides = array<i32>} : memref<10240xf32, #tpu.memory_space<vmem>>, vector<16xf32>,
    %get3A_690 = vector.shape_cast %get3A_689 : vector<16xf32> to vector<16xf32>
    %add3A_691 = arith.addf %add3A_687, %get3A_690 : vector<16xf32>
    %get3A_692 = arith.constant 1472 : index
    %get3A_693 = tpu.vector_load %arg6[%get3A_692] {strides = array<i32>} : memref<10240xf32, #tpu.memory_space<vmem>>, vector<16xf32>,
    %get3A_694 = vector.shape_cast %get3A_693 : vector<16xf32> to vector<16xf32>
    %add3A_695 = arith.addf %add3A_691, %get3A_694 : vector<16xf32>
    %get3A_696 = arith.constant 1504 : index
    %get3A_697 = tpu.vector_load %arg6[%get3A_696] {strides = array<i32>} : memref<10240xf32, #tpu.memory_space<vmem>>, vector<16xf32>,
    %get3A_698 = vector.shape_cast %get3A_697 : vector<16xf32> to vector<16xf32>
    %add3A_699 = arith.addf %add3A_695, %get3A_698 : vector<16xf32>
    %get3A_700 = arith.constant 1536 : index
    %get3A_701 = tpu.vector_load %arg6[%get3A_700] {strides = array<i32>} : memref<10240xf32, #tpu.memory_space<vmem>>, vector<16xf32>,
    %get3A_702 = vector.shape_cast %get3A_701 : vector<16xf32> to vector<16xf32>
    %add3A_703 = arith.addf %add3A_699, %get3A_702 : vector<16xf32>
    %get3A_704 = arith.constant 1568 : index
    %get3A_705 = tpu.vector_load %arg6[%get3A_704] {strides = array<i32>} : memref<10240xf32, #tpu.memory_space<vmem>>, vector<16xf32>,
    %get3A_706 = vector.shape_cast %get3A_705 : vector<16xf32> to vector<16xf32>
    %add3A_707 = arith.addf %add3A_703, %get3A_706 : vector<16xf32>
    %get3A_708 = arith.constant 1600 : index
    %get3A_709 = tpu.vector_load %arg6[%get3A_708] {strides = array<i32>} : memref<10240xf32, #tpu.memory_space<vmem>>, vector<16xf32>,
    %get3A_710 = vector.shape_cast %get3A_709 : vector<16xf32> to vector<16xf32>
    %add3A_711 = arith.addf %add3A_707, %get3A_710 : vector<16xf32>
    %get3A_712 = arith.constant 1632 : index
    %get3A_713 = tpu.vector_load %arg6[%get3A_712] {strides = array<i32>} : memref<10240xf32, #tpu.memory_space<vmem>>, vector<16xf32>,
    %get3A_714 = vector.shape_cast %get3A_713 : vector<16xf32> to vector<16xf32>
    %add3A_715 = arith.addf %add3A_711, %get3A_714 : vector<16xf32>
    %get3A_716 = arith.constant 1664 : index
    %get3A_717 = tpu.vector_load %arg6[%get3A_716] {strides = array<i32>} : memref<10240xf32, #tpu.memory_space<vmem>>, vector<16xf32>,
    %get3A_718 = vector.shape_cast %get3A_717 : vector<16xf32> to vector<16xf32>
    %add3A_719 = arith.addf %add3A_715, %get3A_718 : vector<16xf32>
    %get3A_720 = arith.constant 1696 : index
    %get3A_721 = tpu.vector_load %arg6[%get3A_720] {strides = array<i32>} : memref<10240xf32, #tpu.memory_space<vmem>>, vector<16xf32>,
    %get3A_722 = vector.shape_cast %get3A_721 : vector<16xf32> to vector<16xf32>
    %add3A_723 = arith.addf %add3A_719, %get3A_722 : vector<16xf32>
    %get3A_724 = arith.constant 1728 : index
    %get3A_725 = tpu.vector_load %arg6[%get3A_724] {strides = array<i32>} : memref<10240xf32, #tpu.memory_space<vmem>>, vector<16xf32>,
    %get3A_726 = vector.shape_cast %get3A_725 : vector<16xf32> to vector<16xf32>
    %add3A_727 = arith.addf %add3A_723, %get3A_726 : vector<16xf32>
    %get3A_728 = arith.constant 1760 : index
    %get3A_729 = tpu.vector_load %arg6[%get3A_728] {strides = array<i32>} : memref<10240xf32, #tpu.memory_space<vmem>>, vector<16xf32>,
    %get3A_730 = vector.shape_cast %get3A_729 : vector<16xf32> to vector<16xf32>
    %add3A_731 = arith.addf %add3A_727, %get3A_730 : vector<16xf32>
    %get3A_732 = arith.constant 1792 : index
    %get3A_733 = tpu.vector_load %arg6[%get3A_732] {strides = array<i32>} : memref<10240xf32, #tpu.memory_space<vmem>>, vector<16xf32>,
    %get3A_734 = vector.shape_cast %get3A_733 : vector<16xf32> to vector<16xf32>
    %add3A_735 = arith.addf %add3A_731, %get3A_734 : vector<16xf32>
    %get3A_736 = arith.constant 1824 : index
    %get3A_737 = tpu.vector_load %arg6[%get3A_736] {strides = array<i32>} : memref<10240xf32, #tpu.memory_space<vmem>>, vector<16xf32>,
    %get3A_738 = vector.shape_cast %get3A_737 : vector<16xf32> to vector<16xf32>
    %add3A_739 = arith.addf %add3A_735, %get3A_738 : vector<16xf32>
    %get3A_740 = arith.constant 1856 : index
    %get3A_741 = tpu.vector_load %arg6[%get3A_740] {strides = array<i32>} : memref<10240xf32, #tpu.memory_space<vmem>>, vector<16xf32>,
    %get3A_742 = vector.shape_cast %get3A_741 : vector<16xf32> to vector<16xf32>
    %add3A_743 = arith.addf %add3A_739, %get3A_742 : vector<16xf32>
    %get3A_744 = arith.constant 1888 : index
    %get3A_745 = tpu.vector_load %arg6[%get3A_744] {strides = array<i32>} : memref<10240xf32, #tpu.memory_space<vmem>>, vector<16xf32>,
    %get3A_746 = vector.shape_cast %get3A_745 : vector<16xf32> to vector<16xf32>
    %add3A_747 = arith.addf %add3A_743, %get3A_746 : vector<16xf32>
    %mul3A_748 = arith.constant 5.000000e-02 : f32
    %mul3A_749 = vector.broadcast %mul3A_748 : f32 to vector<16xf32>
    %mul3A_750 = arith.mulf %add3A_747, %mul3A_749 : vector<16xf32>
    %swap3A_751 = arith.constant 2 : i32
    %swap3A_752 = arith.index_cast %swap3A_751 : i32 to index
    %swap3A_753 = arith.constant 0 : index
    %swap3A_754 = tpu.vector_load %arg7[%swap3A_752, %swap3A_753] {strides = array<i32>} : memref<16x32xf32, #tpu.memory_space<vmem>>, vector<1x16xf32>,
    %swap3A_755 = vector.shape_cast %swap3A_754 : vector<1x16xf32> to vector<16xf32>
    %swap3A_756 = vector.shape_cast %mul3A_750 : vector<16xf32> to vector<1x16xf32>
    tpu.vector_store %arg7[%swap3A_752, %swap3A_753], %swap3A_756 {strides = array<i32>} : memref<16x32xf32, #tpu.memory_space<vmem>>, vector<1x16xf32>,
    %get3A_757 = arith.constant 1296 : index
    %get3A_758 = tpu.vector_load %arg6[%get3A_757] {strides = array<i32>} : memref<10240xf32, #tpu.memory_space<vmem>>, vector<16xf32>,
    %get3A_759 = vector.shape_cast %get3A_758 : vector<16xf32> to vector<16xf32>
    %get3A_760 = arith.constant 1328 : index
    %get3A_761 = tpu.vector_load %arg6[%get3A_760] {strides = array<i32>} : memref<10240xf32, #tpu.memory_space<vmem>>, vector<16xf32>,
    %get3A_762 = vector.shape_cast %get3A_761 : vector<16xf32> to vector<16xf32>
    %add3A_763 = arith.addf %get3A_759, %get3A_762 : vector<16xf32>
    %get3A_764 = arith.constant 1360 : index
    %get3A_765 = tpu.vector_load %arg6[%get3A_764] {strides = array<i32>} : memref<10240xf32, #tpu.memory_space<vmem>>, vector<16xf32>,
    %get3A_766 = vector.shape_cast %get3A_765 : vector<16xf32> to vector<16xf32>
    %add3A_767 = arith.addf %add3A_763, %get3A_766 : vector<16xf32>
    %get3A_768 = arith.constant 1392 : index
    %get3A_769 = tpu.vector_load %arg6[%get3A_768] {strides = array<i32>} : memref<10240xf32, #tpu.memory_space<vmem>>, vector<16xf32>,
    %get3A_770 = vector.shape_cast %get3A_769 : vector<16xf32> to vector<16xf32>
    %add3A_771 = arith.addf %add3A_767, %get3A_770 : vector<16xf32>
    %get3A_772 = arith.constant 1424 : index
    %get3A_773 = tpu.vector_load %arg6[%get3A_772] {strides = array<i32>} : memref<10240xf32, #tpu.memory_space<vmem>>, vector<16xf32>,
    %get3A_774 = vector.shape_cast %get3A_773 : vector<16xf32> to vector<16xf32>
    %add3A_775 = arith.addf %add3A_771, %get3A_774 : vector<16xf32>
    %get3A_776 = arith.constant 1456 : index
    %get3A_777 = tpu.vector_load %arg6[%get3A_776] {strides = array<i32>} : memref<10240xf32, #tpu.memory_space<vmem>>, vector<16xf32>,
    %get3A_778 = vector.shape_cast %get3A_777 : vector<16xf32> to vector<16xf32>
    %add3A_779 = arith.addf %add3A_775, %get3A_778 : vector<16xf32>
    %get3A_780 = arith.constant 1488 : index
    %get3A_781 = tpu.vector_load %arg6[%get3A_780] {strides = array<i32>} : memref<10240xf32, #tpu.memory_space<vmem>>, vector<16xf32>,
    %get3A_782 = vector.shape_cast %get3A_781 : vector<16xf32> to vector<16xf32>
    %add3A_783 = arith.addf %add3A_779, %get3A_782 : vector<16xf32>
    %get3A_784 = arith.constant 1520 : index
    %get3A_785 = tpu.vector_load %arg6[%get3A_784] {strides = array<i32>} : memref<10240xf32, #tpu.memory_space<vmem>>, vector<16xf32>,
    %get3A_786 = vector.shape_cast %get3A_785 : vector<16xf32> to vector<16xf32>
    %add3A_787 = arith.addf %add3A_783, %get3A_786 : vector<16xf32>
    %get3A_788 = arith.constant 1552 : index
    %get3A_789 = tpu.vector_load %arg6[%get3A_788] {strides = array<i32>} : memref<10240xf32, #tpu.memory_space<vmem>>, vector<16xf32>,
    %get3A_790 = vector.shape_cast %get3A_789 : vector<16xf32> to vector<16xf32>
    %add3A_791 = arith.addf %add3A_787, %get3A_790 : vector<16xf32>
    %get3A_792 = arith.constant 1584 : index
    %get3A_793 = tpu.vector_load %arg6[%get3A_792] {strides = array<i32>} : memref<10240xf32, #tpu.memory_space<vmem>>, vector<16xf32>,
    %get3A_794 = vector.shape_cast %get3A_793 : vector<16xf32> to vector<16xf32>
    %add3A_795 = arith.addf %add3A_791, %get3A_794 : vector<16xf32>
    %get3A_796 = arith.constant 1616 : index
    %get3A_797 = tpu.vector_load %arg6[%get3A_796] {strides = array<i32>} : memref<10240xf32, #tpu.memory_space<vmem>>, vector<16xf32>,
    %get3A_798 = vector.shape_cast %get3A_797 : vector<16xf32> to vector<16xf32>
    %add3A_799 = arith.addf %add3A_795, %get3A_798 : vector<16xf32>
    %get3A_800 = arith.constant 1648 : index
    %get3A_801 = tpu.vector_load %arg6[%get3A_800] {strides = array<i32>} : memref<10240xf32, #tpu.memory_space<vmem>>, vector<16xf32>,
    %get3A_802 = vector.shape_cast %get3A_801 : vector<16xf32> to vector<16xf32>
    %add3A_803 = arith.addf %add3A_799, %get3A_802 : vector<16xf32>
    %get3A_804 = arith.constant 1680 : index
    %get3A_805 = tpu.vector_load %arg6[%get3A_804] {strides = array<i32>} : memref<10240xf32, #tpu.memory_space<vmem>>, vector<16xf32>,
    %get3A_806 = vector.shape_cast %get3A_805 : vector<16xf32> to vector<16xf32>
    %add3A_807 = arith.addf %add3A_803, %get3A_806 : vector<16xf32>
    %get3A_808 = arith.constant 1712 : index
    %get3A_809 = tpu.vector_load %arg6[%get3A_808] {strides = array<i32>} : memref<10240xf32, #tpu.memory_space<vmem>>, vector<16xf32>,
    %get3A_810 = vector.shape_cast %get3A_809 : vector<16xf32> to vector<16xf32>
    %add3A_811 = arith.addf %add3A_807, %get3A_810 : vector<16xf32>
    %get3A_812 = arith.constant 1744 : index
    %get3A_813 = tpu.vector_load %arg6[%get3A_812] {strides = array<i32>} : memref<10240xf32, #tpu.memory_space<vmem>>, vector<16xf32>,
    %get3A_814 = vector.shape_cast %get3A_813 : vector<16xf32> to vector<16xf32>
    %add3A_815 = arith.addf %add3A_811, %get3A_814 : vector<16xf32>
    %get3A_816 = arith.constant 1776 : index
    %get3A_817 = tpu.vector_load %arg6[%get3A_816] {strides = array<i32>} : memref<10240xf32, #tpu.memory_space<vmem>>, vector<16xf32>,
    %get3A_818 = vector.shape_cast %get3A_817 : vector<16xf32> to vector<16xf32>
    %add3A_819 = arith.addf %add3A_815, %get3A_818 : vector<16xf32>
    %get3A_820 = arith.constant 1808 : index
    %get3A_821 = tpu.vector_load %arg6[%get3A_820] {strides = array<i32>} : memref<10240xf32, #tpu.memory_space<vmem>>, vector<16xf32>,
    %get3A_822 = vector.shape_cast %get3A_821 : vector<16xf32> to vector<16xf32>
    %add3A_823 = arith.addf %add3A_819, %get3A_822 : vector<16xf32>
    %get3A_824 = arith.constant 1840 : index
    %get3A_825 = tpu.vector_load %arg6[%get3A_824] {strides = array<i32>} : memref<10240xf32, #tpu.memory_space<vmem>>, vector<16xf32>,
    %get3A_826 = vector.shape_cast %get3A_825 : vector<16xf32> to vector<16xf32>
    %add3A_827 = arith.addf %add3A_823, %get3A_826 : vector<16xf32>
    %get3A_828 = arith.constant 1872 : index
    %get3A_829 = tpu.vector_load %arg6[%get3A_828] {strides = array<i32>} : memref<10240xf32, #tpu.memory_space<vmem>>, vector<16xf32>,
    %get3A_830 = vector.shape_cast %get3A_829 : vector<16xf32> to vector<16xf32>
    %add3A_831 = arith.addf %add3A_827, %get3A_830 : vector<16xf32>
    %get3A_832 = arith.constant 1904 : index
    %get3A_833 = tpu.vector_load %arg6[%get3A_832] {strides = array<i32>} : memref<10240xf32, #tpu.memory_space<vmem>>, vector<16xf32>,
    %get3A_834 = vector.shape_cast %get3A_833 : vector<16xf32> to vector<16xf32>
    %add3A_835 = arith.addf %add3A_831, %get3A_834 : vector<16xf32>
    %mul3A_836 = arith.constant 5.000000e-02 : f32
    %mul3A_837 = vector.broadcast %mul3A_836 : f32 to vector<16xf32>
    %mul3A_838 = arith.mulf %add3A_835, %mul3A_837 : vector<16xf32>
    %swap3A_839 = arith.constant 2 : i32
    %swap3A_840 = arith.index_cast %swap3A_839 : i32 to index
    %swap3A_841 = arith.constant 16 : index
    %swap3A_842 = tpu.vector_load %arg7[%swap3A_840, %swap3A_841] {strides = array<i32>} : memref<16x32xf32, #tpu.memory_space<vmem>>, vector<1x16xf32>,
    %swap3A_843 = vector.shape_cast %swap3A_842 : vector<1x16xf32> to vector<16xf32>
    %swap3A_844 = vector.shape_cast %mul3A_838 : vector<16xf32> to vector<1x16xf32>
    tpu.vector_store %arg7[%swap3A_840, %swap3A_841], %swap3A_844 {strides = array<i32>} : memref<16x32xf32, #tpu.memory_space<vmem>>, vector<1x16xf32>,
    %get3A_845 = arith.constant 1920 : index
    %get3A_846 = tpu.vector_load %arg6[%get3A_845] {strides = array<i32>} : memref<10240xf32, #tpu.memory_space<vmem>>, vector<16xf32>,
    %get3A_847 = vector.shape_cast %get3A_846 : vector<16xf32> to vector<16xf32>
    %get3A_848 = arith.constant 1952 : index
    %get3A_849 = tpu.vector_load %arg6[%get3A_848] {strides = array<i32>} : memref<10240xf32, #tpu.memory_space<vmem>>, vector<16xf32>,
    %get3A_850 = vector.shape_cast %get3A_849 : vector<16xf32> to vector<16xf32>
    %add3A_851 = arith.addf %get3A_847, %get3A_850 : vector<16xf32>
    %get3A_852 = arith.constant 1984 : index
    %get3A_853 = tpu.vector_load %arg6[%get3A_852] {strides = array<i32>} : memref<10240xf32, #tpu.memory_space<vmem>>, vector<16xf32>,
    %get3A_854 = vector.shape_cast %get3A_853 : vector<16xf32> to vector<16xf32>
    %add3A_855 = arith.addf %add3A_851, %get3A_854 : vector<16xf32>
    %get3A_856 = arith.constant 2016 : index
    %get3A_857 = tpu.vector_load %arg6[%get3A_856] {strides = array<i32>} : memref<10240xf32, #tpu.memory_space<vmem>>, vector<16xf32>,
    %get3A_858 = vector.shape_cast %get3A_857 : vector<16xf32> to vector<16xf32>
    %add3A_859 = arith.addf %add3A_855, %get3A_858 : vector<16xf32>
    %get3A_860 = arith.constant 2048 : index
    %get3A_861 = tpu.vector_load %arg6[%get3A_860] {strides = array<i32>} : memref<10240xf32, #tpu.memory_space<vmem>>, vector<16xf32>,
    %get3A_862 = vector.shape_cast %get3A_861 : vector<16xf32> to vector<16xf32>
    %add3A_863 = arith.addf %add3A_859, %get3A_862 : vector<16xf32>
    %get3A_864 = arith.constant 2080 : index
    %get3A_865 = tpu.vector_load %arg6[%get3A_864] {strides = array<i32>} : memref<10240xf32, #tpu.memory_space<vmem>>, vector<16xf32>,
    %get3A_866 = vector.shape_cast %get3A_865 : vector<16xf32> to vector<16xf32>
    %add3A_867 = arith.addf %add3A_863, %get3A_866 : vector<16xf32>
    %get3A_868 = arith.constant 2112 : index
    %get3A_869 = tpu.vector_load %arg6[%get3A_868] {strides = array<i32>} : memref<10240xf32, #tpu.memory_space<vmem>>, vector<16xf32>,
    %get3A_870 = vector.shape_cast %get3A_869 : vector<16xf32> to vector<16xf32>
    %add3A_871 = arith.addf %add3A_867, %get3A_870 : vector<16xf32>
    %get3A_872 = arith.constant 2144 : index
    %get3A_873 = tpu.vector_load %arg6[%get3A_872] {strides = array<i32>} : memref<10240xf32, #tpu.memory_space<vmem>>, vector<16xf32>,
    %get3A_874 = vector.shape_cast %get3A_873 : vector<16xf32> to vector<16xf32>
    %add3A_875 = arith.addf %add3A_871, %get3A_874 : vector<16xf32>
    %get3A_876 = arith.constant 2176 : index
    %get3A_877 = tpu.vector_load %arg6[%get3A_876] {strides = array<i32>} : memref<10240xf32, #tpu.memory_space<vmem>>, vector<16xf32>,
    %get3A_878 = vector.shape_cast %get3A_877 : vector<16xf32> to vector<16xf32>
    %add3A_879 = arith.addf %add3A_875, %get3A_878 : vector<16xf32>
    %get3A_880 = arith.constant 2208 : index
    %get3A_881 = tpu.vector_load %arg6[%get3A_880] {strides = array<i32>} : memref<10240xf32, #tpu.memory_space<vmem>>, vector<16xf32>,
    %get3A_882 = vector.shape_cast %get3A_881 : vector<16xf32> to vector<16xf32>
    %add3A_883 = arith.addf %add3A_879, %get3A_882 : vector<16xf32>
    %get3A_884 = arith.constant 2240 : index
    %get3A_885 = tpu.vector_load %arg6[%get3A_884] {strides = array<i32>} : memref<10240xf32, #tpu.memory_space<vmem>>, vector<16xf32>,
    %get3A_886 = vector.shape_cast %get3A_885 : vector<16xf32> to vector<16xf32>
    %add3A_887 = arith.addf %add3A_883, %get3A_886 : vector<16xf32>
    %get3A_888 = arith.constant 2272 : index
    %get3A_889 = tpu.vector_load %arg6[%get3A_888] {strides = array<i32>} : memref<10240xf32, #tpu.memory_space<vmem>>, vector<16xf32>,
    %get3A_890 = vector.shape_cast %get3A_889 : vector<16xf32> to vector<16xf32>
    %add3A_891 = arith.addf %add3A_887, %get3A_890 : vector<16xf32>
    %get3A_892 = arith.constant 2304 : index
    %get3A_893 = tpu.vector_load %arg6[%get3A_892] {strides = array<i32>} : memref<10240xf32, #tpu.memory_space<vmem>>, vector<16xf32>,
    %get3A_894 = vector.shape_cast %get3A_893 : vector<16xf32> to vector<16xf32>
    %add3A_895 = arith.addf %add3A_891, %get3A_894 : vector<16xf32>
    %get3A_896 = arith.constant 2336 : index
    %get3A_897 = tpu.vector_load %arg6[%get3A_896] {strides = array<i32>} : memref<10240xf32, #tpu.memory_space<vmem>>, vector<16xf32>,
    %get3A_898 = vector.shape_cast %get3A_897 : vector<16xf32> to vector<16xf32>
    %add3A_899 = arith.addf %add3A_895, %get3A_898 : vector<16xf32>
    %get3A_900 = arith.constant 2368 : index
    %get3A_901 = tpu.vector_load %arg6[%get3A_900] {strides = array<i32>} : memref<10240xf32, #tpu.memory_space<vmem>>, vector<16xf32>,
    %get3A_902 = vector.shape_cast %get3A_901 : vector<16xf32> to vector<16xf32>
    %add3A_903 = arith.addf %add3A_899, %get3A_902 : vector<16xf32>
    %get3A_904 = arith.constant 2400 : index
    %get3A_905 = tpu.vector_load %arg6[%get3A_904] {strides = array<i32>} : memref<10240xf32, #tpu.memory_space<vmem>>, vector<16xf32>,
    %get3A_906 = vector.shape_cast %get3A_905 : vector<16xf32> to vector<16xf32>
    %add3A_907 = arith.addf %add3A_903, %get3A_906 : vector<16xf32>
    %get3A_908 = arith.constant 2432 : index
    %get3A_909 = tpu.vector_load %arg6[%get3A_908] {strides = array<i32>} : memref<10240xf32, #tpu.memory_space<vmem>>, vector<16xf32>,
    %get3A_910 = vector.shape_cast %get3A_909 : vector<16xf32> to vector<16xf32>
    %add3A_911 = arith.addf %add3A_907, %get3A_910 : vector<16xf32>
    %get3A_912 = arith.constant 2464 : index
    %get3A_913 = tpu.vector_load %arg6[%get3A_912] {strides = array<i32>} : memref<10240xf32, #tpu.memory_space<vmem>>, vector<16xf32>,
    %get3A_914 = vector.shape_cast %get3A_913 : vector<16xf32> to vector<16xf32>
    %add3A_915 = arith.addf %add3A_911, %get3A_914 : vector<16xf32>
    %get3A_916 = arith.constant 2496 : index
    %get3A_917 = tpu.vector_load %arg6[%get3A_916] {strides = array<i32>} : memref<10240xf32, #tpu.memory_space<vmem>>, vector<16xf32>,
    %get3A_918 = vector.shape_cast %get3A_917 : vector<16xf32> to vector<16xf32>
    %add3A_919 = arith.addf %add3A_915, %get3A_918 : vector<16xf32>
    %get3A_920 = arith.constant 2528 : index
    %get3A_921 = tpu.vector_load %arg6[%get3A_920] {strides = array<i32>} : memref<10240xf32, #tpu.memory_space<vmem>>, vector<16xf32>,
    %get3A_922 = vector.shape_cast %get3A_921 : vector<16xf32> to vector<16xf32>
    %add3A_923 = arith.addf %add3A_919, %get3A_922 : vector<16xf32>
    %mul3A_924 = arith.constant 5.000000e-02 : f32
    %mul3A_925 = vector.broadcast %mul3A_924 : f32 to vector<16xf32>
    %mul3A_926 = arith.mulf %add3A_923, %mul3A_925 : vector<16xf32>
    %swap3A_927 = arith.constant 3 : i32
    %swap3A_928 = arith.index_cast %swap3A_927 : i32 to index
    %swap3A_929 = arith.constant 0 : index
    %swap3A_930 = tpu.vector_load %arg7[%swap3A_928, %swap3A_929] {strides = array<i32>} : memref<16x32xf32, #tpu.memory_space<vmem>>, vector<1x16xf32>,
    %swap3A_931 = vector.shape_cast %swap3A_930 : vector<1x16xf32> to vector<16xf32>
    %swap3A_932 = vector.shape_cast %mul3A_926 : vector<16xf32> to vector<1x16xf32>
    tpu.vector_store %arg7[%swap3A_928, %swap3A_929], %swap3A_932 {strides = array<i32>} : memref<16x32xf32, #tpu.memory_space<vmem>>, vector<1x16xf32>,
    %get3A_933 = arith.constant 1936 : index
    %get3A_934 = tpu.vector_load %arg6[%get3A_933] {strides = array<i32>} : memref<10240xf32, #tpu.memory_space<vmem>>, vector<16xf32>,
    %get3A_935 = vector.shape_cast %get3A_934 : vector<16xf32> to vector<16xf32>
    %get3A_936 = arith.constant 1968 : index
    %get3A_937 = tpu.vector_load %arg6[%get3A_936] {strides = array<i32>} : memref<10240xf32, #tpu.memory_space<vmem>>, vector<16xf32>,
    %get3A_938 = vector.shape_cast %get3A_937 : vector<16xf32> to vector<16xf32>
    %add3A_939 = arith.addf %get3A_935, %get3A_938 : vector<16xf32>
    %get3A_940 = arith.constant 2000 : index
    %get3A_941 = tpu.vector_load %arg6[%get3A_940] {strides = array<i32>} : memref<10240xf32, #tpu.memory_space<vmem>>, vector<16xf32>,
    %get3A_942 = vector.shape_cast %get3A_941 : vector<16xf32> to vector<16xf32>
    %add3A_943 = arith.addf %add3A_939, %get3A_942 : vector<16xf32>
    %get3A_944 = arith.constant 2032 : index
    %get3A_945 = tpu.vector_load %arg6[%get3A_944] {strides = array<i32>} : memref<10240xf32, #tpu.memory_space<vmem>>, vector<16xf32>,
    %get3A_946 = vector.shape_cast %get3A_945 : vector<16xf32> to vector<16xf32>
    %add3A_947 = arith.addf %add3A_943, %get3A_946 : vector<16xf32>
    %get3A_948 = arith.constant 2064 : index
    %get3A_949 = tpu.vector_load %arg6[%get3A_948] {strides = array<i32>} : memref<10240xf32, #tpu.memory_space<vmem>>, vector<16xf32>,
    %get3A_950 = vector.shape_cast %get3A_949 : vector<16xf32> to vector<16xf32>
    %add3A_951 = arith.addf %add3A_947, %get3A_950 : vector<16xf32>
    %get3A_952 = arith.constant 2096 : index
    %get3A_953 = tpu.vector_load %arg6[%get3A_952] {strides = array<i32>} : memref<10240xf32, #tpu.memory_space<vmem>>, vector<16xf32>,
    %get3A_954 = vector.shape_cast %get3A_953 : vector<16xf32> to vector<16xf32>
    %add3A_955 = arith.addf %add3A_951, %get3A_954 : vector<16xf32>
    %get3A_956 = arith.constant 2128 : index
    %get3A_957 = tpu.vector_load %arg6[%get3A_956] {strides = array<i32>} : memref<10240xf32, #tpu.memory_space<vmem>>, vector<16xf32>,
    %get3A_958 = vector.shape_cast %get3A_957 : vector<16xf32> to vector<16xf32>
    %add3A_959 = arith.addf %add3A_955, %get3A_958 : vector<16xf32>
    %get3A_960 = arith.constant 2160 : index
    %get3A_961 = tpu.vector_load %arg6[%get3A_960] {strides = array<i32>} : memref<10240xf32, #tpu.memory_space<vmem>>, vector<16xf32>,
    %get3A_962 = vector.shape_cast %get3A_961 : vector<16xf32> to vector<16xf32>
    %add3A_963 = arith.addf %add3A_959, %get3A_962 : vector<16xf32>
    %get3A_964 = arith.constant 2192 : index
    %get3A_965 = tpu.vector_load %arg6[%get3A_964] {strides = array<i32>} : memref<10240xf32, #tpu.memory_space<vmem>>, vector<16xf32>,
    %get3A_966 = vector.shape_cast %get3A_965 : vector<16xf32> to vector<16xf32>
    %add3A_967 = arith.addf %add3A_963, %get3A_966 : vector<16xf32>
    %get3A_968 = arith.constant 2224 : index
    %get3A_969 = tpu.vector_load %arg6[%get3A_968] {strides = array<i32>} : memref<10240xf32, #tpu.memory_space<vmem>>, vector<16xf32>,
    %get3A_970 = vector.shape_cast %get3A_969 : vector<16xf32> to vector<16xf32>
    %add3A_971 = arith.addf %add3A_967, %get3A_970 : vector<16xf32>
    %get3A_972 = arith.constant 2256 : index
    %get3A_973 = tpu.vector_load %arg6[%get3A_972] {strides = array<i32>} : memref<10240xf32, #tpu.memory_space<vmem>>, vector<16xf32>,
    %get3A_974 = vector.shape_cast %get3A_973 : vector<16xf32> to vector<16xf32>
    %add3A_975 = arith.addf %add3A_971, %get3A_974 : vector<16xf32>
    %get3A_976 = arith.constant 2288 : index
    %get3A_977 = tpu.vector_load %arg6[%get3A_976] {strides = array<i32>} : memref<10240xf32, #tpu.memory_space<vmem>>, vector<16xf32>,
    %get3A_978 = vector.shape_cast %get3A_977 : vector<16xf32> to vector<16xf32>
    %add3A_979 = arith.addf %add3A_975, %get3A_978 : vector<16xf32>
    %get3A_980 = arith.constant 2320 : index
    %get3A_981 = tpu.vector_load %arg6[%get3A_980] {strides = array<i32>} : memref<10240xf32, #tpu.memory_space<vmem>>, vector<16xf32>,
    %get3A_982 = vector.shape_cast %get3A_981 : vector<16xf32> to vector<16xf32>
    %add3A_983 = arith.addf %add3A_979, %get3A_982 : vector<16xf32>
    %get3A_984 = arith.constant 2352 : index
    %get3A_985 = tpu.vector_load %arg6[%get3A_984] {strides = array<i32>} : memref<10240xf32, #tpu.memory_space<vmem>>, vector<16xf32>,
    %get3A_986 = vector.shape_cast %get3A_985 : vector<16xf32> to vector<16xf32>
    %add3A_987 = arith.addf %add3A_983, %get3A_986 : vector<16xf32>
    %get3A_988 = arith.constant 2384 : index
    %get3A_989 = tpu.vector_load %arg6[%get3A_988] {strides = array<i32>} : memref<10240xf32, #tpu.memory_space<vmem>>, vector<16xf32>,
    %get3A_990 = vector.shape_cast %get3A_989 : vector<16xf32> to vector<16xf32>
    %add3A_991 = arith.addf %add3A_987, %get3A_990 : vector<16xf32>
    %get3A_992 = arith.constant 2416 : index
    %get3A_993 = tpu.vector_load %arg6[%get3A_992] {strides = array<i32>} : memref<10240xf32, #tpu.memory_space<vmem>>, vector<16xf32>,
    %get3A_994 = vector.shape_cast %get3A_993 : vector<16xf32> to vector<16xf32>
    %add3A_995 = arith.addf %add3A_991, %get3A_994 : vector<16xf32>
    %get3A_996 = arith.constant 2448 : index
    %get3A_997 = tpu.vector_load %arg6[%get3A_996] {strides = array<i32>} : memref<10240xf32, #tpu.memory_space<vmem>>, vector<16xf32>,
    %get3A_998 = vector.shape_cast %get3A_997 : vector<16xf32> to vector<16xf32>
    %add3A_999 = arith.addf %add3A_995, %get3A_998 : vector<16xf32>
    %get3A_1000 = arith.constant 2480 : index
    %get3A_1001 = tpu.vector_load %arg6[%get3A_1000] {strides = array<i32>} : memref<10240xf32, #tpu.memory_space<vmem>>, vector<16xf32>,
    %get3A_1002 = vector.shape_cast %get3A_1001 : vector<16xf32> to vector<16xf32>
    %add3A_1003 = arith.addf %add3A_999, %get3A_1002 : vector<16xf32>
    %get3A_1004 = arith.constant 2512 : index
    %get3A_1005 = tpu.vector_load %arg6[%get3A_1004] {strides = array<i32>} : memref<10240xf32, #tpu.memory_space<vmem>>, vector<16xf32>,
    %get3A_1006 = vector.shape_cast %get3A_1005 : vector<16xf32> to vector<16xf32>
    %add3A_1007 = arith.addf %add3A_1003, %get3A_1006 : vector<16xf32>
    %get3A_1008 = arith.constant 2544 : index
    %get3A_1009 = tpu.vector_load %arg6[%get3A_1008] {strides = array<i32>} : memref<10240xf32, #tpu.memory_space<vmem>>, vector<16xf32>,
    %get3A_1010 = vector.shape_cast %get3A_1009 : vector<16xf32> to vector<16xf32>
    %add3A_1011 = arith.addf %add3A_1007, %get3A_1010 : vector<16xf32>
    %mul3A_1012 = arith.constant 5.000000e-02 : f32
    %mul3A_1013 = vector.broadcast %mul3A_1012 : f32 to vector<16xf32>
    %mul3A_1014 = arith.mulf %add3A_1011, %mul3A_1013 : vector<16xf32>
    %swap3A_1015 = arith.constant 3 : i32
    %swap3A_1016 = arith.index_cast %swap3A_1015 : i32 to index
    %swap3A_1017 = arith.constant 16 : index
    %swap3A_1018 = tpu.vector_load %arg7[%swap3A_1016, %swap3A_1017] {strides = array<i32>} : memref<16x32xf32, #tpu.memory_space<vmem>>, vector<1x16xf32>,
    %swap3A_1019 = vector.shape_cast %swap3A_1018 : vector<1x16xf32> to vector<16xf32>
    %swap3A_1020 = vector.shape_cast %mul3A_1014 : vector<16xf32> to vector<1x16xf32>
    tpu.vector_store %arg7[%swap3A_1016, %swap3A_1017], %swap3A_1020 {strides = array<i32>} : memref<16x32xf32, #tpu.memory_space<vmem>>, vector<1x16xf32>,
    %get3A_1021 = arith.constant 2560 : index
    %get3A_1022 = tpu.vector_load %arg6[%get3A_1021] {strides = array<i32>} : memref<10240xf32, #tpu.memory_space<vmem>>, vector<16xf32>,
    %get3A_1023 = vector.shape_cast %get3A_1022 : vector<16xf32> to vector<16xf32>
    %get3A_1024 = arith.constant 2592 : index
    %get3A_1025 = tpu.vector_load %arg6[%get3A_1024] {strides = array<i32>} : memref<10240xf32, #tpu.memory_space<vmem>>, vector<16xf32>,
    %get3A_1026 = vector.shape_cast %get3A_1025 : vector<16xf32> to vector<16xf32>
    %add3A_1027 = arith.addf %get3A_1023, %get3A_1026 : vector<16xf32>
    %get3A_1028 = arith.constant 2624 : index
    %get3A_1029 = tpu.vector_load %arg6[%get3A_1028] {strides = array<i32>} : memref<10240xf32, #tpu.memory_space<vmem>>, vector<16xf32>,
    %get3A_1030 = vector.shape_cast %get3A_1029 : vector<16xf32> to vector<16xf32>
    %add3A_1031 = arith.addf %add3A_1027, %get3A_1030 : vector<16xf32>
    %get3A_1032 = arith.constant 2656 : index
    %get3A_1033 = tpu.vector_load %arg6[%get3A_1032] {strides = array<i32>} : memref<10240xf32, #tpu.memory_space<vmem>>, vector<16xf32>,
    %get3A_1034 = vector.shape_cast %get3A_1033 : vector<16xf32> to vector<16xf32>
    %add3A_1035 = arith.addf %add3A_1031, %get3A_1034 : vector<16xf32>
    %get3A_1036 = arith.constant 2688 : index
    %get3A_1037 = tpu.vector_load %arg6[%get3A_1036] {strides = array<i32>} : memref<10240xf32, #tpu.memory_space<vmem>>, vector<16xf32>,
    %get3A_1038 = vector.shape_cast %get3A_1037 : vector<16xf32> to vector<16xf32>
    %add3A_1039 = arith.addf %add3A_1035, %get3A_1038 : vector<16xf32>
    %get3A_1040 = arith.constant 2720 : index
    %get3A_1041 = tpu.vector_load %arg6[%get3A_1040] {strides = array<i32>} : memref<10240xf32, #tpu.memory_space<vmem>>, vector<16xf32>,
    %get3A_1042 = vector.shape_cast %get3A_1041 : vector<16xf32> to vector<16xf32>
    %add3A_1043 = arith.addf %add3A_1039, %get3A_1042 : vector<16xf32>
    %get3A_1044 = arith.constant 2752 : index
    %get3A_1045 = tpu.vector_load %arg6[%get3A_1044] {strides = array<i32>} : memref<10240xf32, #tpu.memory_space<vmem>>, vector<16xf32>,
    %get3A_1046 = vector.shape_cast %get3A_1045 : vector<16xf32> to vector<16xf32>
    %add3A_1047 = arith.addf %add3A_1043, %get3A_1046 : vector<16xf32>
    %get3A_1048 = arith.constant 2784 : index
    %get3A_1049 = tpu.vector_load %arg6[%get3A_1048] {strides = array<i32>} : memref<10240xf32, #tpu.memory_space<vmem>>, vector<16xf32>,
    %get3A_1050 = vector.shape_cast %get3A_1049 : vector<16xf32> to vector<16xf32>
    %add3A_1051 = arith.addf %add3A_1047, %get3A_1050 : vector<16xf32>
    %get3A_1052 = arith.constant 2816 : index
    %get3A_1053 = tpu.vector_load %arg6[%get3A_1052] {strides = array<i32>} : memref<10240xf32, #tpu.memory_space<vmem>>, vector<16xf32>,
    %get3A_1054 = vector.shape_cast %get3A_1053 : vector<16xf32> to vector<16xf32>
    %add3A_1055 = arith.addf %add3A_1051, %get3A_1054 : vector<16xf32>
    %get3A_1056 = arith.constant 2848 : index
    %get3A_1057 = tpu.vector_load %arg6[%get3A_1056] {strides = array<i32>} : memref<10240xf32, #tpu.memory_space<vmem>>, vector<16xf32>,
    %get3A_1058 = vector.shape_cast %get3A_1057 : vector<16xf32> to vector<16xf32>
    %add3A_1059 = arith.addf %add3A_1055, %get3A_1058 : vector<16xf32>
    %get3A_1060 = arith.constant 2880 : index
    %get3A_1061 = tpu.vector_load %arg6[%get3A_1060] {strides = array<i32>} : memref<10240xf32, #tpu.memory_space<vmem>>, vector<16xf32>,
    %get3A_1062 = vector.shape_cast %get3A_1061 : vector<16xf32> to vector<16xf32>
    %add3A_1063 = arith.addf %add3A_1059, %get3A_1062 : vector<16xf32>
    %get3A_1064 = arith.constant 2912 : index
    %get3A_1065 = tpu.vector_load %arg6[%get3A_1064] {strides = array<i32>} : memref<10240xf32, #tpu.memory_space<vmem>>, vector<16xf32>,
    %get3A_1066 = vector.shape_cast %get3A_1065 : vector<16xf32> to vector<16xf32>
    %add3A_1067 = arith.addf %add3A_1063, %get3A_1066 : vector<16xf32>
    %get3A_1068 = arith.constant 2944 : index
    %get3A_1069 = tpu.vector_load %arg6[%get3A_1068] {strides = array<i32>} : memref<10240xf32, #tpu.memory_space<vmem>>, vector<16xf32>,
    %get3A_1070 = vector.shape_cast %get3A_1069 : vector<16xf32> to vector<16xf32>
    %add3A_1071 = arith.addf %add3A_1067, %get3A_1070 : vector<16xf32>
    %get3A_1072 = arith.constant 2976 : index
    %get3A_1073 = tpu.vector_load %arg6[%get3A_1072] {strides = array<i32>} : memref<10240xf32, #tpu.memory_space<vmem>>, vector<16xf32>,
    %get3A_1074 = vector.shape_cast %get3A_1073 : vector<16xf32> to vector<16xf32>
    %add3A_1075 = arith.addf %add3A_1071, %get3A_1074 : vector<16xf32>
    %get3A_1076 = arith.constant 3008 : index
    %get3A_1077 = tpu.vector_load %arg6[%get3A_1076] {strides = array<i32>} : memref<10240xf32, #tpu.memory_space<vmem>>, vector<16xf32>,
    %get3A_1078 = vector.shape_cast %get3A_1077 : vector<16xf32> to vector<16xf32>
    %add3A_1079 = arith.addf %add3A_1075, %get3A_1078 : vector<16xf32>
    %get3A_1080 = arith.constant 3040 : index
    %get3A_1081 = tpu.vector_load %arg6[%get3A_1080] {strides = array<i32>} : memref<10240xf32, #tpu.memory_space<vmem>>, vector<16xf32>,
    %get3A_1082 = vector.shape_cast %get3A_1081 : vector<16xf32> to vector<16xf32>
    %add3A_1083 = arith.addf %add3A_1079, %get3A_1082 : vector<16xf32>
    %get3A_1084 = arith.constant 3072 : index
    %get3A_1085 = tpu.vector_load %arg6[%get3A_1084] {strides = array<i32>} : memref<10240xf32, #tpu.memory_space<vmem>>, vector<16xf32>,
    %get3A_1086 = vector.shape_cast %get3A_1085 : vector<16xf32> to vector<16xf32>
    %add3A_1087 = arith.addf %add3A_1083, %get3A_1086 : vector<16xf32>
    %get3A_1088 = arith.constant 3104 : index
    %get3A_1089 = tpu.vector_load %arg6[%get3A_1088] {strides = array<i32>} : memref<10240xf32, #tpu.memory_space<vmem>>, vector<16xf32>,
    %get3A_1090 = vector.shape_cast %get3A_1089 : vector<16xf32> to vector<16xf32>
    %add3A_1091 = arith.addf %add3A_1087, %get3A_1090 : vector<16xf32>
    %get3A_1092 = arith.constant 3136 : index
    %get3A_1093 = tpu.vector_load %arg6[%get3A_1092] {strides = array<i32>} : memref<10240xf32, #tpu.memory_space<vmem>>, vector<16xf32>,
    %get3A_1094 = vector.shape_cast %get3A_1093 : vector<16xf32> to vector<16xf32>
    %add3A_1095 = arith.addf %add3A_1091, %get3A_1094 : vector<16xf32>
    %get3A_1096 = arith.constant 3168 : index
    %get3A_1097 = tpu.vector_load %arg6[%get3A_1096] {strides = array<i32>} : memref<10240xf32, #tpu.memory_space<vmem>>, vector<16xf32>,
    %get3A_1098 = vector.shape_cast %get3A_1097 : vector<16xf32> to vector<16xf32>
    %add3A_1099 = arith.addf %add3A_1095, %get3A_1098 : vector<16xf32>
    %mul3A_1100 = arith.constant 5.000000e-02 : f32
    %mul3A_1101 = vector.broadcast %mul3A_1100 : f32 to vector<16xf32>
    %mul3A_1102 = arith.mulf %add3A_1099, %mul3A_1101 : vector<16xf32>
    %swap3A_1103 = arith.constant 4 : i32
    %swap3A_1104 = arith.index_cast %swap3A_1103 : i32 to index
    %swap3A_1105 = arith.constant 0 : index
    %swap3A_1106 = tpu.vector_load %arg7[%swap3A_1104, %swap3A_1105] {strides = array<i32>} : memref<16x32xf32, #tpu.memory_space<vmem>>, vector<1x16xf32>,
    %swap3A_1107 = vector.shape_cast %swap3A_1106 : vector<1x16xf32> to vector<16xf32>
    %swap3A_1108 = vector.shape_cast %mul3A_1102 : vector<16xf32> to vector<1x16xf32>
    tpu.vector_store %arg7[%swap3A_1104, %swap3A_1105], %swap3A_1108 {strides = array<i32>} : memref<16x32xf32, #tpu.memory_space<vmem>>, vector<1x16xf32>,
    %get3A_1109 = arith.constant 2576 : index
    %get3A_1110 = tpu.vector_load %arg6[%get3A_1109] {strides = array<i32>} : memref<10240xf32, #tpu.memory_space<vmem>>, vector<16xf32>,
    %get3A_1111 = vector.shape_cast %get3A_1110 : vector<16xf32> to vector<16xf32>
    %get3A_1112 = arith.constant 2608 : index
    %get3A_1113 = tpu.vector_load %arg6[%get3A_1112] {strides = array<i32>} : memref<10240xf32, #tpu.memory_space<vmem>>, vector<16xf32>,
    %get3A_1114 = vector.shape_cast %get3A_1113 : vector<16xf32> to vector<16xf32>
    %add3A_1115 = arith.addf %get3A_1111, %get3A_1114 : vector<16xf32>
    %get3A_1116 = arith.constant 2640 : index
    %get3A_1117 = tpu.vector_load %arg6[%get3A_1116] {strides = array<i32>} : memref<10240xf32, #tpu.memory_space<vmem>>, vector<16xf32>,
    %get3A_1118 = vector.shape_cast %get3A_1117 : vector<16xf32> to vector<16xf32>
    %add3A_1119 = arith.addf %add3A_1115, %get3A_1118 : vector<16xf32>
    %get3A_1120 = arith.constant 2672 : index
    %get3A_1121 = tpu.vector_load %arg6[%get3A_1120] {strides = array<i32>} : memref<10240xf32, #tpu.memory_space<vmem>>, vector<16xf32>,
    %get3A_1122 = vector.shape_cast %get3A_1121 : vector<16xf32> to vector<16xf32>
    %add3A_1123 = arith.addf %add3A_1119, %get3A_1122 : vector<16xf32>
    %get3A_1124 = arith.constant 2704 : index
    %get3A_1125 = tpu.vector_load %arg6[%get3A_1124] {strides = array<i32>} : memref<10240xf32, #tpu.memory_space<vmem>>, vector<16xf32>,
    %get3A_1126 = vector.shape_cast %get3A_1125 : vector<16xf32> to vector<16xf32>
    %add3A_1127 = arith.addf %add3A_1123, %get3A_1126 : vector<16xf32>
    %get3A_1128 = arith.constant 2736 : index
    %get3A_1129 = tpu.vector_load %arg6[%get3A_1128] {strides = array<i32>} : memref<10240xf32, #tpu.memory_space<vmem>>, vector<16xf32>,
    %get3A_1130 = vector.shape_cast %get3A_1129 : vector<16xf32> to vector<16xf32>
    %add3A_1131 = arith.addf %add3A_1127, %get3A_1130 : vector<16xf32>
    %get3A_1132 = arith.constant 2768 : index
    %get3A_1133 = tpu.vector_load %arg6[%get3A_1132] {strides = array<i32>} : memref<10240xf32, #tpu.memory_space<vmem>>, vector<16xf32>,
    %get3A_1134 = vector.shape_cast %get3A_1133 : vector<16xf32> to vector<16xf32>
    %add3A_1135 = arith.addf %add3A_1131, %get3A_1134 : vector<16xf32>
    %get3A_1136 = arith.constant 2800 : index
    %get3A_1137 = tpu.vector_load %arg6[%get3A_1136] {strides = array<i32>} : memref<10240xf32, #tpu.memory_space<vmem>>, vector<16xf32>,
    %get3A_1138 = vector.shape_cast %get3A_1137 : vector<16xf32> to vector<16xf32>
    %add3A_1139 = arith.addf %add3A_1135, %get3A_1138 : vector<16xf32>
    %get3A_1140 = arith.constant 2832 : index
    %get3A_1141 = tpu.vector_load %arg6[%get3A_1140] {strides = array<i32>} : memref<10240xf32, #tpu.memory_space<vmem>>, vector<16xf32>,
    %get3A_1142 = vector.shape_cast %get3A_1141 : vector<16xf32> to vector<16xf32>
    %add3A_1143 = arith.addf %add3A_1139, %get3A_1142 : vector<16xf32>
    %get3A_1144 = arith.constant 2864 : index
    %get3A_1145 = tpu.vector_load %arg6[%get3A_1144] {strides = array<i32>} : memref<10240xf32, #tpu.memory_space<vmem>>, vector<16xf32>,
    %get3A_1146 = vector.shape_cast %get3A_1145 : vector<16xf32> to vector<16xf32>
    %add3A_1147 = arith.addf %add3A_1143, %get3A_1146 : vector<16xf32>
    %get3A_1148 = arith.constant 2896 : index
    %get3A_1149 = tpu.vector_load %arg6[%get3A_1148] {strides = array<i32>} : memref<10240xf32, #tpu.memory_space<vmem>>, vector<16xf32>,
    %get3A_1150 = vector.shape_cast %get3A_1149 : vector<16xf32> to vector<16xf32>
    %add3A_1151 = arith.addf %add3A_1147, %get3A_1150 : vector<16xf32>
    %get3A_1152 = arith.constant 2928 : index
    %get3A_1153 = tpu.vector_load %arg6[%get3A_1152] {strides = array<i32>} : memref<10240xf32, #tpu.memory_space<vmem>>, vector<16xf32>,
    %get3A_1154 = vector.shape_cast %get3A_1153 : vector<16xf32> to vector<16xf32>
    %add3A_1155 = arith.addf %add3A_1151, %get3A_1154 : vector<16xf32>
    %get3A_1156 = arith.constant 2960 : index
    %get3A_1157 = tpu.vector_load %arg6[%get3A_1156] {strides = array<i32>} : memref<10240xf32, #tpu.memory_space<vmem>>, vector<16xf32>,
    %get3A_1158 = vector.shape_cast %get3A_1157 : vector<16xf32> to vector<16xf32>
    %add3A_1159 = arith.addf %add3A_1155, %get3A_1158 : vector<16xf32>
    %get3A_1160 = arith.constant 2992 : index
    %get3A_1161 = tpu.vector_load %arg6[%get3A_1160] {strides = array<i32>} : memref<10240xf32, #tpu.memory_space<vmem>>, vector<16xf32>,
    %get3A_1162 = vector.shape_cast %get3A_1161 : vector<16xf32> to vector<16xf32>
    %add3A_1163 = arith.addf %add3A_1159, %get3A_1162 : vector<16xf32>
    %get3A_1164 = arith.constant 3024 : index
    %get3A_1165 = tpu.vector_load %arg6[%get3A_1164] {strides = array<i32>} : memref<10240xf32, #tpu.memory_space<vmem>>, vector<16xf32>,
    %get3A_1166 = vector.shape_cast %get3A_1165 : vector<16xf32> to vector<16xf32>
    %add3A_1167 = arith.addf %add3A_1163, %get3A_1166 : vector<16xf32>
    %get3A_1168 = arith.constant 3056 : index
    %get3A_1169 = tpu.vector_load %arg6[%get3A_1168] {strides = array<i32>} : memref<10240xf32, #tpu.memory_space<vmem>>, vector<16xf32>,
    %get3A_1170 = vector.shape_cast %get3A_1169 : vector<16xf32> to vector<16xf32>
    %add3A_1171 = arith.addf %add3A_1167, %get3A_1170 : vector<16xf32>
    %get3A_1172 = arith.constant 3088 : index
    %get3A_1173 = tpu.vector_load %arg6[%get3A_1172] {strides = array<i32>} : memref<10240xf32, #tpu.memory_space<vmem>>, vector<16xf32>,
    %get3A_1174 = vector.shape_cast %get3A_1173 : vector<16xf32> to vector<16xf32>
    %add3A_1175 = arith.addf %add3A_1171, %get3A_1174 : vector<16xf32>
    %get3A_1176 = arith.constant 3120 : index
    %get3A_1177 = tpu.vector_load %arg6[%get3A_1176] {strides = array<i32>} : memref<10240xf32, #tpu.memory_space<vmem>>, vector<16xf32>,
    %get3A_1178 = vector.shape_cast %get3A_1177 : vector<16xf32> to vector<16xf32>
    %add3A_1179 = arith.addf %add3A_1175, %get3A_1178 : vector<16xf32>
    %get3A_1180 = arith.constant 3152 : index
    %get3A_1181 = tpu.vector_load %arg6[%get3A_1180] {strides = array<i32>} : memref<10240xf32, #tpu.memory_space<vmem>>, vector<16xf32>,
    %get3A_1182 = vector.shape_cast %get3A_1181 : vector<16xf32> to vector<16xf32>
    %add3A_1183 = arith.addf %add3A_1179, %get3A_1182 : vector<16xf32>
    %get3A_1184 = arith.constant 3184 : index
    %get3A_1185 = tpu.vector_load %arg6[%get3A_1184] {strides = array<i32>} : memref<10240xf32, #tpu.memory_space<vmem>>, vector<16xf32>,
    %get3A_1186 = vector.shape_cast %get3A_1185 : vector<16xf32> to vector<16xf32>
    %add3A_1187 = arith.addf %add3A_1183, %get3A_1186 : vector<16xf32>
    %mul3A_1188 = arith.constant 5.000000e-02 : f32
    %mul3A_1189 = vector.broadcast %mul3A_1188 : f32 to vector<16xf32>
    %mul3A_1190 = arith.mulf %add3A_1187, %mul3A_1189 : vector<16xf32>
    %swap3A_1191 = arith.constant 4 : i32
    %swap3A_1192 = arith.index_cast %swap3A_1191 : i32 to index
    %swap3A_1193 = arith.constant 16 : index
    %swap3A_1194 = tpu.vector_load %arg7[%swap3A_1192, %swap3A_1193] {strides = array<i32>} : memref<16x32xf32, #tpu.memory_space<vmem>>, vector<1x16xf32>,
    %swap3A_1195 = vector.shape_cast %swap3A_1194 : vector<1x16xf32> to vector<16xf32>
    %swap3A_1196 = vector.shape_cast %mul3A_1190 : vector<16xf32> to vector<1x16xf32>
    tpu.vector_store %arg7[%swap3A_1192, %swap3A_1193], %swap3A_1196 {strides = array<i32>} : memref<16x32xf32, #tpu.memory_space<vmem>>, vector<1x16xf32>,
    %get3A_1197 = arith.constant 3200 : index
    %get3A_1198 = tpu.vector_load %arg6[%get3A_1197] {strides = array<i32>} : memref<10240xf32, #tpu.memory_space<vmem>>, vector<16xf32>,
    %get3A_1199 = vector.shape_cast %get3A_1198 : vector<16xf32> to vector<16xf32>
    %get3A_1200 = arith.constant 3232 : index
    %get3A_1201 = tpu.vector_load %arg6[%get3A_1200] {strides = array<i32>} : memref<10240xf32, #tpu.memory_space<vmem>>, vector<16xf32>,
    %get3A_1202 = vector.shape_cast %get3A_1201 : vector<16xf32> to vector<16xf32>
    %add3A_1203 = arith.addf %get3A_1199, %get3A_1202 : vector<16xf32>
    %get3A_1204 = arith.constant 3264 : index
    %get3A_1205 = tpu.vector_load %arg6[%get3A_1204] {strides = array<i32>} : memref<10240xf32, #tpu.memory_space<vmem>>, vector<16xf32>,
    %get3A_1206 = vector.shape_cast %get3A_1205 : vector<16xf32> to vector<16xf32>
    %add3A_1207 = arith.addf %add3A_1203, %get3A_1206 : vector<16xf32>
    %get3A_1208 = arith.constant 3296 : index
    %get3A_1209 = tpu.vector_load %arg6[%get3A_1208] {strides = array<i32>} : memref<10240xf32, #tpu.memory_space<vmem>>, vector<16xf32>,
    %get3A_1210 = vector.shape_cast %get3A_1209 : vector<16xf32> to vector<16xf32>
    %add3A_1211 = arith.addf %add3A_1207, %get3A_1210 : vector<16xf32>
    %get3A_1212 = arith.constant 3328 : index
    %get3A_1213 = tpu.vector_load %arg6[%get3A_1212] {strides = array<i32>} : memref<10240xf32, #tpu.memory_space<vmem>>, vector<16xf32>,
    %get3A_1214 = vector.shape_cast %get3A_1213 : vector<16xf32> to vector<16xf32>
    %add3A_1215 = arith.addf %add3A_1211, %get3A_1214 : vector<16xf32>
    %get3A_1216 = arith.constant 3360 : index
    %get3A_1217 = tpu.vector_load %arg6[%get3A_1216] {strides = array<i32>} : memref<10240xf32, #tpu.memory_space<vmem>>, vector<16xf32>,
    %get3A_1218 = vector.shape_cast %get3A_1217 : vector<16xf32> to vector<16xf32>
    %add3A_1219 = arith.addf %add3A_1215, %get3A_1218 : vector<16xf32>
    %get3A_1220 = arith.constant 3392 : index
    %get3A_1221 = tpu.vector_load %arg6[%get3A_1220] {strides = array<i32>} : memref<10240xf32, #tpu.memory_space<vmem>>, vector<16xf32>,
    %get3A_1222 = vector.shape_cast %get3A_1221 : vector<16xf32> to vector<16xf32>
    %add3A_1223 = arith.addf %add3A_1219, %get3A_1222 : vector<16xf32>
    %get3A_1224 = arith.constant 3424 : index
    %get3A_1225 = tpu.vector_load %arg6[%get3A_1224] {strides = array<i32>} : memref<10240xf32, #tpu.memory_space<vmem>>, vector<16xf32>,
    %get3A_1226 = vector.shape_cast %get3A_1225 : vector<16xf32> to vector<16xf32>
    %add3A_1227 = arith.addf %add3A_1223, %get3A_1226 : vector<16xf32>
    %get3A_1228 = arith.constant 3456 : index
    %get3A_1229 = tpu.vector_load %arg6[%get3A_1228] {strides = array<i32>} : memref<10240xf32, #tpu.memory_space<vmem>>, vector<16xf32>,
    %get3A_1230 = vector.shape_cast %get3A_1229 : vector<16xf32> to vector<16xf32>
    %add3A_1231 = arith.addf %add3A_1227, %get3A_1230 : vector<16xf32>
    %get3A_1232 = arith.constant 3488 : index
    %get3A_1233 = tpu.vector_load %arg6[%get3A_1232] {strides = array<i32>} : memref<10240xf32, #tpu.memory_space<vmem>>, vector<16xf32>,
    %get3A_1234 = vector.shape_cast %get3A_1233 : vector<16xf32> to vector<16xf32>
    %add3A_1235 = arith.addf %add3A_1231, %get3A_1234 : vector<16xf32>
    %get3A_1236 = arith.constant 3520 : index
    %get3A_1237 = tpu.vector_load %arg6[%get3A_1236] {strides = array<i32>} : memref<10240xf32, #tpu.memory_space<vmem>>, vector<16xf32>,
    %get3A_1238 = vector.shape_cast %get3A_1237 : vector<16xf32> to vector<16xf32>
    %add3A_1239 = arith.addf %add3A_1235, %get3A_1238 : vector<16xf32>
    %get3A_1240 = arith.constant 3552 : index
    %get3A_1241 = tpu.vector_load %arg6[%get3A_1240] {strides = array<i32>} : memref<10240xf32, #tpu.memory_space<vmem>>, vector<16xf32>,
    %get3A_1242 = vector.shape_cast %get3A_1241 : vector<16xf32> to vector<16xf32>
    %add3A_1243 = arith.addf %add3A_1239, %get3A_1242 : vector<16xf32>
    %get3A_1244 = arith.constant 3584 : index
    %get3A_1245 = tpu.vector_load %arg6[%get3A_1244] {strides = array<i32>} : memref<10240xf32, #tpu.memory_space<vmem>>, vector<16xf32>,
    %get3A_1246 = vector.shape_cast %get3A_1245 : vector<16xf32> to vector<16xf32>
    %add3A_1247 = arith.addf %add3A_1243, %get3A_1246 : vector<16xf32>
    %get3A_1248 = arith.constant 3616 : index
    %get3A_1249 = tpu.vector_load %arg6[%get3A_1248] {strides = array<i32>} : memref<10240xf32, #tpu.memory_space<vmem>>, vector<16xf32>,
    %get3A_1250 = vector.shape_cast %get3A_1249 : vector<16xf32> to vector<16xf32>
    %add3A_1251 = arith.addf %add3A_1247, %get3A_1250 : vector<16xf32>
    %get3A_1252 = arith.constant 3648 : index
    %get3A_1253 = tpu.vector_load %arg6[%get3A_1252] {strides = array<i32>} : memref<10240xf32, #tpu.memory_space<vmem>>, vector<16xf32>,
    %get3A_1254 = vector.shape_cast %get3A_1253 : vector<16xf32> to vector<16xf32>
    %add3A_1255 = arith.addf %add3A_1251, %get3A_1254 : vector<16xf32>
    %get3A_1256 = arith.constant 3680 : index
    %get3A_1257 = tpu.vector_load %arg6[%get3A_1256] {strides = array<i32>} : memref<10240xf32, #tpu.memory_space<vmem>>, vector<16xf32>,
    %get3A_1258 = vector.shape_cast %get3A_1257 : vector<16xf32> to vector<16xf32>
    %add3A_1259 = arith.addf %add3A_1255, %get3A_1258 : vector<16xf32>
    %get3A_1260 = arith.constant 3712 : index
    %get3A_1261 = tpu.vector_load %arg6[%get3A_1260] {strides = array<i32>} : memref<10240xf32, #tpu.memory_space<vmem>>, vector<16xf32>,
    %get3A_1262 = vector.shape_cast %get3A_1261 : vector<16xf32> to vector<16xf32>
    %add3A_1263 = arith.addf %add3A_1259, %get3A_1262 : vector<16xf32>
    %get3A_1264 = arith.constant 3744 : index
    %get3A_1265 = tpu.vector_load %arg6[%get3A_1264] {strides = array<i32>} : memref<10240xf32, #tpu.memory_space<vmem>>, vector<16xf32>,
    %get3A_1266 = vector.shape_cast %get3A_1265 : vector<16xf32> to vector<16xf32>
    %add3A_1267 = arith.addf %add3A_1263, %get3A_1266 : vector<16xf32>
    %get3A_1268 = arith.constant 3776 : index
    %get3A_1269 = tpu.vector_load %arg6[%get3A_1268] {strides = array<i32>} : memref<10240xf32, #tpu.memory_space<vmem>>, vector<16xf32>,
    %get3A_1270 = vector.shape_cast %get3A_1269 : vector<16xf32> to vector<16xf32>
    %add3A_1271 = arith.addf %add3A_1267, %get3A_1270 : vector<16xf32>
    %get3A_1272 = arith.constant 3808 : index
    %get3A_1273 = tpu.vector_load %arg6[%get3A_1272] {strides = array<i32>} : memref<10240xf32, #tpu.memory_space<vmem>>, vector<16xf32>,
    %get3A_1274 = vector.shape_cast %get3A_1273 : vector<16xf32> to vector<16xf32>
    %add3A_1275 = arith.addf %add3A_1271, %get3A_1274 : vector<16xf32>
    %mul3A_1276 = arith.constant 5.000000e-02 : f32
    %mul3A_1277 = vector.broadcast %mul3A_1276 : f32 to vector<16xf32>
    %mul3A_1278 = arith.mulf %add3A_1275, %mul3A_1277 : vector<16xf32>
    %swap3A_1279 = arith.constant 5 : i32
    %swap3A_1280 = arith.index_cast %swap3A_1279 : i32 to index
    %swap3A_1281 = arith.constant 0 : index
    %swap3A_1282 = tpu.vector_load %arg7[%swap3A_1280, %swap3A_1281] {strides = array<i32>} : memref<16x32xf32, #tpu.memory_space<vmem>>, vector<1x16xf32>,
    %swap3A_1283 = vector.shape_cast %swap3A_1282 : vector<1x16xf32> to vector<16xf32>
    %swap3A_1284 = vector.shape_cast %mul3A_1278 : vector<16xf32> to vector<1x16xf32>
    tpu.vector_store %arg7[%swap3A_1280, %swap3A_1281], %swap3A_1284 {strides = array<i32>} : memref<16x32xf32, #tpu.memory_space<vmem>>, vector<1x16xf32>,
    %get3A_1285 = arith.constant 3216 : index
    %get3A_1286 = tpu.vector_load %arg6[%get3A_1285] {strides = array<i32>} : memref<10240xf32, #tpu.memory_space<vmem>>, vector<16xf32>,
    %get3A_1287 = vector.shape_cast %get3A_1286 : vector<16xf32> to vector<16xf32>
    %get3A_1288 = arith.constant 3248 : index
    %get3A_1289 = tpu.vector_load %arg6[%get3A_1288] {strides = array<i32>} : memref<10240xf32, #tpu.memory_space<vmem>>, vector<16xf32>,
    %get3A_1290 = vector.shape_cast %get3A_1289 : vector<16xf32> to vector<16xf32>
    %add3A_1291 = arith.addf %get3A_1287, %get3A_1290 : vector<16xf32>
    %get3A_1292 = arith.constant 3280 : index
    %get3A_1293 = tpu.vector_load %arg6[%get3A_1292] {strides = array<i32>} : memref<10240xf32, #tpu.memory_space<vmem>>, vector<16xf32>,
    %get3A_1294 = vector.shape_cast %get3A_1293 : vector<16xf32> to vector<16xf32>
    %add3A_1295 = arith.addf %add3A_1291, %get3A_1294 : vector<16xf32>
    %get3A_1296 = arith.constant 3312 : index
    %get3A_1297 = tpu.vector_load %arg6[%get3A_1296] {strides = array<i32>} : memref<10240xf32, #tpu.memory_space<vmem>>, vector<16xf32>,
    %get3A_1298 = vector.shape_cast %get3A_1297 : vector<16xf32> to vector<16xf32>
    %add3A_1299 = arith.addf %add3A_1295, %get3A_1298 : vector<16xf32>
    %get3A_1300 = arith.constant 3344 : index
    %get3A_1301 = tpu.vector_load %arg6[%get3A_1300] {strides = array<i32>} : memref<10240xf32, #tpu.memory_space<vmem>>, vector<16xf32>,
    %get3A_1302 = vector.shape_cast %get3A_1301 : vector<16xf32> to vector<16xf32>
    %add3A_1303 = arith.addf %add3A_1299, %get3A_1302 : vector<16xf32>
    %get3A_1304 = arith.constant 3376 : index
    %get3A_1305 = tpu.vector_load %arg6[%get3A_1304] {strides = array<i32>} : memref<10240xf32, #tpu.memory_space<vmem>>, vector<16xf32>,
    %get3A_1306 = vector.shape_cast %get3A_1305 : vector<16xf32> to vector<16xf32>
    %add3A_1307 = arith.addf %add3A_1303, %get3A_1306 : vector<16xf32>
    %get3A_1308 = arith.constant 3408 : index
    %get3A_1309 = tpu.vector_load %arg6[%get3A_1308] {strides = array<i32>} : memref<10240xf32, #tpu.memory_space<vmem>>, vector<16xf32>,
    %get3A_1310 = vector.shape_cast %get3A_1309 : vector<16xf32> to vector<16xf32>
    %add3A_1311 = arith.addf %add3A_1307, %get3A_1310 : vector<16xf32>
    %get3A_1312 = arith.constant 3440 : index
    %get3A_1313 = tpu.vector_load %arg6[%get3A_1312] {strides = array<i32>} : memref<10240xf32, #tpu.memory_space<vmem>>, vector<16xf32>,
    %get3A_1314 = vector.shape_cast %get3A_1313 : vector<16xf32> to vector<16xf32>
    %add3A_1315 = arith.addf %add3A_1311, %get3A_1314 : vector<16xf32>
    %get3A_1316 = arith.constant 3472 : index
    %get3A_1317 = tpu.vector_load %arg6[%get3A_1316] {strides = array<i32>} : memref<10240xf32, #tpu.memory_space<vmem>>, vector<16xf32>,
    %get3A_1318 = vector.shape_cast %get3A_1317 : vector<16xf32> to vector<16xf32>
    %add3A_1319 = arith.addf %add3A_1315, %get3A_1318 : vector<16xf32>
    %get3A_1320 = arith.constant 3504 : index
    %get3A_1321 = tpu.vector_load %arg6[%get3A_1320] {strides = array<i32>} : memref<10240xf32, #tpu.memory_space<vmem>>, vector<16xf32>,
    %get3A_1322 = vector.shape_cast %get3A_1321 : vector<16xf32> to vector<16xf32>
    %add3A_1323 = arith.addf %add3A_1319, %get3A_1322 : vector<16xf32>
    %get3A_1324 = arith.constant 3536 : index
    %get3A_1325 = tpu.vector_load %arg6[%get3A_1324] {strides = array<i32>} : memref<10240xf32, #tpu.memory_space<vmem>>, vector<16xf32>,
    %get3A_1326 = vector.shape_cast %get3A_1325 : vector<16xf32> to vector<16xf32>
    %add3A_1327 = arith.addf %add3A_1323, %get3A_1326 : vector<16xf32>
    %get3A_1328 = arith.constant 3568 : index
    %get3A_1329 = tpu.vector_load %arg6[%get3A_1328] {strides = array<i32>} : memref<10240xf32, #tpu.memory_space<vmem>>, vector<16xf32>,
    %get3A_1330 = vector.shape_cast %get3A_1329 : vector<16xf32> to vector<16xf32>
    %add3A_1331 = arith.addf %add3A_1327, %get3A_1330 : vector<16xf32>
    %get3A_1332 = arith.constant 3600 : index
    %get3A_1333 = tpu.vector_load %arg6[%get3A_1332] {strides = array<i32>} : memref<10240xf32, #tpu.memory_space<vmem>>, vector<16xf32>,
    %get3A_1334 = vector.shape_cast %get3A_1333 : vector<16xf32> to vector<16xf32>
    %add3A_1335 = arith.addf %add3A_1331, %get3A_1334 : vector<16xf32>
    %get3A_1336 = arith.constant 3632 : index
    %get3A_1337 = tpu.vector_load %arg6[%get3A_1336] {strides = array<i32>} : memref<10240xf32, #tpu.memory_space<vmem>>, vector<16xf32>,
    %get3A_1338 = vector.shape_cast %get3A_1337 : vector<16xf32> to vector<16xf32>
    %add3A_1339 = arith.addf %add3A_1335, %get3A_1338 : vector<16xf32>
    %get3A_1340 = arith.constant 3664 : index
    %get3A_1341 = tpu.vector_load %arg6[%get3A_1340] {strides = array<i32>} : memref<10240xf32, #tpu.memory_space<vmem>>, vector<16xf32>,
    %get3A_1342 = vector.shape_cast %get3A_1341 : vector<16xf32> to vector<16xf32>
    %add3A_1343 = arith.addf %add3A_1339, %get3A_1342 : vector<16xf32>
    %get3A_1344 = arith.constant 3696 : index
    %get3A_1345 = tpu.vector_load %arg6[%get3A_1344] {strides = array<i32>} : memref<10240xf32, #tpu.memory_space<vmem>>, vector<16xf32>,
    %get3A_1346 = vector.shape_cast %get3A_1345 : vector<16xf32> to vector<16xf32>
    %add3A_1347 = arith.addf %add3A_1343, %get3A_1346 : vector<16xf32>
    %get3A_1348 = arith.constant 3728 : index
    %get3A_1349 = tpu.vector_load %arg6[%get3A_1348] {strides = array<i32>} : memref<10240xf32, #tpu.memory_space<vmem>>, vector<16xf32>,
    %get3A_1350 = vector.shape_cast %get3A_1349 : vector<16xf32> to vector<16xf32>
    %add3A_1351 = arith.addf %add3A_1347, %get3A_1350 : vector<16xf32>
    %get3A_1352 = arith.constant 3760 : index
    %get3A_1353 = tpu.vector_load %arg6[%get3A_1352] {strides = array<i32>} : memref<10240xf32, #tpu.memory_space<vmem>>, vector<16xf32>,
    %get3A_1354 = vector.shape_cast %get3A_1353 : vector<16xf32> to vector<16xf32>
    %add3A_1355 = arith.addf %add3A_1351, %get3A_1354 : vector<16xf32>
    %get3A_1356 = arith.constant 3792 : index
    %get3A_1357 = tpu.vector_load %arg6[%get3A_1356] {strides = array<i32>} : memref<10240xf32, #tpu.memory_space<vmem>>, vector<16xf32>,
    %get3A_1358 = vector.shape_cast %get3A_1357 : vector<16xf32> to vector<16xf32>
    %add3A_1359 = arith.addf %add3A_1355, %get3A_1358 : vector<16xf32>
    %get3A_1360 = arith.constant 3824 : index
    %get3A_1361 = tpu.vector_load %arg6[%get3A_1360] {strides = array<i32>} : memref<10240xf32, #tpu.memory_space<vmem>>, vector<16xf32>,
    %get3A_1362 = vector.shape_cast %get3A_1361 : vector<16xf32> to vector<16xf32>
    %add3A_1363 = arith.addf %add3A_1359, %get3A_1362 : vector<16xf32>
    %mul3A_1364 = arith.constant 5.000000e-02 : f32
    %mul3A_1365 = vector.broadcast %mul3A_1364 : f32 to vector<16xf32>
    %mul3A_1366 = arith.mulf %add3A_1363, %mul3A_1365 : vector<16xf32>
    %swap3A_1367 = arith.constant 5 : i32
    %swap3A_1368 = arith.index_cast %swap3A_1367 : i32 to index
    %swap3A_1369 = arith.constant 16 : index
    %swap3A_1370 = tpu.vector_load %arg7[%swap3A_1368, %swap3A_1369] {strides = array<i32>} : memref<16x32xf32, #tpu.memory_space<vmem>>, vector<1x16xf32>,
    %swap3A_1371 = vector.shape_cast %swap3A_1370 : vector<1x16xf32> to vector<16xf32>
    %swap3A_1372 = vector.shape_cast %mul3A_1366 : vector<16xf32> to vector<1x16xf32>
    tpu.vector_store %arg7[%swap3A_1368, %swap3A_1369], %swap3A_1372 {strides = array<i32>} : memref<16x32xf32, #tpu.memory_space<vmem>>, vector<1x16xf32>,
    %get3A_1373 = arith.constant 3840 : index
    %get3A_1374 = tpu.vector_load %arg6[%get3A_1373] {strides = array<i32>} : memref<10240xf32, #tpu.memory_space<vmem>>, vector<16xf32>,
    %get3A_1375 = vector.shape_cast %get3A_1374 : vector<16xf32> to vector<16xf32>
    %get3A_1376 = arith.constant 3872 : index
    %get3A_1377 = tpu.vector_load %arg6[%get3A_1376] {strides = array<i32>} : memref<10240xf32, #tpu.memory_space<vmem>>, vector<16xf32>,
    %get3A_1378 = vector.shape_cast %get3A_1377 : vector<16xf32> to vector<16xf32>
    %add3A_1379 = arith.addf %get3A_1375, %get3A_1378 : vector<16xf32>
    %get3A_1380 = arith.constant 3904 : index
    %get3A_1381 = tpu.vector_load %arg6[%get3A_1380] {strides = array<i32>} : memref<10240xf32, #tpu.memory_space<vmem>>, vector<16xf32>,
    %get3A_1382 = vector.shape_cast %get3A_1381 : vector<16xf32> to vector<16xf32>
    %add3A_1383 = arith.addf %add3A_1379, %get3A_1382 : vector<16xf32>
    %get3A_1384 = arith.constant 3936 : index
    %get3A_1385 = tpu.vector_load %arg6[%get3A_1384] {strides = array<i32>} : memref<10240xf32, #tpu.memory_space<vmem>>, vector<16xf32>,
    %get3A_1386 = vector.shape_cast %get3A_1385 : vector<16xf32> to vector<16xf32>
    %add3A_1387 = arith.addf %add3A_1383, %get3A_1386 : vector<16xf32>
    %get3A_1388 = arith.constant 3968 : index
    %get3A_1389 = tpu.vector_load %arg6[%get3A_1388] {strides = array<i32>} : memref<10240xf32, #tpu.memory_space<vmem>>, vector<16xf32>,
    %get3A_1390 = vector.shape_cast %get3A_1389 : vector<16xf32> to vector<16xf32>
    %add3A_1391 = arith.addf %add3A_1387, %get3A_1390 : vector<16xf32>
    %get3A_1392 = arith.constant 4000 : index
    %get3A_1393 = tpu.vector_load %arg6[%get3A_1392] {strides = array<i32>} : memref<10240xf32, #tpu.memory_space<vmem>>, vector<16xf32>,
    %get3A_1394 = vector.shape_cast %get3A_1393 : vector<16xf32> to vector<16xf32>
    %add3A_1395 = arith.addf %add3A_1391, %get3A_1394 : vector<16xf32>
    %get3A_1396 = arith.constant 4032 : index
    %get3A_1397 = tpu.vector_load %arg6[%get3A_1396] {strides = array<i32>} : memref<10240xf32, #tpu.memory_space<vmem>>, vector<16xf32>,
    %get3A_1398 = vector.shape_cast %get3A_1397 : vector<16xf32> to vector<16xf32>
    %add3A_1399 = arith.addf %add3A_1395, %get3A_1398 : vector<16xf32>
    %get3A_1400 = arith.constant 4064 : index
    %get3A_1401 = tpu.vector_load %arg6[%get3A_1400] {strides = array<i32>} : memref<10240xf32, #tpu.memory_space<vmem>>, vector<16xf32>,
    %get3A_1402 = vector.shape_cast %get3A_1401 : vector<16xf32> to vector<16xf32>
    %add3A_1403 = arith.addf %add3A_1399, %get3A_1402 : vector<16xf32>
    %get3A_1404 = arith.constant 4096 : index
    %get3A_1405 = tpu.vector_load %arg6[%get3A_1404] {strides = array<i32>} : memref<10240xf32, #tpu.memory_space<vmem>>, vector<16xf32>,
    %get3A_1406 = vector.shape_cast %get3A_1405 : vector<16xf32> to vector<16xf32>
    %add3A_1407 = arith.addf %add3A_1403, %get3A_1406 : vector<16xf32>
    %get3A_1408 = arith.constant 4128 : index
    %get3A_1409 = tpu.vector_load %arg6[%get3A_1408] {strides = array<i32>} : memref<10240xf32, #tpu.memory_space<vmem>>, vector<16xf32>,
    %get3A_1410 = vector.shape_cast %get3A_1409 : vector<16xf32> to vector<16xf32>
    %add3A_1411 = arith.addf %add3A_1407, %get3A_1410 : vector<16xf32>
    %get3A_1412 = arith.constant 4160 : index
    %get3A_1413 = tpu.vector_load %arg6[%get3A_1412] {strides = array<i32>} : memref<10240xf32, #tpu.memory_space<vmem>>, vector<16xf32>,
    %get3A_1414 = vector.shape_cast %get3A_1413 : vector<16xf32> to vector<16xf32>
    %add3A_1415 = arith.addf %add3A_1411, %get3A_1414 : vector<16xf32>
    %get3A_1416 = arith.constant 4192 : index
    %get3A_1417 = tpu.vector_load %arg6[%get3A_1416] {strides = array<i32>} : memref<10240xf32, #tpu.memory_space<vmem>>, vector<16xf32>,
    %get3A_1418 = vector.shape_cast %get3A_1417 : vector<16xf32> to vector<16xf32>
    %add3A_1419 = arith.addf %add3A_1415, %get3A_1418 : vector<16xf32>
    %get3A_1420 = arith.constant 4224 : index
    %get3A_1421 = tpu.vector_load %arg6[%get3A_1420] {strides = array<i32>} : memref<10240xf32, #tpu.memory_space<vmem>>, vector<16xf32>,
    %get3A_1422 = vector.shape_cast %get3A_1421 : vector<16xf32> to vector<16xf32>
    %add3A_1423 = arith.addf %add3A_1419, %get3A_1422 : vector<16xf32>
    %get3A_1424 = arith.constant 4256 : index
    %get3A_1425 = tpu.vector_load %arg6[%get3A_1424] {strides = array<i32>} : memref<10240xf32, #tpu.memory_space<vmem>>, vector<16xf32>,
    %get3A_1426 = vector.shape_cast %get3A_1425 : vector<16xf32> to vector<16xf32>
    %add3A_1427 = arith.addf %add3A_1423, %get3A_1426 : vector<16xf32>
    %get3A_1428 = arith.constant 4288 : index
    %get3A_1429 = tpu.vector_load %arg6[%get3A_1428] {strides = array<i32>} : memref<10240xf32, #tpu.memory_space<vmem>>, vector<16xf32>,
    %get3A_1430 = vector.shape_cast %get3A_1429 : vector<16xf32> to vector<16xf32>
    %add3A_1431 = arith.addf %add3A_1427, %get3A_1430 : vector<16xf32>
    %get3A_1432 = arith.constant 4320 : index
    %get3A_1433 = tpu.vector_load %arg6[%get3A_1432] {strides = array<i32>} : memref<10240xf32, #tpu.memory_space<vmem>>, vector<16xf32>,
    %get3A_1434 = vector.shape_cast %get3A_1433 : vector<16xf32> to vector<16xf32>
    %add3A_1435 = arith.addf %add3A_1431, %get3A_1434 : vector<16xf32>
    %get3A_1436 = arith.constant 4352 : index
    %get3A_1437 = tpu.vector_load %arg6[%get3A_1436] {strides = array<i32>} : memref<10240xf32, #tpu.memory_space<vmem>>, vector<16xf32>,
    %get3A_1438 = vector.shape_cast %get3A_1437 : vector<16xf32> to vector<16xf32>
    %add3A_1439 = arith.addf %add3A_1435, %get3A_1438 : vector<16xf32>
    %get3A_1440 = arith.constant 4384 : index
    %get3A_1441 = tpu.vector_load %arg6[%get3A_1440] {strides = array<i32>} : memref<10240xf32, #tpu.memory_space<vmem>>, vector<16xf32>,
    %get3A_1442 = vector.shape_cast %get3A_1441 : vector<16xf32> to vector<16xf32>
    %add3A_1443 = arith.addf %add3A_1439, %get3A_1442 : vector<16xf32>
    %get3A_1444 = arith.constant 4416 : index
    %get3A_1445 = tpu.vector_load %arg6[%get3A_1444] {strides = array<i32>} : memref<10240xf32, #tpu.memory_space<vmem>>, vector<16xf32>,
    %get3A_1446 = vector.shape_cast %get3A_1445 : vector<16xf32> to vector<16xf32>
    %add3A_1447 = arith.addf %add3A_1443, %get3A_1446 : vector<16xf32>
    %get3A_1448 = arith.constant 4448 : index
    %get3A_1449 = tpu.vector_load %arg6[%get3A_1448] {strides = array<i32>} : memref<10240xf32, #tpu.memory_space<vmem>>, vector<16xf32>,
    %get3A_1450 = vector.shape_cast %get3A_1449 : vector<16xf32> to vector<16xf32>
    %add3A_1451 = arith.addf %add3A_1447, %get3A_1450 : vector<16xf32>
    %mul3A_1452 = arith.constant 5.000000e-02 : f32
    %mul3A_1453 = vector.broadcast %mul3A_1452 : f32 to vector<16xf32>
    %mul3A_1454 = arith.mulf %add3A_1451, %mul3A_1453 : vector<16xf32>
    %swap3A_1455 = arith.constant 6 : i32
    %swap3A_1456 = arith.index_cast %swap3A_1455 : i32 to index
    %swap3A_1457 = arith.constant 0 : index
    %swap3A_1458 = tpu.vector_load %arg7[%swap3A_1456, %swap3A_1457] {strides = array<i32>} : memref<16x32xf32, #tpu.memory_space<vmem>>, vector<1x16xf32>,
    %swap3A_1459 = vector.shape_cast %swap3A_1458 : vector<1x16xf32> to vector<16xf32>
    %swap3A_1460 = vector.shape_cast %mul3A_1454 : vector<16xf32> to vector<1x16xf32>
    tpu.vector_store %arg7[%swap3A_1456, %swap3A_1457], %swap3A_1460 {strides = array<i32>} : memref<16x32xf32, #tpu.memory_space<vmem>>, vector<1x16xf32>,
    %get3A_1461 = arith.constant 3856 : index
    %get3A_1462 = tpu.vector_load %arg6[%get3A_1461] {strides = array<i32>} : memref<10240xf32, #tpu.memory_space<vmem>>, vector<16xf32>,
    %get3A_1463 = vector.shape_cast %get3A_1462 : vector<16xf32> to vector<16xf32>
    %get3A_1464 = arith.constant 3888 : index
    %get3A_1465 = tpu.vector_load %arg6[%get3A_1464] {strides = array<i32>} : memref<10240xf32, #tpu.memory_space<vmem>>, vector<16xf32>,
    %get3A_1466 = vector.shape_cast %get3A_1465 : vector<16xf32> to vector<16xf32>
    %add3A_1467 = arith.addf %get3A_1463, %get3A_1466 : vector<16xf32>
    %get3A_1468 = arith.constant 3920 : index
    %get3A_1469 = tpu.vector_load %arg6[%get3A_1468] {strides = array<i32>} : memref<10240xf32, #tpu.memory_space<vmem>>, vector<16xf32>,
    %get3A_1470 = vector.shape_cast %get3A_1469 : vector<16xf32> to vector<16xf32>
    %add3A_1471 = arith.addf %add3A_1467, %get3A_1470 : vector<16xf32>
    %get3A_1472 = arith.constant 3952 : index
    %get3A_1473 = tpu.vector_load %arg6[%get3A_1472] {strides = array<i32>} : memref<10240xf32, #tpu.memory_space<vmem>>, vector<16xf32>,
    %get3A_1474 = vector.shape_cast %get3A_1473 : vector<16xf32> to vector<16xf32>
    %add3A_1475 = arith.addf %add3A_1471, %get3A_1474 : vector<16xf32>
    %get3A_1476 = arith.constant 3984 : index
    %get3A_1477 = tpu.vector_load %arg6[%get3A_1476] {strides = array<i32>} : memref<10240xf32, #tpu.memory_space<vmem>>, vector<16xf32>,
    %get3A_1478 = vector.shape_cast %get3A_1477 : vector<16xf32> to vector<16xf32>
    %add3A_1479 = arith.addf %add3A_1475, %get3A_1478 : vector<16xf32>
    %get3A_1480 = arith.constant 4016 : index
    %get3A_1481 = tpu.vector_load %arg6[%get3A_1480] {strides = array<i32>} : memref<10240xf32, #tpu.memory_space<vmem>>, vector<16xf32>,
    %get3A_1482 = vector.shape_cast %get3A_1481 : vector<16xf32> to vector<16xf32>
    %add3A_1483 = arith.addf %add3A_1479, %get3A_1482 : vector<16xf32>
    %get3A_1484 = arith.constant 4048 : index
    %get3A_1485 = tpu.vector_load %arg6[%get3A_1484] {strides = array<i32>} : memref<10240xf32, #tpu.memory_space<vmem>>, vector<16xf32>,
    %get3A_1486 = vector.shape_cast %get3A_1485 : vector<16xf32> to vector<16xf32>
    %add3A_1487 = arith.addf %add3A_1483, %get3A_1486 : vector<16xf32>
    %get3A_1488 = arith.constant 4080 : index
    %get3A_1489 = tpu.vector_load %arg6[%get3A_1488] {strides = array<i32>} : memref<10240xf32, #tpu.memory_space<vmem>>, vector<16xf32>,
    %get3A_1490 = vector.shape_cast %get3A_1489 : vector<16xf32> to vector<16xf32>
    %add3A_1491 = arith.addf %add3A_1487, %get3A_1490 : vector<16xf32>
    %get3A_1492 = arith.constant 4112 : index
    %get3A_1493 = tpu.vector_load %arg6[%get3A_1492] {strides = array<i32>} : memref<10240xf32, #tpu.memory_space<vmem>>, vector<16xf32>,
    %get3A_1494 = vector.shape_cast %get3A_1493 : vector<16xf32> to vector<16xf32>
    %add3A_1495 = arith.addf %add3A_1491, %get3A_1494 : vector<16xf32>
    %get3A_1496 = arith.constant 4144 : index
    %get3A_1497 = tpu.vector_load %arg6[%get3A_1496] {strides = array<i32>} : memref<10240xf32, #tpu.memory_space<vmem>>, vector<16xf32>,
    %get3A_1498 = vector.shape_cast %get3A_1497 : vector<16xf32> to vector<16xf32>
    %add3A_1499 = arith.addf %add3A_1495, %get3A_1498 : vector<16xf32>
    %get3A_1500 = arith.constant 4176 : index
    %get3A_1501 = tpu.vector_load %arg6[%get3A_1500] {strides = array<i32>} : memref<10240xf32, #tpu.memory_space<vmem>>, vector<16xf32>,
    %get3A_1502 = vector.shape_cast %get3A_1501 : vector<16xf32> to vector<16xf32>
    %add3A_1503 = arith.addf %add3A_1499, %get3A_1502 : vector<16xf32>
    %get3A_1504 = arith.constant 4208 : index
    %get3A_1505 = tpu.vector_load %arg6[%get3A_1504] {strides = array<i32>} : memref<10240xf32, #tpu.memory_space<vmem>>, vector<16xf32>,
    %get3A_1506 = vector.shape_cast %get3A_1505 : vector<16xf32> to vector<16xf32>
    %add3A_1507 = arith.addf %add3A_1503, %get3A_1506 : vector<16xf32>
    %get3A_1508 = arith.constant 4240 : index
    %get3A_1509 = tpu.vector_load %arg6[%get3A_1508] {strides = array<i32>} : memref<10240xf32, #tpu.memory_space<vmem>>, vector<16xf32>,
    %get3A_1510 = vector.shape_cast %get3A_1509 : vector<16xf32> to vector<16xf32>
    %add3A_1511 = arith.addf %add3A_1507, %get3A_1510 : vector<16xf32>
    %get3A_1512 = arith.constant 4272 : index
    %get3A_1513 = tpu.vector_load %arg6[%get3A_1512] {strides = array<i32>} : memref<10240xf32, #tpu.memory_space<vmem>>, vector<16xf32>,
    %get3A_1514 = vector.shape_cast %get3A_1513 : vector<16xf32> to vector<16xf32>
    %add3A_1515 = arith.addf %add3A_1511, %get3A_1514 : vector<16xf32>
    %get3A_1516 = arith.constant 4304 : index
    %get3A_1517 = tpu.vector_load %arg6[%get3A_1516] {strides = array<i32>} : memref<10240xf32, #tpu.memory_space<vmem>>, vector<16xf32>,
    %get3A_1518 = vector.shape_cast %get3A_1517 : vector<16xf32> to vector<16xf32>
    %add3A_1519 = arith.addf %add3A_1515, %get3A_1518 : vector<16xf32>
    %get3A_1520 = arith.constant 4336 : index
    %get3A_1521 = tpu.vector_load %arg6[%get3A_1520] {strides = array<i32>} : memref<10240xf32, #tpu.memory_space<vmem>>, vector<16xf32>,
    %get3A_1522 = vector.shape_cast %get3A_1521 : vector<16xf32> to vector<16xf32>
    %add3A_1523 = arith.addf %add3A_1519, %get3A_1522 : vector<16xf32>
    %get3A_1524 = arith.constant 4368 : index
    %get3A_1525 = tpu.vector_load %arg6[%get3A_1524] {strides = array<i32>} : memref<10240xf32, #tpu.memory_space<vmem>>, vector<16xf32>,
    %get3A_1526 = vector.shape_cast %get3A_1525 : vector<16xf32> to vector<16xf32>
    %add3A_1527 = arith.addf %add3A_1523, %get3A_1526 : vector<16xf32>
    %get3A_1528 = arith.constant 4400 : index
    %get3A_1529 = tpu.vector_load %arg6[%get3A_1528] {strides = array<i32>} : memref<10240xf32, #tpu.memory_space<vmem>>, vector<16xf32>,
    %get3A_1530 = vector.shape_cast %get3A_1529 : vector<16xf32> to vector<16xf32>
    %add3A_1531 = arith.addf %add3A_1527, %get3A_1530 : vector<16xf32>
    %get3A_1532 = arith.constant 4432 : index
    %get3A_1533 = tpu.vector_load %arg6[%get3A_1532] {strides = array<i32>} : memref<10240xf32, #tpu.memory_space<vmem>>, vector<16xf32>,
    %get3A_1534 = vector.shape_cast %get3A_1533 : vector<16xf32> to vector<16xf32>
    %add3A_1535 = arith.addf %add3A_1531, %get3A_1534 : vector<16xf32>
    %get3A_1536 = arith.constant 4464 : index
    %get3A_1537 = tpu.vector_load %arg6[%get3A_1536] {strides = array<i32>} : memref<10240xf32, #tpu.memory_space<vmem>>, vector<16xf32>,
    %get3A_1538 = vector.shape_cast %get3A_1537 : vector<16xf32> to vector<16xf32>
    %add3A_1539 = arith.addf %add3A_1535, %get3A_1538 : vector<16xf32>
    %mul3A_1540 = arith.constant 5.000000e-02 : f32
    %mul3A_1541 = vector.broadcast %mul3A_1540 : f32 to vector<16xf32>
    %mul3A_1542 = arith.mulf %add3A_1539, %mul3A_1541 : vector<16xf32>
    %swap3A_1543 = arith.constant 6 : i32
    %swap3A_1544 = arith.index_cast %swap3A_1543 : i32 to index
    %swap3A_1545 = arith.constant 16 : index
    %swap3A_1546 = tpu.vector_load %arg7[%swap3A_1544, %swap3A_1545] {strides = array<i32>} : memref<16x32xf32, #tpu.memory_space<vmem>>, vector<1x16xf32>,
    %swap3A_1547 = vector.shape_cast %swap3A_1546 : vector<1x16xf32> to vector<16xf32>
    %swap3A_1548 = vector.shape_cast %mul3A_1542 : vector<16xf32> to vector<1x16xf32>
    tpu.vector_store %arg7[%swap3A_1544, %swap3A_1545], %swap3A_1548 {strides = array<i32>} : memref<16x32xf32, #tpu.memory_space<vmem>>, vector<1x16xf32>,
    %get3A_1549 = arith.constant 4480 : index
    %get3A_1550 = tpu.vector_load %arg6[%get3A_1549] {strides = array<i32>} : memref<10240xf32, #tpu.memory_space<vmem>>, vector<16xf32>,
    %get3A_1551 = vector.shape_cast %get3A_1550 : vector<16xf32> to vector<16xf32>
    %get3A_1552 = arith.constant 4512 : index
    %get3A_1553 = tpu.vector_load %arg6[%get3A_1552] {strides = array<i32>} : memref<10240xf32, #tpu.memory_space<vmem>>, vector<16xf32>,
    %get3A_1554 = vector.shape_cast %get3A_1553 : vector<16xf32> to vector<16xf32>
    %add3A_1555 = arith.addf %get3A_1551, %get3A_1554 : vector<16xf32>
    %get3A_1556 = arith.constant 4544 : index
    %get3A_1557 = tpu.vector_load %arg6[%get3A_1556] {strides = array<i32>} : memref<10240xf32, #tpu.memory_space<vmem>>, vector<16xf32>,
    %get3A_1558 = vector.shape_cast %get3A_1557 : vector<16xf32> to vector<16xf32>
    %add3A_1559 = arith.addf %add3A_1555, %get3A_1558 : vector<16xf32>
    %get3A_1560 = arith.constant 4576 : index
    %get3A_1561 = tpu.vector_load %arg6[%get3A_1560] {strides = array<i32>} : memref<10240xf32, #tpu.memory_space<vmem>>, vector<16xf32>,
    %get3A_1562 = vector.shape_cast %get3A_1561 : vector<16xf32> to vector<16xf32>
    %add3A_1563 = arith.addf %add3A_1559, %get3A_1562 : vector<16xf32>
    %get3A_1564 = arith.constant 4608 : index
    %get3A_1565 = tpu.vector_load %arg6[%get3A_1564] {strides = array<i32>} : memref<10240xf32, #tpu.memory_space<vmem>>, vector<16xf32>,
    %get3A_1566 = vector.shape_cast %get3A_1565 : vector<16xf32> to vector<16xf32>
    %add3A_1567 = arith.addf %add3A_1563, %get3A_1566 : vector<16xf32>
    %get3A_1568 = arith.constant 4640 : index
    %get3A_1569 = tpu.vector_load %arg6[%get3A_1568] {strides = array<i32>} : memref<10240xf32, #tpu.memory_space<vmem>>, vector<16xf32>,
    %get3A_1570 = vector.shape_cast %get3A_1569 : vector<16xf32> to vector<16xf32>
    %add3A_1571 = arith.addf %add3A_1567, %get3A_1570 : vector<16xf32>
    %get3A_1572 = arith.constant 4672 : index
    %get3A_1573 = tpu.vector_load %arg6[%get3A_1572] {strides = array<i32>} : memref<10240xf32, #tpu.memory_space<vmem>>, vector<16xf32>,
    %get3A_1574 = vector.shape_cast %get3A_1573 : vector<16xf32> to vector<16xf32>
    %add3A_1575 = arith.addf %add3A_1571, %get3A_1574 : vector<16xf32>
    %get3A_1576 = arith.constant 4704 : index
    %get3A_1577 = tpu.vector_load %arg6[%get3A_1576] {strides = array<i32>} : memref<10240xf32, #tpu.memory_space<vmem>>, vector<16xf32>,
    %get3A_1578 = vector.shape_cast %get3A_1577 : vector<16xf32> to vector<16xf32>
    %add3A_1579 = arith.addf %add3A_1575, %get3A_1578 : vector<16xf32>
    %get3A_1580 = arith.constant 4736 : index
    %get3A_1581 = tpu.vector_load %arg6[%get3A_1580] {strides = array<i32>} : memref<10240xf32, #tpu.memory_space<vmem>>, vector<16xf32>,
    %get3A_1582 = vector.shape_cast %get3A_1581 : vector<16xf32> to vector<16xf32>
    %add3A_1583 = arith.addf %add3A_1579, %get3A_1582 : vector<16xf32>
    %get3A_1584 = arith.constant 4768 : index
    %get3A_1585 = tpu.vector_load %arg6[%get3A_1584] {strides = array<i32>} : memref<10240xf32, #tpu.memory_space<vmem>>, vector<16xf32>,
    %get3A_1586 = vector.shape_cast %get3A_1585 : vector<16xf32> to vector<16xf32>
    %add3A_1587 = arith.addf %add3A_1583, %get3A_1586 : vector<16xf32>
    %get3A_1588 = arith.constant 4800 : index
    %get3A_1589 = tpu.vector_load %arg6[%get3A_1588] {strides = array<i32>} : memref<10240xf32, #tpu.memory_space<vmem>>, vector<16xf32>,
    %get3A_1590 = vector.shape_cast %get3A_1589 : vector<16xf32> to vector<16xf32>
    %add3A_1591 = arith.addf %add3A_1587, %get3A_1590 : vector<16xf32>
    %get3A_1592 = arith.constant 4832 : index
    %get3A_1593 = tpu.vector_load %arg6[%get3A_1592] {strides = array<i32>} : memref<10240xf32, #tpu.memory_space<vmem>>, vector<16xf32>,
    %get3A_1594 = vector.shape_cast %get3A_1593 : vector<16xf32> to vector<16xf32>
    %add3A_1595 = arith.addf %add3A_1591, %get3A_1594 : vector<16xf32>
    %get3A_1596 = arith.constant 4864 : index
    %get3A_1597 = tpu.vector_load %arg6[%get3A_1596] {strides = array<i32>} : memref<10240xf32, #tpu.memory_space<vmem>>, vector<16xf32>,
    %get3A_1598 = vector.shape_cast %get3A_1597 : vector<16xf32> to vector<16xf32>
    %add3A_1599 = arith.addf %add3A_1595, %get3A_1598 : vector<16xf32>
    %get3A_1600 = arith.constant 4896 : index
    %get3A_1601 = tpu.vector_load %arg6[%get3A_1600] {strides = array<i32>} : memref<10240xf32, #tpu.memory_space<vmem>>, vector<16xf32>,
    %get3A_1602 = vector.shape_cast %get3A_1601 : vector<16xf32> to vector<16xf32>
    %add3A_1603 = arith.addf %add3A_1599, %get3A_1602 : vector<16xf32>
    %get3A_1604 = arith.constant 4928 : index
    %get3A_1605 = tpu.vector_load %arg6[%get3A_1604] {strides = array<i32>} : memref<10240xf32, #tpu.memory_space<vmem>>, vector<16xf32>,
    %get3A_1606 = vector.shape_cast %get3A_1605 : vector<16xf32> to vector<16xf32>
    %add3A_1607 = arith.addf %add3A_1603, %get3A_1606 : vector<16xf32>
    %get3A_1608 = arith.constant 4960 : index
    %get3A_1609 = tpu.vector_load %arg6[%get3A_1608] {strides = array<i32>} : memref<10240xf32, #tpu.memory_space<vmem>>, vector<16xf32>,
    %get3A_1610 = vector.shape_cast %get3A_1609 : vector<16xf32> to vector<16xf32>
    %add3A_1611 = arith.addf %add3A_1607, %get3A_1610 : vector<16xf32>
    %get3A_1612 = arith.constant 4992 : index
    %get3A_1613 = tpu.vector_load %arg6[%get3A_1612] {strides = array<i32>} : memref<10240xf32, #tpu.memory_space<vmem>>, vector<16xf32>,
    %get3A_1614 = vector.shape_cast %get3A_1613 : vector<16xf32> to vector<16xf32>
    %add3A_1615 = arith.addf %add3A_1611, %get3A_1614 : vector<16xf32>
    %get3A_1616 = arith.constant 5024 : index
    %get3A_1617 = tpu.vector_load %arg6[%get3A_1616] {strides = array<i32>} : memref<10240xf32, #tpu.memory_space<vmem>>, vector<16xf32>,
    %get3A_1618 = vector.shape_cast %get3A_1617 : vector<16xf32> to vector<16xf32>
    %add3A_1619 = arith.addf %add3A_1615, %get3A_1618 : vector<16xf32>
    %get3A_1620 = arith.constant 5056 : index
    %get3A_1621 = tpu.vector_load %arg6[%get3A_1620] {strides = array<i32>} : memref<10240xf32, #tpu.memory_space<vmem>>, vector<16xf32>,
    %get3A_1622 = vector.shape_cast %get3A_1621 : vector<16xf32> to vector<16xf32>
    %add3A_1623 = arith.addf %add3A_1619, %get3A_1622 : vector<16xf32>
    %get3A_1624 = arith.constant 5088 : index
    %get3A_1625 = tpu.vector_load %arg6[%get3A_1624] {strides = array<i32>} : memref<10240xf32, #tpu.memory_space<vmem>>, vector<16xf32>,
    %get3A_1626 = vector.shape_cast %get3A_1625 : vector<16xf32> to vector<16xf32>
    %add3A_1627 = arith.addf %add3A_1623, %get3A_1626 : vector<16xf32>
    %mul3A_1628 = arith.constant 5.000000e-02 : f32
    %mul3A_1629 = vector.broadcast %mul3A_1628 : f32 to vector<16xf32>
    %mul3A_1630 = arith.mulf %add3A_1627, %mul3A_1629 : vector<16xf32>
    %swap3A_1631 = arith.constant 7 : i32
    %swap3A_1632 = arith.index_cast %swap3A_1631 : i32 to index
    %swap3A_1633 = arith.constant 0 : index
    %swap3A_1634 = tpu.vector_load %arg7[%swap3A_1632, %swap3A_1633] {strides = array<i32>} : memref<16x32xf32, #tpu.memory_space<vmem>>, vector<1x16xf32>,
    %swap3A_1635 = vector.shape_cast %swap3A_1634 : vector<1x16xf32> to vector<16xf32>
    %swap3A_1636 = vector.shape_cast %mul3A_1630 : vector<16xf32> to vector<1x16xf32>
    tpu.vector_store %arg7[%swap3A_1632, %swap3A_1633], %swap3A_1636 {strides = array<i32>} : memref<16x32xf32, #tpu.memory_space<vmem>>, vector<1x16xf32>,
    %get3A_1637 = arith.constant 4496 : index
    %get3A_1638 = tpu.vector_load %arg6[%get3A_1637] {strides = array<i32>} : memref<10240xf32, #tpu.memory_space<vmem>>, vector<16xf32>,
    %get3A_1639 = vector.shape_cast %get3A_1638 : vector<16xf32> to vector<16xf32>
    %get3A_1640 = arith.constant 4528 : index
    %get3A_1641 = tpu.vector_load %arg6[%get3A_1640] {strides = array<i32>} : memref<10240xf32, #tpu.memory_space<vmem>>, vector<16xf32>,
    %get3A_1642 = vector.shape_cast %get3A_1641 : vector<16xf32> to vector<16xf32>
    %add3A_1643 = arith.addf %get3A_1639, %get3A_1642 : vector<16xf32>
    %get3A_1644 = arith.constant 4560 : index
    %get3A_1645 = tpu.vector_load %arg6[%get3A_1644] {strides = array<i32>} : memref<10240xf32, #tpu.memory_space<vmem>>, vector<16xf32>,
    %get3A_1646 = vector.shape_cast %get3A_1645 : vector<16xf32> to vector<16xf32>
    %add3A_1647 = arith.addf %add3A_1643, %get3A_1646 : vector<16xf32>
    %get3A_1648 = arith.constant 4592 : index
    %get3A_1649 = tpu.vector_load %arg6[%get3A_1648] {strides = array<i32>} : memref<10240xf32, #tpu.memory_space<vmem>>, vector<16xf32>,
    %get3A_1650 = vector.shape_cast %get3A_1649 : vector<16xf32> to vector<16xf32>
    %add3A_1651 = arith.addf %add3A_1647, %get3A_1650 : vector<16xf32>
    %get3A_1652 = arith.constant 4624 : index
    %get3A_1653 = tpu.vector_load %arg6[%get3A_1652] {strides = array<i32>} : memref<10240xf32, #tpu.memory_space<vmem>>, vector<16xf32>,
    %get3A_1654 = vector.shape_cast %get3A_1653 : vector<16xf32> to vector<16xf32>
    %add3A_1655 = arith.addf %add3A_1651, %get3A_1654 : vector<16xf32>
    %get3A_1656 = arith.constant 4656 : index
    %get3A_1657 = tpu.vector_load %arg6[%get3A_1656] {strides = array<i32>} : memref<10240xf32, #tpu.memory_space<vmem>>, vector<16xf32>,
    %get3A_1658 = vector.shape_cast %get3A_1657 : vector<16xf32> to vector<16xf32>
    %add3A_1659 = arith.addf %add3A_1655, %get3A_1658 : vector<16xf32>
    %get3A_1660 = arith.constant 4688 : index
    %get3A_1661 = tpu.vector_load %arg6[%get3A_1660] {strides = array<i32>} : memref<10240xf32, #tpu.memory_space<vmem>>, vector<16xf32>,
    %get3A_1662 = vector.shape_cast %get3A_1661 : vector<16xf32> to vector<16xf32>
    %add3A_1663 = arith.addf %add3A_1659, %get3A_1662 : vector<16xf32>
    %get3A_1664 = arith.constant 4720 : index
    %get3A_1665 = tpu.vector_load %arg6[%get3A_1664] {strides = array<i32>} : memref<10240xf32, #tpu.memory_space<vmem>>, vector<16xf32>,
    %get3A_1666 = vector.shape_cast %get3A_1665 : vector<16xf32> to vector<16xf32>
    %add3A_1667 = arith.addf %add3A_1663, %get3A_1666 : vector<16xf32>
    %get3A_1668 = arith.constant 4752 : index
    %get3A_1669 = tpu.vector_load %arg6[%get3A_1668] {strides = array<i32>} : memref<10240xf32, #tpu.memory_space<vmem>>, vector<16xf32>,
    %get3A_1670 = vector.shape_cast %get3A_1669 : vector<16xf32> to vector<16xf32>
    %add3A_1671 = arith.addf %add3A_1667, %get3A_1670 : vector<16xf32>
    %get3A_1672 = arith.constant 4784 : index
    %get3A_1673 = tpu.vector_load %arg6[%get3A_1672] {strides = array<i32>} : memref<10240xf32, #tpu.memory_space<vmem>>, vector<16xf32>,
    %get3A_1674 = vector.shape_cast %get3A_1673 : vector<16xf32> to vector<16xf32>
    %add3A_1675 = arith.addf %add3A_1671, %get3A_1674 : vector<16xf32>
    %get3A_1676 = arith.constant 4816 : index
    %get3A_1677 = tpu.vector_load %arg6[%get3A_1676] {strides = array<i32>} : memref<10240xf32, #tpu.memory_space<vmem>>, vector<16xf32>,
    %get3A_1678 = vector.shape_cast %get3A_1677 : vector<16xf32> to vector<16xf32>
    %add3A_1679 = arith.addf %add3A_1675, %get3A_1678 : vector<16xf32>
    %get3A_1680 = arith.constant 4848 : index
    %get3A_1681 = tpu.vector_load %arg6[%get3A_1680] {strides = array<i32>} : memref<10240xf32, #tpu.memory_space<vmem>>, vector<16xf32>,
    %get3A_1682 = vector.shape_cast %get3A_1681 : vector<16xf32> to vector<16xf32>
    %add3A_1683 = arith.addf %add3A_1679, %get3A_1682 : vector<16xf32>
    %get3A_1684 = arith.constant 4880 : index
    %get3A_1685 = tpu.vector_load %arg6[%get3A_1684] {strides = array<i32>} : memref<10240xf32, #tpu.memory_space<vmem>>, vector<16xf32>,
    %get3A_1686 = vector.shape_cast %get3A_1685 : vector<16xf32> to vector<16xf32>
    %add3A_1687 = arith.addf %add3A_1683, %get3A_1686 : vector<16xf32>
    %get3A_1688 = arith.constant 4912 : index
    %get3A_1689 = tpu.vector_load %arg6[%get3A_1688] {strides = array<i32>} : memref<10240xf32, #tpu.memory_space<vmem>>, vector<16xf32>,
    %get3A_1690 = vector.shape_cast %get3A_1689 : vector<16xf32> to vector<16xf32>
    %add3A_1691 = arith.addf %add3A_1687, %get3A_1690 : vector<16xf32>
    %get3A_1692 = arith.constant 4944 : index
    %get3A_1693 = tpu.vector_load %arg6[%get3A_1692] {strides = array<i32>} : memref<10240xf32, #tpu.memory_space<vmem>>, vector<16xf32>,
    %get3A_1694 = vector.shape_cast %get3A_1693 : vector<16xf32> to vector<16xf32>
    %add3A_1695 = arith.addf %add3A_1691, %get3A_1694 : vector<16xf32>
    %get3A_1696 = arith.constant 4976 : index
    %get3A_1697 = tpu.vector_load %arg6[%get3A_1696] {strides = array<i32>} : memref<10240xf32, #tpu.memory_space<vmem>>, vector<16xf32>,
    %get3A_1698 = vector.shape_cast %get3A_1697 : vector<16xf32> to vector<16xf32>
    %add3A_1699 = arith.addf %add3A_1695, %get3A_1698 : vector<16xf32>
    %get3A_1700 = arith.constant 5008 : index
    %get3A_1701 = tpu.vector_load %arg6[%get3A_1700] {strides = array<i32>} : memref<10240xf32, #tpu.memory_space<vmem>>, vector<16xf32>,
    %get3A_1702 = vector.shape_cast %get3A_1701 : vector<16xf32> to vector<16xf32>
    %add3A_1703 = arith.addf %add3A_1699, %get3A_1702 : vector<16xf32>
    %get3A_1704 = arith.constant 5040 : index
    %get3A_1705 = tpu.vector_load %arg6[%get3A_1704] {strides = array<i32>} : memref<10240xf32, #tpu.memory_space<vmem>>, vector<16xf32>,
    %get3A_1706 = vector.shape_cast %get3A_1705 : vector<16xf32> to vector<16xf32>
    %add3A_1707 = arith.addf %add3A_1703, %get3A_1706 : vector<16xf32>
    %get3A_1708 = arith.constant 5072 : index
    %get3A_1709 = tpu.vector_load %arg6[%get3A_1708] {strides = array<i32>} : memref<10240xf32, #tpu.memory_space<vmem>>, vector<16xf32>,
    %get3A_1710 = vector.shape_cast %get3A_1709 : vector<16xf32> to vector<16xf32>
    %add3A_1711 = arith.addf %add3A_1707, %get3A_1710 : vector<16xf32>
    %get3A_1712 = arith.constant 5104 : index
    %get3A_1713 = tpu.vector_load %arg6[%get3A_1712] {strides = array<i32>} : memref<10240xf32, #tpu.memory_space<vmem>>, vector<16xf32>,
    %get3A_1714 = vector.shape_cast %get3A_1713 : vector<16xf32> to vector<16xf32>
    %add3A_1715 = arith.addf %add3A_1711, %get3A_1714 : vector<16xf32>
    %mul3A_1716 = arith.constant 5.000000e-02 : f32
    %mul3A_1717 = vector.broadcast %mul3A_1716 : f32 to vector<16xf32>
    %mul3A_1718 = arith.mulf %add3A_1715, %mul3A_1717 : vector<16xf32>
    %swap3A_1719 = arith.constant 7 : i32
    %swap3A_1720 = arith.index_cast %swap3A_1719 : i32 to index
    %swap3A_1721 = arith.constant 16 : index
    %swap3A_1722 = tpu.vector_load %arg7[%swap3A_1720, %swap3A_1721] {strides = array<i32>} : memref<16x32xf32, #tpu.memory_space<vmem>>, vector<1x16xf32>,
    %swap3A_1723 = vector.shape_cast %swap3A_1722 : vector<1x16xf32> to vector<16xf32>
    %swap3A_1724 = vector.shape_cast %mul3A_1718 : vector<16xf32> to vector<1x16xf32>
    tpu.vector_store %arg7[%swap3A_1720, %swap3A_1721], %swap3A_1724 {strides = array<i32>} : memref<16x32xf32, #tpu.memory_space<vmem>>, vector<1x16xf32>,
    %get3A_1725 = arith.constant 5120 : index
    %get3A_1726 = tpu.vector_load %arg6[%get3A_1725] {strides = array<i32>} : memref<10240xf32, #tpu.memory_space<vmem>>, vector<16xf32>,
    %get3A_1727 = vector.shape_cast %get3A_1726 : vector<16xf32> to vector<16xf32>
    %get3A_1728 = arith.constant 5152 : index
    %get3A_1729 = tpu.vector_load %arg6[%get3A_1728] {strides = array<i32>} : memref<10240xf32, #tpu.memory_space<vmem>>, vector<16xf32>,
    %get3A_1730 = vector.shape_cast %get3A_1729 : vector<16xf32> to vector<16xf32>
    %add3A_1731 = arith.addf %get3A_1727, %get3A_1730 : vector<16xf32>
    %get3A_1732 = arith.constant 5184 : index
    %get3A_1733 = tpu.vector_load %arg6[%get3A_1732] {strides = array<i32>} : memref<10240xf32, #tpu.memory_space<vmem>>, vector<16xf32>,
    %get3A_1734 = vector.shape_cast %get3A_1733 : vector<16xf32> to vector<16xf32>
    %add3A_1735 = arith.addf %add3A_1731, %get3A_1734 : vector<16xf32>
    %get3A_1736 = arith.constant 5216 : index
    %get3A_1737 = tpu.vector_load %arg6[%get3A_1736] {strides = array<i32>} : memref<10240xf32, #tpu.memory_space<vmem>>, vector<16xf32>,
    %get3A_1738 = vector.shape_cast %get3A_1737 : vector<16xf32> to vector<16xf32>
    %add3A_1739 = arith.addf %add3A_1735, %get3A_1738 : vector<16xf32>
    %get3A_1740 = arith.constant 5248 : index
    %get3A_1741 = tpu.vector_load %arg6[%get3A_1740] {strides = array<i32>} : memref<10240xf32, #tpu.memory_space<vmem>>, vector<16xf32>,
    %get3A_1742 = vector.shape_cast %get3A_1741 : vector<16xf32> to vector<16xf32>
    %add3A_1743 = arith.addf %add3A_1739, %get3A_1742 : vector<16xf32>
    %get3A_1744 = arith.constant 5280 : index
    %get3A_1745 = tpu.vector_load %arg6[%get3A_1744] {strides = array<i32>} : memref<10240xf32, #tpu.memory_space<vmem>>, vector<16xf32>,
    %get3A_1746 = vector.shape_cast %get3A_1745 : vector<16xf32> to vector<16xf32>
    %add3A_1747 = arith.addf %add3A_1743, %get3A_1746 : vector<16xf32>
    %get3A_1748 = arith.constant 5312 : index
    %get3A_1749 = tpu.vector_load %arg6[%get3A_1748] {strides = array<i32>} : memref<10240xf32, #tpu.memory_space<vmem>>, vector<16xf32>,
    %get3A_1750 = vector.shape_cast %get3A_1749 : vector<16xf32> to vector<16xf32>
    %add3A_1751 = arith.addf %add3A_1747, %get3A_1750 : vector<16xf32>
    %get3A_1752 = arith.constant 5344 : index
    %get3A_1753 = tpu.vector_load %arg6[%get3A_1752] {strides = array<i32>} : memref<10240xf32, #tpu.memory_space<vmem>>, vector<16xf32>,
    %get3A_1754 = vector.shape_cast %get3A_1753 : vector<16xf32> to vector<16xf32>
    %add3A_1755 = arith.addf %add3A_1751, %get3A_1754 : vector<16xf32>
    %get3A_1756 = arith.constant 5376 : index
    %get3A_1757 = tpu.vector_load %arg6[%get3A_1756] {strides = array<i32>} : memref<10240xf32, #tpu.memory_space<vmem>>, vector<16xf32>,
    %get3A_1758 = vector.shape_cast %get3A_1757 : vector<16xf32> to vector<16xf32>
    %add3A_1759 = arith.addf %add3A_1755, %get3A_1758 : vector<16xf32>
    %get3A_1760 = arith.constant 5408 : index
    %get3A_1761 = tpu.vector_load %arg6[%get3A_1760] {strides = array<i32>} : memref<10240xf32, #tpu.memory_space<vmem>>, vector<16xf32>,
    %get3A_1762 = vector.shape_cast %get3A_1761 : vector<16xf32> to vector<16xf32>
    %add3A_1763 = arith.addf %add3A_1759, %get3A_1762 : vector<16xf32>
    %get3A_1764 = arith.constant 5440 : index
    %get3A_1765 = tpu.vector_load %arg6[%get3A_1764] {strides = array<i32>} : memref<10240xf32, #tpu.memory_space<vmem>>, vector<16xf32>,
    %get3A_1766 = vector.shape_cast %get3A_1765 : vector<16xf32> to vector<16xf32>
    %add3A_1767 = arith.addf %add3A_1763, %get3A_1766 : vector<16xf32>
    %get3A_1768 = arith.constant 5472 : index
    %get3A_1769 = tpu.vector_load %arg6[%get3A_1768] {strides = array<i32>} : memref<10240xf32, #tpu.memory_space<vmem>>, vector<16xf32>,
    %get3A_1770 = vector.shape_cast %get3A_1769 : vector<16xf32> to vector<16xf32>
    %add3A_1771 = arith.addf %add3A_1767, %get3A_1770 : vector<16xf32>
    %get3A_1772 = arith.constant 5504 : index
    %get3A_1773 = tpu.vector_load %arg6[%get3A_1772] {strides = array<i32>} : memref<10240xf32, #tpu.memory_space<vmem>>, vector<16xf32>,
    %get3A_1774 = vector.shape_cast %get3A_1773 : vector<16xf32> to vector<16xf32>
    %add3A_1775 = arith.addf %add3A_1771, %get3A_1774 : vector<16xf32>
    %get3A_1776 = arith.constant 5536 : index
    %get3A_1777 = tpu.vector_load %arg6[%get3A_1776] {strides = array<i32>} : memref<10240xf32, #tpu.memory_space<vmem>>, vector<16xf32>,
    %get3A_1778 = vector.shape_cast %get3A_1777 : vector<16xf32> to vector<16xf32>
    %add3A_1779 = arith.addf %add3A_1775, %get3A_1778 : vector<16xf32>
    %get3A_1780 = arith.constant 5568 : index
    %get3A_1781 = tpu.vector_load %arg6[%get3A_1780] {strides = array<i32>} : memref<10240xf32, #tpu.memory_space<vmem>>, vector<16xf32>,
    %get3A_1782 = vector.shape_cast %get3A_1781 : vector<16xf32> to vector<16xf32>
    %add3A_1783 = arith.addf %add3A_1779, %get3A_1782 : vector<16xf32>
    %get3A_1784 = arith.constant 5600 : index
    %get3A_1785 = tpu.vector_load %arg6[%get3A_1784] {strides = array<i32>} : memref<10240xf32, #tpu.memory_space<vmem>>, vector<16xf32>,
    %get3A_1786 = vector.shape_cast %get3A_1785 : vector<16xf32> to vector<16xf32>
    %add3A_1787 = arith.addf %add3A_1783, %get3A_1786 : vector<16xf32>
    %get3A_1788 = arith.constant 5632 : index
    %get3A_1789 = tpu.vector_load %arg6[%get3A_1788] {strides = array<i32>} : memref<10240xf32, #tpu.memory_space<vmem>>, vector<16xf32>,
    %get3A_1790 = vector.shape_cast %get3A_1789 : vector<16xf32> to vector<16xf32>
    %add3A_1791 = arith.addf %add3A_1787, %get3A_1790 : vector<16xf32>
    %get3A_1792 = arith.constant 5664 : index
    %get3A_1793 = tpu.vector_load %arg6[%get3A_1792] {strides = array<i32>} : memref<10240xf32, #tpu.memory_space<vmem>>, vector<16xf32>,
    %get3A_1794 = vector.shape_cast %get3A_1793 : vector<16xf32> to vector<16xf32>
    %add3A_1795 = arith.addf %add3A_1791, %get3A_1794 : vector<16xf32>
    %get3A_1796 = arith.constant 5696 : index
    %get3A_1797 = tpu.vector_load %arg6[%get3A_1796] {strides = array<i32>} : memref<10240xf32, #tpu.memory_space<vmem>>, vector<16xf32>,
    %get3A_1798 = vector.shape_cast %get3A_1797 : vector<16xf32> to vector<16xf32>
    %add3A_1799 = arith.addf %add3A_1795, %get3A_1798 : vector<16xf32>
    %get3A_1800 = arith.constant 5728 : index
    %get3A_1801 = tpu.vector_load %arg6[%get3A_1800] {strides = array<i32>} : memref<10240xf32, #tpu.memory_space<vmem>>, vector<16xf32>,
    %get3A_1802 = vector.shape_cast %get3A_1801 : vector<16xf32> to vector<16xf32>
    %add3A_1803 = arith.addf %add3A_1799, %get3A_1802 : vector<16xf32>
    %mul3A_1804 = arith.constant 5.000000e-02 : f32
    %mul3A_1805 = vector.broadcast %mul3A_1804 : f32 to vector<16xf32>
    %mul3A_1806 = arith.mulf %add3A_1803, %mul3A_1805 : vector<16xf32>
    %swap3A_1807 = arith.constant 8 : i32
    %swap3A_1808 = arith.index_cast %swap3A_1807 : i32 to index
    %swap3A_1809 = arith.constant 0 : index
    %swap3A_1810 = tpu.vector_load %arg7[%swap3A_1808, %swap3A_1809] {strides = array<i32>} : memref<16x32xf32, #tpu.memory_space<vmem>>, vector<1x16xf32>,
    %swap3A_1811 = vector.shape_cast %swap3A_1810 : vector<1x16xf32> to vector<16xf32>
    %swap3A_1812 = vector.shape_cast %mul3A_1806 : vector<16xf32> to vector<1x16xf32>
    tpu.vector_store %arg7[%swap3A_1808, %swap3A_1809], %swap3A_1812 {strides = array<i32>} : memref<16x32xf32, #tpu.memory_space<vmem>>, vector<1x16xf32>,
    %get3A_1813 = arith.constant 5136 : index
    %get3A_1814 = tpu.vector_load %arg6[%get3A_1813] {strides = array<i32>} : memref<10240xf32, #tpu.memory_space<vmem>>, vector<16xf32>,
    %get3A_1815 = vector.shape_cast %get3A_1814 : vector<16xf32> to vector<16xf32>
    %get3A_1816 = arith.constant 5168 : index
    %get3A_1817 = tpu.vector_load %arg6[%get3A_1816] {strides = array<i32>} : memref<10240xf32, #tpu.memory_space<vmem>>, vector<16xf32>,
    %get3A_1818 = vector.shape_cast %get3A_1817 : vector<16xf32> to vector<16xf32>
    %add3A_1819 = arith.addf %get3A_1815, %get3A_1818 : vector<16xf32>
    %get3A_1820 = arith.constant 5200 : index
    %get3A_1821 = tpu.vector_load %arg6[%get3A_1820] {strides = array<i32>} : memref<10240xf32, #tpu.memory_space<vmem>>, vector<16xf32>,
    %get3A_1822 = vector.shape_cast %get3A_1821 : vector<16xf32> to vector<16xf32>
    %add3A_1823 = arith.addf %add3A_1819, %get3A_1822 : vector<16xf32>
    %get3A_1824 = arith.constant 5232 : index
    %get3A_1825 = tpu.vector_load %arg6[%get3A_1824] {strides = array<i32>} : memref<10240xf32, #tpu.memory_space<vmem>>, vector<16xf32>,
    %get3A_1826 = vector.shape_cast %get3A_1825 : vector<16xf32> to vector<16xf32>
    %add3A_1827 = arith.addf %add3A_1823, %get3A_1826 : vector<16xf32>
    %get3A_1828 = arith.constant 5264 : index
    %get3A_1829 = tpu.vector_load %arg6[%get3A_1828] {strides = array<i32>} : memref<10240xf32, #tpu.memory_space<vmem>>, vector<16xf32>,
    %get3A_1830 = vector.shape_cast %get3A_1829 : vector<16xf32> to vector<16xf32>
    %add3A_1831 = arith.addf %add3A_1827, %get3A_1830 : vector<16xf32>
    %get3A_1832 = arith.constant 5296 : index
    %get3A_1833 = tpu.vector_load %arg6[%get3A_1832] {strides = array<i32>} : memref<10240xf32, #tpu.memory_space<vmem>>, vector<16xf32>,
    %get3A_1834 = vector.shape_cast %get3A_1833 : vector<16xf32> to vector<16xf32>
    %add3A_1835 = arith.addf %add3A_1831, %get3A_1834 : vector<16xf32>
    %get3A_1836 = arith.constant 5328 : index
    %get3A_1837 = tpu.vector_load %arg6[%get3A_1836] {strides = array<i32>} : memref<10240xf32, #tpu.memory_space<vmem>>, vector<16xf32>,
    %get3A_1838 = vector.shape_cast %get3A_1837 : vector<16xf32> to vector<16xf32>
    %add3A_1839 = arith.addf %add3A_1835, %get3A_1838 : vector<16xf32>
    %get3A_1840 = arith.constant 5360 : index
    %get3A_1841 = tpu.vector_load %arg6[%get3A_1840] {strides = array<i32>} : memref<10240xf32, #tpu.memory_space<vmem>>, vector<16xf32>,
    %get3A_1842 = vector.shape_cast %get3A_1841 : vector<16xf32> to vector<16xf32>
    %add3A_1843 = arith.addf %add3A_1839, %get3A_1842 : vector<16xf32>
    %get3A_1844 = arith.constant 5392 : index
    %get3A_1845 = tpu.vector_load %arg6[%get3A_1844] {strides = array<i32>} : memref<10240xf32, #tpu.memory_space<vmem>>, vector<16xf32>,
    %get3A_1846 = vector.shape_cast %get3A_1845 : vector<16xf32> to vector<16xf32>
    %add3A_1847 = arith.addf %add3A_1843, %get3A_1846 : vector<16xf32>
    %get3A_1848 = arith.constant 5424 : index
    %get3A_1849 = tpu.vector_load %arg6[%get3A_1848] {strides = array<i32>} : memref<10240xf32, #tpu.memory_space<vmem>>, vector<16xf32>,
    %get3A_1850 = vector.shape_cast %get3A_1849 : vector<16xf32> to vector<16xf32>
    %add3A_1851 = arith.addf %add3A_1847, %get3A_1850 : vector<16xf32>
    %get3A_1852 = arith.constant 5456 : index
    %get3A_1853 = tpu.vector_load %arg6[%get3A_1852] {strides = array<i32>} : memref<10240xf32, #tpu.memory_space<vmem>>, vector<16xf32>,
    %get3A_1854 = vector.shape_cast %get3A_1853 : vector<16xf32> to vector<16xf32>
    %add3A_1855 = arith.addf %add3A_1851, %get3A_1854 : vector<16xf32>
    %get3A_1856 = arith.constant 5488 : index
    %get3A_1857 = tpu.vector_load %arg6[%get3A_1856] {strides = array<i32>} : memref<10240xf32, #tpu.memory_space<vmem>>, vector<16xf32>,
    %get3A_1858 = vector.shape_cast %get3A_1857 : vector<16xf32> to vector<16xf32>
    %add3A_1859 = arith.addf %add3A_1855, %get3A_1858 : vector<16xf32>
    %get3A_1860 = arith.constant 5520 : index
    %get3A_1861 = tpu.vector_load %arg6[%get3A_1860] {strides = array<i32>} : memref<10240xf32, #tpu.memory_space<vmem>>, vector<16xf32>,
    %get3A_1862 = vector.shape_cast %get3A_1861 : vector<16xf32> to vector<16xf32>
    %add3A_1863 = arith.addf %add3A_1859, %get3A_1862 : vector<16xf32>
    %get3A_1864 = arith.constant 5552 : index
    %get3A_1865 = tpu.vector_load %arg6[%get3A_1864] {strides = array<i32>} : memref<10240xf32, #tpu.memory_space<vmem>>, vector<16xf32>,
    %get3A_1866 = vector.shape_cast %get3A_1865 : vector<16xf32> to vector<16xf32>
    %add3A_1867 = arith.addf %add3A_1863, %get3A_1866 : vector<16xf32>
    %get3A_1868 = arith.constant 5584 : index
    %get3A_1869 = tpu.vector_load %arg6[%get3A_1868] {strides = array<i32>} : memref<10240xf32, #tpu.memory_space<vmem>>, vector<16xf32>,
    %get3A_1870 = vector.shape_cast %get3A_1869 : vector<16xf32> to vector<16xf32>
    %add3A_1871 = arith.addf %add3A_1867, %get3A_1870 : vector<16xf32>
    %get3A_1872 = arith.constant 5616 : index
    %get3A_1873 = tpu.vector_load %arg6[%get3A_1872] {strides = array<i32>} : memref<10240xf32, #tpu.memory_space<vmem>>, vector<16xf32>,
    %get3A_1874 = vector.shape_cast %get3A_1873 : vector<16xf32> to vector<16xf32>
    %add3A_1875 = arith.addf %add3A_1871, %get3A_1874 : vector<16xf32>
    %get3A_1876 = arith.constant 5648 : index
    %get3A_1877 = tpu.vector_load %arg6[%get3A_1876] {strides = array<i32>} : memref<10240xf32, #tpu.memory_space<vmem>>, vector<16xf32>,
    %get3A_1878 = vector.shape_cast %get3A_1877 : vector<16xf32> to vector<16xf32>
    %add3A_1879 = arith.addf %add3A_1875, %get3A_1878 : vector<16xf32>
    %get3A_1880 = arith.constant 5680 : index
    %get3A_1881 = tpu.vector_load %arg6[%get3A_1880] {strides = array<i32>} : memref<10240xf32, #tpu.memory_space<vmem>>, vector<16xf32>,
    %get3A_1882 = vector.shape_cast %get3A_1881 : vector<16xf32> to vector<16xf32>
    %add3A_1883 = arith.addf %add3A_1879, %get3A_1882 : vector<16xf32>
    %get3A_1884 = arith.constant 5712 : index
    %get3A_1885 = tpu.vector_load %arg6[%get3A_1884] {strides = array<i32>} : memref<10240xf32, #tpu.memory_space<vmem>>, vector<16xf32>,
    %get3A_1886 = vector.shape_cast %get3A_1885 : vector<16xf32> to vector<16xf32>
    %add3A_1887 = arith.addf %add3A_1883, %get3A_1886 : vector<16xf32>
    %get3A_1888 = arith.constant 5744 : index
    %get3A_1889 = tpu.vector_load %arg6[%get3A_1888] {strides = array<i32>} : memref<10240xf32, #tpu.memory_space<vmem>>, vector<16xf32>,
    %get3A_1890 = vector.shape_cast %get3A_1889 : vector<16xf32> to vector<16xf32>
    %add3A_1891 = arith.addf %add3A_1887, %get3A_1890 : vector<16xf32>
    %mul3A_1892 = arith.constant 5.000000e-02 : f32
    %mul3A_1893 = vector.broadcast %mul3A_1892 : f32 to vector<16xf32>
    %mul3A_1894 = arith.mulf %add3A_1891, %mul3A_1893 : vector<16xf32>
    %swap3A_1895 = arith.constant 8 : i32
    %swap3A_1896 = arith.index_cast %swap3A_1895 : i32 to index
    %swap3A_1897 = arith.constant 16 : index
    %swap3A_1898 = tpu.vector_load %arg7[%swap3A_1896, %swap3A_1897] {strides = array<i32>} : memref<16x32xf32, #tpu.memory_space<vmem>>, vector<1x16xf32>,
    %swap3A_1899 = vector.shape_cast %swap3A_1898 : vector<1x16xf32> to vector<16xf32>
    %swap3A_1900 = vector.shape_cast %mul3A_1894 : vector<16xf32> to vector<1x16xf32>
    tpu.vector_store %arg7[%swap3A_1896, %swap3A_1897], %swap3A_1900 {strides = array<i32>} : memref<16x32xf32, #tpu.memory_space<vmem>>, vector<1x16xf32>,
    %get3A_1901 = arith.constant 5760 : index
    %get3A_1902 = tpu.vector_load %arg6[%get3A_1901] {strides = array<i32>} : memref<10240xf32, #tpu.memory_space<vmem>>, vector<16xf32>,
    %get3A_1903 = vector.shape_cast %get3A_1902 : vector<16xf32> to vector<16xf32>
    %get3A_1904 = arith.constant 5792 : index
    %get3A_1905 = tpu.vector_load %arg6[%get3A_1904] {strides = array<i32>} : memref<10240xf32, #tpu.memory_space<vmem>>, vector<16xf32>,
    %get3A_1906 = vector.shape_cast %get3A_1905 : vector<16xf32> to vector<16xf32>
    %add3A_1907 = arith.addf %get3A_1903, %get3A_1906 : vector<16xf32>
    %get3A_1908 = arith.constant 5824 : index
    %get3A_1909 = tpu.vector_load %arg6[%get3A_1908] {strides = array<i32>} : memref<10240xf32, #tpu.memory_space<vmem>>, vector<16xf32>,
    %get3A_1910 = vector.shape_cast %get3A_1909 : vector<16xf32> to vector<16xf32>
    %add3A_1911 = arith.addf %add3A_1907, %get3A_1910 : vector<16xf32>
    %get3A_1912 = arith.constant 5856 : index
    %get3A_1913 = tpu.vector_load %arg6[%get3A_1912] {strides = array<i32>} : memref<10240xf32, #tpu.memory_space<vmem>>, vector<16xf32>,
    %get3A_1914 = vector.shape_cast %get3A_1913 : vector<16xf32> to vector<16xf32>
    %add3A_1915 = arith.addf %add3A_1911, %get3A_1914 : vector<16xf32>
    %get3A_1916 = arith.constant 5888 : index
    %get3A_1917 = tpu.vector_load %arg6[%get3A_1916] {strides = array<i32>} : memref<10240xf32, #tpu.memory_space<vmem>>, vector<16xf32>,
    %get3A_1918 = vector.shape_cast %get3A_1917 : vector<16xf32> to vector<16xf32>
    %add3A_1919 = arith.addf %add3A_1915, %get3A_1918 : vector<16xf32>
    %get3A_1920 = arith.constant 5920 : index
    %get3A_1921 = tpu.vector_load %arg6[%get3A_1920] {strides = array<i32>} : memref<10240xf32, #tpu.memory_space<vmem>>, vector<16xf32>,
    %get3A_1922 = vector.shape_cast %get3A_1921 : vector<16xf32> to vector<16xf32>
    %add3A_1923 = arith.addf %add3A_1919, %get3A_1922 : vector<16xf32>
    %get3A_1924 = arith.constant 5952 : index
    %get3A_1925 = tpu.vector_load %arg6[%get3A_1924] {strides = array<i32>} : memref<10240xf32, #tpu.memory_space<vmem>>, vector<16xf32>,
    %get3A_1926 = vector.shape_cast %get3A_1925 : vector<16xf32> to vector<16xf32>
    %add3A_1927 = arith.addf %add3A_1923, %get3A_1926 : vector<16xf32>
    %get3A_1928 = arith.constant 5984 : index
    %get3A_1929 = tpu.vector_load %arg6[%get3A_1928] {strides = array<i32>} : memref<10240xf32, #tpu.memory_space<vmem>>, vector<16xf32>,
    %get3A_1930 = vector.shape_cast %get3A_1929 : vector<16xf32> to vector<16xf32>
    %add3A_1931 = arith.addf %add3A_1927, %get3A_1930 : vector<16xf32>
    %get3A_1932 = arith.constant 6016 : index
    %get3A_1933 = tpu.vector_load %arg6[%get3A_1932] {strides = array<i32>} : memref<10240xf32, #tpu.memory_space<vmem>>, vector<16xf32>,
    %get3A_1934 = vector.shape_cast %get3A_1933 : vector<16xf32> to vector<16xf32>
    %add3A_1935 = arith.addf %add3A_1931, %get3A_1934 : vector<16xf32>
    %get3A_1936 = arith.constant 6048 : index
    %get3A_1937 = tpu.vector_load %arg6[%get3A_1936] {strides = array<i32>} : memref<10240xf32, #tpu.memory_space<vmem>>, vector<16xf32>,
    %get3A_1938 = vector.shape_cast %get3A_1937 : vector<16xf32> to vector<16xf32>
    %add3A_1939 = arith.addf %add3A_1935, %get3A_1938 : vector<16xf32>
    %get3A_1940 = arith.constant 6080 : index
    %get3A_1941 = tpu.vector_load %arg6[%get3A_1940] {strides = array<i32>} : memref<10240xf32, #tpu.memory_space<vmem>>, vector<16xf32>,
    %get3A_1942 = vector.shape_cast %get3A_1941 : vector<16xf32> to vector<16xf32>
    %add3A_1943 = arith.addf %add3A_1939, %get3A_1942 : vector<16xf32>
    %get3A_1944 = arith.constant 6112 : index
    %get3A_1945 = tpu.vector_load %arg6[%get3A_1944] {strides = array<i32>} : memref<10240xf32, #tpu.memory_space<vmem>>, vector<16xf32>,
    %get3A_1946 = vector.shape_cast %get3A_1945 : vector<16xf32> to vector<16xf32>
    %add3A_1947 = arith.addf %add3A_1943, %get3A_1946 : vector<16xf32>
    %get3A_1948 = arith.constant 6144 : index
    %get3A_1949 = tpu.vector_load %arg6[%get3A_1948] {strides = array<i32>} : memref<10240xf32, #tpu.memory_space<vmem>>, vector<16xf32>,
    %get3A_1950 = vector.shape_cast %get3A_1949 : vector<16xf32> to vector<16xf32>
    %add3A_1951 = arith.addf %add3A_1947, %get3A_1950 : vector<16xf32>
    %get3A_1952 = arith.constant 6176 : index
    %get3A_1953 = tpu.vector_load %arg6[%get3A_1952] {strides = array<i32>} : memref<10240xf32, #tpu.memory_space<vmem>>, vector<16xf32>,
    %get3A_1954 = vector.shape_cast %get3A_1953 : vector<16xf32> to vector<16xf32>
    %add3A_1955 = arith.addf %add3A_1951, %get3A_1954 : vector<16xf32>
    %get3A_1956 = arith.constant 6208 : index
    %get3A_1957 = tpu.vector_load %arg6[%get3A_1956] {strides = array<i32>} : memref<10240xf32, #tpu.memory_space<vmem>>, vector<16xf32>,
    %get3A_1958 = vector.shape_cast %get3A_1957 : vector<16xf32> to vector<16xf32>
    %add3A_1959 = arith.addf %add3A_1955, %get3A_1958 : vector<16xf32>
    %get3A_1960 = arith.constant 6240 : index
    %get3A_1961 = tpu.vector_load %arg6[%get3A_1960] {strides = array<i32>} : memref<10240xf32, #tpu.memory_space<vmem>>, vector<16xf32>,
    %get3A_1962 = vector.shape_cast %get3A_1961 : vector<16xf32> to vector<16xf32>
    %add3A_1963 = arith.addf %add3A_1959, %get3A_1962 : vector<16xf32>
    %get3A_1964 = arith.constant 6272 : index
    %get3A_1965 = tpu.vector_load %arg6[%get3A_1964] {strides = array<i32>} : memref<10240xf32, #tpu.memory_space<vmem>>, vector<16xf32>,
    %get3A_1966 = vector.shape_cast %get3A_1965 : vector<16xf32> to vector<16xf32>
    %add3A_1967 = arith.addf %add3A_1963, %get3A_1966 : vector<16xf32>
    %get3A_1968 = arith.constant 6304 : index
    %get3A_1969 = tpu.vector_load %arg6[%get3A_1968] {strides = array<i32>} : memref<10240xf32, #tpu.memory_space<vmem>>, vector<16xf32>,
    %get3A_1970 = vector.shape_cast %get3A_1969 : vector<16xf32> to vector<16xf32>
    %add3A_1971 = arith.addf %add3A_1967, %get3A_1970 : vector<16xf32>
    %get3A_1972 = arith.constant 6336 : index
    %get3A_1973 = tpu.vector_load %arg6[%get3A_1972] {strides = array<i32>} : memref<10240xf32, #tpu.memory_space<vmem>>, vector<16xf32>,
    %get3A_1974 = vector.shape_cast %get3A_1973 : vector<16xf32> to vector<16xf32>
    %add3A_1975 = arith.addf %add3A_1971, %get3A_1974 : vector<16xf32>
    %get3A_1976 = arith.constant 6368 : index
    %get3A_1977 = tpu.vector_load %arg6[%get3A_1976] {strides = array<i32>} : memref<10240xf32, #tpu.memory_space<vmem>>, vector<16xf32>,
    %get3A_1978 = vector.shape_cast %get3A_1977 : vector<16xf32> to vector<16xf32>
    %add3A_1979 = arith.addf %add3A_1975, %get3A_1978 : vector<16xf32>
    %mul3A_1980 = arith.constant 5.000000e-02 : f32
    %mul3A_1981 = vector.broadcast %mul3A_1980 : f32 to vector<16xf32>
    %mul3A_1982 = arith.mulf %add3A_1979, %mul3A_1981 : vector<16xf32>
    %swap3A_1983 = arith.constant 9 : i32
    %swap3A_1984 = arith.index_cast %swap3A_1983 : i32 to index
    %swap3A_1985 = arith.constant 0 : index
    %swap3A_1986 = tpu.vector_load %arg7[%swap3A_1984, %swap3A_1985] {strides = array<i32>} : memref<16x32xf32, #tpu.memory_space<vmem>>, vector<1x16xf32>,
    %swap3A_1987 = vector.shape_cast %swap3A_1986 : vector<1x16xf32> to vector<16xf32>
    %swap3A_1988 = vector.shape_cast %mul3A_1982 : vector<16xf32> to vector<1x16xf32>
    tpu.vector_store %arg7[%swap3A_1984, %swap3A_1985], %swap3A_1988 {strides = array<i32>} : memref<16x32xf32, #tpu.memory_space<vmem>>, vector<1x16xf32>,
    %get3A_1989 = arith.constant 5776 : index
    %get3A_1990 = tpu.vector_load %arg6[%get3A_1989] {strides = array<i32>} : memref<10240xf32, #tpu.memory_space<vmem>>, vector<16xf32>,
    %get3A_1991 = vector.shape_cast %get3A_1990 : vector<16xf32> to vector<16xf32>
    %get3A_1992 = arith.constant 5808 : index
    %get3A_1993 = tpu.vector_load %arg6[%get3A_1992] {strides = array<i32>} : memref<10240xf32, #tpu.memory_space<vmem>>, vector<16xf32>,
    %get3A_1994 = vector.shape_cast %get3A_1993 : vector<16xf32> to vector<16xf32>
    %add3A_1995 = arith.addf %get3A_1991, %get3A_1994 : vector<16xf32>
    %get3A_1996 = arith.constant 5840 : index
    %get3A_1997 = tpu.vector_load %arg6[%get3A_1996] {strides = array<i32>} : memref<10240xf32, #tpu.memory_space<vmem>>, vector<16xf32>,
    %get3A_1998 = vector.shape_cast %get3A_1997 : vector<16xf32> to vector<16xf32>
    %add3A_1999 = arith.addf %add3A_1995, %get3A_1998 : vector<16xf32>
    %get3A_2000 = arith.constant 5872 : index
    %get3A_2001 = tpu.vector_load %arg6[%get3A_2000] {strides = array<i32>} : memref<10240xf32, #tpu.memory_space<vmem>>, vector<16xf32>,
    %get3A_2002 = vector.shape_cast %get3A_2001 : vector<16xf32> to vector<16xf32>
    %add3A_2003 = arith.addf %add3A_1999, %get3A_2002 : vector<16xf32>
    %get3A_2004 = arith.constant 5904 : index
    %get3A_2005 = tpu.vector_load %arg6[%get3A_2004] {strides = array<i32>} : memref<10240xf32, #tpu.memory_space<vmem>>, vector<16xf32>,
    %get3A_2006 = vector.shape_cast %get3A_2005 : vector<16xf32> to vector<16xf32>
    %add3A_2007 = arith.addf %add3A_2003, %get3A_2006 : vector<16xf32>
    %get3A_2008 = arith.constant 5936 : index
    %get3A_2009 = tpu.vector_load %arg6[%get3A_2008] {strides = array<i32>} : memref<10240xf32, #tpu.memory_space<vmem>>, vector<16xf32>,
    %get3A_2010 = vector.shape_cast %get3A_2009 : vector<16xf32> to vector<16xf32>
    %add3A_2011 = arith.addf %add3A_2007, %get3A_2010 : vector<16xf32>
    %get3A_2012 = arith.constant 5968 : index
    %get3A_2013 = tpu.vector_load %arg6[%get3A_2012] {strides = array<i32>} : memref<10240xf32, #tpu.memory_space<vmem>>, vector<16xf32>,
    %get3A_2014 = vector.shape_cast %get3A_2013 : vector<16xf32> to vector<16xf32>
    %add3A_2015 = arith.addf %add3A_2011, %get3A_2014 : vector<16xf32>
    %get3A_2016 = arith.constant 6000 : index
    %get3A_2017 = tpu.vector_load %arg6[%get3A_2016] {strides = array<i32>} : memref<10240xf32, #tpu.memory_space<vmem>>, vector<16xf32>,
    %get3A_2018 = vector.shape_cast %get3A_2017 : vector<16xf32> to vector<16xf32>
    %add3A_2019 = arith.addf %add3A_2015, %get3A_2018 : vector<16xf32>
    %get3A_2020 = arith.constant 6032 : index
    %get3A_2021 = tpu.vector_load %arg6[%get3A_2020] {strides = array<i32>} : memref<10240xf32, #tpu.memory_space<vmem>>, vector<16xf32>,
    %get3A_2022 = vector.shape_cast %get3A_2021 : vector<16xf32> to vector<16xf32>
    %add3A_2023 = arith.addf %add3A_2019, %get3A_2022 : vector<16xf32>
    %get3A_2024 = arith.constant 6064 : index
    %get3A_2025 = tpu.vector_load %arg6[%get3A_2024] {strides = array<i32>} : memref<10240xf32, #tpu.memory_space<vmem>>, vector<16xf32>,
    %get3A_2026 = vector.shape_cast %get3A_2025 : vector<16xf32> to vector<16xf32>
    %add3A_2027 = arith.addf %add3A_2023, %get3A_2026 : vector<16xf32>
    %get3A_2028 = arith.constant 6096 : index
    %get3A_2029 = tpu.vector_load %arg6[%get3A_2028] {strides = array<i32>} : memref<10240xf32, #tpu.memory_space<vmem>>, vector<16xf32>,
    %get3A_2030 = vector.shape_cast %get3A_2029 : vector<16xf32> to vector<16xf32>
    %add3A_2031 = arith.addf %add3A_2027, %get3A_2030 : vector<16xf32>
    %get3A_2032 = arith.constant 6128 : index
    %get3A_2033 = tpu.vector_load %arg6[%get3A_2032] {strides = array<i32>} : memref<10240xf32, #tpu.memory_space<vmem>>, vector<16xf32>,
    %get3A_2034 = vector.shape_cast %get3A_2033 : vector<16xf32> to vector<16xf32>
    %add3A_2035 = arith.addf %add3A_2031, %get3A_2034 : vector<16xf32>
    %get3A_2036 = arith.constant 6160 : index
    %get3A_2037 = tpu.vector_load %arg6[%get3A_2036] {strides = array<i32>} : memref<10240xf32, #tpu.memory_space<vmem>>, vector<16xf32>,
    %get3A_2038 = vector.shape_cast %get3A_2037 : vector<16xf32> to vector<16xf32>
    %add3A_2039 = arith.addf %add3A_2035, %get3A_2038 : vector<16xf32>
    %get3A_2040 = arith.constant 6192 : index
    %get3A_2041 = tpu.vector_load %arg6[%get3A_2040] {strides = array<i32>} : memref<10240xf32, #tpu.memory_space<vmem>>, vector<16xf32>,
    %get3A_2042 = vector.shape_cast %get3A_2041 : vector<16xf32> to vector<16xf32>
    %add3A_2043 = arith.addf %add3A_2039, %get3A_2042 : vector<16xf32>
    %get3A_2044 = arith.constant 6224 : index
    %get3A_2045 = tpu.vector_load %arg6[%get3A_2044] {strides = array<i32>} : memref<10240xf32, #tpu.memory_space<vmem>>, vector<16xf32>,
    %get3A_2046 = vector.shape_cast %get3A_2045 : vector<16xf32> to vector<16xf32>
    %add3A_2047 = arith.addf %add3A_2043, %get3A_2046 : vector<16xf32>
    %get3A_2048 = arith.constant 6256 : index
    %get3A_2049 = tpu.vector_load %arg6[%get3A_2048] {strides = array<i32>} : memref<10240xf32, #tpu.memory_space<vmem>>, vector<16xf32>,
    %get3A_2050 = vector.shape_cast %get3A_2049 : vector<16xf32> to vector<16xf32>
    %add3A_2051 = arith.addf %add3A_2047, %get3A_2050 : vector<16xf32>
    %get3A_2052 = arith.constant 6288 : index
    %get3A_2053 = tpu.vector_load %arg6[%get3A_2052] {strides = array<i32>} : memref<10240xf32, #tpu.memory_space<vmem>>, vector<16xf32>,
    %get3A_2054 = vector.shape_cast %get3A_2053 : vector<16xf32> to vector<16xf32>
    %add3A_2055 = arith.addf %add3A_2051, %get3A_2054 : vector<16xf32>
    %get3A_2056 = arith.constant 6320 : index
    %get3A_2057 = tpu.vector_load %arg6[%get3A_2056] {strides = array<i32>} : memref<10240xf32, #tpu.memory_space<vmem>>, vector<16xf32>,
    %get3A_2058 = vector.shape_cast %get3A_2057 : vector<16xf32> to vector<16xf32>
    %add3A_2059 = arith.addf %add3A_2055, %get3A_2058 : vector<16xf32>
    %get3A_2060 = arith.constant 6352 : index
    %get3A_2061 = tpu.vector_load %arg6[%get3A_2060] {strides = array<i32>} : memref<10240xf32, #tpu.memory_space<vmem>>, vector<16xf32>,
    %get3A_2062 = vector.shape_cast %get3A_2061 : vector<16xf32> to vector<16xf32>
    %add3A_2063 = arith.addf %add3A_2059, %get3A_2062 : vector<16xf32>
    %get3A_2064 = arith.constant 6384 : index
    %get3A_2065 = tpu.vector_load %arg6[%get3A_2064] {strides = array<i32>} : memref<10240xf32, #tpu.memory_space<vmem>>, vector<16xf32>,
    %get3A_2066 = vector.shape_cast %get3A_2065 : vector<16xf32> to vector<16xf32>
    %add3A_2067 = arith.addf %add3A_2063, %get3A_2066 : vector<16xf32>
    %mul3A_2068 = arith.constant 5.000000e-02 : f32
    %mul3A_2069 = vector.broadcast %mul3A_2068 : f32 to vector<16xf32>
    %mul3A_2070 = arith.mulf %add3A_2067, %mul3A_2069 : vector<16xf32>
    %swap3A_2071 = arith.constant 9 : i32
    %swap3A_2072 = arith.index_cast %swap3A_2071 : i32 to index
    %swap3A_2073 = arith.constant 16 : index
    %swap3A_2074 = tpu.vector_load %arg7[%swap3A_2072, %swap3A_2073] {strides = array<i32>} : memref<16x32xf32, #tpu.memory_space<vmem>>, vector<1x16xf32>,
    %swap3A_2075 = vector.shape_cast %swap3A_2074 : vector<1x16xf32> to vector<16xf32>
    %swap3A_2076 = vector.shape_cast %mul3A_2070 : vector<16xf32> to vector<1x16xf32>
    tpu.vector_store %arg7[%swap3A_2072, %swap3A_2073], %swap3A_2076 {strides = array<i32>} : memref<16x32xf32, #tpu.memory_space<vmem>>, vector<1x16xf32>,
    %get3A_2077 = arith.constant 6400 : index
    %get3A_2078 = tpu.vector_load %arg6[%get3A_2077] {strides = array<i32>} : memref<10240xf32, #tpu.memory_space<vmem>>, vector<16xf32>,
    %get3A_2079 = vector.shape_cast %get3A_2078 : vector<16xf32> to vector<16xf32>
    %get3A_2080 = arith.constant 6432 : index
    %get3A_2081 = tpu.vector_load %arg6[%get3A_2080] {strides = array<i32>} : memref<10240xf32, #tpu.memory_space<vmem>>, vector<16xf32>,
    %get3A_2082 = vector.shape_cast %get3A_2081 : vector<16xf32> to vector<16xf32>
    %add3A_2083 = arith.addf %get3A_2079, %get3A_2082 : vector<16xf32>
    %get3A_2084 = arith.constant 6464 : index
    %get3A_2085 = tpu.vector_load %arg6[%get3A_2084] {strides = array<i32>} : memref<10240xf32, #tpu.memory_space<vmem>>, vector<16xf32>,
    %get3A_2086 = vector.shape_cast %get3A_2085 : vector<16xf32> to vector<16xf32>
    %add3A_2087 = arith.addf %add3A_2083, %get3A_2086 : vector<16xf32>
    %get3A_2088 = arith.constant 6496 : index
    %get3A_2089 = tpu.vector_load %arg6[%get3A_2088] {strides = array<i32>} : memref<10240xf32, #tpu.memory_space<vmem>>, vector<16xf32>,
    %get3A_2090 = vector.shape_cast %get3A_2089 : vector<16xf32> to vector<16xf32>
    %add3A_2091 = arith.addf %add3A_2087, %get3A_2090 : vector<16xf32>
    %get3A_2092 = arith.constant 6528 : index
    %get3A_2093 = tpu.vector_load %arg6[%get3A_2092] {strides = array<i32>} : memref<10240xf32, #tpu.memory_space<vmem>>, vector<16xf32>,
    %get3A_2094 = vector.shape_cast %get3A_2093 : vector<16xf32> to vector<16xf32>
    %add3A_2095 = arith.addf %add3A_2091, %get3A_2094 : vector<16xf32>
    %get3A_2096 = arith.constant 6560 : index
    %get3A_2097 = tpu.vector_load %arg6[%get3A_2096] {strides = array<i32>} : memref<10240xf32, #tpu.memory_space<vmem>>, vector<16xf32>,
    %get3A_2098 = vector.shape_cast %get3A_2097 : vector<16xf32> to vector<16xf32>
    %add3A_2099 = arith.addf %add3A_2095, %get3A_2098 : vector<16xf32>
    %get3A_2100 = arith.constant 6592 : index
    %get3A_2101 = tpu.vector_load %arg6[%get3A_2100] {strides = array<i32>} : memref<10240xf32, #tpu.memory_space<vmem>>, vector<16xf32>,
    %get3A_2102 = vector.shape_cast %get3A_2101 : vector<16xf32> to vector<16xf32>
    %add3A_2103 = arith.addf %add3A_2099, %get3A_2102 : vector<16xf32>
    %get3A_2104 = arith.constant 6624 : index
    %get3A_2105 = tpu.vector_load %arg6[%get3A_2104] {strides = array<i32>} : memref<10240xf32, #tpu.memory_space<vmem>>, vector<16xf32>,
    %get3A_2106 = vector.shape_cast %get3A_2105 : vector<16xf32> to vector<16xf32>
    %add3A_2107 = arith.addf %add3A_2103, %get3A_2106 : vector<16xf32>
    %get3A_2108 = arith.constant 6656 : index
    %get3A_2109 = tpu.vector_load %arg6[%get3A_2108] {strides = array<i32>} : memref<10240xf32, #tpu.memory_space<vmem>>, vector<16xf32>,
    %get3A_2110 = vector.shape_cast %get3A_2109 : vector<16xf32> to vector<16xf32>
    %add3A_2111 = arith.addf %add3A_2107, %get3A_2110 : vector<16xf32>
    %get3A_2112 = arith.constant 6688 : index
    %get3A_2113 = tpu.vector_load %arg6[%get3A_2112] {strides = array<i32>} : memref<10240xf32, #tpu.memory_space<vmem>>, vector<16xf32>,
    %get3A_2114 = vector.shape_cast %get3A_2113 : vector<16xf32> to vector<16xf32>
    %add3A_2115 = arith.addf %add3A_2111, %get3A_2114 : vector<16xf32>
    %get3A_2116 = arith.constant 6720 : index
    %get3A_2117 = tpu.vector_load %arg6[%get3A_2116] {strides = array<i32>} : memref<10240xf32, #tpu.memory_space<vmem>>, vector<16xf32>,
    %get3A_2118 = vector.shape_cast %get3A_2117 : vector<16xf32> to vector<16xf32>
    %add3A_2119 = arith.addf %add3A_2115, %get3A_2118 : vector<16xf32>
    %get3A_2120 = arith.constant 6752 : index
    %get3A_2121 = tpu.vector_load %arg6[%get3A_2120] {strides = array<i32>} : memref<10240xf32, #tpu.memory_space<vmem>>, vector<16xf32>,
    %get3A_2122 = vector.shape_cast %get3A_2121 : vector<16xf32> to vector<16xf32>
    %add3A_2123 = arith.addf %add3A_2119, %get3A_2122 : vector<16xf32>
    %get3A_2124 = arith.constant 6784 : index
    %get3A_2125 = tpu.vector_load %arg6[%get3A_2124] {strides = array<i32>} : memref<10240xf32, #tpu.memory_space<vmem>>, vector<16xf32>,
    %get3A_2126 = vector.shape_cast %get3A_2125 : vector<16xf32> to vector<16xf32>
    %add3A_2127 = arith.addf %add3A_2123, %get3A_2126 : vector<16xf32>
    %get3A_2128 = arith.constant 6816 : index
    %get3A_2129 = tpu.vector_load %arg6[%get3A_2128] {strides = array<i32>} : memref<10240xf32, #tpu.memory_space<vmem>>, vector<16xf32>,
    %get3A_2130 = vector.shape_cast %get3A_2129 : vector<16xf32> to vector<16xf32>
    %add3A_2131 = arith.addf %add3A_2127, %get3A_2130 : vector<16xf32>
    %get3A_2132 = arith.constant 6848 : index
    %get3A_2133 = tpu.vector_load %arg6[%get3A_2132] {strides = array<i32>} : memref<10240xf32, #tpu.memory_space<vmem>>, vector<16xf32>,
    %get3A_2134 = vector.shape_cast %get3A_2133 : vector<16xf32> to vector<16xf32>
    %add3A_2135 = arith.addf %add3A_2131, %get3A_2134 : vector<16xf32>
    %get3A_2136 = arith.constant 6880 : index
    %get3A_2137 = tpu.vector_load %arg6[%get3A_2136] {strides = array<i32>} : memref<10240xf32, #tpu.memory_space<vmem>>, vector<16xf32>,
    %get3A_2138 = vector.shape_cast %get3A_2137 : vector<16xf32> to vector<16xf32>
    %add3A_2139 = arith.addf %add3A_2135, %get3A_2138 : vector<16xf32>
    %get3A_2140 = arith.constant 6912 : index
    %get3A_2141 = tpu.vector_load %arg6[%get3A_2140] {strides = array<i32>} : memref<10240xf32, #tpu.memory_space<vmem>>, vector<16xf32>,
    %get3A_2142 = vector.shape_cast %get3A_2141 : vector<16xf32> to vector<16xf32>
    %add3A_2143 = arith.addf %add3A_2139, %get3A_2142 : vector<16xf32>
    %get3A_2144 = arith.constant 6944 : index
    %get3A_2145 = tpu.vector_load %arg6[%get3A_2144] {strides = array<i32>} : memref<10240xf32, #tpu.memory_space<vmem>>, vector<16xf32>,
    %get3A_2146 = vector.shape_cast %get3A_2145 : vector<16xf32> to vector<16xf32>
    %add3A_2147 = arith.addf %add3A_2143, %get3A_2146 : vector<16xf32>
    %get3A_2148 = arith.constant 6976 : index
    %get3A_2149 = tpu.vector_load %arg6[%get3A_2148] {strides = array<i32>} : memref<10240xf32, #tpu.memory_space<vmem>>, vector<16xf32>,
    %get3A_2150 = vector.shape_cast %get3A_2149 : vector<16xf32> to vector<16xf32>
    %add3A_2151 = arith.addf %add3A_2147, %get3A_2150 : vector<16xf32>
    %get3A_2152 = arith.constant 7008 : index
    %get3A_2153 = tpu.vector_load %arg6[%get3A_2152] {strides = array<i32>} : memref<10240xf32, #tpu.memory_space<vmem>>, vector<16xf32>,
    %get3A_2154 = vector.shape_cast %get3A_2153 : vector<16xf32> to vector<16xf32>
    %add3A_2155 = arith.addf %add3A_2151, %get3A_2154 : vector<16xf32>
    %mul3A_2156 = arith.constant 5.000000e-02 : f32
    %mul3A_2157 = vector.broadcast %mul3A_2156 : f32 to vector<16xf32>
    %mul3A_2158 = arith.mulf %add3A_2155, %mul3A_2157 : vector<16xf32>
    %swap3A_2159 = arith.constant 10 : i32
    %swap3A_2160 = arith.index_cast %swap3A_2159 : i32 to index
    %swap3A_2161 = arith.constant 0 : index
    %swap3A_2162 = tpu.vector_load %arg7[%swap3A_2160, %swap3A_2161] {strides = array<i32>} : memref<16x32xf32, #tpu.memory_space<vmem>>, vector<1x16xf32>,
    %swap3A_2163 = vector.shape_cast %swap3A_2162 : vector<1x16xf32> to vector<16xf32>
    %swap3A_2164 = vector.shape_cast %mul3A_2158 : vector<16xf32> to vector<1x16xf32>
    tpu.vector_store %arg7[%swap3A_2160, %swap3A_2161], %swap3A_2164 {strides = array<i32>} : memref<16x32xf32, #tpu.memory_space<vmem>>, vector<1x16xf32>,
    %get3A_2165 = arith.constant 6416 : index
    %get3A_2166 = tpu.vector_load %arg6[%get3A_2165] {strides = array<i32>} : memref<10240xf32, #tpu.memory_space<vmem>>, vector<16xf32>,
    %get3A_2167 = vector.shape_cast %get3A_2166 : vector<16xf32> to vector<16xf32>
    %get3A_2168 = arith.constant 6448 : index
    %get3A_2169 = tpu.vector_load %arg6[%get3A_2168] {strides = array<i32>} : memref<10240xf32, #tpu.memory_space<vmem>>, vector<16xf32>,
    %get3A_2170 = vector.shape_cast %get3A_2169 : vector<16xf32> to vector<16xf32>
    %add3A_2171 = arith.addf %get3A_2167, %get3A_2170 : vector<16xf32>
    %get3A_2172 = arith.constant 6480 : index
    %get3A_2173 = tpu.vector_load %arg6[%get3A_2172] {strides = array<i32>} : memref<10240xf32, #tpu.memory_space<vmem>>, vector<16xf32>,
    %get3A_2174 = vector.shape_cast %get3A_2173 : vector<16xf32> to vector<16xf32>
    %add3A_2175 = arith.addf %add3A_2171, %get3A_2174 : vector<16xf32>
    %get3A_2176 = arith.constant 6512 : index
    %get3A_2177 = tpu.vector_load %arg6[%get3A_2176] {strides = array<i32>} : memref<10240xf32, #tpu.memory_space<vmem>>, vector<16xf32>,
    %get3A_2178 = vector.shape_cast %get3A_2177 : vector<16xf32> to vector<16xf32>
    %add3A_2179 = arith.addf %add3A_2175, %get3A_2178 : vector<16xf32>
    %get3A_2180 = arith.constant 6544 : index
    %get3A_2181 = tpu.vector_load %arg6[%get3A_2180] {strides = array<i32>} : memref<10240xf32, #tpu.memory_space<vmem>>, vector<16xf32>,
    %get3A_2182 = vector.shape_cast %get3A_2181 : vector<16xf32> to vector<16xf32>
    %add3A_2183 = arith.addf %add3A_2179, %get3A_2182 : vector<16xf32>
    %get3A_2184 = arith.constant 6576 : index
    %get3A_2185 = tpu.vector_load %arg6[%get3A_2184] {strides = array<i32>} : memref<10240xf32, #tpu.memory_space<vmem>>, vector<16xf32>,
    %get3A_2186 = vector.shape_cast %get3A_2185 : vector<16xf32> to vector<16xf32>
    %add3A_2187 = arith.addf %add3A_2183, %get3A_2186 : vector<16xf32>
    %get3A_2188 = arith.constant 6608 : index
    %get3A_2189 = tpu.vector_load %arg6[%get3A_2188] {strides = array<i32>} : memref<10240xf32, #tpu.memory_space<vmem>>, vector<16xf32>,
    %get3A_2190 = vector.shape_cast %get3A_2189 : vector<16xf32> to vector<16xf32>
    %add3A_2191 = arith.addf %add3A_2187, %get3A_2190 : vector<16xf32>
    %get3A_2192 = arith.constant 6640 : index
    %get3A_2193 = tpu.vector_load %arg6[%get3A_2192] {strides = array<i32>} : memref<10240xf32, #tpu.memory_space<vmem>>, vector<16xf32>,
    %get3A_2194 = vector.shape_cast %get3A_2193 : vector<16xf32> to vector<16xf32>
    %add3A_2195 = arith.addf %add3A_2191, %get3A_2194 : vector<16xf32>
    %get3A_2196 = arith.constant 6672 : index
    %get3A_2197 = tpu.vector_load %arg6[%get3A_2196] {strides = array<i32>} : memref<10240xf32, #tpu.memory_space<vmem>>, vector<16xf32>,
    %get3A_2198 = vector.shape_cast %get3A_2197 : vector<16xf32> to vector<16xf32>
    %add3A_2199 = arith.addf %add3A_2195, %get3A_2198 : vector<16xf32>
    %get3A_2200 = arith.constant 6704 : index
    %get3A_2201 = tpu.vector_load %arg6[%get3A_2200] {strides = array<i32>} : memref<10240xf32, #tpu.memory_space<vmem>>, vector<16xf32>,
    %get3A_2202 = vector.shape_cast %get3A_2201 : vector<16xf32> to vector<16xf32>
    %add3A_2203 = arith.addf %add3A_2199, %get3A_2202 : vector<16xf32>
    %get3A_2204 = arith.constant 6736 : index
    %get3A_2205 = tpu.vector_load %arg6[%get3A_2204] {strides = array<i32>} : memref<10240xf32, #tpu.memory_space<vmem>>, vector<16xf32>,
    %get3A_2206 = vector.shape_cast %get3A_2205 : vector<16xf32> to vector<16xf32>
    %add3A_2207 = arith.addf %add3A_2203, %get3A_2206 : vector<16xf32>
    %get3A_2208 = arith.constant 6768 : index
    %get3A_2209 = tpu.vector_load %arg6[%get3A_2208] {strides = array<i32>} : memref<10240xf32, #tpu.memory_space<vmem>>, vector<16xf32>,
    %get3A_2210 = vector.shape_cast %get3A_2209 : vector<16xf32> to vector<16xf32>
    %add3A_2211 = arith.addf %add3A_2207, %get3A_2210 : vector<16xf32>
    %get3A_2212 = arith.constant 6800 : index
    %get3A_2213 = tpu.vector_load %arg6[%get3A_2212] {strides = array<i32>} : memref<10240xf32, #tpu.memory_space<vmem>>, vector<16xf32>,
    %get3A_2214 = vector.shape_cast %get3A_2213 : vector<16xf32> to vector<16xf32>
    %add3A_2215 = arith.addf %add3A_2211, %get3A_2214 : vector<16xf32>
    %get3A_2216 = arith.constant 6832 : index
    %get3A_2217 = tpu.vector_load %arg6[%get3A_2216] {strides = array<i32>} : memref<10240xf32, #tpu.memory_space<vmem>>, vector<16xf32>,
    %get3A_2218 = vector.shape_cast %get3A_2217 : vector<16xf32> to vector<16xf32>
    %add3A_2219 = arith.addf %add3A_2215, %get3A_2218 : vector<16xf32>
    %get3A_2220 = arith.constant 6864 : index
    %get3A_2221 = tpu.vector_load %arg6[%get3A_2220] {strides = array<i32>} : memref<10240xf32, #tpu.memory_space<vmem>>, vector<16xf32>,
    %get3A_2222 = vector.shape_cast %get3A_2221 : vector<16xf32> to vector<16xf32>
    %add3A_2223 = arith.addf %add3A_2219, %get3A_2222 : vector<16xf32>
    %get3A_2224 = arith.constant 6896 : index
    %get3A_2225 = tpu.vector_load %arg6[%get3A_2224] {strides = array<i32>} : memref<10240xf32, #tpu.memory_space<vmem>>, vector<16xf32>,
    %get3A_2226 = vector.shape_cast %get3A_2225 : vector<16xf32> to vector<16xf32>
    %add3A_2227 = arith.addf %add3A_2223, %get3A_2226 : vector<16xf32>
    %get3A_2228 = arith.constant 6928 : index
    %get3A_2229 = tpu.vector_load %arg6[%get3A_2228] {strides = array<i32>} : memref<10240xf32, #tpu.memory_space<vmem>>, vector<16xf32>,
    %get3A_2230 = vector.shape_cast %get3A_2229 : vector<16xf32> to vector<16xf32>
    %add3A_2231 = arith.addf %add3A_2227, %get3A_2230 : vector<16xf32>
    %get3A_2232 = arith.constant 6960 : index
    %get3A_2233 = tpu.vector_load %arg6[%get3A_2232] {strides = array<i32>} : memref<10240xf32, #tpu.memory_space<vmem>>, vector<16xf32>,
    %get3A_2234 = vector.shape_cast %get3A_2233 : vector<16xf32> to vector<16xf32>
    %add3A_2235 = arith.addf %add3A_2231, %get3A_2234 : vector<16xf32>
    %get3A_2236 = arith.constant 6992 : index
    %get3A_2237 = tpu.vector_load %arg6[%get3A_2236] {strides = array<i32>} : memref<10240xf32, #tpu.memory_space<vmem>>, vector<16xf32>,
    %get3A_2238 = vector.shape_cast %get3A_2237 : vector<16xf32> to vector<16xf32>
    %add3A_2239 = arith.addf %add3A_2235, %get3A_2238 : vector<16xf32>
    %get3A_2240 = arith.constant 7024 : index
    %get3A_2241 = tpu.vector_load %arg6[%get3A_2240] {strides = array<i32>} : memref<10240xf32, #tpu.memory_space<vmem>>, vector<16xf32>,
    %get3A_2242 = vector.shape_cast %get3A_2241 : vector<16xf32> to vector<16xf32>
    %add3A_2243 = arith.addf %add3A_2239, %get3A_2242 : vector<16xf32>
    %mul3A_2244 = arith.constant 5.000000e-02 : f32
    %mul3A_2245 = vector.broadcast %mul3A_2244 : f32 to vector<16xf32>
    %mul3A_2246 = arith.mulf %add3A_2243, %mul3A_2245 : vector<16xf32>
    %swap3A_2247 = arith.constant 10 : i32
    %swap3A_2248 = arith.index_cast %swap3A_2247 : i32 to index
    %swap3A_2249 = arith.constant 16 : index
    %swap3A_2250 = tpu.vector_load %arg7[%swap3A_2248, %swap3A_2249] {strides = array<i32>} : memref<16x32xf32, #tpu.memory_space<vmem>>, vector<1x16xf32>,
    %swap3A_2251 = vector.shape_cast %swap3A_2250 : vector<1x16xf32> to vector<16xf32>
    %swap3A_2252 = vector.shape_cast %mul3A_2246 : vector<16xf32> to vector<1x16xf32>
    tpu.vector_store %arg7[%swap3A_2248, %swap3A_2249], %swap3A_2252 {strides = array<i32>} : memref<16x32xf32, #tpu.memory_space<vmem>>, vector<1x16xf32>,
    %get3A_2253 = arith.constant 7040 : index
    %get3A_2254 = tpu.vector_load %arg6[%get3A_2253] {strides = array<i32>} : memref<10240xf32, #tpu.memory_space<vmem>>, vector<16xf32>,
    %get3A_2255 = vector.shape_cast %get3A_2254 : vector<16xf32> to vector<16xf32>
    %get3A_2256 = arith.constant 7072 : index
    %get3A_2257 = tpu.vector_load %arg6[%get3A_2256] {strides = array<i32>} : memref<10240xf32, #tpu.memory_space<vmem>>, vector<16xf32>,
    %get3A_2258 = vector.shape_cast %get3A_2257 : vector<16xf32> to vector<16xf32>
    %add3A_2259 = arith.addf %get3A_2255, %get3A_2258 : vector<16xf32>
    %get3A_2260 = arith.constant 7104 : index
    %get3A_2261 = tpu.vector_load %arg6[%get3A_2260] {strides = array<i32>} : memref<10240xf32, #tpu.memory_space<vmem>>, vector<16xf32>,
    %get3A_2262 = vector.shape_cast %get3A_2261 : vector<16xf32> to vector<16xf32>
    %add3A_2263 = arith.addf %add3A_2259, %get3A_2262 : vector<16xf32>
    %get3A_2264 = arith.constant 7136 : index
    %get3A_2265 = tpu.vector_load %arg6[%get3A_2264] {strides = array<i32>} : memref<10240xf32, #tpu.memory_space<vmem>>, vector<16xf32>,
    %get3A_2266 = vector.shape_cast %get3A_2265 : vector<16xf32> to vector<16xf32>
    %add3A_2267 = arith.addf %add3A_2263, %get3A_2266 : vector<16xf32>
    %get3A_2268 = arith.constant 7168 : index
    %get3A_2269 = tpu.vector_load %arg6[%get3A_2268] {strides = array<i32>} : memref<10240xf32, #tpu.memory_space<vmem>>, vector<16xf32>,
    %get3A_2270 = vector.shape_cast %get3A_2269 : vector<16xf32> to vector<16xf32>
    %add3A_2271 = arith.addf %add3A_2267, %get3A_2270 : vector<16xf32>
    %get3A_2272 = arith.constant 7200 : index
    %get3A_2273 = tpu.vector_load %arg6[%get3A_2272] {strides = array<i32>} : memref<10240xf32, #tpu.memory_space<vmem>>, vector<16xf32>,
    %get3A_2274 = vector.shape_cast %get3A_2273 : vector<16xf32> to vector<16xf32>
    %add3A_2275 = arith.addf %add3A_2271, %get3A_2274 : vector<16xf32>
    %get3A_2276 = arith.constant 7232 : index
    %get3A_2277 = tpu.vector_load %arg6[%get3A_2276] {strides = array<i32>} : memref<10240xf32, #tpu.memory_space<vmem>>, vector<16xf32>,
    %get3A_2278 = vector.shape_cast %get3A_2277 : vector<16xf32> to vector<16xf32>
    %add3A_2279 = arith.addf %add3A_2275, %get3A_2278 : vector<16xf32>
    %get3A_2280 = arith.constant 7264 : index
    %get3A_2281 = tpu.vector_load %arg6[%get3A_2280] {strides = array<i32>} : memref<10240xf32, #tpu.memory_space<vmem>>, vector<16xf32>,
    %get3A_2282 = vector.shape_cast %get3A_2281 : vector<16xf32> to vector<16xf32>
    %add3A_2283 = arith.addf %add3A_2279, %get3A_2282 : vector<16xf32>
    %get3A_2284 = arith.constant 7296 : index
    %get3A_2285 = tpu.vector_load %arg6[%get3A_2284] {strides = array<i32>} : memref<10240xf32, #tpu.memory_space<vmem>>, vector<16xf32>,
    %get3A_2286 = vector.shape_cast %get3A_2285 : vector<16xf32> to vector<16xf32>
    %add3A_2287 = arith.addf %add3A_2283, %get3A_2286 : vector<16xf32>
    %get3A_2288 = arith.constant 7328 : index
    %get3A_2289 = tpu.vector_load %arg6[%get3A_2288] {strides = array<i32>} : memref<10240xf32, #tpu.memory_space<vmem>>, vector<16xf32>,
    %get3A_2290 = vector.shape_cast %get3A_2289 : vector<16xf32> to vector<16xf32>
    %add3A_2291 = arith.addf %add3A_2287, %get3A_2290 : vector<16xf32>
    %get3A_2292 = arith.constant 7360 : index
    %get3A_2293 = tpu.vector_load %arg6[%get3A_2292] {strides = array<i32>} : memref<10240xf32, #tpu.memory_space<vmem>>, vector<16xf32>,
    %get3A_2294 = vector.shape_cast %get3A_2293 : vector<16xf32> to vector<16xf32>
    %add3A_2295 = arith.addf %add3A_2291, %get3A_2294 : vector<16xf32>
    %get3A_2296 = arith.constant 7392 : index
    %get3A_2297 = tpu.vector_load %arg6[%get3A_2296] {strides = array<i32>} : memref<10240xf32, #tpu.memory_space<vmem>>, vector<16xf32>,
    %get3A_2298 = vector.shape_cast %get3A_2297 : vector<16xf32> to vector<16xf32>
    %add3A_2299 = arith.addf %add3A_2295, %get3A_2298 : vector<16xf32>
    %get3A_2300 = arith.constant 7424 : index
    %get3A_2301 = tpu.vector_load %arg6[%get3A_2300] {strides = array<i32>} : memref<10240xf32, #tpu.memory_space<vmem>>, vector<16xf32>,
    %get3A_2302 = vector.shape_cast %get3A_2301 : vector<16xf32> to vector<16xf32>
    %add3A_2303 = arith.addf %add3A_2299, %get3A_2302 : vector<16xf32>
    %get3A_2304 = arith.constant 7456 : index
    %get3A_2305 = tpu.vector_load %arg6[%get3A_2304] {strides = array<i32>} : memref<10240xf32, #tpu.memory_space<vmem>>, vector<16xf32>,
    %get3A_2306 = vector.shape_cast %get3A_2305 : vector<16xf32> to vector<16xf32>
    %add3A_2307 = arith.addf %add3A_2303, %get3A_2306 : vector<16xf32>
    %get3A_2308 = arith.constant 7488 : index
    %get3A_2309 = tpu.vector_load %arg6[%get3A_2308] {strides = array<i32>} : memref<10240xf32, #tpu.memory_space<vmem>>, vector<16xf32>,
    %get3A_2310 = vector.shape_cast %get3A_2309 : vector<16xf32> to vector<16xf32>
    %add3A_2311 = arith.addf %add3A_2307, %get3A_2310 : vector<16xf32>
    %get3A_2312 = arith.constant 7520 : index
    %get3A_2313 = tpu.vector_load %arg6[%get3A_2312] {strides = array<i32>} : memref<10240xf32, #tpu.memory_space<vmem>>, vector<16xf32>,
    %get3A_2314 = vector.shape_cast %get3A_2313 : vector<16xf32> to vector<16xf32>
    %add3A_2315 = arith.addf %add3A_2311, %get3A_2314 : vector<16xf32>
    %get3A_2316 = arith.constant 7552 : index
    %get3A_2317 = tpu.vector_load %arg6[%get3A_2316] {strides = array<i32>} : memref<10240xf32, #tpu.memory_space<vmem>>, vector<16xf32>,
    %get3A_2318 = vector.shape_cast %get3A_2317 : vector<16xf32> to vector<16xf32>
    %add3A_2319 = arith.addf %add3A_2315, %get3A_2318 : vector<16xf32>
    %get3A_2320 = arith.constant 7584 : index
    %get3A_2321 = tpu.vector_load %arg6[%get3A_2320] {strides = array<i32>} : memref<10240xf32, #tpu.memory_space<vmem>>, vector<16xf32>,
    %get3A_2322 = vector.shape_cast %get3A_2321 : vector<16xf32> to vector<16xf32>
    %add3A_2323 = arith.addf %add3A_2319, %get3A_2322 : vector<16xf32>
    %get3A_2324 = arith.constant 7616 : index
    %get3A_2325 = tpu.vector_load %arg6[%get3A_2324] {strides = array<i32>} : memref<10240xf32, #tpu.memory_space<vmem>>, vector<16xf32>,
    %get3A_2326 = vector.shape_cast %get3A_2325 : vector<16xf32> to vector<16xf32>
    %add3A_2327 = arith.addf %add3A_2323, %get3A_2326 : vector<16xf32>
    %get3A_2328 = arith.constant 7648 : index
    %get3A_2329 = tpu.vector_load %arg6[%get3A_2328] {strides = array<i32>} : memref<10240xf32, #tpu.memory_space<vmem>>, vector<16xf32>,
    %get3A_2330 = vector.shape_cast %get3A_2329 : vector<16xf32> to vector<16xf32>
    %add3A_2331 = arith.addf %add3A_2327, %get3A_2330 : vector<16xf32>
    %mul3A_2332 = arith.constant 5.000000e-02 : f32
    %mul3A_2333 = vector.broadcast %mul3A_2332 : f32 to vector<16xf32>
    %mul3A_2334 = arith.mulf %add3A_2331, %mul3A_2333 : vector<16xf32>
    %swap3A_2335 = arith.constant 11 : i32
    %swap3A_2336 = arith.index_cast %swap3A_2335 : i32 to index
    %swap3A_2337 = arith.constant 0 : index
    %swap3A_2338 = tpu.vector_load %arg7[%swap3A_2336, %swap3A_2337] {strides = array<i32>} : memref<16x32xf32, #tpu.memory_space<vmem>>, vector<1x16xf32>,
    %swap3A_2339 = vector.shape_cast %swap3A_2338 : vector<1x16xf32> to vector<16xf32>
    %swap3A_2340 = vector.shape_cast %mul3A_2334 : vector<16xf32> to vector<1x16xf32>
    tpu.vector_store %arg7[%swap3A_2336, %swap3A_2337], %swap3A_2340 {strides = array<i32>} : memref<16x32xf32, #tpu.memory_space<vmem>>, vector<1x16xf32>,
    %get3A_2341 = arith.constant 7056 : index
    %get3A_2342 = tpu.vector_load %arg6[%get3A_2341] {strides = array<i32>} : memref<10240xf32, #tpu.memory_space<vmem>>, vector<16xf32>,
    %get3A_2343 = vector.shape_cast %get3A_2342 : vector<16xf32> to vector<16xf32>
    %get3A_2344 = arith.constant 7088 : index
    %get3A_2345 = tpu.vector_load %arg6[%get3A_2344] {strides = array<i32>} : memref<10240xf32, #tpu.memory_space<vmem>>, vector<16xf32>,
    %get3A_2346 = vector.shape_cast %get3A_2345 : vector<16xf32> to vector<16xf32>
    %add3A_2347 = arith.addf %get3A_2343, %get3A_2346 : vector<16xf32>
    %get3A_2348 = arith.constant 7120 : index
    %get3A_2349 = tpu.vector_load %arg6[%get3A_2348] {strides = array<i32>} : memref<10240xf32, #tpu.memory_space<vmem>>, vector<16xf32>,
    %get3A_2350 = vector.shape_cast %get3A_2349 : vector<16xf32> to vector<16xf32>
    %add3A_2351 = arith.addf %add3A_2347, %get3A_2350 : vector<16xf32>
    %get3A_2352 = arith.constant 7152 : index
    %get3A_2353 = tpu.vector_load %arg6[%get3A_2352] {strides = array<i32>} : memref<10240xf32, #tpu.memory_space<vmem>>, vector<16xf32>,
    %get3A_2354 = vector.shape_cast %get3A_2353 : vector<16xf32> to vector<16xf32>
    %add3A_2355 = arith.addf %add3A_2351, %get3A_2354 : vector<16xf32>
    %get3A_2356 = arith.constant 7184 : index
    %get3A_2357 = tpu.vector_load %arg6[%get3A_2356] {strides = array<i32>} : memref<10240xf32, #tpu.memory_space<vmem>>, vector<16xf32>,
    %get3A_2358 = vector.shape_cast %get3A_2357 : vector<16xf32> to vector<16xf32>
    %add3A_2359 = arith.addf %add3A_2355, %get3A_2358 : vector<16xf32>
    %get3A_2360 = arith.constant 7216 : index
    %get3A_2361 = tpu.vector_load %arg6[%get3A_2360] {strides = array<i32>} : memref<10240xf32, #tpu.memory_space<vmem>>, vector<16xf32>,
    %get3A_2362 = vector.shape_cast %get3A_2361 : vector<16xf32> to vector<16xf32>
    %add3A_2363 = arith.addf %add3A_2359, %get3A_2362 : vector<16xf32>
    %get3A_2364 = arith.constant 7248 : index
    %get3A_2365 = tpu.vector_load %arg6[%get3A_2364] {strides = array<i32>} : memref<10240xf32, #tpu.memory_space<vmem>>, vector<16xf32>,
    %get3A_2366 = vector.shape_cast %get3A_2365 : vector<16xf32> to vector<16xf32>
    %add3A_2367 = arith.addf %add3A_2363, %get3A_2366 : vector<16xf32>
    %get3A_2368 = arith.constant 7280 : index
    %get3A_2369 = tpu.vector_load %arg6[%get3A_2368] {strides = array<i32>} : memref<10240xf32, #tpu.memory_space<vmem>>, vector<16xf32>,
    %get3A_2370 = vector.shape_cast %get3A_2369 : vector<16xf32> to vector<16xf32>
    %add3A_2371 = arith.addf %add3A_2367, %get3A_2370 : vector<16xf32>
    %get3A_2372 = arith.constant 7312 : index
    %get3A_2373 = tpu.vector_load %arg6[%get3A_2372] {strides = array<i32>} : memref<10240xf32, #tpu.memory_space<vmem>>, vector<16xf32>,
    %get3A_2374 = vector.shape_cast %get3A_2373 : vector<16xf32> to vector<16xf32>
    %add3A_2375 = arith.addf %add3A_2371, %get3A_2374 : vector<16xf32>
    %get3A_2376 = arith.constant 7344 : index
    %get3A_2377 = tpu.vector_load %arg6[%get3A_2376] {strides = array<i32>} : memref<10240xf32, #tpu.memory_space<vmem>>, vector<16xf32>,
    %get3A_2378 = vector.shape_cast %get3A_2377 : vector<16xf32> to vector<16xf32>
    %add3A_2379 = arith.addf %add3A_2375, %get3A_2378 : vector<16xf32>
    %get3A_2380 = arith.constant 7376 : index
    %get3A_2381 = tpu.vector_load %arg6[%get3A_2380] {strides = array<i32>} : memref<10240xf32, #tpu.memory_space<vmem>>, vector<16xf32>,
    %get3A_2382 = vector.shape_cast %get3A_2381 : vector<16xf32> to vector<16xf32>
    %add3A_2383 = arith.addf %add3A_2379, %get3A_2382 : vector<16xf32>
    %get3A_2384 = arith.constant 7408 : index
    %get3A_2385 = tpu.vector_load %arg6[%get3A_2384] {strides = array<i32>} : memref<10240xf32, #tpu.memory_space<vmem>>, vector<16xf32>,
    %get3A_2386 = vector.shape_cast %get3A_2385 : vector<16xf32> to vector<16xf32>
    %add3A_2387 = arith.addf %add3A_2383, %get3A_2386 : vector<16xf32>
    %get3A_2388 = arith.constant 7440 : index
    %get3A_2389 = tpu.vector_load %arg6[%get3A_2388] {strides = array<i32>} : memref<10240xf32, #tpu.memory_space<vmem>>, vector<16xf32>,
    %get3A_2390 = vector.shape_cast %get3A_2389 : vector<16xf32> to vector<16xf32>
    %add3A_2391 = arith.addf %add3A_2387, %get3A_2390 : vector<16xf32>
    %get3A_2392 = arith.constant 7472 : index
    %get3A_2393 = tpu.vector_load %arg6[%get3A_2392] {strides = array<i32>} : memref<10240xf32, #tpu.memory_space<vmem>>, vector<16xf32>,
    %get3A_2394 = vector.shape_cast %get3A_2393 : vector<16xf32> to vector<16xf32>
    %add3A_2395 = arith.addf %add3A_2391, %get3A_2394 : vector<16xf32>
    %get3A_2396 = arith.constant 7504 : index
    %get3A_2397 = tpu.vector_load %arg6[%get3A_2396] {strides = array<i32>} : memref<10240xf32, #tpu.memory_space<vmem>>, vector<16xf32>,
    %get3A_2398 = vector.shape_cast %get3A_2397 : vector<16xf32> to vector<16xf32>
    %add3A_2399 = arith.addf %add3A_2395, %get3A_2398 : vector<16xf32>
    %get3A_2400 = arith.constant 7536 : index
    %get3A_2401 = tpu.vector_load %arg6[%get3A_2400] {strides = array<i32>} : memref<10240xf32, #tpu.memory_space<vmem>>, vector<16xf32>,
    %get3A_2402 = vector.shape_cast %get3A_2401 : vector<16xf32> to vector<16xf32>
    %add3A_2403 = arith.addf %add3A_2399, %get3A_2402 : vector<16xf32>
    %get3A_2404 = arith.constant 7568 : index
    %get3A_2405 = tpu.vector_load %arg6[%get3A_2404] {strides = array<i32>} : memref<10240xf32, #tpu.memory_space<vmem>>, vector<16xf32>,
    %get3A_2406 = vector.shape_cast %get3A_2405 : vector<16xf32> to vector<16xf32>
    %add3A_2407 = arith.addf %add3A_2403, %get3A_2406 : vector<16xf32>
    %get3A_2408 = arith.constant 7600 : index
    %get3A_2409 = tpu.vector_load %arg6[%get3A_2408] {strides = array<i32>} : memref<10240xf32, #tpu.memory_space<vmem>>, vector<16xf32>,
    %get3A_2410 = vector.shape_cast %get3A_2409 : vector<16xf32> to vector<16xf32>
    %add3A_2411 = arith.addf %add3A_2407, %get3A_2410 : vector<16xf32>
    %get3A_2412 = arith.constant 7632 : index
    %get3A_2413 = tpu.vector_load %arg6[%get3A_2412] {strides = array<i32>} : memref<10240xf32, #tpu.memory_space<vmem>>, vector<16xf32>,
    %get3A_2414 = vector.shape_cast %get3A_2413 : vector<16xf32> to vector<16xf32>
    %add3A_2415 = arith.addf %add3A_2411, %get3A_2414 : vector<16xf32>
    %get3A_2416 = arith.constant 7664 : index
    %get3A_2417 = tpu.vector_load %arg6[%get3A_2416] {strides = array<i32>} : memref<10240xf32, #tpu.memory_space<vmem>>, vector<16xf32>,
    %get3A_2418 = vector.shape_cast %get3A_2417 : vector<16xf32> to vector<16xf32>
    %add3A_2419 = arith.addf %add3A_2415, %get3A_2418 : vector<16xf32>
    %mul3A_2420 = arith.constant 5.000000e-02 : f32
    %mul3A_2421 = vector.broadcast %mul3A_2420 : f32 to vector<16xf32>
    %mul3A_2422 = arith.mulf %add3A_2419, %mul3A_2421 : vector<16xf32>
    %swap3A_2423 = arith.constant 11 : i32
    %swap3A_2424 = arith.index_cast %swap3A_2423 : i32 to index
    %swap3A_2425 = arith.constant 16 : index
    %swap3A_2426 = tpu.vector_load %arg7[%swap3A_2424, %swap3A_2425] {strides = array<i32>} : memref<16x32xf32, #tpu.memory_space<vmem>>, vector<1x16xf32>,
    %swap3A_2427 = vector.shape_cast %swap3A_2426 : vector<1x16xf32> to vector<16xf32>
    %swap3A_2428 = vector.shape_cast %mul3A_2422 : vector<16xf32> to vector<1x16xf32>
    tpu.vector_store %arg7[%swap3A_2424, %swap3A_2425], %swap3A_2428 {strides = array<i32>} : memref<16x32xf32, #tpu.memory_space<vmem>>, vector<1x16xf32>,
    %get3A_2429 = arith.constant 7680 : index
    %get3A_2430 = tpu.vector_load %arg6[%get3A_2429] {strides = array<i32>} : memref<10240xf32, #tpu.memory_space<vmem>>, vector<16xf32>,
    %get3A_2431 = vector.shape_cast %get3A_2430 : vector<16xf32> to vector<16xf32>
    %get3A_2432 = arith.constant 7712 : index
    %get3A_2433 = tpu.vector_load %arg6[%get3A_2432] {strides = array<i32>} : memref<10240xf32, #tpu.memory_space<vmem>>, vector<16xf32>,
    %get3A_2434 = vector.shape_cast %get3A_2433 : vector<16xf32> to vector<16xf32>
    %add3A_2435 = arith.addf %get3A_2431, %get3A_2434 : vector<16xf32>
    %get3A_2436 = arith.constant 7744 : index
    %get3A_2437 = tpu.vector_load %arg6[%get3A_2436] {strides = array<i32>} : memref<10240xf32, #tpu.memory_space<vmem>>, vector<16xf32>,
    %get3A_2438 = vector.shape_cast %get3A_2437 : vector<16xf32> to vector<16xf32>
    %add3A_2439 = arith.addf %add3A_2435, %get3A_2438 : vector<16xf32>
    %get3A_2440 = arith.constant 7776 : index
    %get3A_2441 = tpu.vector_load %arg6[%get3A_2440] {strides = array<i32>} : memref<10240xf32, #tpu.memory_space<vmem>>, vector<16xf32>,
    %get3A_2442 = vector.shape_cast %get3A_2441 : vector<16xf32> to vector<16xf32>
    %add3A_2443 = arith.addf %add3A_2439, %get3A_2442 : vector<16xf32>
    %get3A_2444 = arith.constant 7808 : index
    %get3A_2445 = tpu.vector_load %arg6[%get3A_2444] {strides = array<i32>} : memref<10240xf32, #tpu.memory_space<vmem>>, vector<16xf32>,
    %get3A_2446 = vector.shape_cast %get3A_2445 : vector<16xf32> to vector<16xf32>
    %add3A_2447 = arith.addf %add3A_2443, %get3A_2446 : vector<16xf32>
    %get3A_2448 = arith.constant 7840 : index
    %get3A_2449 = tpu.vector_load %arg6[%get3A_2448] {strides = array<i32>} : memref<10240xf32, #tpu.memory_space<vmem>>, vector<16xf32>,
    %get3A_2450 = vector.shape_cast %get3A_2449 : vector<16xf32> to vector<16xf32>
    %add3A_2451 = arith.addf %add3A_2447, %get3A_2450 : vector<16xf32>
    %get3A_2452 = arith.constant 7872 : index
    %get3A_2453 = tpu.vector_load %arg6[%get3A_2452] {strides = array<i32>} : memref<10240xf32, #tpu.memory_space<vmem>>, vector<16xf32>,
    %get3A_2454 = vector.shape_cast %get3A_2453 : vector<16xf32> to vector<16xf32>
    %add3A_2455 = arith.addf %add3A_2451, %get3A_2454 : vector<16xf32>
    %get3A_2456 = arith.constant 7904 : index
    %get3A_2457 = tpu.vector_load %arg6[%get3A_2456] {strides = array<i32>} : memref<10240xf32, #tpu.memory_space<vmem>>, vector<16xf32>,
    %get3A_2458 = vector.shape_cast %get3A_2457 : vector<16xf32> to vector<16xf32>
    %add3A_2459 = arith.addf %add3A_2455, %get3A_2458 : vector<16xf32>
    %get3A_2460 = arith.constant 7936 : index
    %get3A_2461 = tpu.vector_load %arg6[%get3A_2460] {strides = array<i32>} : memref<10240xf32, #tpu.memory_space<vmem>>, vector<16xf32>,
    %get3A_2462 = vector.shape_cast %get3A_2461 : vector<16xf32> to vector<16xf32>
    %add3A_2463 = arith.addf %add3A_2459, %get3A_2462 : vector<16xf32>
    %get3A_2464 = arith.constant 7968 : index
    %get3A_2465 = tpu.vector_load %arg6[%get3A_2464] {strides = array<i32>} : memref<10240xf32, #tpu.memory_space<vmem>>, vector<16xf32>,
    %get3A_2466 = vector.shape_cast %get3A_2465 : vector<16xf32> to vector<16xf32>
    %add3A_2467 = arith.addf %add3A_2463, %get3A_2466 : vector<16xf32>
    %get3A_2468 = arith.constant 8000 : index
    %get3A_2469 = tpu.vector_load %arg6[%get3A_2468] {strides = array<i32>} : memref<10240xf32, #tpu.memory_space<vmem>>, vector<16xf32>,
    %get3A_2470 = vector.shape_cast %get3A_2469 : vector<16xf32> to vector<16xf32>
    %add3A_2471 = arith.addf %add3A_2467, %get3A_2470 : vector<16xf32>
    %get3A_2472 = arith.constant 8032 : index
    %get3A_2473 = tpu.vector_load %arg6[%get3A_2472] {strides = array<i32>} : memref<10240xf32, #tpu.memory_space<vmem>>, vector<16xf32>,
    %get3A_2474 = vector.shape_cast %get3A_2473 : vector<16xf32> to vector<16xf32>
    %add3A_2475 = arith.addf %add3A_2471, %get3A_2474 : vector<16xf32>
    %get3A_2476 = arith.constant 8064 : index
    %get3A_2477 = tpu.vector_load %arg6[%get3A_2476] {strides = array<i32>} : memref<10240xf32, #tpu.memory_space<vmem>>, vector<16xf32>,
    %get3A_2478 = vector.shape_cast %get3A_2477 : vector<16xf32> to vector<16xf32>
    %add3A_2479 = arith.addf %add3A_2475, %get3A_2478 : vector<16xf32>
    %get3A_2480 = arith.constant 8096 : index
    %get3A_2481 = tpu.vector_load %arg6[%get3A_2480] {strides = array<i32>} : memref<10240xf32, #tpu.memory_space<vmem>>, vector<16xf32>,
    %get3A_2482 = vector.shape_cast %get3A_2481 : vector<16xf32> to vector<16xf32>
    %add3A_2483 = arith.addf %add3A_2479, %get3A_2482 : vector<16xf32>
    %get3A_2484 = arith.constant 8128 : index
    %get3A_2485 = tpu.vector_load %arg6[%get3A_2484] {strides = array<i32>} : memref<10240xf32, #tpu.memory_space<vmem>>, vector<16xf32>,
    %get3A_2486 = vector.shape_cast %get3A_2485 : vector<16xf32> to vector<16xf32>
    %add3A_2487 = arith.addf %add3A_2483, %get3A_2486 : vector<16xf32>
    %get3A_2488 = arith.constant 8160 : index
    %get3A_2489 = tpu.vector_load %arg6[%get3A_2488] {strides = array<i32>} : memref<10240xf32, #tpu.memory_space<vmem>>, vector<16xf32>,
    %get3A_2490 = vector.shape_cast %get3A_2489 : vector<16xf32> to vector<16xf32>
    %add3A_2491 = arith.addf %add3A_2487, %get3A_2490 : vector<16xf32>
    %get3A_2492 = arith.constant 8192 : index
    %get3A_2493 = tpu.vector_load %arg6[%get3A_2492] {strides = array<i32>} : memref<10240xf32, #tpu.memory_space<vmem>>, vector<16xf32>,
    %get3A_2494 = vector.shape_cast %get3A_2493 : vector<16xf32> to vector<16xf32>
    %add3A_2495 = arith.addf %add3A_2491, %get3A_2494 : vector<16xf32>
    %get3A_2496 = arith.constant 8224 : index
    %get3A_2497 = tpu.vector_load %arg6[%get3A_2496] {strides = array<i32>} : memref<10240xf32, #tpu.memory_space<vmem>>, vector<16xf32>,
    %get3A_2498 = vector.shape_cast %get3A_2497 : vector<16xf32> to vector<16xf32>
    %add3A_2499 = arith.addf %add3A_2495, %get3A_2498 : vector<16xf32>
    %get3A_2500 = arith.constant 8256 : index
    %get3A_2501 = tpu.vector_load %arg6[%get3A_2500] {strides = array<i32>} : memref<10240xf32, #tpu.memory_space<vmem>>, vector<16xf32>,
    %get3A_2502 = vector.shape_cast %get3A_2501 : vector<16xf32> to vector<16xf32>
    %add3A_2503 = arith.addf %add3A_2499, %get3A_2502 : vector<16xf32>
    %get3A_2504 = arith.constant 8288 : index
    %get3A_2505 = tpu.vector_load %arg6[%get3A_2504] {strides = array<i32>} : memref<10240xf32, #tpu.memory_space<vmem>>, vector<16xf32>,
    %get3A_2506 = vector.shape_cast %get3A_2505 : vector<16xf32> to vector<16xf32>
    %add3A_2507 = arith.addf %add3A_2503, %get3A_2506 : vector<16xf32>
    %mul3A_2508 = arith.constant 5.000000e-02 : f32
    %mul3A_2509 = vector.broadcast %mul3A_2508 : f32 to vector<16xf32>
    %mul3A_2510 = arith.mulf %add3A_2507, %mul3A_2509 : vector<16xf32>
    %swap3A_2511 = arith.constant 12 : i32
    %swap3A_2512 = arith.index_cast %swap3A_2511 : i32 to index
    %swap3A_2513 = arith.constant 0 : index
    %swap3A_2514 = tpu.vector_load %arg7[%swap3A_2512, %swap3A_2513] {strides = array<i32>} : memref<16x32xf32, #tpu.memory_space<vmem>>, vector<1x16xf32>,
    %swap3A_2515 = vector.shape_cast %swap3A_2514 : vector<1x16xf32> to vector<16xf32>
    %swap3A_2516 = vector.shape_cast %mul3A_2510 : vector<16xf32> to vector<1x16xf32>
    tpu.vector_store %arg7[%swap3A_2512, %swap3A_2513], %swap3A_2516 {strides = array<i32>} : memref<16x32xf32, #tpu.memory_space<vmem>>, vector<1x16xf32>,
    %get3A_2517 = arith.constant 7696 : index
    %get3A_2518 = tpu.vector_load %arg6[%get3A_2517] {strides = array<i32>} : memref<10240xf32, #tpu.memory_space<vmem>>, vector<16xf32>,
    %get3A_2519 = vector.shape_cast %get3A_2518 : vector<16xf32> to vector<16xf32>
    %get3A_2520 = arith.constant 7728 : index
    %get3A_2521 = tpu.vector_load %arg6[%get3A_2520] {strides = array<i32>} : memref<10240xf32, #tpu.memory_space<vmem>>, vector<16xf32>,
    %get3A_2522 = vector.shape_cast %get3A_2521 : vector<16xf32> to vector<16xf32>
    %add3A_2523 = arith.addf %get3A_2519, %get3A_2522 : vector<16xf32>
    %get3A_2524 = arith.constant 7760 : index
    %get3A_2525 = tpu.vector_load %arg6[%get3A_2524] {strides = array<i32>} : memref<10240xf32, #tpu.memory_space<vmem>>, vector<16xf32>,
    %get3A_2526 = vector.shape_cast %get3A_2525 : vector<16xf32> to vector<16xf32>
    %add3A_2527 = arith.addf %add3A_2523, %get3A_2526 : vector<16xf32>
    %get3A_2528 = arith.constant 7792 : index
    %get3A_2529 = tpu.vector_load %arg6[%get3A_2528] {strides = array<i32>} : memref<10240xf32, #tpu.memory_space<vmem>>, vector<16xf32>,
    %get3A_2530 = vector.shape_cast %get3A_2529 : vector<16xf32> to vector<16xf32>
    %add3A_2531 = arith.addf %add3A_2527, %get3A_2530 : vector<16xf32>
    %get3A_2532 = arith.constant 7824 : index
    %get3A_2533 = tpu.vector_load %arg6[%get3A_2532] {strides = array<i32>} : memref<10240xf32, #tpu.memory_space<vmem>>, vector<16xf32>,
    %get3A_2534 = vector.shape_cast %get3A_2533 : vector<16xf32> to vector<16xf32>
    %add3A_2535 = arith.addf %add3A_2531, %get3A_2534 : vector<16xf32>
    %get3A_2536 = arith.constant 7856 : index
    %get3A_2537 = tpu.vector_load %arg6[%get3A_2536] {strides = array<i32>} : memref<10240xf32, #tpu.memory_space<vmem>>, vector<16xf32>,
    %get3A_2538 = vector.shape_cast %get3A_2537 : vector<16xf32> to vector<16xf32>
    %add3A_2539 = arith.addf %add3A_2535, %get3A_2538 : vector<16xf32>
    %get3A_2540 = arith.constant 7888 : index
    %get3A_2541 = tpu.vector_load %arg6[%get3A_2540] {strides = array<i32>} : memref<10240xf32, #tpu.memory_space<vmem>>, vector<16xf32>,
    %get3A_2542 = vector.shape_cast %get3A_2541 : vector<16xf32> to vector<16xf32>
    %add3A_2543 = arith.addf %add3A_2539, %get3A_2542 : vector<16xf32>
    %get3A_2544 = arith.constant 7920 : index
    %get3A_2545 = tpu.vector_load %arg6[%get3A_2544] {strides = array<i32>} : memref<10240xf32, #tpu.memory_space<vmem>>, vector<16xf32>,
    %get3A_2546 = vector.shape_cast %get3A_2545 : vector<16xf32> to vector<16xf32>
    %add3A_2547 = arith.addf %add3A_2543, %get3A_2546 : vector<16xf32>
    %get3A_2548 = arith.constant 7952 : index
    %get3A_2549 = tpu.vector_load %arg6[%get3A_2548] {strides = array<i32>} : memref<10240xf32, #tpu.memory_space<vmem>>, vector<16xf32>,
    %get3A_2550 = vector.shape_cast %get3A_2549 : vector<16xf32> to vector<16xf32>
    %add3A_2551 = arith.addf %add3A_2547, %get3A_2550 : vector<16xf32>
    %get3A_2552 = arith.constant 7984 : index
    %get3A_2553 = tpu.vector_load %arg6[%get3A_2552] {strides = array<i32>} : memref<10240xf32, #tpu.memory_space<vmem>>, vector<16xf32>,
    %get3A_2554 = vector.shape_cast %get3A_2553 : vector<16xf32> to vector<16xf32>
    %add3A_2555 = arith.addf %add3A_2551, %get3A_2554 : vector<16xf32>
    %get3A_2556 = arith.constant 8016 : index
    %get3A_2557 = tpu.vector_load %arg6[%get3A_2556] {strides = array<i32>} : memref<10240xf32, #tpu.memory_space<vmem>>, vector<16xf32>,
    %get3A_2558 = vector.shape_cast %get3A_2557 : vector<16xf32> to vector<16xf32>
    %add3A_2559 = arith.addf %add3A_2555, %get3A_2558 : vector<16xf32>
    %get3A_2560 = arith.constant 8048 : index
    %get3A_2561 = tpu.vector_load %arg6[%get3A_2560] {strides = array<i32>} : memref<10240xf32, #tpu.memory_space<vmem>>, vector<16xf32>,
    %get3A_2562 = vector.shape_cast %get3A_2561 : vector<16xf32> to vector<16xf32>
    %add3A_2563 = arith.addf %add3A_2559, %get3A_2562 : vector<16xf32>
    %get3A_2564 = arith.constant 8080 : index
    %get3A_2565 = tpu.vector_load %arg6[%get3A_2564] {strides = array<i32>} : memref<10240xf32, #tpu.memory_space<vmem>>, vector<16xf32>,
    %get3A_2566 = vector.shape_cast %get3A_2565 : vector<16xf32> to vector<16xf32>
    %add3A_2567 = arith.addf %add3A_2563, %get3A_2566 : vector<16xf32>
    %get3A_2568 = arith.constant 8112 : index
    %get3A_2569 = tpu.vector_load %arg6[%get3A_2568] {strides = array<i32>} : memref<10240xf32, #tpu.memory_space<vmem>>, vector<16xf32>,
    %get3A_2570 = vector.shape_cast %get3A_2569 : vector<16xf32> to vector<16xf32>
    %add3A_2571 = arith.addf %add3A_2567, %get3A_2570 : vector<16xf32>
    %get3A_2572 = arith.constant 8144 : index
    %get3A_2573 = tpu.vector_load %arg6[%get3A_2572] {strides = array<i32>} : memref<10240xf32, #tpu.memory_space<vmem>>, vector<16xf32>,
    %get3A_2574 = vector.shape_cast %get3A_2573 : vector<16xf32> to vector<16xf32>
    %add3A_2575 = arith.addf %add3A_2571, %get3A_2574 : vector<16xf32>
    %get3A_2576 = arith.constant 8176 : index
    %get3A_2577 = tpu.vector_load %arg6[%get3A_2576] {strides = array<i32>} : memref<10240xf32, #tpu.memory_space<vmem>>, vector<16xf32>,
    %get3A_2578 = vector.shape_cast %get3A_2577 : vector<16xf32> to vector<16xf32>
    %add3A_2579 = arith.addf %add3A_2575, %get3A_2578 : vector<16xf32>
    %get3A_2580 = arith.constant 8208 : index
    %get3A_2581 = tpu.vector_load %arg6[%get3A_2580] {strides = array<i32>} : memref<10240xf32, #tpu.memory_space<vmem>>, vector<16xf32>,
    %get3A_2582 = vector.shape_cast %get3A_2581 : vector<16xf32> to vector<16xf32>
    %add3A_2583 = arith.addf %add3A_2579, %get3A_2582 : vector<16xf32>
    %get3A_2584 = arith.constant 8240 : index
    %get3A_2585 = tpu.vector_load %arg6[%get3A_2584] {strides = array<i32>} : memref<10240xf32, #tpu.memory_space<vmem>>, vector<16xf32>,
    %get3A_2586 = vector.shape_cast %get3A_2585 : vector<16xf32> to vector<16xf32>
    %add3A_2587 = arith.addf %add3A_2583, %get3A_2586 : vector<16xf32>
    %get3A_2588 = arith.constant 8272 : index
    %get3A_2589 = tpu.vector_load %arg6[%get3A_2588] {strides = array<i32>} : memref<10240xf32, #tpu.memory_space<vmem>>, vector<16xf32>,
    %get3A_2590 = vector.shape_cast %get3A_2589 : vector<16xf32> to vector<16xf32>
    %add3A_2591 = arith.addf %add3A_2587, %get3A_2590 : vector<16xf32>
    %get3A_2592 = arith.constant 8304 : index
    %get3A_2593 = tpu.vector_load %arg6[%get3A_2592] {strides = array<i32>} : memref<10240xf32, #tpu.memory_space<vmem>>, vector<16xf32>,
    %get3A_2594 = vector.shape_cast %get3A_2593 : vector<16xf32> to vector<16xf32>
    %add3A_2595 = arith.addf %add3A_2591, %get3A_2594 : vector<16xf32>
    %mul3A_2596 = arith.constant 5.000000e-02 : f32
    %mul3A_2597 = vector.broadcast %mul3A_2596 : f32 to vector<16xf32>
    %mul3A_2598 = arith.mulf %add3A_2595, %mul3A_2597 : vector<16xf32>
    %swap3A_2599 = arith.constant 12 : i32
    %swap3A_2600 = arith.index_cast %swap3A_2599 : i32 to index
    %swap3A_2601 = arith.constant 16 : index
    %swap3A_2602 = tpu.vector_load %arg7[%swap3A_2600, %swap3A_2601] {strides = array<i32>} : memref<16x32xf32, #tpu.memory_space<vmem>>, vector<1x16xf32>,
    %swap3A_2603 = vector.shape_cast %swap3A_2602 : vector<1x16xf32> to vector<16xf32>
    %swap3A_2604 = vector.shape_cast %mul3A_2598 : vector<16xf32> to vector<1x16xf32>
    tpu.vector_store %arg7[%swap3A_2600, %swap3A_2601], %swap3A_2604 {strides = array<i32>} : memref<16x32xf32, #tpu.memory_space<vmem>>, vector<1x16xf32>,
    %get3A_2605 = arith.constant 8320 : index
    %get3A_2606 = tpu.vector_load %arg6[%get3A_2605] {strides = array<i32>} : memref<10240xf32, #tpu.memory_space<vmem>>, vector<16xf32>,
    %get3A_2607 = vector.shape_cast %get3A_2606 : vector<16xf32> to vector<16xf32>
    %get3A_2608 = arith.constant 8352 : index
    %get3A_2609 = tpu.vector_load %arg6[%get3A_2608] {strides = array<i32>} : memref<10240xf32, #tpu.memory_space<vmem>>, vector<16xf32>,
    %get3A_2610 = vector.shape_cast %get3A_2609 : vector<16xf32> to vector<16xf32>
    %add3A_2611 = arith.addf %get3A_2607, %get3A_2610 : vector<16xf32>
    %get3A_2612 = arith.constant 8384 : index
    %get3A_2613 = tpu.vector_load %arg6[%get3A_2612] {strides = array<i32>} : memref<10240xf32, #tpu.memory_space<vmem>>, vector<16xf32>,
    %get3A_2614 = vector.shape_cast %get3A_2613 : vector<16xf32> to vector<16xf32>
    %add3A_2615 = arith.addf %add3A_2611, %get3A_2614 : vector<16xf32>
    %get3A_2616 = arith.constant 8416 : index
    %get3A_2617 = tpu.vector_load %arg6[%get3A_2616] {strides = array<i32>} : memref<10240xf32, #tpu.memory_space<vmem>>, vector<16xf32>,
    %get3A_2618 = vector.shape_cast %get3A_2617 : vector<16xf32> to vector<16xf32>
    %add3A_2619 = arith.addf %add3A_2615, %get3A_2618 : vector<16xf32>
    %get3A_2620 = arith.constant 8448 : index
    %get3A_2621 = tpu.vector_load %arg6[%get3A_2620] {strides = array<i32>} : memref<10240xf32, #tpu.memory_space<vmem>>, vector<16xf32>,
    %get3A_2622 = vector.shape_cast %get3A_2621 : vector<16xf32> to vector<16xf32>
    %add3A_2623 = arith.addf %add3A_2619, %get3A_2622 : vector<16xf32>
    %get3A_2624 = arith.constant 8480 : index
    %get3A_2625 = tpu.vector_load %arg6[%get3A_2624] {strides = array<i32>} : memref<10240xf32, #tpu.memory_space<vmem>>, vector<16xf32>,
    %get3A_2626 = vector.shape_cast %get3A_2625 : vector<16xf32> to vector<16xf32>
    %add3A_2627 = arith.addf %add3A_2623, %get3A_2626 : vector<16xf32>
    %get3A_2628 = arith.constant 8512 : index
    %get3A_2629 = tpu.vector_load %arg6[%get3A_2628] {strides = array<i32>} : memref<10240xf32, #tpu.memory_space<vmem>>, vector<16xf32>,
    %get3A_2630 = vector.shape_cast %get3A_2629 : vector<16xf32> to vector<16xf32>
    %add3A_2631 = arith.addf %add3A_2627, %get3A_2630 : vector<16xf32>
    %get3A_2632 = arith.constant 8544 : index
    %get3A_2633 = tpu.vector_load %arg6[%get3A_2632] {strides = array<i32>} : memref<10240xf32, #tpu.memory_space<vmem>>, vector<16xf32>,
    %get3A_2634 = vector.shape_cast %get3A_2633 : vector<16xf32> to vector<16xf32>
    %add3A_2635 = arith.addf %add3A_2631, %get3A_2634 : vector<16xf32>
    %get3A_2636 = arith.constant 8576 : index
    %get3A_2637 = tpu.vector_load %arg6[%get3A_2636] {strides = array<i32>} : memref<10240xf32, #tpu.memory_space<vmem>>, vector<16xf32>,
    %get3A_2638 = vector.shape_cast %get3A_2637 : vector<16xf32> to vector<16xf32>
    %add3A_2639 = arith.addf %add3A_2635, %get3A_2638 : vector<16xf32>
    %get3A_2640 = arith.constant 8608 : index
    %get3A_2641 = tpu.vector_load %arg6[%get3A_2640] {strides = array<i32>} : memref<10240xf32, #tpu.memory_space<vmem>>, vector<16xf32>,
    %get3A_2642 = vector.shape_cast %get3A_2641 : vector<16xf32> to vector<16xf32>
    %add3A_2643 = arith.addf %add3A_2639, %get3A_2642 : vector<16xf32>
    %get3A_2644 = arith.constant 8640 : index
    %get3A_2645 = tpu.vector_load %arg6[%get3A_2644] {strides = array<i32>} : memref<10240xf32, #tpu.memory_space<vmem>>, vector<16xf32>,
    %get3A_2646 = vector.shape_cast %get3A_2645 : vector<16xf32> to vector<16xf32>
    %add3A_2647 = arith.addf %add3A_2643, %get3A_2646 : vector<16xf32>
    %get3A_2648 = arith.constant 8672 : index
    %get3A_2649 = tpu.vector_load %arg6[%get3A_2648] {strides = array<i32>} : memref<10240xf32, #tpu.memory_space<vmem>>, vector<16xf32>,
    %get3A_2650 = vector.shape_cast %get3A_2649 : vector<16xf32> to vector<16xf32>
    %add3A_2651 = arith.addf %add3A_2647, %get3A_2650 : vector<16xf32>
    %get3A_2652 = arith.constant 8704 : index
    %get3A_2653 = tpu.vector_load %arg6[%get3A_2652] {strides = array<i32>} : memref<10240xf32, #tpu.memory_space<vmem>>, vector<16xf32>,
    %get3A_2654 = vector.shape_cast %get3A_2653 : vector<16xf32> to vector<16xf32>
    %add3A_2655 = arith.addf %add3A_2651, %get3A_2654 : vector<16xf32>
    %get3A_2656 = arith.constant 8736 : index
    %get3A_2657 = tpu.vector_load %arg6[%get3A_2656] {strides = array<i32>} : memref<10240xf32, #tpu.memory_space<vmem>>, vector<16xf32>,
    %get3A_2658 = vector.shape_cast %get3A_2657 : vector<16xf32> to vector<16xf32>
    %add3A_2659 = arith.addf %add3A_2655, %get3A_2658 : vector<16xf32>
    %get3A_2660 = arith.constant 8768 : index
    %get3A_2661 = tpu.vector_load %arg6[%get3A_2660] {strides = array<i32>} : memref<10240xf32, #tpu.memory_space<vmem>>, vector<16xf32>,
    %get3A_2662 = vector.shape_cast %get3A_2661 : vector<16xf32> to vector<16xf32>
    %add3A_2663 = arith.addf %add3A_2659, %get3A_2662 : vector<16xf32>
    %get3A_2664 = arith.constant 8800 : index
    %get3A_2665 = tpu.vector_load %arg6[%get3A_2664] {strides = array<i32>} : memref<10240xf32, #tpu.memory_space<vmem>>, vector<16xf32>,
    %get3A_2666 = vector.shape_cast %get3A_2665 : vector<16xf32> to vector<16xf32>
    %add3A_2667 = arith.addf %add3A_2663, %get3A_2666 : vector<16xf32>
    %get3A_2668 = arith.constant 8832 : index
    %get3A_2669 = tpu.vector_load %arg6[%get3A_2668] {strides = array<i32>} : memref<10240xf32, #tpu.memory_space<vmem>>, vector<16xf32>,
    %get3A_2670 = vector.shape_cast %get3A_2669 : vector<16xf32> to vector<16xf32>
    %add3A_2671 = arith.addf %add3A_2667, %get3A_2670 : vector<16xf32>
    %get3A_2672 = arith.constant 8864 : index
    %get3A_2673 = tpu.vector_load %arg6[%get3A_2672] {strides = array<i32>} : memref<10240xf32, #tpu.memory_space<vmem>>, vector<16xf32>,
    %get3A_2674 = vector.shape_cast %get3A_2673 : vector<16xf32> to vector<16xf32>
    %add3A_2675 = arith.addf %add3A_2671, %get3A_2674 : vector<16xf32>
    %get3A_2676 = arith.constant 8896 : index
    %get3A_2677 = tpu.vector_load %arg6[%get3A_2676] {strides = array<i32>} : memref<10240xf32, #tpu.memory_space<vmem>>, vector<16xf32>,
    %get3A_2678 = vector.shape_cast %get3A_2677 : vector<16xf32> to vector<16xf32>
    %add3A_2679 = arith.addf %add3A_2675, %get3A_2678 : vector<16xf32>
    %get3A_2680 = arith.constant 8928 : index
    %get3A_2681 = tpu.vector_load %arg6[%get3A_2680] {strides = array<i32>} : memref<10240xf32, #tpu.memory_space<vmem>>, vector<16xf32>,
    %get3A_2682 = vector.shape_cast %get3A_2681 : vector<16xf32> to vector<16xf32>
    %add3A_2683 = arith.addf %add3A_2679, %get3A_2682 : vector<16xf32>
    %mul3A_2684 = arith.constant 5.000000e-02 : f32
    %mul3A_2685 = vector.broadcast %mul3A_2684 : f32 to vector<16xf32>
    %mul3A_2686 = arith.mulf %add3A_2683, %mul3A_2685 : vector<16xf32>
    %swap3A_2687 = arith.constant 13 : i32
    %swap3A_2688 = arith.index_cast %swap3A_2687 : i32 to index
    %swap3A_2689 = arith.constant 0 : index
    %swap3A_2690 = tpu.vector_load %arg7[%swap3A_2688, %swap3A_2689] {strides = array<i32>} : memref<16x32xf32, #tpu.memory_space<vmem>>, vector<1x16xf32>,
    %swap3A_2691 = vector.shape_cast %swap3A_2690 : vector<1x16xf32> to vector<16xf32>
    %swap3A_2692 = vector.shape_cast %mul3A_2686 : vector<16xf32> to vector<1x16xf32>
    tpu.vector_store %arg7[%swap3A_2688, %swap3A_2689], %swap3A_2692 {strides = array<i32>} : memref<16x32xf32, #tpu.memory_space<vmem>>, vector<1x16xf32>,
    %get3A_2693 = arith.constant 8336 : index
    %get3A_2694 = tpu.vector_load %arg6[%get3A_2693] {strides = array<i32>} : memref<10240xf32, #tpu.memory_space<vmem>>, vector<16xf32>,
    %get3A_2695 = vector.shape_cast %get3A_2694 : vector<16xf32> to vector<16xf32>
    %get3A_2696 = arith.constant 8368 : index
    %get3A_2697 = tpu.vector_load %arg6[%get3A_2696] {strides = array<i32>} : memref<10240xf32, #tpu.memory_space<vmem>>, vector<16xf32>,
    %get3A_2698 = vector.shape_cast %get3A_2697 : vector<16xf32> to vector<16xf32>
    %add3A_2699 = arith.addf %get3A_2695, %get3A_2698 : vector<16xf32>
    %get3A_2700 = arith.constant 8400 : index
    %get3A_2701 = tpu.vector_load %arg6[%get3A_2700] {strides = array<i32>} : memref<10240xf32, #tpu.memory_space<vmem>>, vector<16xf32>,
    %get3A_2702 = vector.shape_cast %get3A_2701 : vector<16xf32> to vector<16xf32>
    %add3A_2703 = arith.addf %add3A_2699, %get3A_2702 : vector<16xf32>
    %get3A_2704 = arith.constant 8432 : index
    %get3A_2705 = tpu.vector_load %arg6[%get3A_2704] {strides = array<i32>} : memref<10240xf32, #tpu.memory_space<vmem>>, vector<16xf32>,
    %get3A_2706 = vector.shape_cast %get3A_2705 : vector<16xf32> to vector<16xf32>
    %add3A_2707 = arith.addf %add3A_2703, %get3A_2706 : vector<16xf32>
    %get3A_2708 = arith.constant 8464 : index
    %get3A_2709 = tpu.vector_load %arg6[%get3A_2708] {strides = array<i32>} : memref<10240xf32, #tpu.memory_space<vmem>>, vector<16xf32>,
    %get3A_2710 = vector.shape_cast %get3A_2709 : vector<16xf32> to vector<16xf32>
    %add3A_2711 = arith.addf %add3A_2707, %get3A_2710 : vector<16xf32>
    %get3A_2712 = arith.constant 8496 : index
    %get3A_2713 = tpu.vector_load %arg6[%get3A_2712] {strides = array<i32>} : memref<10240xf32, #tpu.memory_space<vmem>>, vector<16xf32>,
    %get3A_2714 = vector.shape_cast %get3A_2713 : vector<16xf32> to vector<16xf32>
    %add3A_2715 = arith.addf %add3A_2711, %get3A_2714 : vector<16xf32>
    %get3A_2716 = arith.constant 8528 : index
    %get3A_2717 = tpu.vector_load %arg6[%get3A_2716] {strides = array<i32>} : memref<10240xf32, #tpu.memory_space<vmem>>, vector<16xf32>,
    %get3A_2718 = vector.shape_cast %get3A_2717 : vector<16xf32> to vector<16xf32>
    %add3A_2719 = arith.addf %add3A_2715, %get3A_2718 : vector<16xf32>
    %get3A_2720 = arith.constant 8560 : index
    %get3A_2721 = tpu.vector_load %arg6[%get3A_2720] {strides = array<i32>} : memref<10240xf32, #tpu.memory_space<vmem>>, vector<16xf32>,
    %get3A_2722 = vector.shape_cast %get3A_2721 : vector<16xf32> to vector<16xf32>
    %add3A_2723 = arith.addf %add3A_2719, %get3A_2722 : vector<16xf32>
    %get3A_2724 = arith.constant 8592 : index
    %get3A_2725 = tpu.vector_load %arg6[%get3A_2724] {strides = array<i32>} : memref<10240xf32, #tpu.memory_space<vmem>>, vector<16xf32>,
    %get3A_2726 = vector.shape_cast %get3A_2725 : vector<16xf32> to vector<16xf32>
    %add3A_2727 = arith.addf %add3A_2723, %get3A_2726 : vector<16xf32>
    %get3A_2728 = arith.constant 8624 : index
    %get3A_2729 = tpu.vector_load %arg6[%get3A_2728] {strides = array<i32>} : memref<10240xf32, #tpu.memory_space<vmem>>, vector<16xf32>,
    %get3A_2730 = vector.shape_cast %get3A_2729 : vector<16xf32> to vector<16xf32>
    %add3A_2731 = arith.addf %add3A_2727, %get3A_2730 : vector<16xf32>
    %get3A_2732 = arith.constant 8656 : index
    %get3A_2733 = tpu.vector_load %arg6[%get3A_2732] {strides = array<i32>} : memref<10240xf32, #tpu.memory_space<vmem>>, vector<16xf32>,
    %get3A_2734 = vector.shape_cast %get3A_2733 : vector<16xf32> to vector<16xf32>
    %add3A_2735 = arith.addf %add3A_2731, %get3A_2734 : vector<16xf32>
    %get3A_2736 = arith.constant 8688 : index
    %get3A_2737 = tpu.vector_load %arg6[%get3A_2736] {strides = array<i32>} : memref<10240xf32, #tpu.memory_space<vmem>>, vector<16xf32>,
    %get3A_2738 = vector.shape_cast %get3A_2737 : vector<16xf32> to vector<16xf32>
    %add3A_2739 = arith.addf %add3A_2735, %get3A_2738 : vector<16xf32>
    %get3A_2740 = arith.constant 8720 : index
    %get3A_2741 = tpu.vector_load %arg6[%get3A_2740] {strides = array<i32>} : memref<10240xf32, #tpu.memory_space<vmem>>, vector<16xf32>,
    %get3A_2742 = vector.shape_cast %get3A_2741 : vector<16xf32> to vector<16xf32>
    %add3A_2743 = arith.addf %add3A_2739, %get3A_2742 : vector<16xf32>
    %get3A_2744 = arith.constant 8752 : index
    %get3A_2745 = tpu.vector_load %arg6[%get3A_2744] {strides = array<i32>} : memref<10240xf32, #tpu.memory_space<vmem>>, vector<16xf32>,
    %get3A_2746 = vector.shape_cast %get3A_2745 : vector<16xf32> to vector<16xf32>
    %add3A_2747 = arith.addf %add3A_2743, %get3A_2746 : vector<16xf32>
    %get3A_2748 = arith.constant 8784 : index
    %get3A_2749 = tpu.vector_load %arg6[%get3A_2748] {strides = array<i32>} : memref<10240xf32, #tpu.memory_space<vmem>>, vector<16xf32>,
    %get3A_2750 = vector.shape_cast %get3A_2749 : vector<16xf32> to vector<16xf32>
    %add3A_2751 = arith.addf %add3A_2747, %get3A_2750 : vector<16xf32>
    %get3A_2752 = arith.constant 8816 : index
    %get3A_2753 = tpu.vector_load %arg6[%get3A_2752] {strides = array<i32>} : memref<10240xf32, #tpu.memory_space<vmem>>, vector<16xf32>,
    %get3A_2754 = vector.shape_cast %get3A_2753 : vector<16xf32> to vector<16xf32>
    %add3A_2755 = arith.addf %add3A_2751, %get3A_2754 : vector<16xf32>
    %get3A_2756 = arith.constant 8848 : index
    %get3A_2757 = tpu.vector_load %arg6[%get3A_2756] {strides = array<i32>} : memref<10240xf32, #tpu.memory_space<vmem>>, vector<16xf32>,
    %get3A_2758 = vector.shape_cast %get3A_2757 : vector<16xf32> to vector<16xf32>
    %add3A_2759 = arith.addf %add3A_2755, %get3A_2758 : vector<16xf32>
    %get3A_2760 = arith.constant 8880 : index
    %get3A_2761 = tpu.vector_load %arg6[%get3A_2760] {strides = array<i32>} : memref<10240xf32, #tpu.memory_space<vmem>>, vector<16xf32>,
    %get3A_2762 = vector.shape_cast %get3A_2761 : vector<16xf32> to vector<16xf32>
    %add3A_2763 = arith.addf %add3A_2759, %get3A_2762 : vector<16xf32>
    %get3A_2764 = arith.constant 8912 : index
    %get3A_2765 = tpu.vector_load %arg6[%get3A_2764] {strides = array<i32>} : memref<10240xf32, #tpu.memory_space<vmem>>, vector<16xf32>,
    %get3A_2766 = vector.shape_cast %get3A_2765 : vector<16xf32> to vector<16xf32>
    %add3A_2767 = arith.addf %add3A_2763, %get3A_2766 : vector<16xf32>
    %get3A_2768 = arith.constant 8944 : index
    %get3A_2769 = tpu.vector_load %arg6[%get3A_2768] {strides = array<i32>} : memref<10240xf32, #tpu.memory_space<vmem>>, vector<16xf32>,
    %get3A_2770 = vector.shape_cast %get3A_2769 : vector<16xf32> to vector<16xf32>
    %add3A_2771 = arith.addf %add3A_2767, %get3A_2770 : vector<16xf32>
    %mul3A_2772 = arith.constant 5.000000e-02 : f32
    %mul3A_2773 = vector.broadcast %mul3A_2772 : f32 to vector<16xf32>
    %mul3A_2774 = arith.mulf %add3A_2771, %mul3A_2773 : vector<16xf32>
    %swap3A_2775 = arith.constant 13 : i32
    %swap3A_2776 = arith.index_cast %swap3A_2775 : i32 to index
    %swap3A_2777 = arith.constant 16 : index
    %swap3A_2778 = tpu.vector_load %arg7[%swap3A_2776, %swap3A_2777] {strides = array<i32>} : memref<16x32xf32, #tpu.memory_space<vmem>>, vector<1x16xf32>,
    %swap3A_2779 = vector.shape_cast %swap3A_2778 : vector<1x16xf32> to vector<16xf32>
    %swap3A_2780 = vector.shape_cast %mul3A_2774 : vector<16xf32> to vector<1x16xf32>
    tpu.vector_store %arg7[%swap3A_2776, %swap3A_2777], %swap3A_2780 {strides = array<i32>} : memref<16x32xf32, #tpu.memory_space<vmem>>, vector<1x16xf32>,
    %get3A_2781 = arith.constant 8960 : index
    %get3A_2782 = tpu.vector_load %arg6[%get3A_2781] {strides = array<i32>} : memref<10240xf32, #tpu.memory_space<vmem>>, vector<16xf32>,
    %get3A_2783 = vector.shape_cast %get3A_2782 : vector<16xf32> to vector<16xf32>
    %get3A_2784 = arith.constant 8992 : index
    %get3A_2785 = tpu.vector_load %arg6[%get3A_2784] {strides = array<i32>} : memref<10240xf32, #tpu.memory_space<vmem>>, vector<16xf32>,
    %get3A_2786 = vector.shape_cast %get3A_2785 : vector<16xf32> to vector<16xf32>
    %add3A_2787 = arith.addf %get3A_2783, %get3A_2786 : vector<16xf32>
    %get3A_2788 = arith.constant 9024 : index
    %get3A_2789 = tpu.vector_load %arg6[%get3A_2788] {strides = array<i32>} : memref<10240xf32, #tpu.memory_space<vmem>>, vector<16xf32>,
    %get3A_2790 = vector.shape_cast %get3A_2789 : vector<16xf32> to vector<16xf32>
    %add3A_2791 = arith.addf %add3A_2787, %get3A_2790 : vector<16xf32>
    %get3A_2792 = arith.constant 9056 : index
    %get3A_2793 = tpu.vector_load %arg6[%get3A_2792] {strides = array<i32>} : memref<10240xf32, #tpu.memory_space<vmem>>, vector<16xf32>,
    %get3A_2794 = vector.shape_cast %get3A_2793 : vector<16xf32> to vector<16xf32>
    %add3A_2795 = arith.addf %add3A_2791, %get3A_2794 : vector<16xf32>
    %get3A_2796 = arith.constant 9088 : index
    %get3A_2797 = tpu.vector_load %arg6[%get3A_2796] {strides = array<i32>} : memref<10240xf32, #tpu.memory_space<vmem>>, vector<16xf32>,
    %get3A_2798 = vector.shape_cast %get3A_2797 : vector<16xf32> to vector<16xf32>
    %add3A_2799 = arith.addf %add3A_2795, %get3A_2798 : vector<16xf32>
    %get3A_2800 = arith.constant 9120 : index
    %get3A_2801 = tpu.vector_load %arg6[%get3A_2800] {strides = array<i32>} : memref<10240xf32, #tpu.memory_space<vmem>>, vector<16xf32>,
    %get3A_2802 = vector.shape_cast %get3A_2801 : vector<16xf32> to vector<16xf32>
    %add3A_2803 = arith.addf %add3A_2799, %get3A_2802 : vector<16xf32>
    %get3A_2804 = arith.constant 9152 : index
    %get3A_2805 = tpu.vector_load %arg6[%get3A_2804] {strides = array<i32>} : memref<10240xf32, #tpu.memory_space<vmem>>, vector<16xf32>,
    %get3A_2806 = vector.shape_cast %get3A_2805 : vector<16xf32> to vector<16xf32>
    %add3A_2807 = arith.addf %add3A_2803, %get3A_2806 : vector<16xf32>
    %get3A_2808 = arith.constant 9184 : index
    %get3A_2809 = tpu.vector_load %arg6[%get3A_2808] {strides = array<i32>} : memref<10240xf32, #tpu.memory_space<vmem>>, vector<16xf32>,
    %get3A_2810 = vector.shape_cast %get3A_2809 : vector<16xf32> to vector<16xf32>
    %add3A_2811 = arith.addf %add3A_2807, %get3A_2810 : vector<16xf32>
    %get3A_2812 = arith.constant 9216 : index
    %get3A_2813 = tpu.vector_load %arg6[%get3A_2812] {strides = array<i32>} : memref<10240xf32, #tpu.memory_space<vmem>>, vector<16xf32>,
    %get3A_2814 = vector.shape_cast %get3A_2813 : vector<16xf32> to vector<16xf32>
    %add3A_2815 = arith.addf %add3A_2811, %get3A_2814 : vector<16xf32>
    %get3A_2816 = arith.constant 9248 : index
    %get3A_2817 = tpu.vector_load %arg6[%get3A_2816] {strides = array<i32>} : memref<10240xf32, #tpu.memory_space<vmem>>, vector<16xf32>,
    %get3A_2818 = vector.shape_cast %get3A_2817 : vector<16xf32> to vector<16xf32>
    %add3A_2819 = arith.addf %add3A_2815, %get3A_2818 : vector<16xf32>
    %get3A_2820 = arith.constant 9280 : index
    %get3A_2821 = tpu.vector_load %arg6[%get3A_2820] {strides = array<i32>} : memref<10240xf32, #tpu.memory_space<vmem>>, vector<16xf32>,
    %get3A_2822 = vector.shape_cast %get3A_2821 : vector<16xf32> to vector<16xf32>
    %add3A_2823 = arith.addf %add3A_2819, %get3A_2822 : vector<16xf32>
    %get3A_2824 = arith.constant 9312 : index
    %get3A_2825 = tpu.vector_load %arg6[%get3A_2824] {strides = array<i32>} : memref<10240xf32, #tpu.memory_space<vmem>>, vector<16xf32>,
    %get3A_2826 = vector.shape_cast %get3A_2825 : vector<16xf32> to vector<16xf32>
    %add3A_2827 = arith.addf %add3A_2823, %get3A_2826 : vector<16xf32>
    %get3A_2828 = arith.constant 9344 : index
    %get3A_2829 = tpu.vector_load %arg6[%get3A_2828] {strides = array<i32>} : memref<10240xf32, #tpu.memory_space<vmem>>, vector<16xf32>,
    %get3A_2830 = vector.shape_cast %get3A_2829 : vector<16xf32> to vector<16xf32>
    %add3A_2831 = arith.addf %add3A_2827, %get3A_2830 : vector<16xf32>
    %get3A_2832 = arith.constant 9376 : index
    %get3A_2833 = tpu.vector_load %arg6[%get3A_2832] {strides = array<i32>} : memref<10240xf32, #tpu.memory_space<vmem>>, vector<16xf32>,
    %get3A_2834 = vector.shape_cast %get3A_2833 : vector<16xf32> to vector<16xf32>
    %add3A_2835 = arith.addf %add3A_2831, %get3A_2834 : vector<16xf32>
    %get3A_2836 = arith.constant 9408 : index
    %get3A_2837 = tpu.vector_load %arg6[%get3A_2836] {strides = array<i32>} : memref<10240xf32, #tpu.memory_space<vmem>>, vector<16xf32>,
    %get3A_2838 = vector.shape_cast %get3A_2837 : vector<16xf32> to vector<16xf32>
    %add3A_2839 = arith.addf %add3A_2835, %get3A_2838 : vector<16xf32>
    %get3A_2840 = arith.constant 9440 : index
    %get3A_2841 = tpu.vector_load %arg6[%get3A_2840] {strides = array<i32>} : memref<10240xf32, #tpu.memory_space<vmem>>, vector<16xf32>,
    %get3A_2842 = vector.shape_cast %get3A_2841 : vector<16xf32> to vector<16xf32>
    %add3A_2843 = arith.addf %add3A_2839, %get3A_2842 : vector<16xf32>
    %get3A_2844 = arith.constant 9472 : index
    %get3A_2845 = tpu.vector_load %arg6[%get3A_2844] {strides = array<i32>} : memref<10240xf32, #tpu.memory_space<vmem>>, vector<16xf32>,
    %get3A_2846 = vector.shape_cast %get3A_2845 : vector<16xf32> to vector<16xf32>
    %add3A_2847 = arith.addf %add3A_2843, %get3A_2846 : vector<16xf32>
    %get3A_2848 = arith.constant 9504 : index
    %get3A_2849 = tpu.vector_load %arg6[%get3A_2848] {strides = array<i32>} : memref<10240xf32, #tpu.memory_space<vmem>>, vector<16xf32>,
    %get3A_2850 = vector.shape_cast %get3A_2849 : vector<16xf32> to vector<16xf32>
    %add3A_2851 = arith.addf %add3A_2847, %get3A_2850 : vector<16xf32>
    %get3A_2852 = arith.constant 9536 : index
    %get3A_2853 = tpu.vector_load %arg6[%get3A_2852] {strides = array<i32>} : memref<10240xf32, #tpu.memory_space<vmem>>, vector<16xf32>,
    %get3A_2854 = vector.shape_cast %get3A_2853 : vector<16xf32> to vector<16xf32>
    %add3A_2855 = arith.addf %add3A_2851, %get3A_2854 : vector<16xf32>
    %get3A_2856 = arith.constant 9568 : index
    %get3A_2857 = tpu.vector_load %arg6[%get3A_2856] {strides = array<i32>} : memref<10240xf32, #tpu.memory_space<vmem>>, vector<16xf32>,
    %get3A_2858 = vector.shape_cast %get3A_2857 : vector<16xf32> to vector<16xf32>
    %add3A_2859 = arith.addf %add3A_2855, %get3A_2858 : vector<16xf32>
    %mul3A_2860 = arith.constant 5.000000e-02 : f32
    %mul3A_2861 = vector.broadcast %mul3A_2860 : f32 to vector<16xf32>
    %mul3A_2862 = arith.mulf %add3A_2859, %mul3A_2861 : vector<16xf32>
    %swap3A_2863 = arith.constant 14 : i32
    %swap3A_2864 = arith.index_cast %swap3A_2863 : i32 to index
    %swap3A_2865 = arith.constant 0 : index
    %swap3A_2866 = tpu.vector_load %arg7[%swap3A_2864, %swap3A_2865] {strides = array<i32>} : memref<16x32xf32, #tpu.memory_space<vmem>>, vector<1x16xf32>,
    %swap3A_2867 = vector.shape_cast %swap3A_2866 : vector<1x16xf32> to vector<16xf32>
    %swap3A_2868 = vector.shape_cast %mul3A_2862 : vector<16xf32> to vector<1x16xf32>
    tpu.vector_store %arg7[%swap3A_2864, %swap3A_2865], %swap3A_2868 {strides = array<i32>} : memref<16x32xf32, #tpu.memory_space<vmem>>, vector<1x16xf32>,
    %get3A_2869 = arith.constant 8976 : index
    %get3A_2870 = tpu.vector_load %arg6[%get3A_2869] {strides = array<i32>} : memref<10240xf32, #tpu.memory_space<vmem>>, vector<16xf32>,
    %get3A_2871 = vector.shape_cast %get3A_2870 : vector<16xf32> to vector<16xf32>
    %get3A_2872 = arith.constant 9008 : index
    %get3A_2873 = tpu.vector_load %arg6[%get3A_2872] {strides = array<i32>} : memref<10240xf32, #tpu.memory_space<vmem>>, vector<16xf32>,
    %get3A_2874 = vector.shape_cast %get3A_2873 : vector<16xf32> to vector<16xf32>
    %add3A_2875 = arith.addf %get3A_2871, %get3A_2874 : vector<16xf32>
    %get3A_2876 = arith.constant 9040 : index
    %get3A_2877 = tpu.vector_load %arg6[%get3A_2876] {strides = array<i32>} : memref<10240xf32, #tpu.memory_space<vmem>>, vector<16xf32>,
    %get3A_2878 = vector.shape_cast %get3A_2877 : vector<16xf32> to vector<16xf32>
    %add3A_2879 = arith.addf %add3A_2875, %get3A_2878 : vector<16xf32>
    %get3A_2880 = arith.constant 9072 : index
    %get3A_2881 = tpu.vector_load %arg6[%get3A_2880] {strides = array<i32>} : memref<10240xf32, #tpu.memory_space<vmem>>, vector<16xf32>,
    %get3A_2882 = vector.shape_cast %get3A_2881 : vector<16xf32> to vector<16xf32>
    %add3A_2883 = arith.addf %add3A_2879, %get3A_2882 : vector<16xf32>
    %get3A_2884 = arith.constant 9104 : index
    %get3A_2885 = tpu.vector_load %arg6[%get3A_2884] {strides = array<i32>} : memref<10240xf32, #tpu.memory_space<vmem>>, vector<16xf32>,
    %get3A_2886 = vector.shape_cast %get3A_2885 : vector<16xf32> to vector<16xf32>
    %add3A_2887 = arith.addf %add3A_2883, %get3A_2886 : vector<16xf32>
    %get3A_2888 = arith.constant 9136 : index
    %get3A_2889 = tpu.vector_load %arg6[%get3A_2888] {strides = array<i32>} : memref<10240xf32, #tpu.memory_space<vmem>>, vector<16xf32>,
    %get3A_2890 = vector.shape_cast %get3A_2889 : vector<16xf32> to vector<16xf32>
    %add3A_2891 = arith.addf %add3A_2887, %get3A_2890 : vector<16xf32>
    %get3A_2892 = arith.constant 9168 : index
    %get3A_2893 = tpu.vector_load %arg6[%get3A_2892] {strides = array<i32>} : memref<10240xf32, #tpu.memory_space<vmem>>, vector<16xf32>,
    %get3A_2894 = vector.shape_cast %get3A_2893 : vector<16xf32> to vector<16xf32>
    %add3A_2895 = arith.addf %add3A_2891, %get3A_2894 : vector<16xf32>
    %get3A_2896 = arith.constant 9200 : index
    %get3A_2897 = tpu.vector_load %arg6[%get3A_2896] {strides = array<i32>} : memref<10240xf32, #tpu.memory_space<vmem>>, vector<16xf32>,
    %get3A_2898 = vector.shape_cast %get3A_2897 : vector<16xf32> to vector<16xf32>
    %add3A_2899 = arith.addf %add3A_2895, %get3A_2898 : vector<16xf32>
    %get3A_2900 = arith.constant 9232 : index
    %get3A_2901 = tpu.vector_load %arg6[%get3A_2900] {strides = array<i32>} : memref<10240xf32, #tpu.memory_space<vmem>>, vector<16xf32>,
    %get3A_2902 = vector.shape_cast %get3A_2901 : vector<16xf32> to vector<16xf32>
    %add3A_2903 = arith.addf %add3A_2899, %get3A_2902 : vector<16xf32>
    %get3A_2904 = arith.constant 9264 : index
    %get3A_2905 = tpu.vector_load %arg6[%get3A_2904] {strides = array<i32>} : memref<10240xf32, #tpu.memory_space<vmem>>, vector<16xf32>,
    %get3A_2906 = vector.shape_cast %get3A_2905 : vector<16xf32> to vector<16xf32>
    %add3A_2907 = arith.addf %add3A_2903, %get3A_2906 : vector<16xf32>
    %get3A_2908 = arith.constant 9296 : index
    %get3A_2909 = tpu.vector_load %arg6[%get3A_2908] {strides = array<i32>} : memref<10240xf32, #tpu.memory_space<vmem>>, vector<16xf32>,
    %get3A_2910 = vector.shape_cast %get3A_2909 : vector<16xf32> to vector<16xf32>
    %add3A_2911 = arith.addf %add3A_2907, %get3A_2910 : vector<16xf32>
    %get3A_2912 = arith.constant 9328 : index
    %get3A_2913 = tpu.vector_load %arg6[%get3A_2912] {strides = array<i32>} : memref<10240xf32, #tpu.memory_space<vmem>>, vector<16xf32>,
    %get3A_2914 = vector.shape_cast %get3A_2913 : vector<16xf32> to vector<16xf32>
    %add3A_2915 = arith.addf %add3A_2911, %get3A_2914 : vector<16xf32>
    %get3A_2916 = arith.constant 9360 : index
    %get3A_2917 = tpu.vector_load %arg6[%get3A_2916] {strides = array<i32>} : memref<10240xf32, #tpu.memory_space<vmem>>, vector<16xf32>,
    %get3A_2918 = vector.shape_cast %get3A_2917 : vector<16xf32> to vector<16xf32>
    %add3A_2919 = arith.addf %add3A_2915, %get3A_2918 : vector<16xf32>
    %get3A_2920 = arith.constant 9392 : index
    %get3A_2921 = tpu.vector_load %arg6[%get3A_2920] {strides = array<i32>} : memref<10240xf32, #tpu.memory_space<vmem>>, vector<16xf32>,
    %get3A_2922 = vector.shape_cast %get3A_2921 : vector<16xf32> to vector<16xf32>
    %add3A_2923 = arith.addf %add3A_2919, %get3A_2922 : vector<16xf32>
    %get3A_2924 = arith.constant 9424 : index
    %get3A_2925 = tpu.vector_load %arg6[%get3A_2924] {strides = array<i32>} : memref<10240xf32, #tpu.memory_space<vmem>>, vector<16xf32>,
    %get3A_2926 = vector.shape_cast %get3A_2925 : vector<16xf32> to vector<16xf32>
    %add3A_2927 = arith.addf %add3A_2923, %get3A_2926 : vector<16xf32>
    %get3A_2928 = arith.constant 9456 : index
    %get3A_2929 = tpu.vector_load %arg6[%get3A_2928] {strides = array<i32>} : memref<10240xf32, #tpu.memory_space<vmem>>, vector<16xf32>,
    %get3A_2930 = vector.shape_cast %get3A_2929 : vector<16xf32> to vector<16xf32>
    %add3A_2931 = arith.addf %add3A_2927, %get3A_2930 : vector<16xf32>
    %get3A_2932 = arith.constant 9488 : index
    %get3A_2933 = tpu.vector_load %arg6[%get3A_2932] {strides = array<i32>} : memref<10240xf32, #tpu.memory_space<vmem>>, vector<16xf32>,
    %get3A_2934 = vector.shape_cast %get3A_2933 : vector<16xf32> to vector<16xf32>
    %add3A_2935 = arith.addf %add3A_2931, %get3A_2934 : vector<16xf32>
    %get3A_2936 = arith.constant 9520 : index
    %get3A_2937 = tpu.vector_load %arg6[%get3A_2936] {strides = array<i32>} : memref<10240xf32, #tpu.memory_space<vmem>>, vector<16xf32>,
    %get3A_2938 = vector.shape_cast %get3A_2937 : vector<16xf32> to vector<16xf32>
    %add3A_2939 = arith.addf %add3A_2935, %get3A_2938 : vector<16xf32>
    %get3A_2940 = arith.constant 9552 : index
    %get3A_2941 = tpu.vector_load %arg6[%get3A_2940] {strides = array<i32>} : memref<10240xf32, #tpu.memory_space<vmem>>, vector<16xf32>,
    %get3A_2942 = vector.shape_cast %get3A_2941 : vector<16xf32> to vector<16xf32>
    %add3A_2943 = arith.addf %add3A_2939, %get3A_2942 : vector<16xf32>
    %get3A_2944 = arith.constant 9584 : index
    %get3A_2945 = tpu.vector_load %arg6[%get3A_2944] {strides = array<i32>} : memref<10240xf32, #tpu.memory_space<vmem>>, vector<16xf32>,
    %get3A_2946 = vector.shape_cast %get3A_2945 : vector<16xf32> to vector<16xf32>
    %add3A_2947 = arith.addf %add3A_2943, %get3A_2946 : vector<16xf32>
    %mul3A_2948 = arith.constant 5.000000e-02 : f32
    %mul3A_2949 = vector.broadcast %mul3A_2948 : f32 to vector<16xf32>
    %mul3A_2950 = arith.mulf %add3A_2947, %mul3A_2949 : vector<16xf32>
    %swap3A_2951 = arith.constant 14 : i32
    %swap3A_2952 = arith.index_cast %swap3A_2951 : i32 to index
    %swap3A_2953 = arith.constant 16 : index
    %swap3A_2954 = tpu.vector_load %arg7[%swap3A_2952, %swap3A_2953] {strides = array<i32>} : memref<16x32xf32, #tpu.memory_space<vmem>>, vector<1x16xf32>,
    %swap3A_2955 = vector.shape_cast %swap3A_2954 : vector<1x16xf32> to vector<16xf32>
    %swap3A_2956 = vector.shape_cast %mul3A_2950 : vector<16xf32> to vector<1x16xf32>
    tpu.vector_store %arg7[%swap3A_2952, %swap3A_2953], %swap3A_2956 {strides = array<i32>} : memref<16x32xf32, #tpu.memory_space<vmem>>, vector<1x16xf32>,
    %get3A_2957 = arith.constant 9600 : index
    %get3A_2958 = tpu.vector_load %arg6[%get3A_2957] {strides = array<i32>} : memref<10240xf32, #tpu.memory_space<vmem>>, vector<16xf32>,
    %get3A_2959 = vector.shape_cast %get3A_2958 : vector<16xf32> to vector<16xf32>
    %get3A_2960 = arith.constant 9632 : index
    %get3A_2961 = tpu.vector_load %arg6[%get3A_2960] {strides = array<i32>} : memref<10240xf32, #tpu.memory_space<vmem>>, vector<16xf32>,
    %get3A_2962 = vector.shape_cast %get3A_2961 : vector<16xf32> to vector<16xf32>
    %add3A_2963 = arith.addf %get3A_2959, %get3A_2962 : vector<16xf32>
    %get3A_2964 = arith.constant 9664 : index
    %get3A_2965 = tpu.vector_load %arg6[%get3A_2964] {strides = array<i32>} : memref<10240xf32, #tpu.memory_space<vmem>>, vector<16xf32>,
    %get3A_2966 = vector.shape_cast %get3A_2965 : vector<16xf32> to vector<16xf32>
    %add3A_2967 = arith.addf %add3A_2963, %get3A_2966 : vector<16xf32>
    %get3A_2968 = arith.constant 9696 : index
    %get3A_2969 = tpu.vector_load %arg6[%get3A_2968] {strides = array<i32>} : memref<10240xf32, #tpu.memory_space<vmem>>, vector<16xf32>,
    %get3A_2970 = vector.shape_cast %get3A_2969 : vector<16xf32> to vector<16xf32>
    %add3A_2971 = arith.addf %add3A_2967, %get3A_2970 : vector<16xf32>
    %get3A_2972 = arith.constant 9728 : index
    %get3A_2973 = tpu.vector_load %arg6[%get3A_2972] {strides = array<i32>} : memref<10240xf32, #tpu.memory_space<vmem>>, vector<16xf32>,
    %get3A_2974 = vector.shape_cast %get3A_2973 : vector<16xf32> to vector<16xf32>
    %add3A_2975 = arith.addf %add3A_2971, %get3A_2974 : vector<16xf32>
    %get3A_2976 = arith.constant 9760 : index
    %get3A_2977 = tpu.vector_load %arg6[%get3A_2976] {strides = array<i32>} : memref<10240xf32, #tpu.memory_space<vmem>>, vector<16xf32>,
    %get3A_2978 = vector.shape_cast %get3A_2977 : vector<16xf32> to vector<16xf32>
    %add3A_2979 = arith.addf %add3A_2975, %get3A_2978 : vector<16xf32>
    %get3A_2980 = arith.constant 9792 : index
    %get3A_2981 = tpu.vector_load %arg6[%get3A_2980] {strides = array<i32>} : memref<10240xf32, #tpu.memory_space<vmem>>, vector<16xf32>,
    %get3A_2982 = vector.shape_cast %get3A_2981 : vector<16xf32> to vector<16xf32>
    %add3A_2983 = arith.addf %add3A_2979, %get3A_2982 : vector<16xf32>
    %get3A_2984 = arith.constant 9824 : index
    %get3A_2985 = tpu.vector_load %arg6[%get3A_2984] {strides = array<i32>} : memref<10240xf32, #tpu.memory_space<vmem>>, vector<16xf32>,
    %get3A_2986 = vector.shape_cast %get3A_2985 : vector<16xf32> to vector<16xf32>
    %add3A_2987 = arith.addf %add3A_2983, %get3A_2986 : vector<16xf32>
    %get3A_2988 = arith.constant 9856 : index
    %get3A_2989 = tpu.vector_load %arg6[%get3A_2988] {strides = array<i32>} : memref<10240xf32, #tpu.memory_space<vmem>>, vector<16xf32>,
    %get3A_2990 = vector.shape_cast %get3A_2989 : vector<16xf32> to vector<16xf32>
    %add3A_2991 = arith.addf %add3A_2987, %get3A_2990 : vector<16xf32>
    %get3A_2992 = arith.constant 9888 : index
    %get3A_2993 = tpu.vector_load %arg6[%get3A_2992] {strides = array<i32>} : memref<10240xf32, #tpu.memory_space<vmem>>, vector<16xf32>,
    %get3A_2994 = vector.shape_cast %get3A_2993 : vector<16xf32> to vector<16xf32>
    %add3A_2995 = arith.addf %add3A_2991, %get3A_2994 : vector<16xf32>
    %get3A_2996 = arith.constant 9920 : index
    %get3A_2997 = tpu.vector_load %arg6[%get3A_2996] {strides = array<i32>} : memref<10240xf32, #tpu.memory_space<vmem>>, vector<16xf32>,
    %get3A_2998 = vector.shape_cast %get3A_2997 : vector<16xf32> to vector<16xf32>
    %add3A_2999 = arith.addf %add3A_2995, %get3A_2998 : vector<16xf32>
    %get3A_3000 = arith.constant 9952 : index
    %get3A_3001 = tpu.vector_load %arg6[%get3A_3000] {strides = array<i32>} : memref<10240xf32, #tpu.memory_space<vmem>>, vector<16xf32>,
    %get3A_3002 = vector.shape_cast %get3A_3001 : vector<16xf32> to vector<16xf32>
    %add3A_3003 = arith.addf %add3A_2999, %get3A_3002 : vector<16xf32>
    %get3A_3004 = arith.constant 9984 : index
    %get3A_3005 = tpu.vector_load %arg6[%get3A_3004] {strides = array<i32>} : memref<10240xf32, #tpu.memory_space<vmem>>, vector<16xf32>,
    %get3A_3006 = vector.shape_cast %get3A_3005 : vector<16xf32> to vector<16xf32>
    %add3A_3007 = arith.addf %add3A_3003, %get3A_3006 : vector<16xf32>
    %get3A_3008 = arith.constant 10016 : index
    %get3A_3009 = tpu.vector_load %arg6[%get3A_3008] {strides = array<i32>} : memref<10240xf32, #tpu.memory_space<vmem>>, vector<16xf32>,
    %get3A_3010 = vector.shape_cast %get3A_3009 : vector<16xf32> to vector<16xf32>
    %add3A_3011 = arith.addf %add3A_3007, %get3A_3010 : vector<16xf32>
    %get3A_3012 = arith.constant 10048 : index
    %get3A_3013 = tpu.vector_load %arg6[%get3A_3012] {strides = array<i32>} : memref<10240xf32, #tpu.memory_space<vmem>>, vector<16xf32>,
    %get3A_3014 = vector.shape_cast %get3A_3013 : vector<16xf32> to vector<16xf32>
    %add3A_3015 = arith.addf %add3A_3011, %get3A_3014 : vector<16xf32>
    %get3A_3016 = arith.constant 10080 : index
    %get3A_3017 = tpu.vector_load %arg6[%get3A_3016] {strides = array<i32>} : memref<10240xf32, #tpu.memory_space<vmem>>, vector<16xf32>,
    %get3A_3018 = vector.shape_cast %get3A_3017 : vector<16xf32> to vector<16xf32>
    %add3A_3019 = arith.addf %add3A_3015, %get3A_3018 : vector<16xf32>
    %get3A_3020 = arith.constant 10112 : index
    %get3A_3021 = tpu.vector_load %arg6[%get3A_3020] {strides = array<i32>} : memref<10240xf32, #tpu.memory_space<vmem>>, vector<16xf32>,
    %get3A_3022 = vector.shape_cast %get3A_3021 : vector<16xf32> to vector<16xf32>
    %add3A_3023 = arith.addf %add3A_3019, %get3A_3022 : vector<16xf32>
    %get3A_3024 = arith.constant 10144 : index
    %get3A_3025 = tpu.vector_load %arg6[%get3A_3024] {strides = array<i32>} : memref<10240xf32, #tpu.memory_space<vmem>>, vector<16xf32>,
    %get3A_3026 = vector.shape_cast %get3A_3025 : vector<16xf32> to vector<16xf32>
    %add3A_3027 = arith.addf %add3A_3023, %get3A_3026 : vector<16xf32>
    %get3A_3028 = arith.constant 10176 : index
    %get3A_3029 = tpu.vector_load %arg6[%get3A_3028] {strides = array<i32>} : memref<10240xf32, #tpu.memory_space<vmem>>, vector<16xf32>,
    %get3A_3030 = vector.shape_cast %get3A_3029 : vector<16xf32> to vector<16xf32>
    %add3A_3031 = arith.addf %add3A_3027, %get3A_3030 : vector<16xf32>
    %get3A_3032 = arith.constant 10208 : index
    %get3A_3033 = tpu.vector_load %arg6[%get3A_3032] {strides = array<i32>} : memref<10240xf32, #tpu.memory_space<vmem>>, vector<16xf32>,
    %get3A_3034 = vector.shape_cast %get3A_3033 : vector<16xf32> to vector<16xf32>
    %add3A_3035 = arith.addf %add3A_3031, %get3A_3034 : vector<16xf32>
    %mul3A_3036 = arith.constant 5.000000e-02 : f32
    %mul3A_3037 = vector.broadcast %mul3A_3036 : f32 to vector<16xf32>
    %mul3A_3038 = arith.mulf %add3A_3035, %mul3A_3037 : vector<16xf32>
    %swap3A_3039 = arith.constant 15 : i32
    %swap3A_3040 = arith.index_cast %swap3A_3039 : i32 to index
    %swap3A_3041 = arith.constant 0 : index
    %swap3A_3042 = tpu.vector_load %arg7[%swap3A_3040, %swap3A_3041] {strides = array<i32>} : memref<16x32xf32, #tpu.memory_space<vmem>>, vector<1x16xf32>,
    %swap3A_3043 = vector.shape_cast %swap3A_3042 : vector<1x16xf32> to vector<16xf32>
    %swap3A_3044 = vector.shape_cast %mul3A_3038 : vector<16xf32> to vector<1x16xf32>
    tpu.vector_store %arg7[%swap3A_3040, %swap3A_3041], %swap3A_3044 {strides = array<i32>} : memref<16x32xf32, #tpu.memory_space<vmem>>, vector<1x16xf32>,
    %get3A_3045 = arith.constant 9616 : index
    %get3A_3046 = tpu.vector_load %arg6[%get3A_3045] {strides = array<i32>} : memref<10240xf32, #tpu.memory_space<vmem>>, vector<16xf32>,
    %get3A_3047 = vector.shape_cast %get3A_3046 : vector<16xf32> to vector<16xf32>
    %get3A_3048 = arith.constant 9648 : index
    %get3A_3049 = tpu.vector_load %arg6[%get3A_3048] {strides = array<i32>} : memref<10240xf32, #tpu.memory_space<vmem>>, vector<16xf32>,
    %get3A_3050 = vector.shape_cast %get3A_3049 : vector<16xf32> to vector<16xf32>
    %add3A_3051 = arith.addf %get3A_3047, %get3A_3050 : vector<16xf32>
    %get3A_3052 = arith.constant 9680 : index
    %get3A_3053 = tpu.vector_load %arg6[%get3A_3052] {strides = array<i32>} : memref<10240xf32, #tpu.memory_space<vmem>>, vector<16xf32>,
    %get3A_3054 = vector.shape_cast %get3A_3053 : vector<16xf32> to vector<16xf32>
    %add3A_3055 = arith.addf %add3A_3051, %get3A_3054 : vector<16xf32>
    %get3A_3056 = arith.constant 9712 : index
    %get3A_3057 = tpu.vector_load %arg6[%get3A_3056] {strides = array<i32>} : memref<10240xf32, #tpu.memory_space<vmem>>, vector<16xf32>,
    %get3A_3058 = vector.shape_cast %get3A_3057 : vector<16xf32> to vector<16xf32>
    %add3A_3059 = arith.addf %add3A_3055, %get3A_3058 : vector<16xf32>
    %get3A_3060 = arith.constant 9744 : index
    %get3A_3061 = tpu.vector_load %arg6[%get3A_3060] {strides = array<i32>} : memref<10240xf32, #tpu.memory_space<vmem>>, vector<16xf32>,
    %get3A_3062 = vector.shape_cast %get3A_3061 : vector<16xf32> to vector<16xf32>
    %add3A_3063 = arith.addf %add3A_3059, %get3A_3062 : vector<16xf32>
    %get3A_3064 = arith.constant 9776 : index
    %get3A_3065 = tpu.vector_load %arg6[%get3A_3064] {strides = array<i32>} : memref<10240xf32, #tpu.memory_space<vmem>>, vector<16xf32>,
    %get3A_3066 = vector.shape_cast %get3A_3065 : vector<16xf32> to vector<16xf32>
    %add3A_3067 = arith.addf %add3A_3063, %get3A_3066 : vector<16xf32>
    %get3A_3068 = arith.constant 9808 : index
    %get3A_3069 = tpu.vector_load %arg6[%get3A_3068] {strides = array<i32>} : memref<10240xf32, #tpu.memory_space<vmem>>, vector<16xf32>,
    %get3A_3070 = vector.shape_cast %get3A_3069 : vector<16xf32> to vector<16xf32>
    %add3A_3071 = arith.addf %add3A_3067, %get3A_3070 : vector<16xf32>
    %get3A_3072 = arith.constant 9840 : index
    %get3A_3073 = tpu.vector_load %arg6[%get3A_3072] {strides = array<i32>} : memref<10240xf32, #tpu.memory_space<vmem>>, vector<16xf32>,
    %get3A_3074 = vector.shape_cast %get3A_3073 : vector<16xf32> to vector<16xf32>
    %add3A_3075 = arith.addf %add3A_3071, %get3A_3074 : vector<16xf32>
    %get3A_3076 = arith.constant 9872 : index
    %get3A_3077 = tpu.vector_load %arg6[%get3A_3076] {strides = array<i32>} : memref<10240xf32, #tpu.memory_space<vmem>>, vector<16xf32>,
    %get3A_3078 = vector.shape_cast %get3A_3077 : vector<16xf32> to vector<16xf32>
    %add3A_3079 = arith.addf %add3A_3075, %get3A_3078 : vector<16xf32>
    %get3A_3080 = arith.constant 9904 : index
    %get3A_3081 = tpu.vector_load %arg6[%get3A_3080] {strides = array<i32>} : memref<10240xf32, #tpu.memory_space<vmem>>, vector<16xf32>,
    %get3A_3082 = vector.shape_cast %get3A_3081 : vector<16xf32> to vector<16xf32>
    %add3A_3083 = arith.addf %add3A_3079, %get3A_3082 : vector<16xf32>
    %get3A_3084 = arith.constant 9936 : index
    %get3A_3085 = tpu.vector_load %arg6[%get3A_3084] {strides = array<i32>} : memref<10240xf32, #tpu.memory_space<vmem>>, vector<16xf32>,
    %get3A_3086 = vector.shape_cast %get3A_3085 : vector<16xf32> to vector<16xf32>
    %add3A_3087 = arith.addf %add3A_3083, %get3A_3086 : vector<16xf32>
    %get3A_3088 = arith.constant 9968 : index
    %get3A_3089 = tpu.vector_load %arg6[%get3A_3088] {strides = array<i32>} : memref<10240xf32, #tpu.memory_space<vmem>>, vector<16xf32>,
    %get3A_3090 = vector.shape_cast %get3A_3089 : vector<16xf32> to vector<16xf32>
    %add3A_3091 = arith.addf %add3A_3087, %get3A_3090 : vector<16xf32>
    %get3A_3092 = arith.constant 10000 : index
    %get3A_3093 = tpu.vector_load %arg6[%get3A_3092] {strides = array<i32>} : memref<10240xf32, #tpu.memory_space<vmem>>, vector<16xf32>,
    %get3A_3094 = vector.shape_cast %get3A_3093 : vector<16xf32> to vector<16xf32>
    %add3A_3095 = arith.addf %add3A_3091, %get3A_3094 : vector<16xf32>
    %get3A_3096 = arith.constant 10032 : index
    %get3A_3097 = tpu.vector_load %arg6[%get3A_3096] {strides = array<i32>} : memref<10240xf32, #tpu.memory_space<vmem>>, vector<16xf32>,
    %get3A_3098 = vector.shape_cast %get3A_3097 : vector<16xf32> to vector<16xf32>
    %add3A_3099 = arith.addf %add3A_3095, %get3A_3098 : vector<16xf32>
    %get3A_3100 = arith.constant 10064 : index
    %get3A_3101 = tpu.vector_load %arg6[%get3A_3100] {strides = array<i32>} : memref<10240xf32, #tpu.memory_space<vmem>>, vector<16xf32>,
    %get3A_3102 = vector.shape_cast %get3A_3101 : vector<16xf32> to vector<16xf32>
    %add3A_3103 = arith.addf %add3A_3099, %get3A_3102 : vector<16xf32>
    %get3A_3104 = arith.constant 10096 : index
    %get3A_3105 = tpu.vector_load %arg6[%get3A_3104] {strides = array<i32>} : memref<10240xf32, #tpu.memory_space<vmem>>, vector<16xf32>,
    %get3A_3106 = vector.shape_cast %get3A_3105 : vector<16xf32> to vector<16xf32>
    %add3A_3107 = arith.addf %add3A_3103, %get3A_3106 : vector<16xf32>
    %get3A_3108 = arith.constant 10128 : index
    %get3A_3109 = tpu.vector_load %arg6[%get3A_3108] {strides = array<i32>} : memref<10240xf32, #tpu.memory_space<vmem>>, vector<16xf32>,
    %get3A_3110 = vector.shape_cast %get3A_3109 : vector<16xf32> to vector<16xf32>
    %add3A_3111 = arith.addf %add3A_3107, %get3A_3110 : vector<16xf32>
    %get3A_3112 = arith.constant 10160 : index
    %get3A_3113 = tpu.vector_load %arg6[%get3A_3112] {strides = array<i32>} : memref<10240xf32, #tpu.memory_space<vmem>>, vector<16xf32>,
    %get3A_3114 = vector.shape_cast %get3A_3113 : vector<16xf32> to vector<16xf32>
    %add3A_3115 = arith.addf %add3A_3111, %get3A_3114 : vector<16xf32>
    %get3A_3116 = arith.constant 10192 : index
    %get3A_3117 = tpu.vector_load %arg6[%get3A_3116] {strides = array<i32>} : memref<10240xf32, #tpu.memory_space<vmem>>, vector<16xf32>,
    %get3A_3118 = vector.shape_cast %get3A_3117 : vector<16xf32> to vector<16xf32>
    %add3A_3119 = arith.addf %add3A_3115, %get3A_3118 : vector<16xf32>
    %get3A_3120 = arith.constant 10224 : index
    %get3A_3121 = tpu.vector_load %arg6[%get3A_3120] {strides = array<i32>} : memref<10240xf32, #tpu.memory_space<vmem>>, vector<16xf32>,
    %get3A_3122 = vector.shape_cast %get3A_3121 : vector<16xf32> to vector<16xf32>
    %add3A_3123 = arith.addf %add3A_3119, %get3A_3122 : vector<16xf32>
    %mul3A_3124 = arith.constant 5.000000e-02 : f32
    %mul3A_3125 = vector.broadcast %mul3A_3124 : f32 to vector<16xf32>
    %mul3A_3126 = arith.mulf %add3A_3123, %mul3A_3125 : vector<16xf32>
    %swap3A_3127 = arith.constant 15 : i32
    %swap3A_3128 = arith.index_cast %swap3A_3127 : i32 to index
    %swap3A_3129 = arith.constant 16 : index
    %swap3A_3130 = tpu.vector_load %arg7[%swap3A_3128, %swap3A_3129] {strides = array<i32>} : memref<16x32xf32, #tpu.memory_space<vmem>>, vector<1x16xf32>,
    %swap3A_3131 = vector.shape_cast %swap3A_3130 : vector<1x16xf32> to vector<16xf32>
    %swap3A_3132 = vector.shape_cast %mul3A_3126 : vector<16xf32> to vector<1x16xf32>
    tpu.vector_store %arg7[%swap3A_3128, %swap3A_3129], %swap3A_3132 {strides = array<i32>} : memref<16x32xf32, #tpu.memory_space<vmem>>, vector<1x16xf32>,
    %mul3A_3133 = arith.constant 32 : i32
    %mul3A_3134 = arith.muli %add3A, %mul3A_3133 : i32
    "tpu.region"() ({
      %run_scoped3A = tpu.sem_alloc : memref<!tpu.dma_semaphore, #tpu.memory_space<semaphore_mem>>
      %dma_start3A_3135 = arith.constant 0 : i32
      %dma_start3A_3136 = tpu.memref_slice %arg4[%dma_start3A_3135, %mul3A_3134] : memref<16x1024xf32, #tpu.memory_space<hbm>> -> memref<16x32xf32, #tpu.memory_space<hbm>>
      %dma_start3A_3137 = arith.constant 0 : i32
      %dma_start3A_3138 = tpu.memref_slice %arg4[%dma_start3A_3137, %mul3A_3134] : memref<16x1024xf32, #tpu.memory_space<hbm>> -> memref<16x32xf32, #tpu.memory_space<hbm>>
      tpu.enqueue_dma source(%arg7 : memref<16x32xf32, #tpu.memory_space<vmem>>) target(%dma_start3A_3138 : memref<16x32xf32, #tpu.memory_space<hbm>>) target_semaphore(%run_scoped3A : memref<!tpu.dma_semaphore, #tpu.memory_space<semaphore_mem>>)
      %dma_wait3A_3139 = arith.constant 0 : i32
      %dma_wait3A_3140 = tpu.memref_slice %arg4[%dma_wait3A_3139, %mul3A_3134] : memref<16x1024xf32, #tpu.memory_space<hbm>> -> memref<16x32xf32, #tpu.memory_space<hbm>>
      %dma_wait3A_3141 = arith.constant 0 : i32
      %dma_wait3A_3142 = tpu.memref_slice %arg4[%dma_wait3A_3141, %mul3A_3134] : memref<16x1024xf32, #tpu.memory_space<hbm>> -> memref<16x32xf32, #tpu.memory_space<hbm>>
      tpu.wait_dma2 semaphore(%run_scoped3A : memref<!tpu.dma_semaphore, #tpu.memory_space<semaphore_mem>>) src(%arg7 : memref<16x32xf32, #tpu.memory_space<vmem>>) dst(%dma_wait3A_3142 : memref<16x32xf32, #tpu.memory_space<hbm>>)
      tpu.yield
    }) : () -> ()
    return
  }
}

module attributes {stable_mosaic.version = 14 : i64} {
  func.func @body(%arg0: i32, %arg1: memref<16x2560xf32, #tpu.memory_space<vmem>>, %arg2: memref<16x1024xf32, #tpu.memory_space<vmem>>, %arg3: memref<1x2560xf32, #tpu.memory_space<vmem>>, %arg4: memref<2560x1024xf32, #tpu.memory_space<vmem>>) attributes {dimension_semantics = [#tpu.dimension_semantics<arbitrary>], iteration_bounds = array<i64: 40>, scalar_prefetch = 0 : i64, scratch_operands = 0 : i64, tpu.core_type = #tpu.core_type<tc>, window_params = [{transform_indices = @transform_0, window_bounds = array<i64: 16, 2560>}, {pipeline_mode = #tpu.pipeline_mode<synchronous>, transform_indices = @transform_1, window_bounds = array<i64: 16, 1024>}, {transform_indices = @transform_2, window_bounds = array<i64: 1, 2560>}, {transform_indices = @transform_3, window_bounds = array<i64: 2560, 1024>}]} {
    %get3A = arith.constant 0 : index
    %get3A_0 = arith.constant 0 : index
    %get3A_1 = vector.load %arg1[%get3A, %get3A_0] : memref<16x2560xf32, #tpu.memory_space<vmem>>, vector<16x2560xf32>
    %get3A_2 = arith.constant 0 : index
    %get3A_3 = arith.constant 0 : index
    %get3A_4 = vector.load %arg2[%get3A_2, %get3A_3] : memref<16x1024xf32, #tpu.memory_space<vmem>>, vector<16x1024xf32>
    %dot_general3A = arith.constant dense<0.000000e+00> : vector<2560x1024xf32>
    %dot_general3A_5 = tpu.matmul %get3A_1, %get3A_4, %dot_general3A {dimension_numbers = #tpu.dot_dimension_numbers<[0], [0], [1], [1], [0, 1, 1, 1], [], []>, transpose_lhs_hint = false} : vector<16x2560xf32>, vector<16x1024xf32>, vector<2560x1024xf32> -> vector<2560x1024xf32>
    %get3A_6 = arith.constant 0 : index
    %get3A_7 = arith.constant 0 : index
    %get3A_8 = vector.load %arg3[%get3A_6, %get3A_7] : memref<1x2560xf32, #tpu.memory_space<vmem>>, vector<1x2560xf32>
    %transpose3A = tpu.transpose %get3A_8, [1, 0] : vector<1x2560xf32> -> vector<2560x1xf32>
    %add3A = vector.broadcast %transpose3A : vector<2560x1xf32> to vector<2560x1024xf32>
    %add3A_9 = arith.addf %dot_general3A_5, %add3A : vector<2560x1024xf32>
    %swap3A = arith.constant 0 : index
    %swap3A_10 = arith.constant 0 : index
    %swap3A_11 = vector.load %arg4[%swap3A, %swap3A_10] : memref<2560x1024xf32, #tpu.memory_space<vmem>>, vector<2560x1024xf32>
    tpu.vector_store %arg4[%swap3A, %swap3A_10], %add3A_9 {strides = array<i32>} : memref<2560x1024xf32, #tpu.memory_space<vmem>>, vector<2560x1024xf32>,
    return
  }
  func.func @transform_0(%arg0: i32) -> (i32, i32) {
    %c0_i32 = arith.constant 0 : i32
    %c0_i32_0 = arith.constant 0 : i32
    return %c0_i32, %arg0 : i32, i32
  }
  func.func @transform_1(%arg0: i32) -> (i32, i32) {
    %c0_i32 = arith.constant 0 : i32
    %c0_i32_0 = arith.constant 0 : i32
    %c0_i32_1 = arith.constant 0 : i32
    return %c0_i32, %c0_i32_0 : i32, i32
  }
  func.func @transform_2(%arg0: i32) -> (i32, i32) {
    %c0_i32 = arith.constant 0 : i32
    %c0_i32_0 = arith.constant 0 : i32
    return %c0_i32, %arg0 : i32, i32
  }
  func.func @transform_3(%arg0: i32) -> (i32, i32) {
    %c0_i32 = arith.constant 0 : i32
    %c0_i32_0 = arith.constant 0 : i32
    return %arg0, %c0_i32 : i32, i32
  }
}

</mosaic_0001>

<sc_bundles>
// kernel: kernel.4.cloned.1.call-start
scs
__scs_entry_jumppad:
0x0: {  	(pc) =	sbr.rel $0x88, $3  }
0x1: {  	(tag) =	ssettag $0x0;
	lr =	simm.s32 $0x1  }
0x2: {  	[smem:$0x3F9D] =	sst lr;
	_ =	strace $0xD0000000  }
0x3: {  	_ = 	snop  }
0x4: {  	_ = 	snop  }
0x5: {  	_ = 	snop  }
0x6: {  	_ = 	snop  }
0x7: {  	_ = 	snop  }
__scs_overlays_trampoline_lowered:
0x8: {  	[smem:$0x3FAC] =	sst s0  }
0x9: {  	[smem:$0x3FAD] =	sst s1  }
0xa: {  	[smem:$0x3FAE] =	sst s2  }
0xb: {  	[smem:$0x3FAF] =	sst s3  }
0xc: {  	[smem:$0x3FB0] =	sst s4  }
0xd: {  	[smem:$0x3FB1] =	sst s5  }
0xe: {  	[smem:$0x3FB2] =	sst s6  }
0xf: {  	[smem:$0x3FB3] =	sst s7  }
0x10: {  	[smem:$0x3FB4] =	sst s8  }
0x11: {  	[smem:$0x3FB5] =	sst s9;
	s0 =	simm.s32 @!p0 $0x0  }
0x12: {  	s1 =	sld [smem:$0x3F9B];
	s0 =	simm.s32 @p0 $0x1  }
0x13: {  	[smem:$0x3FB6] =	sst s0;
	s0 =	simm.s32 @!p1 $0x0  }
0x14: {  	s2 =	sld [smem:$0x3F9A];
	s0 =	simm.s32 @p1 $0x1  }
0x15: {  	[smem:$0x3FB7] =	sst s0;
	s0 =	simm.s32 @!p2 $0x0  }
0x16: {  	s3 =	sld [smem:$0x3FDB];
	s0 =	simm.s32 @p2 $0x1  }
0x17: {  	s4 =	simm.s32 $0x1BF5;
	[smem:$0x3FB9] =	sst s0  }
0x18: {  	s0 =	sld [smem:$0x3F9C];
	_ =	swait.ge [sflag:s4], $0x0  }
0x19: {  	s7 =	sld [smem:$0x3F9D]  }
0x1a: {  	s8 =	sadd.s32 $0xFFFFE003, lr  }
0x1b: {  	s9 =	sadd.s32 $0xFFFFFEF7, lr;
	s5 =	simm.s32 $0xFFFFFFFF;
	p2 =	slt.u32 s8, $0xFFFFF086  }
0x1c: {  	p1 =	slt.u32 s9, $0xF7A;
	s5 =	simm.s32 @!p2 $0x0  }
0x1d: {  	s5 =	simm.s32 @p1 $0x1;
	p0 =	seq.s32 s7, s2  }
0x1e: {  	s7 =	smul.u32 @!p0 $0xF7A, s2;
	p2 =	seq.s32 @!p0 s5, $0x0  }
0x1f: {  	s9 =	smul.u32 $0xF7A, s1;
	s8 =	simm.s32 @!p0 $0x1BF5;
	p2 =	por !p2, p0  }
0x20: {  	[sflag:s8] =	ssyncset.s32 @!p0 $0xFFFFF086;
	s6 =	sadd.s32 @!p0 s3, s7;
	s7 =	simm.s32 @!p0 $0x108  }
0x21: {  	s3 =	sadd.s32 s3, s9;
	s6 =	sadd.s32 @!p0 $0x88, s6;
	s7 =	simm.s32 @p2 $0x1082  }
0x22: {  	[simem:s7], [sflag:s8] =	dma.local @!p0 [hbm:s6], $0xF7A  }
0x23: {  	s9 =	sor.u32 $0xD0000000, s2;
	s6 =	simm.s32 $0x108;
	_ =	swait.ge @!p0 [sflag:s8], $0x0  }
0x24: {  	s3 =	sadd.s32 $0x88, s3;
	s6 =	simm.s32 @!p1 $0x1082;
	[sflag:s4] =	ssyncset.s32 $0xFFFFF086  }
0x25: {  	[simem:s6], [sflag:s4] =	dma.local [hbm:s3], $0xF7A  }
0x26: {  	[smem:$0x3F9D] =	sst s1;
	(tag) =	ssettag s2;
	_ =	strace s9  }
0x27: {  	s1 =	sld [smem:$0x3FAD]  }
0x28: {  	s2 =	sld [smem:$0x3FAE]  }
0x29: {  	s4 =	sld [smem:$0x3FB0]  }
0x2a: {  	p0 =	seq.s32 s5, $0x0;
	s5 =	sld [smem:$0x3FB1]  }
0x2b: {  	s6 =	sld [smem:$0x3FB2]  }
0x2c: {  	s7 =	sld [smem:$0x3FB3]  }
0x2d: {  	s3 =	simm.s32 $0x108;
	s8 =	sld [smem:$0x3FB4]  }
0x2e: {  	s3 =	simm.s32 @!p0 $0x1082;
	s9 =	sld [smem:$0x3FB5]  }
0x2f: {  	lr =	sadd.s32 s0, s3;
	s0 =	sld [smem:$0x3FAC]  }
0x30: {  	s3 =	sld [smem:$0x3FAF]  }
0x31: {  	[smem:$0x3FB8] =	sst s10  }
0x32: {  	s10 =	sld [smem:$0x3FB6];
	_ =	sdelay $0x3  }
0x33: {  	p0 =	seq.s32 s10, $0x1;
	s10 =	sld [smem:$0x3FB8];
	_ =	sdelay $0x3  }
0x34: {  	[smem:$0x3FB8] =	sst s10  }
0x35: {  	s10 =	sld [smem:$0x3FB7];
	_ =	sdelay $0x3  }
0x36: {  	p1 =	seq.s32 s10, $0x1;
	s10 =	sld [smem:$0x3FB8];
	_ =	sdelay $0x3  }
0x37: {  	[smem:$0x3FB8] =	sst s10  }
0x38: {  	s10 =	sld [smem:$0x3FB9]  }
0x39: {  	_ = 	snop;
	(pc) =	sbr.ind lr, $3  }
0x3a: {  	_ = 	snop  }
0x3b: {  	_ = 	snop  }
0x3c: {  	p2 =	seq.s32 s10, $0x1;
	s10 =	sld [smem:$0x3FB8]  }
0x3d: {  	_ =	shalt  }
0x3e: {  	_ =	shalt  }
0x3f: {  	_ =	shalt  }
0x40: {  	_ =	shalt  }
0x41: {  	_ =	shalt  }
0x42: {  	_ =	shalt  }
0x43: {  	_ =	shalt  }
0x44: {  	_ =	shalt  }
0x45: {  	_ =	shalt  }
0x46: {  	_ =	shalt  }
0x47: {  	_ =	shalt  }
0x48: {  	_ =	shalt  }
0x49: {  	_ =	shalt  }
0x4a: {  	_ =	shalt  }
0x4b: {  	_ =	shalt  }
0x4c: {  	_ =	shalt  }
0x4d: {  	_ =	shalt  }
0x4e: {  	_ =	shalt  }
0x4f: {  	_ =	shalt  }
0x50: {  	_ =	shalt  }
0x51: {  	_ =	shalt  }
0x52: {  	_ =	shalt  }
0x53: {  	_ =	shalt  }
0x54: {  	_ =	shalt  }
0x55: {  	_ =	shalt  }
0x56: {  	_ =	shalt  }
0x57: {  	_ =	shalt  }
0x58: {  	_ =	shalt  }
0x59: {  	_ =	shalt  }
0x5a: {  	_ =	shalt  }
0x5b: {  	_ =	shalt  }
0x5c: {  	_ =	shalt  }
0x5d: {  	_ =	shalt  }
0x5e: {  	_ =	shalt  }
0x5f: {  	_ =	shalt  }
0x60: {  	_ =	shalt  }
0x61: {  	_ =	shalt  }
0x62: {  	_ =	shalt  }
0x63: {  	_ =	shalt  }
0x64: {  	_ =	shalt  }
0x65: {  	_ =	shalt  }
0x66: {  	_ =	shalt  }
0x67: {  	_ =	shalt  }
0x68: {  	_ =	shalt  }
0x69: {  	_ =	shalt  }
0x6a: {  	_ =	shalt  }
0x6b: {  	_ =	shalt  }
0x6c: {  	_ =	shalt  }
0x6d: {  	_ =	shalt  }
0x6e: {  	_ =	shalt  }
0x6f: {  	_ =	shalt  }
0x70: {  	_ =	shalt  }
0x71: {  	_ =	shalt  }
0x72: {  	_ =	shalt  }
0x73: {  	_ =	shalt  }
0x74: {  	_ =	shalt  }
0x75: {  	_ =	shalt  }
0x76: {  	_ =	shalt  }
0x77: {  	_ =	shalt  }
0x78: {  	_ =	shalt  }
0x79: {  	_ =	shalt  }
0x7a: {  	_ =	shalt  }
0x7b: {  	_ =	shalt  }
0x7c: {  	_ =	shalt  }
0x7d: {  	_ =	shalt  }
0x7e: {  	_ =	shalt  }
0x7f: {  	_ =	shalt  }
0x80: {  	_ =	shalt  }
0x81: {  	_ =	shalt  }
0x82: {  	_ =	shalt  }
0x83: {  	_ =	shalt  }
0x84: {  	_ =	shalt  }
0x85: {  	_ =	shalt  }
0x86: {  	_ =	shalt  }
0x87: {  	_ =	shalt  }
.Lfunc_end0:
.L_simem_size_0:
called_computation_lowered:
.L_overlay_start_0:
0x88: {  	s2 =	sld [smem:$0x3FD9]  }
0x89: {  	s3 =	sld [smem:$0x3FFE];
	_ =	sdelay $0x1  }
0x8a: {  	s1 =	srdreg.scid  }
0x8b: {  	s0 =	sand.u32 $0x1, s1  }
0x8c: {  	s17 =	sshll.u32 s0, $0xA;
	s2 =	sadd.s32 s3, s2  }
0x8d: {  	s2 =	sadd.s32 s2, s17  }
0x8e: {  	[smem:$0x3FC4] =	sst s2  }
0x8f: {  	_ = 	snop  }
0x90: {  	s2 =	sld [smem:$0x3FD0];
	(tm) =	ssettm $0x1  }
0x91: {  	s18 =	sld [smem:$0x3FFB];
	_ =	sdelay $0x3  }
0x92: {  	_ =	strace s18  }
0x93: {  	s3 =	sld [smem:$0x3FFC];
	_ =	sdelay $0x3  }
0x94: {  	_ =	strace s3  }
0x95: {  	s3 =	sld [smem:$0x3FFD];
	_ =	sdelay $0x3  }
0x96: {  	_ =	strace s3  }
0x97: {  	_ =	strace $0x8FFFFFFF  }
0x98: {  	s19 =	sld [smem:$0x3FDB];
	_ =	sdelay $0x1  }
0x99: {  	s4 =	simm.s32 $_scs_section_size  }
0x9a: {  	s5 =	simm.s32 $_size__tile_overlayer_lowered;
	s6 =	simm.s32 $_tile_overlayer_lowered  }
0x9b: {  	s22 =	simm.s32 $0x1BFF;
	s21 =	sshll.u32 s6, $0x1;
	s3 =	sadd.s32 s4, s19  }
0x9c: {  	s7 =	simm.s32 $0x0;
	s20 =	sshll.u32 s5, $0x1;
	s5 =	sadd.s32 s21, s3  }
0x9d: {  	[timem:s7], [sflag:s22] =	dma.local [hbm:s5], s20  }
0x9e: {  	_ =	swait.ge [sflag:s22], s20  }
0x9f: {  	s4 =	ssub.s32 $0x0, s20;
	[sflag:s22] =	ssyncset.done $0x0  }
0xa0: {  	[sflag:s22] =	ssyncadd.s32 s4;
	_ =	sdelay $0x1  }
0xa1: {  	s23 =	simm.s32 $0x1B8B  }
0xa2: {  	_ =	swait.ge [sflag:s23], $0x1  }
0xa3: {  	[sflag:s23] =	ssyncset.done $0x0  }
0xa4: {  	s25 =	simm.s32 $0x1B8E;
	s24 =	sld [smem:$0x3FFE];
	[sflag:s23] =	ssyncadd.s32 $0xFFFFFFFF  }
0xa5: {  	s26 =	simm.s32 $execute0_lowered;
	[smem:$0x3FD2] =	sst s25  }
0xa6: {  	s5 =	sshll.u32 s26, $0x1;
	_ =	strace $0x80000046;
	[dreg:$0x1] =	wrdreg $0xFFFFFFFF  }
0xa7: {  	s28 =	simm.s32 $_size_execute0_lowered;
	s3 =	sadd.s32 s3, s5;
	[dreg:$0x0] =	wrdreg $0x0  }
0xa8: {  	s5 =	sshll.u32 s28, $0x1;
	[dreg:$0x2] =	wrdreg s3  }
0xa9: {  	[dreg:$0x3] =	wrdreg s5  }
0xaa: {  	[dreg:$0x4] =	wrdreg $0xC0  }
0xab: {  	_ =	task [dreg:s7], $0x5FFFF  }
0xac: {  	[dreg:$0x1] =	wrdreg $0xFFFFFFFF  }
0xad: {  	[dreg:$0x0] =	wrdreg $0x60  }
0xae: {  	[dreg:$0x2] =	wrdreg s24  }
0xaf: {  	[dreg:$0x3] =	wrdreg s2  }
0xb0: {  	[dreg:$0x4] =	wrdreg $0x9  }
0xb1: {  	_ =	task.clear_ibuf [dreg:s7], $0x5FFFF;
	_ =	strace $0x90000046  }
0xb2: {  	s29 =	simm.s32 $0x9;
	_ =	strace $0x80000048  }
0xb3: {  	_ =	swait.ge [sflag:s29], $0x1  }
0xb4: {  	[sflag:s29] =	ssyncadd.s32 $0xFFFFFFFF  }
0xb5: {  	_ =	strace $0x90000048  }
0xb6: {  	_ =	sfence  }
0xb7: {  	s30 =	sld [smem:$0x0];
	_ =	sdelay $0x2  }
0xb8: {  	s31 =	sshll.u32 s1, $0xD;
	s1 =	sshrl.u32 s1, $0x2  }
0xb9: {  	s3 =	sand.u32 $0x4000, s31;
	s1 =	sadd.s32 s1, s30  }
0xba: {  	s0 =	sor.u32 s3, s0;
	s1 =	sshll.u32 s1, $0x11  }
0xbb: {  	s0 =	sor.u32 s1, s0  }
0xbc: {  	s0 =	sadd.s32 $0x8F2B, s0  }
0xbd: {  	[sflag:s0] =	ssyncadd.remote.s32 $0x1  }
0xbe: {  	_ =	sfence.sel $0xFFFF  }
0xbf: {  	[dreg:$0x0] =	wrdreg $0xFFFFFFFF;
	(pc) =	sbr.abs _section_cstart, $3  }
0xc0: {  	[dreg:$0x1] =	wrdreg $0xFFFFFFFF  }
0xc1: {  	_ =	task.clear_ibuf [dreg:s7], $0x2FFFF;
	_ =	strace $0x9FFFFFFF  }
0xc2: {  	(tm) =	ssettm $0x7FFFFFFF  }
0xc3: {  	_ =	shalt  }
tec
execute0_lowered:
.L_overlay_start_1:
0x0: {  	(tag) =	ssettag $0x1  }
0x1: {  	s1 =	srdreg.scid;
	s0 =	stileid.u32  }
0x2: {  	s4 =	rddreg [dreg:$0x0];
	s3 =	simm.s32 $0x0;
	s11 =	simm.s32 $0x2  }
0x3: {  	s12 =	simm.s32 $0x280;
	s15 =	simm.s32 $0xA00;
	s28 =	simm.s32 $0x2580  }
0x4: {  	s29 =	simm.s32 $0x2800;
	s1 =	sand.u32 $0x1, s1;
	s2 =	sshll.u32 s0, $0x1  }
0x5: {  	s30 =	simm.s32 $0x20;
	s5 =	sor.u32 s1, s2;
	s2 =	rddreg [dreg:$0x1]  }
0x6: {  	s31 =	simm.s32 $0x400;
	[smem:$0x7FF] =	sst s3;
	s16 =	sadd.s32 $0x30D4, s2  }
0x7: {  	_ =	strace $0x80000047;
	s17 =	sadd.s32 $0x61A8, s2;
	[dreg:$0x4] =	wrdreg s16  }
0x8: {  	s1 =	ssub.s32 $0x2, s1;
	s18 =	sadd.s32 $0x927C, s2;
	[dreg:$0x5] =	wrdreg s17  }
0x9: {  	s6 =	smul.u32 $0x50, s5;
	s19 =	sadd.s32 $0xC350, s2;
	[dreg:$0x6] =	wrdreg s18  }
0xa: {  	s20 =	sadd.s32 $0xF424, s2;
	s21 =	sadd.s32 $0x124F8, s2;
	[dreg:$0x7] =	wrdreg s19  }
0xb: {  	s5 =	sshll.u32 s5, $0x2;
	s22 =	sadd.s32 $0x155CC, s2;
	[dreg:$0x8] =	wrdreg s20  }
0xc: {  	s23 =	sadd.s32 $0x186A0, s2;
	s24 =	sadd.s32 $0x1B774, s2;
	[dreg:$0x9] =	wrdreg s21  }
0xd: {  	s25 =	sshrl.u32 s1, $0x1;
	s26 =	sadd.s32 $0x1E848, s2;
	[dreg:$0xa] =	wrdreg s22  }
0xe: {  	s7 =	sadd.s32 $0x2AB98, s2;
	s8 =	sadd.s32 $0x2DC6C, s2;
	[dreg:$0xb] =	wrdreg s23  }
0xf: {  	s9 =	sadd.s32 s5, s4;
	[dreg:$0xc] =	wrdreg s24;
	s1 =	ssub.s32 s1, s25  }
0x10: {  	[dreg:$0xd] =	wrdreg s26;
	s5 =	sadd.s32 $0x249F0, s2;
	s16 =	simm.s32 $0x1  }
0x11: {  	s17 =	simm.s32 $0xC80;
	s18 =	simm.s32 $0xF00;
	s19 =	simm.s32 $0x1180  }
0x12: {  	s20 =	simm.s32 $0x1400;
	s21 =	simm.s32 $0x1680;
	s22 =	simm.s32 $0x1900  }
0x13: {  	s23 =	simm.s32 $0x1B80;
	s24 =	simm.s32 $0x1E00;
	s25 =	simm.s32 $0x2080  }
0x14: {  	s26 =	simm.s32 $0x2300;
	s6 =	sadd.s32 s6, s4;
	s4 =	sadd.s32 $0x2191C, s2  }
0x15: {  	s9 =	sadd.s32 $0x1800, s9;
	s10 =	smax.u32 s1, $0x1;
	s6 =	sadd.s32 $0xE00, s6  }
0x16: {  	s1 =	simm.s32 $0x2A80;
	[dreg:$0x3] =	wrdreg s6;
	s6 =	sadd.s32 $0x27AC4, s2  }
.LBB2_1:
0x17: {  	s0 =	rddreg [dreg:$0x3]  }
0x18: {  	[tilespmem:s3], [sflag:$0x2] =	stream.linear.gather [hbm4b:s0+s3], $0x280, $0x38;
	[tilespmem:$0x2C80] =	vst v63  }
0x19: {  	_ =	swait.ge [sflag:s11], $0x280  }
0x1a: {  	[sflag:s11] =	ssyncset.done $0x0  }
0x1b: {  	[sflag:s11] =	ssyncadd.s32 $0xFFFFFD80  }
0x1c: {  	[tilespmem:s12], [sflag:$0x1] =	stream.indirect.gather [hbm4b:s2+s12], $0x1, s3, s12, $0xb8;
	[tilespmem:$0x2C80] =	vst v63  }
0x1d: {  	s14 =	simm.s32 $0x500;
	s0 =	rddreg [dreg:$0x4]  }
0x1e: {  	[tilespmem:s14], [sflag:$0x1] =	stream.indirect.gather [hbm4b:s0+s12], $0x1, s3, s12, $0xb8;
	[tilespmem:$0x2C80] =	vst v63  }
0x1f: {  	s13 =	rddreg [dreg:$0x5];
	s14 =	simm.s32 $0x780  }
0x20: {  	[tilespmem:s14], [sflag:$0x1] =	stream.indirect.gather [hbm4b:s13+s12], $0x1, s3, s12, $0xb8;
	[tilespmem:$0x2C80] =	vst v63  }
0x21: {  	s0 =	rddreg [dreg:$0x6]  }
0x22: {  	[tilespmem:s15], [sflag:$0x1] =	stream.indirect.gather [hbm4b:s0+s12], $0x1, s3, s12, $0xb8;
	[tilespmem:$0x2C80] =	vst v63  }
0x23: {  	_ =	swait.ge [sflag:s16], $0x280  }
0x24: {  	[sflag:s16] =	ssyncset.done $0x0  }
0x25: {  	s14 =	rddreg [dreg:$0x7];
	[sflag:s16] =	ssyncadd.s32 $0xFFFFFD80  }
0x26: {  	[tilespmem:s17], [sflag:$0x1] =	stream.indirect.gather [hbm4b:s14+s12], $0x1, s3, s12, $0xb8;
	[tilespmem:$0x2C80] =	vst v63  }
0x27: {  	_ =	swait.ge [sflag:s16], $0x280  }
0x28: {  	[sflag:s16] =	ssyncset.done $0x0  }
0x29: {  	s13 =	rddreg [dreg:$0x8];
	[sflag:s16] =	ssyncadd.s32 $0xFFFFFD80  }
0x2a: {  	[tilespmem:s18], [sflag:$0x1] =	stream.indirect.gather [hbm4b:s13+s12], $0x1, s3, s12, $0xb8;
	[tilespmem:$0x2C80] =	vst v63  }
0x2b: {  	_ =	swait.ge [sflag:s16], $0x280  }
0x2c: {  	[sflag:s16] =	ssyncset.done $0x0  }
0x2d: {  	s14 =	rddreg [dreg:$0x9];
	[sflag:s16] =	ssyncadd.s32 $0xFFFFFD80  }
0x2e: {  	[tilespmem:s19], [sflag:$0x1] =	stream.indirect.gather [hbm4b:s14+s12], $0x1, s3, s12, $0xb8;
	[tilespmem:$0x2C80] =	vst v63  }
0x2f: {  	_ =	swait.ge [sflag:s16], $0x280  }
0x30: {  	[sflag:s16] =	ssyncset.done $0x0  }
0x31: {  	s13 =	rddreg [dreg:$0xa];
	[sflag:s16] =	ssyncadd.s32 $0xFFFFFD80  }
0x32: {  	[tilespmem:s20], [sflag:$0x1] =	stream.indirect.gather [hbm4b:s13+s12], $0x1, s3, s12, $0xb8;
	[tilespmem:$0x2C80] =	vst v63  }
0x33: {  	_ =	swait.ge [sflag:s16], $0x280  }
0x34: {  	[sflag:s16] =	ssyncset.done $0x0  }
0x35: {  	s14 =	rddreg [dreg:$0xb];
	[sflag:s16] =	ssyncadd.s32 $0xFFFFFD80  }
0x36: {  	[tilespmem:s21], [sflag:$0x1] =	stream.indirect.gather [hbm4b:s14+s12], $0x1, s3, s12, $0xb8;
	[tilespmem:$0x2C80] =	vst v63  }
0x37: {  	_ =	swait.ge [sflag:s16], $0x280  }
0x38: {  	[sflag:s16] =	ssyncset.done $0x0  }
0x39: {  	s13 =	rddreg [dreg:$0xc];
	[sflag:s16] =	ssyncadd.s32 $0xFFFFFD80  }
0x3a: {  	[tilespmem:s22], [sflag:$0x1] =	stream.indirect.gather [hbm4b:s13+s12], $0x1, s3, s12, $0xb8;
	[tilespmem:$0x2C80] =	vst v63  }
0x3b: {  	_ =	swait.ge [sflag:s16], $0x280  }
0x3c: {  	[sflag:s16] =	ssyncset.done $0x0  }
0x3d: {  	s14 =	rddreg [dreg:$0xd];
	[sflag:s16] =	ssyncadd.s32 $0xFFFFFD80  }
0x3e: {  	[tilespmem:s23], [sflag:$0x1] =	stream.indirect.gather [hbm4b:s14+s12], $0x1, s3, s12, $0xb8;
	[tilespmem:$0x2C80] =	vst v63  }
0x3f: {  	_ =	swait.ge [sflag:s16], $0x280  }
0x40: {  	[sflag:s16] =	ssyncset.done $0x0  }
0x41: {  	[sflag:s16] =	ssyncadd.s32 $0xFFFFFD80  }
0x42: {  	[tilespmem:s24], [sflag:$0x1] =	stream.indirect.gather [hbm4b:s4+s12], $0x1, s3, s12, $0xb8;
	[tilespmem:$0x2C80] =	vst v63  }
0x43: {  	_ =	swait.ge [sflag:s16], $0x280  }
0x44: {  	[sflag:s16] =	ssyncset.done $0x0  }
0x45: {  	[sflag:s16] =	ssyncadd.s32 $0xFFFFFD80  }
0x46: {  	[tilespmem:s25], [sflag:$0x1] =	stream.indirect.gather [hbm4b:s5+s12], $0x1, s3, s12, $0xb8;
	[tilespmem:$0x2C80] =	vst v63  }
0x47: {  	_ =	swait.ge [sflag:s16], $0x280  }
0x48: {  	[sflag:s16] =	ssyncset.done $0x0  }
0x49: {  	[sflag:s16] =	ssyncadd.s32 $0xFFFFFD80  }
0x4a: {  	[tilespmem:s26], [sflag:$0x1] =	stream.indirect.gather [hbm4b:s6+s12], $0x1, s3, s12, $0xb8;
	[tilespmem:$0x2C80] =	vst v63  }
0x4b: {  	_ =	swait.ge [sflag:s16], $0x280  }
0x4c: {  	[sflag:s16] =	ssyncset.done $0x0  }
0x4d: {  	[sflag:s16] =	ssyncadd.s32 $0xFFFFFD80  }
0x4e: {  	[tilespmem:s28], [sflag:$0x1] =	stream.indirect.gather [hbm4b:s7+s12], $0x1, s3, s12, $0xb8;
	[tilespmem:$0x2C80] =	vst v63  }
0x4f: {  	_ =	swait.ge [sflag:s16], $0x280  }
0x50: {  	[sflag:s16] =	ssyncset.done $0x0  }
0x51: {  	[sflag:s16] =	ssyncadd.s32 $0xFFFFFD80  }
0x52: {  	[tilespmem:s29], [sflag:$0x1] =	stream.indirect.gather [hbm4b:s8+s12], $0x1, s3, s12, $0xb8;
	[tilespmem:$0x2C80] =	vst v63  }
0x53: {  	_ =	swait.ge [sflag:s16], $0x280  }
0x54: {  	[sflag:s16] =	ssyncset.done $0x0  }
0x55: {  	[sflag:s16] =	ssyncadd.s32 $0xFFFFFD80  }
0x56: {  	_ =	swait.ge [sflag:s16], $0x280  }
0x57: {  	[sflag:s16] =	ssyncset.done $0x0  }
0x58: {  	[sflag:s16] =	ssyncadd.s32 $0xFFFFFD80  }
0x59: {  	_ =	swait.ge [sflag:s16], $0x280  }
0x5a: {  	[sflag:s16] =	ssyncset.done $0x0  }
0x5b: {  	[sflag:s16] =	ssyncadd.s32 $0xFFFFFD80  }
0x5c: {  	_ =	swait.ge [sflag:s16], $0x280  }
0x5d: {  	[sflag:s16] =	ssyncset.done $0x0  }
0x5e: {  	[sflag:s16] =	ssyncadd.s32 $0xFFFFFD80  }
0x5f: {  	v0 =	vld [tilespmem:$0x280]  }
0x60: {  	v21 =	vld [tilespmem:$0x2A0]  }
0x61: {  	v17 =	vld [tilespmem:$0x2C0]  }
0x62: {  	v20 =	vld [tilespmem:$0x2E0]  }
0x63: {  	v23 =	vld [tilespmem:$0x300]  }
0x64: {  	v35 =	vld [tilespmem:$0x320]  }
0x65: {  	v36 =	vld [tilespmem:$0x340]  }
0x66: {  	v37 =	vld [tilespmem:$0x360]  }
0x67: {  	v38 =	vld [tilespmem:$0x380]  }
0x68: {  	v39 =	vld [tilespmem:$0x3A0]  }
0x69: {  	v1 =	vld [tilespmem:$0x3C0]  }
0x6a: {  	v55 =	vld [tilespmem:$0x3E0]  }
0x6b: {  	v56 =	vld [tilespmem:$0x400]  }
0x6c: {  	v57 =	vld [tilespmem:$0x420]  }
0x6d: {  	v58 =	vld [tilespmem:$0x440]  }
0x6e: {  	v59 =	vld [tilespmem:$0x460]  }
0x6f: {  	v60 =	vld [tilespmem:$0x480]  }
0x70: {  	v61 =	vld [tilespmem:$0x4A0]  }
0x71: {  	v62 =	vld [tilespmem:$0x4C0]  }
0x72: {  	v63 =	vld [tilespmem:$0x4E0]  }
0x73: {  	v9 =	vld [tilespmem:$0x290]  }
0x74: {  	v18 =	vld [tilespmem:$0x2B0]  }
0x75: {  	v12 =	vld [tilespmem:$0x2D0]  }
0x76: {  	v40 =	vld [tilespmem:$0x2F0]  }
0x77: {  	v41 =	vld [tilespmem:$0x310]  }
0x78: {  	v42 =	vld [tilespmem:$0x330]  }
0x79: {  	v43 =	vld [tilespmem:$0x350]  }
0x7a: {  	v44 =	vld [tilespmem:$0x370]  }
0x7b: {  	v45 =	vld [tilespmem:$0x390]  }
0x7c: {  	v46 =	vld [tilespmem:$0x3B0]  }
0x7d: {  	v47 =	vld [tilespmem:$0x3D0]  }
0x7e: {  	v48 =	vld [tilespmem:$0x3F0]  }
0x7f: {  	v49 =	vld [tilespmem:$0x410]  }
0x80: {  	v4 =	vld [tilespmem:$0x430]  }
0x81: {  	v5 =	vld [tilespmem:$0x450]  }
0x82: {  	v6 =	vld [tilespmem:$0x470]  }
0x83: {  	v7 =	vld [tilespmem:$0x490]  }
0x84: {  	v8 =	vld [tilespmem:$0x4B0]  }
0x85: {  	v10 =	vld [tilespmem:$0x4D0]  }
0x86: {  	v11 =	vld [tilespmem:$0x4F0]  }
0x87: {  	v14 =	vld [tilespmem:$0x520]  }
0x88: {  	v51 =	vld [tilespmem:$0x540]  }
0x89: {  	v52 =	vld [tilespmem:$0x560]  }
0x8a: {  	v53 =	vld [tilespmem:$0x580]  }
0x8b: {  	v54 =	vld [tilespmem:$0x5A0]  }
0x8c: {  	v31 =	vld [tilespmem:$0x6E0]  }
0x8d: {  	v34 =	vld [tilespmem:$0x700]  }
0x8e: {  	v13 =	vld [tilespmem:$0x720]  }
0x8f: {  	v15 =	vld [tilespmem:$0x740]  }
0x90: {  	v16 =	vld [tilespmem:$0x760]  }
0x91: {  	v2 =	vld [tilespmem:$0x510]  }
0x92: {  	v3 =	vld [tilespmem:$0x550]  }
0x93: {  	v19 =	vld [tilespmem:$0x690]  }
0x94: {  	v22 =	vld [tilespmem:$0x6B0]  }
0x95: {  	v24 =	vld [tilespmem:$0x6D0]  }
0x96: {  	v25 =	vld [tilespmem:$0x6F0]  }
0x97: {  	v26 =	vld [tilespmem:$0x710]  }
0x98: {  	v27 =	vld [tilespmem:$0x730]  }
0x99: {  	v28 =	vld [tilespmem:$0x750]  }
0x9a: {  	v32 =	vld [tilespmem:$0x770]  }
0x9b: {  	v30 =	vld [tilespmem:$0x780]  }
0x9c: {  	v29 =	vld [tilespmem:$0x7A0]  }
0x9d: {  	v33 =	vld [tilespmem:$0x7C0]  }
0x9e: {  	v50 =	vld [tilespmem:$0x7E0]  }
0x9f: {  	[tilespmem:$0x1EE70] =	vst v11;
	v11 =	vld [tilespmem:$0x500]  }
0xa0: {  	[tilespmem:$0x1ED60] =	vst v55;
	v55 =	vld [tilespmem:$0x5C0]  }
0xa1: {  	[tilespmem:$0x1ED70] =	vst v56;
	v56 =	vld [tilespmem:$0x5E0]  }
0xa2: {  	[tilespmem:$0x1ED80] =	vst v57;
	v57 =	vld [tilespmem:$0x600]  }
0xa3: {  	[tilespmem:$0x1EDA0] =	vst v58;
	v58 =	vld [tilespmem:$0x620]  }
0xa4: {  	[tilespmem:$0x1EDC0] =	vst v59;
	v59 =	vld [tilespmem:$0x640]  }
0xa5: {  	[tilespmem:$0x1EDE0] =	vst v60;
	v60 =	vld [tilespmem:$0x660]  }
0xa6: {  	[tilespmem:$0x1EE00] =	vst v61;
	v61 =	vld [tilespmem:$0x680]  }
0xa7: {  	[tilespmem:$0x1EE20] =	vst v62;
	v62 =	vld [tilespmem:$0x6A0]  }
0xa8: {  	[tilespmem:$0x1EE50] =	vst v63;
	v63 =	vld [tilespmem:$0x6C0]  }
0xa9: {  	[tilespmem:$0x1ED50] =	vst v1;
	v1 =	vld [tilespmem:$0x530]  }
0xaa: {  	[tilespmem:$0x1ED90] =	vst v4;
	v4 =	vld [tilespmem:$0x570]  }
0xab: {  	[tilespmem:$0x1EDB0] =	vst v5;
	v5 =	vld [tilespmem:$0x590]  }
0xac: {  	[tilespmem:$0x1EDD0] =	vst v6;
	v6 =	vld [tilespmem:$0x5B0]  }
0xad: {  	[tilespmem:$0x1EDF0] =	vst v7;
	v7 =	vld [tilespmem:$0x5D0]  }
0xae: {  	[tilespmem:$0x1EE10] =	vst v8;
	v8 =	vld [tilespmem:$0x5F0]  }
0xaf: {  	[tilespmem:$0x1EE40] =	vst v10;
	v10 =	vld [tilespmem:$0x610]  }
0xb0: {  	[tilespmem:$0x1EE30] =	vst v13;
	v13 =	vld [tilespmem:$0x630]  }
0xb1: {  	[tilespmem:$0x1EE60] =	vst v15;
	v15 =	vld [tilespmem:$0x650]  }
0xb2: {  	[tilespmem:$0x1EE80] =	vst v16;
	v16 =	vld [tilespmem:$0x670]  }
0xb3: {  	[tilespmem:$0x1EE90] =	vst v50;
	v50 =	vld [tilespmem:$0x800]  }
0xb4: {  	v0 =	vadd.f32 v21, v0;
	v21 =	vld [tilespmem:$0x860]  }
0xb5: {  	v9 =	vadd.f32 v18, v9;
	v18 =	vld [tilespmem:$0x880]  }
0xb6: {  	v29 =	vadd.f32 v29, v30;
	v30 =	vld [tilespmem:$0xC50]  }
0xb7: {  	v17 =	vadd.f32 v17, v0;
	v0 =	vld [tilespmem:$0x8A0]  }
0xb8: {  	v9 =	vadd.f32 v12, v9;
	v12 =	vld [tilespmem:$0x940]  }
0xb9: {  	v29 =	vadd.f32 v33, v29;
	v33 =	vld [tilespmem:$0xC70]  }
0xba: {  	v9 =	vadd.f32 v40, v9;
	v40 =	vld [tilespmem:$0x900]  }
0xbb: {  	v17 =	vadd.f32 v20, v17;
	[tilespmem:$0x1EEA0] =	vst v50;
	v50 =	vld [tilespmem:$0x820]  }
0xbc: {  	v11 =	vadd.f32 v14, v11;
	v14 =	vld [tilespmem:$0x8C0]  }
0xbd: {  	v1 =	vadd.f32 v1, v2;
	v2 =	vadd.f32 v23, v17;
	v17 =	vld [tilespmem:$0x920]  }
0xbe: {  	v20 =	vadd.f32 v51, v11;
	v11 =	vld [tilespmem:$0x8E0]  }
0xbf: {  	v1 =	vadd.f32 v3, v1;
	v3 =	vld [tilespmem:$0x980]  }
0xc0: {  	v51 =	vld [tilespmem:$0x1EDA0]  }
0xc1: {  	v2 =	vadd.f32 v35, v2;
	v35 =	vld [tilespmem:$0x960]  }
0xc2: {  	v9 =	vadd.f32 v41, v9;
	v23 =	vadd.f32 v52, v20;
	v52 =	vld [tilespmem:$0x1EDB0]  }
0xc3: {  	[tilespmem:$0x1EEB0] =	vst v50;
	v50 =	vld [tilespmem:$0x840]  }
0xc4: {  	v9 =	vadd.f32 v42, v9;
	v42 =	vadd.f32 v36, v2;
	v2 =	vld [tilespmem:$0x9A0]  }
0xc5: {  	v36 =	vld [tilespmem:$0x7F0]  }
0xc6: {  	v1 =	vadd.f32 v4, v1;
	v41 =	vadd.f32 v53, v23;
	v23 =	vld [tilespmem:$0x7B0]  }
0xc7: {  	v53 =	vld [tilespmem:$0x1EDC0]  }
0xc8: {  	v1 =	vadd.f32 v5, v1;
	v5 =	vadd.f32 v37, v42;
	v37 =	vld [tilespmem:$0x830]  }
0xc9: {  	v42 =	vld [tilespmem:$0x930]  }
0xca: {  	v9 =	vadd.f32 v43, v9;
	v6 =	vadd.f32 v6, v1;
	v1 =	vld [tilespmem:$0x9C0]  }
0xcb: {  	v4 =	vadd.f32 v54, v41;
	v41 =	vld [tilespmem:$0x8F0]  }
0xcc: {  	v9 =	vadd.f32 v44, v9;
	v54 =	vld [tilespmem:$0x1EDD0]  }
0xcd: {  	v5 =	vadd.f32 v38, v5;
	v38 =	vld [tilespmem:$0x870]  }
0xce: {  	v9 =	vadd.f32 v45, v9;
	v45 =	vld [tilespmem:$0xAD0]  }
0xcf: {  	v43 =	vadd.f32 v55, v4;
	v4 =	vld [tilespmem:$0x9E0]  }
0xd0: {  	v6 =	vadd.f32 v7, v6;
	v7 =	vld [tilespmem:$0x790]  }
0xd1: {  	[tilespmem:$0x1EEC0] =	vst v50;
	v50 =	vld [tilespmem:$0x1ED90]  }
0xd2: {  	v55 =	vld [tilespmem:$0x1EDE0]  }
0xd3: {  	v9 =	vadd.f32 v46, v9;
	v46 =	vld [tilespmem:$0x1ED50]  }
0xd4: {  	v5 =	vadd.f32 v39, v5;
	v39 =	vld [tilespmem:$0x8B0]  }
0xd5: {  	v6 =	vadd.f32 v8, v6;
	v8 =	vld [tilespmem:$0x7D0]  }
0xd6: {  	v20 =	vadd.f32 v56, v43;
	v43 =	vld [tilespmem:$0x970]  }
0xd7: {  	v56 =	vld [tilespmem:$0x1EDF0]  }
0xd8: {  	v9 =	vadd.f32 v47, v9;
	v47 =	vld [tilespmem:$0x1ED60]  }
0xd9: {  	v6 =	vadd.f32 v10, v6;
	v10 =	vld [tilespmem:$0x810]  }
0xda: {  	v20 =	vadd.f32 v57, v20;
	v57 =	vld [tilespmem:$0x1EE00]  }
0xdb: {  	v9 =	vadd.f32 v48, v9;
	v48 =	vld [tilespmem:$0x1ED70]  }
0xdc: {  	v6 =	vadd.f32 v13, v6;
	v13 =	vld [tilespmem:$0x850]  }
0xdd: {  	v20 =	vadd.f32 v58, v20;
	v58 =	vld [tilespmem:$0x1EE10]  }
0xde: {  	v5 =	vadd.f32 v46, v5;
	v46 =	vld [tilespmem:$0xAE0]  }
0xdf: {  	v9 =	vadd.f32 v49, v9;
	v49 =	vld [tilespmem:$0x1ED80]  }
0xe0: {  	v7 =	vadd.f32 v23, v7;
	v6 =	vadd.f32 v15, v6;
	v15 =	vld [tilespmem:$0x890]  }
0xe1: {  	v20 =	vadd.f32 v59, v20;
	v59 =	vld [tilespmem:$0xA00]  }
0xe2: {  	v7 =	vadd.f32 v8, v7;
	v5 =	vadd.f32 v47, v5;
	v47 =	vld [tilespmem:$0x1EEC0]  }
0xe3: {  	v9 =	vadd.f32 v50, v9;
	v50 =	vld [tilespmem:$0x1EE60]  }
0xe4: {  	v7 =	vadd.f32 v36, v7;
	v36 =	vld [tilespmem:$0xAC0]  }
0xe5: {  	v6 =	vadd.f32 v16, v6;
	v16 =	vld [tilespmem:$0x8D0]  }
0xe6: {  	v20 =	vadd.f32 v60, v20;
	v60 =	vld [tilespmem:$0x1EE20]  }
0xe7: {  	v5 =	vadd.f32 v48, v5;
	v48 =	vld [tilespmem:$0xA10]  }
0xe8: {  	v9 =	vadd.f32 v52, v9;
	v52 =	vld [tilespmem:$0x1EE70]  }
0xe9: {  	v6 =	vadd.f32 v19, v6;
	v19 =	vld [tilespmem:$0x910]  }
0xea: {  	v20 =	vadd.f32 v61, v20;
	v61 =	vld [tilespmem:$0x1EE30]  }
0xeb: {  	v5 =	vadd.f32 v49, v5;
	v49 =	vld [tilespmem:$0x1EE50]  }
0xec: {  	v9 =	vadd.f32 v54, v9;
	v54 =	vld [tilespmem:$0x1EE80]  }
0xed: {  	v6 =	vadd.f32 v22, v6;
	v22 =	vld [tilespmem:$0x950]  }
0xee: {  	v7 =	vadd.f32 v10, v7;
	v20 =	vadd.f32 v62, v20;
	v62 =	vld [tilespmem:$0xA20]  }
0xef: {  	v5 =	vadd.f32 v51, v5;
	v51 =	vld [tilespmem:$0xA30]  }
0xf0: {  	v7 =	vadd.f32 v37, v7;
	v44 =	vadd.f32 v56, v9;
	v9 =	vld [tilespmem:$0x9F0]  }
0xf1: {  	v56 =	vld [tilespmem:$0xA60]  }
0xf2: {  	v7 =	vadd.f32 v13, v7;
	v13 =	vld [tilespmem:$0xE70]  }
0xf3: {  	v6 =	vadd.f32 v24, v6;
	v24 =	vld [tilespmem:$0x990]  }
0xf4: {  	v20 =	vadd.f32 v63, v20;
	v63 =	vld [tilespmem:$0x1EE40]  }
0xf5: {  	v5 =	vadd.f32 v53, v5;
	v53 =	vld [tilespmem:$0xA40]  }
0xf6: {  	v20 =	vadd.f32 v31, v20;
	v31 =	vld [tilespmem:$0x9B0]  }
0xf7: {  	v7 =	vadd.f32 v38, v7;
	v6 =	vadd.f32 v25, v6;
	v25 =	vld [tilespmem:$0x9D0]  }
0xf8: {  	v5 =	vadd.f32 v55, v5;
	v55 =	vld [tilespmem:$0xA50]  }
0xf9: {  	v7 =	vadd.f32 v15, v7;
	v15 =	vld [tilespmem:$0xC90]  }
0xfa: {  	v5 =	vadd.f32 v57, v5;
	v57 =	vld [tilespmem:$0xA70]  }
0xfb: {  	v20 =	vadd.f32 v34, v20;
	v34 =	vadd.f32 v58, v44;
	v58 =	vld [tilespmem:$0xA80]  }
0xfc: {  	v6 =	vadd.f32 v26, v6;
	v26 =	vadd.f32 v62, v59;
	v59 =	vld [tilespmem:$0x1EE90]  }
0xfd: {  	v62 =	vld [tilespmem:$0x1EEA0]  }
0xfe: {  	v44 =	vld [tilespmem:$0x1EEB0]  }
0xff: {  	v5 =	vadd.f32 v60, v5;
	v60 =	vld [tilespmem:$0xA90]  }
0x100: {  	v20 =	vadd.f32 v61, v20;
	v61 =	vld [tilespmem:$0xAA0]  }
0x101: {  	v34 =	vadd.f32 v63, v34;
	v63 =	vld [tilespmem:$0xAB0]  }
0x102: {  	v6 =	vadd.f32 v27, v6;
	v27 =	vadd.f32 v51, v48;
	v48 =	vld [tilespmem:$0xAF0]  }
0x103: {  	v51 =	vld [tilespmem:$0xB20]  }
0x104: {  	v26 =	vadd.f32 v53, v26;
	v53 =	vld [tilespmem:$0xB40]  }
0x105: {  	v5 =	vadd.f32 v49, v5;
	v49 =	vld [tilespmem:$0xB00]  }
0x106: {  	v20 =	vadd.f32 v50, v20;
	v50 =	vld [tilespmem:$0xB10]  }
0x107: {  	v34 =	vadd.f32 v52, v34;
	v52 =	vld [tilespmem:$0xB30]  }
0x108: {  	v27 =	vadd.f32 v55, v27;
	v55 =	vld [tilespmem:$0xB60]  }
0x109: {  	v7 =	vadd.f32 v39, v7;
	v23 =	vadd.f32 v56, v26;
	v56 =	vld [tilespmem:$0xB70]  }
0x10a: {  	v29 =	vadd.f32 v59, v29;
	v59 =	vld [tilespmem:$0xBA0]  }
0x10b: {  	v7 =	vadd.f32 v16, v7;
	v20 =	vadd.f32 v54, v20;
	v54 =	vld [tilespmem:$0xB50]  }
0x10c: {  	v27 =	vadd.f32 v57, v27;
	v57 =	vld [tilespmem:$0xB80]  }
0x10d: {  	v7 =	vadd.f32 v41, v7;
	v8 =	vadd.f32 v58, v23;
	v58 =	vld [tilespmem:$0xB90]  }
0x10e: {  	v29 =	vadd.f32 v62, v29;
	v62 =	vld [tilespmem:$0xBD0]  }
0x10f: {  	v6 =	vadd.f32 v28, v6;
	v7 =	vadd.f32 v19, v7;
	v19 =	vld [tilespmem:$0xBF0]  }
0x110: {  	v5 =	vmul.f32 $5.000000070e-02, v5;
	v27 =	vadd.f32 v60, v27;
	v60 =	vld [tilespmem:$0xBB0]  }
0x111: {  	v6 =	vadd.f32 v32, v6;
	v8 =	vadd.f32 v61, v8;
	v61 =	vld [tilespmem:$0xBC0]  }
0x112: {  	[tilespmem:$0x2A80] =	vst v5;
	v5 =	vld [tilespmem:$0xEC0]  }
0x113: {  	v37 =	vmul.f32 $5.000000070e-02, v6;
	v6 =	vld [tilespmem:$0xEE0]  }
0x114: {  	v7 =	vadd.f32 v42, v7;
	v42 =	vld [tilespmem:$0xCA0]  }
0x115: {  	v26 =	vadd.f32 v63, v27;
	v63 =	vld [tilespmem:$0xBE0]  }
0x116: {  	v29 =	vadd.f32 v44, v29;
	v27 =	vld [tilespmem:$0xC30]  }
0x117: {  	v8 =	vadd.f32 v36, v8;
	v7 =	vadd.f32 v22, v7;
	v22 =	vld [tilespmem:$0xC10]  }
0x118: {  	v28 =	vadd.f32 v47, v29;
	v47 =	vld [tilespmem:$0xCE0]  }
0x119: {  	v23 =	vadd.f32 v45, v26;
	v8 =	vadd.f32 v46, v8;
	v45 =	vld [tilespmem:$0xD70]  }
0x11a: {  	v21 =	vadd.f32 v21, v28;
	v7 =	vadd.f32 v43, v7;
	v28 =	vld [tilespmem:$0xC40]  }
0x11b: {  	v43 =	vld [tilespmem:$0xCC0];
	v23 =	vadd.f32 v48, v23;
	v8 =	vadd.f32 v49, v8  }
0x11c: {  	v49 =	vld [tilespmem:$0xC80];
	v18 =	vadd.f32 v18, v21;
	v7 =	vadd.f32 v24, v7  }
0x11d: {  	v21 =	vld [tilespmem:$0xC00];
	v10 =	vadd.f32 v50, v23;
	v8 =	vadd.f32 v51, v8  }
0x11e: {  	v23 =	vld [tilespmem:$0xC20];
	v0 =	vadd.f32 v0, v18;
	v7 =	vadd.f32 v31, v7  }
0x11f: {  	[tilespmem:$0x1F000] =	vst v13;
	v36 =	vmul.f32 $5.000000070e-02, v20;
	v51 =	vld [tilespmem:$0xD40];
	v10 =	vadd.f32 v52, v10;
	v8 =	vadd.f32 v53, v8  }
0x120: {  	[tilespmem:$0x2AB0] =	vst v37;
	v53 =	vld [tilespmem:$0xD60];
	v0 =	vadd.f32 v14, v0;
	v7 =	vadd.f32 v25, v7  }
0x121: {  	[tilespmem:$0x2AA0] =	vst v36;
	v31 =	vld [tilespmem:$0xC60];
	v10 =	vadd.f32 v54, v10  }
0x122: {  	[tilespmem:$0x1F080] =	vst v5;
	v54 =	vld [tilespmem:$0xD80];
	v0 =	vadd.f32 v11, v0;
	v38 =	vadd.f32 v9, v7  }
0x123: {  	[tilespmem:$0x1F0C0] =	vst v6;
	v8 =	vadd.f32 v55, v8;
	v55 =	vld [tilespmem:$0xDA0]  }
0x124: {  	[tilespmem:$0x1EED0] =	vst v51;
	v7 =	vld [tilespmem:$0xDB0];
	v10 =	vadd.f32 v56, v10;
	v0 =	vadd.f32 v40, v0;
	v39 =	vmul.f32 $5.000000070e-02, v38  }
0x125: {  	v9 =	vld [tilespmem:$0xDF0];
	v8 =	vadd.f32 v57, v8;
	[tilespmem:$0x1EEE0] =	vst v53  }
0x126: {  	v11 =	vld [tilespmem:$0xE30];
	v10 =	vadd.f32 v58, v10;
	v0 =	vadd.f32 v17, v0;
	[tilespmem:$0x2AD0] =	vst v39  }
0x127: {  	v56 =	vld [tilespmem:$0xDC0];
	v8 =	vadd.f32 v59, v8;
	[tilespmem:$0x1EEF0] =	vst v54  }
0x128: {  	v57 =	vld [tilespmem:$0xDE0];
	[tilespmem:$0x1EF00] =	vst v55;
	v10 =	vadd.f32 v60, v10;
	v0 =	vadd.f32 v12, v0  }
0x129: {  	v58 =	vld [tilespmem:$0xE00];
	v8 =	vadd.f32 v61, v8;
	[tilespmem:$0x1EF10] =	vst v7  }
0x12a: {  	v59 =	vld [tilespmem:$0xE20];
	[tilespmem:$0x1EF50] =	vst v9;
	v10 =	vadd.f32 v62, v10;
	v0 =	vadd.f32 v35, v0  }
0x12b: {  	v52 =	vld [tilespmem:$0xD00];
	[tilespmem:$0x1EFA0] =	vst v11;
	v26 =	vadd.f32 v63, v8  }
0x12c: {  	v60 =	vld [tilespmem:$0xE40];
	[tilespmem:$0x1EF20] =	vst v56;
	v10 =	vadd.f32 v19, v10;
	v0 =	vadd.f32 v3, v0  }
0x12d: {  	[tilespmem:$0x1EF40] =	vst v57;
	v12 =	vld [tilespmem:$0xE50];
	v29 =	vadd.f32 v21, v26  }
0x12e: {  	v62 =	vld [tilespmem:$0xE60];
	v35 =	vmul.f32 $5.000000070e-02, v34;
	[tilespmem:$0x1EF60] =	vst v58;
	v10 =	vadd.f32 v22, v10;
	v0 =	vadd.f32 v2, v0  }
0x12f: {  	v63 =	vld [tilespmem:$0xE80];
	[tilespmem:$0x1EF80] =	vst v59;
	v32 =	vadd.f32 v23, v29  }
0x130: {  	[tilespmem:$0x2A90] =	vst v35;
	v8 =	vadd.f32 v27, v10;
	v10 =	vld [tilespmem:$0xE10];
	v0 =	vadd.f32 v1, v0  }
0x131: {  	v14 =	vld [tilespmem:$0xCB0];
	[tilespmem:$0x1EFB0] =	vst v60;
	v1 =	vadd.f32 v28, v32  }
0x132: {  	v38 =	vld [tilespmem:$0xD50];
	[tilespmem:$0x1EFD0] =	vst v12;
	v0 =	vadd.f32 v4, v0  }
0x133: {  	[tilespmem:$0x1EFE0] =	vst v62;
	v3 =	vadd.f32 v30, v8;
	v8 =	vld [tilespmem:$0xDD0];
	v1 =	vadd.f32 v31, v1  }
0x134: {  	v55 =	vld [tilespmem:$0xD90];
	[tilespmem:$0x1F010] =	vst v63;
	v0 =	vmul.f32 $5.000000070e-02, v0  }
0x135: {  	v4 =	vld [tilespmem:$0xEA0];
	v2 =	vadd.f32 v33, v3;
	v48 =	vmul.f32 $5.000000070e-02, v1;
	[tilespmem:$0x1EF70] =	vst v10  }
0x136: {  	v61 =	vld [tilespmem:$0xD20];
	[tilespmem:$0x2AC0] =	vst v0  }
0x137: {  	v19 =	vld [tilespmem:$0xCD0];
	v50 =	vmul.f32 $5.000000070e-02, v2;
	[tilespmem:$0x2AE0] =	vst v48  }
0x138: {  	v23 =	vld [tilespmem:$0xCF0];
	[tilespmem:$0x1EF30] =	vst v8  }
0x139: {  	v27 =	vld [tilespmem:$0xD10];
	[tilespmem:$0x2AF0] =	vst v50  }
0x13a: {  	v33 =	vld [tilespmem:$0xD30];
	[tilespmem:$0x1F040] =	vst v4  }
0x13b: {  	v0 =	vld [tilespmem:$0xE90]  }
0x13c: {  	v62 =	vld [tilespmem:$0x1280];
	_ =	sdelay $0x4  }
0x13d: {  	[tilespmem:$0x1F200] =	vst v62;
	v62 =	vld [tilespmem:$0x12B0];
	_ =	sdelay $0x4  }
0x13e: {  	[tilespmem:$0x1F250] =	vst v62;
	v62 =	vld [tilespmem:$0x1540];
	_ =	sdelay $0x4  }
0x13f: {  	[tilespmem:$0x1F2B0] =	vst v62;
	v62 =	vld [tilespmem:$0x1550];
	_ =	sdelay $0x4  }
0x140: {  	[tilespmem:$0x1F2D0] =	vst v62;
	v62 =	vld [tilespmem:$0x1590];
	_ =	sdelay $0x4  }
0x141: {  	[tilespmem:$0x1F350] =	vst v62;
	v62 =	vld [tilespmem:$0x15D0];
	_ =	sdelay $0x4  }
0x142: {  	[tilespmem:$0x1F3D0] =	vst v62;
	v62 =	vld [tilespmem:$0x1610];
	_ =	sdelay $0x4  }
0x143: {  	[tilespmem:$0x1F450] =	vst v62;
	v62 =	vld [tilespmem:$0x1650];
	_ =	sdelay $0x4  }
0x144: {  	[tilespmem:$0x1F4D0] =	vst v62;
	v62 =	vld [tilespmem:$0x1680];
	_ =	sdelay $0x4  }
0x145: {  	[tilespmem:$0x1F4F0] =	vst v62;
	v62 =	vld [tilespmem:$0x16C0];
	_ =	sdelay $0x4  }
0x146: {  	[tilespmem:$0x1F540] =	vst v62;
	v62 =	vld [tilespmem:$0x1700];
	_ =	sdelay $0x4  }
0x147: {  	[tilespmem:$0x1F5C0] =	vst v62;
	v62 =	vld [tilespmem:$0x1740];
	_ =	sdelay $0x4  }
0x148: {  	[tilespmem:$0x1F640] =	vst v62;
	v62 =	vld [tilespmem:$0x1780];
	_ =	sdelay $0x4  }
0x149: {  	[tilespmem:$0x1F6C0] =	vst v62;
	v62 =	vld [tilespmem:$0x17C0];
	_ =	sdelay $0x4  }
0x14a: {  	[tilespmem:$0x1F740] =	vst v62;
	v62 =	vld [tilespmem:$0x1800];
	_ =	sdelay $0x4  }
0x14b: {  	[tilespmem:$0x1F7C0] =	vst v62;
	v62 =	vld [tilespmem:$0x1840];
	_ =	sdelay $0x4  }
0x14c: {  	[tilespmem:$0x1F840] =	vst v62;
	v62 =	vld [tilespmem:$0x1880];
	_ =	sdelay $0x4  }
0x14d: {  	[tilespmem:$0x1F8C0] =	vst v62;
	v62 =	vld [tilespmem:$0x18C0];
	_ =	sdelay $0x4  }
0x14e: {  	[tilespmem:$0x1F940] =	vst v62;
	v62 =	vld [tilespmem:$0x1690];
	_ =	sdelay $0x4  }
0x14f: {  	[tilespmem:$0x1F520] =	vst v62;
	v62 =	vld [tilespmem:$0x16D0];
	_ =	sdelay $0x4  }
0x150: {  	[tilespmem:$0x1F570] =	vst v62;
	v62 =	vld [tilespmem:$0x1710];
	_ =	sdelay $0x4  }
0x151: {  	[tilespmem:$0x1F5E0] =	vst v62;
	v62 =	vld [tilespmem:$0x1750];
	_ =	sdelay $0x4  }
0x152: {  	[tilespmem:$0x1F660] =	vst v62;
	v62 =	vld [tilespmem:$0x1790];
	_ =	sdelay $0x4  }
0x153: {  	[tilespmem:$0x1F6E0] =	vst v62;
	v62 =	vld [tilespmem:$0x17D0];
	_ =	sdelay $0x4  }
0x154: {  	[tilespmem:$0x1F760] =	vst v62;
	v62 =	vld [tilespmem:$0x1810];
	_ =	sdelay $0x4  }
0x155: {  	[tilespmem:$0x1F7E0] =	vst v62;
	v62 =	vld [tilespmem:$0x1850];
	_ =	sdelay $0x4  }
0x156: {  	[tilespmem:$0x1F860] =	vst v62;
	v62 =	vld [tilespmem:$0x1890];
	_ =	sdelay $0x4  }
0x157: {  	[tilespmem:$0x1F8E0] =	vst v62;
	v62 =	vld [tilespmem:$0x18D0];
	_ =	sdelay $0x4  }
0x158: {  	[tilespmem:$0x1F960] =	vst v62;
	v62 =	vld [tilespmem:$0x1900];
	_ =	sdelay $0x4  }
0x159: {  	[tilespmem:$0x1F550] =	vst v62;
	v62 =	vld [tilespmem:$0x1940];
	_ =	sdelay $0x4  }
0x15a: {  	[tilespmem:$0x1F590] =	vst v62;
	v62 =	vld [tilespmem:$0x1980];
	_ =	sdelay $0x4  }
0x15b: {  	[tilespmem:$0x1F610] =	vst v62;
	v62 =	vld [tilespmem:$0x19C0];
	_ =	sdelay $0x3  }
0x15c: {  	v16 =	vld [tilespmem:$0xEB0]  }
0x15d: {  	[tilespmem:$0x1F690] =	vst v62;
	v62 =	vld [tilespmem:$0x1A00]  }
0x15e: {  	v17 =	vld [tilespmem:$0xED0]  }
0x15f: {  	v18 =	vld [tilespmem:$0xEF0]  }
0x160: {  	v6 =	vld [tilespmem:$0xF00]  }
0x161: {  	v5 =	vld [tilespmem:$0xF20]  }
0x162: {  	[tilespmem:$0x1F710] =	vst v62;
	v62 =	vld [tilespmem:$0x1A40]  }
0x163: {  	v8 =	vld [tilespmem:$0xF40]  }
0x164: {  	v10 =	vld [tilespmem:$0xF60]  }
0x165: {  	v12 =	vld [tilespmem:$0xF80]  }
0x166: {  	v60 =	vld [tilespmem:$0x1260]  }
0x167: {  	[tilespmem:$0x1F790] =	vst v62;
	v62 =	vld [tilespmem:$0x1A80]  }
0x168: {  	v22 =	vld [tilespmem:$0xFC0]  }
0x169: {  	v26 =	vld [tilespmem:$0xFE0]  }
0x16a: {  	v32 =	vld [tilespmem:$0x1000]  }
0x16b: {  	[tilespmem:$0x1F1D0] =	vst v60;
	v60 =	vld [tilespmem:$0x1290]  }
0x16c: {  	[tilespmem:$0x1F810] =	vst v62;
	v62 =	vld [tilespmem:$0x1AC0]  }
0x16d: {  	v37 =	vld [tilespmem:$0x1020]  }
0x16e: {  	v44 =	vld [tilespmem:$0x1040]  }
0x16f: {  	v51 =	vld [tilespmem:$0x1060]  }
0x170: {  	[tilespmem:$0x1F220] =	vst v60;
	v60 =	vld [tilespmem:$0x1520]  }
0x171: {  	[tilespmem:$0x1F890] =	vst v62;
	v62 =	vld [tilespmem:$0x1B00]  }
0x172: {  	v20 =	vld [tilespmem:$0x1080]  }
0x173: {  	v21 =	vld [tilespmem:$0x10A0]  }
0x174: {  	v24 =	vld [tilespmem:$0x10C0]  }
0x175: {  	[tilespmem:$0x1F270] =	vst v60;
	v60 =	vld [tilespmem:$0x1530]  }
0x176: {  	[tilespmem:$0x1F910] =	vst v62;
	v62 =	vld [tilespmem:$0x1B40]  }
0x177: {  	v25 =	vld [tilespmem:$0x10E0]  }
0x178: {  	v28 =	vld [tilespmem:$0x1100]  }
0x179: {  	v29 =	vld [tilespmem:$0x1120]  }
0x17a: {  	[tilespmem:$0x1F290] =	vst v60;
	v60 =	vld [tilespmem:$0x1570]  }
0x17b: {  	[tilespmem:$0x1F990] =	vst v62;
	v62 =	vld [tilespmem:$0x1950]  }
0x17c: {  	v30 =	vld [tilespmem:$0x1140]  }
0x17d: {  	v31 =	vld [tilespmem:$0x1160]  }
0x17e: {  	v1 =	vld [tilespmem:$0xF10]  }
0x17f: {  	[tilespmem:$0x1F310] =	vst v60;
	v60 =	vld [tilespmem:$0x15B0]  }
0x180: {  	[tilespmem:$0x1F5B0] =	vst v62;
	v62 =	vld [tilespmem:$0x1970]  }
0x181: {  	v2 =	vld [tilespmem:$0xF50]  }
0x182: {  	v3 =	vld [tilespmem:$0xF70]  }
0x183: {  	v4 =	vld [tilespmem:$0xF90]  }
0x184: {  	[tilespmem:$0x1F390] =	vst v60;
	v60 =	vld [tilespmem:$0x15F0]  }
0x185: {  	[tilespmem:$0x1F5F0] =	vst v62;
	v62 =	vld [tilespmem:$0x1990]  }
0x186: {  	v7 =	vld [tilespmem:$0xFB0]  }
0x187: {  	v9 =	vld [tilespmem:$0xFD0]  }
0x188: {  	v11 =	vld [tilespmem:$0xFF0]  }
0x189: {  	[tilespmem:$0x1F410] =	vst v60;
	v60 =	vld [tilespmem:$0x1630]  }
0x18a: {  	[tilespmem:$0x1F630] =	vst v62;
	v62 =	vld [tilespmem:$0x19B0]  }
0x18b: {  	v35 =	vld [tilespmem:$0x1090]  }
0x18c: {  	v40 =	vld [tilespmem:$0x10B0]  }
0x18d: {  	v48 =	vld [tilespmem:$0x10D0]  }
0x18e: {  	[tilespmem:$0x1F490] =	vst v60;
	v60 =	vld [tilespmem:$0x1670]  }
0x18f: {  	[tilespmem:$0x1F670] =	vst v62;
	v62 =	vld [tilespmem:$0x19D0]  }
0x190: {  	v58 =	vld [tilespmem:$0x10F0]  }
0x191: {  	v34 =	vld [tilespmem:$0x1110]  }
0x192: {  	v36 =	vld [tilespmem:$0x1130]  }
0x193: {  	[tilespmem:$0x1F510] =	vst v60;
	v60 =	vld [tilespmem:$0x16A0]  }
0x194: {  	[tilespmem:$0x1F6B0] =	vst v62;
	v62 =	vld [tilespmem:$0x19F0]  }
0x195: {  	v39 =	vld [tilespmem:$0x1150]  }
0x196: {  	v41 =	vld [tilespmem:$0x1170]  }
0x197: {  	v46 =	vld [tilespmem:$0x1180]  }
0x198: {  	[tilespmem:$0x1F500] =	vst v60;
	v60 =	vld [tilespmem:$0x16E0]  }
0x199: {  	[tilespmem:$0x1F6F0] =	vst v62;
	v62 =	vld [tilespmem:$0x1A10]  }
0x19a: {  	v50 =	vld [tilespmem:$0x11A0]  }
0x19b: {  	v53 =	vld [tilespmem:$0x11C0]  }
0x19c: {  	v54 =	vld [tilespmem:$0x11E0]  }
0x19d: {  	[tilespmem:$0x1F580] =	vst v60;
	v60 =	vld [tilespmem:$0x1720]  }
0x19e: {  	[tilespmem:$0x1F730] =	vst v62;
	v62 =	vld [tilespmem:$0x1A30]  }
0x19f: {  	v56 =	vld [tilespmem:$0x1200]  }
0x1a0: {  	v57 =	vld [tilespmem:$0x1220]  }
0x1a1: {  	v59 =	vld [tilespmem:$0x1240]  }
0x1a2: {  	[tilespmem:$0x1F600] =	vst v60;
	v60 =	vld [tilespmem:$0x1760]  }
0x1a3: {  	[tilespmem:$0x1F770] =	vst v62;
	v62 =	vld [tilespmem:$0x1A50]  }
0x1a4: {  	v63 =	vld [tilespmem:$0x12A0]  }
0x1a5: {  	v13 =	vld [tilespmem:$0x1430]  }
0x1a6: {  	v42 =	vadd.f32 v42, v49;
	v49 =	vld [tilespmem:$0x1DA0]  }
0x1a7: {  	[tilespmem:$0x1F680] =	vst v60;
	v60 =	vld [tilespmem:$0x17A0]  }
0x1a8: {  	[tilespmem:$0x1F7B0] =	vst v62;
	v62 =	vld [tilespmem:$0x1A70]  }
0x1a9: {  	v43 =	vadd.f32 v43, v42;
	v42 =	vld [tilespmem:$0x1DE0]  }
0x1aa: {  	v14 =	vadd.f32 v14, v15;
	v15 =	vld [tilespmem:$0x1EEE0]  }
0x1ab: {  	[tilespmem:$0x1F0E0] =	vst v18;
	v18 =	vld [tilespmem:$0xFA0]  }
0x1ac: {  	[tilespmem:$0x1F700] =	vst v60;
	v60 =	vld [tilespmem:$0x17E0]  }
0x1ad: {  	[tilespmem:$0x1F7F0] =	vst v62;
	v62 =	vld [tilespmem:$0x1A90]  }
0x1ae: {  	[tilespmem:$0x1F030] =	vst v0;
	v0 =	vld [tilespmem:$0xF30]  }
0x1af: {  	[tilespmem:$0x1F060] =	vst v16;
	v16 =	vld [tilespmem:$0x1010]  }
0x1b0: {  	[tilespmem:$0x1EFC0] =	vst v21;
	v21 =	vld [tilespmem:$0x1030]  }
0x1b1: {  	[tilespmem:$0x1F780] =	vst v60;
	v60 =	vld [tilespmem:$0x1820]  }
0x1b2: {  	[tilespmem:$0x1F830] =	vst v62;
	v62 =	vld [tilespmem:$0x1AB0]  }
0x1b3: {  	[tilespmem:$0x1F020] =	vst v25;
	v25 =	vld [tilespmem:$0x1050]  }
0x1b4: {  	[tilespmem:$0x1F090] =	vst v29;
	v29 =	vld [tilespmem:$0x1070]  }
0x1b5: {  	[tilespmem:$0x1F0A0] =	vst v17;
	v17 =	vld [tilespmem:$0x12C0]  }
0x1b6: {  	[tilespmem:$0x1F800] =	vst v60;
	v60 =	vld [tilespmem:$0x1860]  }
0x1b7: {  	[tilespmem:$0x1F870] =	vst v62;
	v62 =	vld [tilespmem:$0x1AD0]  }
0x1b8: {  	[tilespmem:$0x1EF90] =	vst v20;
	v20 =	vld [tilespmem:$0x12E0]  }
0x1b9: {  	[tilespmem:$0x1EFF0] =	vst v24;
	v24 =	vld [tilespmem:$0x1300]  }
0x1ba: {  	[tilespmem:$0x1F050] =	vst v28;
	v28 =	vld [tilespmem:$0x1320]  }
0x1bb: {  	[tilespmem:$0x1F880] =	vst v60;
	v60 =	vld [tilespmem:$0x18A0]  }
0x1bc: {  	[tilespmem:$0x1F8B0] =	vst v62;
	v62 =	vld [tilespmem:$0x1AF0]  }
0x1bd: {  	[tilespmem:$0x1F0D0] =	vst v30;
	v30 =	vld [tilespmem:$0x1340]  }
0x1be: {  	[tilespmem:$0x1F100] =	vst v31;
	v31 =	vld [tilespmem:$0x1360]  }
0x1bf: {  	[tilespmem:$0x1F070] =	vst v34;
	v34 =	vld [tilespmem:$0x1380]  }
0x1c0: {  	[tilespmem:$0x1F900] =	vst v60;
	v60 =	vld [tilespmem:$0x18E0]  }
0x1c1: {  	[tilespmem:$0x1F8F0] =	vst v62;
	v62 =	vld [tilespmem:$0x1B10]  }
0x1c2: {  	[tilespmem:$0x1F0B0] =	vst v36;
	v36 =	vld [tilespmem:$0x13A0]  }
0x1c3: {  	[tilespmem:$0x1F0F0] =	vst v39;
	v39 =	vld [tilespmem:$0x13C0]  }
0x1c4: {  	[tilespmem:$0x1F130] =	vst v41;
	v41 =	vld [tilespmem:$0x13E0]  }
0x1c5: {  	[tilespmem:$0x1F980] =	vst v60;
	v60 =	vld [tilespmem:$0x16B0]  }
0x1c6: {  	[tilespmem:$0x1F930] =	vst v62;
	v62 =	vld [tilespmem:$0x1B30]  }
0x1c7: {  	[tilespmem:$0x1F170] =	vst v56;
	v56 =	vld [tilespmem:$0x1190]  }
0x1c8: {  	[tilespmem:$0x1F150] =	vst v54;
	v54 =	vld [tilespmem:$0x11B0]  }
0x1c9: {  	[tilespmem:$0x1F230] =	vst v63;
	v63 =	vld [tilespmem:$0x11D0]  }
0x1ca: {  	[tilespmem:$0x1F530] =	vst v60;
	v60 =	vld [tilespmem:$0x16F0]  }
0x1cb: {  	[tilespmem:$0x1F970] =	vst v62;
	v62 =	vld [tilespmem:$0x1B50]  }
0x1cc: {  	[tilespmem:$0x1F110] =	vst v46;
	v46 =	vld [tilespmem:$0x11F0]  }
0x1cd: {  	[tilespmem:$0x1F120] =	vst v50;
	v50 =	vld [tilespmem:$0x1210]  }
0x1ce: {  	[tilespmem:$0x1F140] =	vst v53;
	v53 =	vld [tilespmem:$0x1230]  }
0x1cf: {  	[tilespmem:$0x1F5A0] =	vst v60;
	v60 =	vld [tilespmem:$0x1730]  }
0x1d0: {  	[tilespmem:$0x1F9B0] =	vst v62;
	v62 =	vld [tilespmem:$0x1B70]  }
0x1d1: {  	[tilespmem:$0x1F190] =	vst v57;
	v57 =	vld [tilespmem:$0x1250]  }
0x1d2: {  	[tilespmem:$0x1F1B0] =	vst v59;
	v59 =	vld [tilespmem:$0x1270]  }
0x1d3: {  	[tilespmem:$0x1FC80] =	vst v49;
	v49 =	vld [tilespmem:$0x1BB0]  }
0x1d4: {  	[tilespmem:$0x1F620] =	vst v60;
	v60 =	vld [tilespmem:$0x1770]  }
0x1d5: {  	[tilespmem:$0x1F9F0] =	vst v62;
	v62 =	vld [tilespmem:$0x1B80]  }
0x1d6: {  	[tilespmem:$0x1FD00] =	vst v42;
	v42 =	vld [tilespmem:$0x1EF30]  }
0x1d7: {  	[tilespmem:$0x1F260] =	vst v17;
	v17 =	vld [tilespmem:$0x12D0]  }
0x1d8: {  	[tilespmem:$0x1F2A0] =	vst v20;
	v20 =	vld [tilespmem:$0x12F0]  }
0x1d9: {  	[tilespmem:$0x1F6A0] =	vst v60;
	v60 =	vld [tilespmem:$0x17B0]  }
0x1da: {  	[tilespmem:$0x1F9D0] =	vst v62;
	v62 =	vld [tilespmem:$0x1BA0]  }
0x1db: {  	[tilespmem:$0x1F2E0] =	vst v24;
	v24 =	vld [tilespmem:$0x1310]  }
0x1dc: {  	[tilespmem:$0x1F320] =	vst v28;
	v28 =	vld [tilespmem:$0x1330]  }
0x1dd: {  	[tilespmem:$0x1F360] =	vst v30;
	v30 =	vld [tilespmem:$0x1350]  }
0x1de: {  	[tilespmem:$0x1F720] =	vst v60;
	v60 =	vld [tilespmem:$0x17F0]  }
0x1df: {  	[tilespmem:$0x1F9E0] =	vst v62;
	v62 =	vld [tilespmem:$0x1BC0]  }
0x1e0: {  	[tilespmem:$0x1F3A0] =	vst v31;
	v31 =	vld [tilespmem:$0x1370]  }
0x1e1: {  	[tilespmem:$0x1F3E0] =	vst v34;
	v34 =	vld [tilespmem:$0x1390]  }
0x1e2: {  	[tilespmem:$0x1F420] =	vst v36;
	v36 =	vld [tilespmem:$0x13B0]  }
0x1e3: {  	[tilespmem:$0x1F7A0] =	vst v60;
	v60 =	vld [tilespmem:$0x1830]  }
0x1e4: {  	[tilespmem:$0x1FA20] =	vst v62;
	v62 =	vld [tilespmem:$0x1BE0]  }
0x1e5: {  	[tilespmem:$0x1F460] =	vst v39;
	v39 =	vld [tilespmem:$0x13D0]  }
0x1e6: {  	[tilespmem:$0x1F4A0] =	vst v41;
	v41 =	vld [tilespmem:$0x13F0]  }
0x1e7: {  	[tilespmem:$0x1F180] =	vst v50;
	v50 =	vld [tilespmem:$0x1480]  }
0x1e8: {  	[tilespmem:$0x1F820] =	vst v60;
	v60 =	vld [tilespmem:$0x1870]  }
0x1e9: {  	[tilespmem:$0x1FA40] =	vst v62;
	v62 =	vld [tilespmem:$0x1C00]  }
0x1ea: {  	[tilespmem:$0x1F1F0] =	vst v59;
	v59 =	vld [tilespmem:$0x14A0]  }
0x1eb: {  	[tilespmem:$0x1F160] =	vst v46;
	v46 =	vld [tilespmem:$0x14C0]  }
0x1ec: {  	[tilespmem:$0x1F1A0] =	vst v53;
	v53 =	vld [tilespmem:$0x14E0]  }
0x1ed: {  	[tilespmem:$0x1F8A0] =	vst v60;
	v60 =	vld [tilespmem:$0x18B0]  }
0x1ee: {  	[tilespmem:$0x1FA60] =	vst v62;
	v62 =	vld [tilespmem:$0x1C20]  }
0x1ef: {  	[tilespmem:$0x1F1C0] =	vst v57;
	v57 =	vld [tilespmem:$0x1500]  }
0x1f0: {  	[tilespmem:$0x1FA10] =	vst v49;
	v49 =	vld [tilespmem:$0x1D70]  }
0x1f1: {  	[tilespmem:$0x1F3C0] =	vst v31;
	v31 =	vld [tilespmem:$0x1400]  }
0x1f2: {  	[tilespmem:$0x1F920] =	vst v60;
	v60 =	vld [tilespmem:$0x18F0]  }
0x1f3: {  	[tilespmem:$0x1FA80] =	vst v62;
	v62 =	vld [tilespmem:$0x1C40]  }
0x1f4: {  	[tilespmem:$0x1F380] =	vst v30;
	v30 =	vld [tilespmem:$0x1420]  }
0x1f5: {  	[tilespmem:$0x1F440] =	vst v36;
	v36 =	vld [tilespmem:$0x1440]  }
0x1f6: {  	[tilespmem:$0x1F4C0] =	vst v41;
	v41 =	vld [tilespmem:$0x1460]  }
0x1f7: {  	[tilespmem:$0x1F9A0] =	vst v60;
	v60 =	vld [tilespmem:$0x1920]  }
0x1f8: {  	[tilespmem:$0x1FA90] =	vst v62;
	v62 =	vld [tilespmem:$0x1C60]  }
0x1f9: {  	[tilespmem:$0x1F280] =	vst v17;
	v17 =	vld [tilespmem:$0x1560]  }
0x1fa: {  	[tilespmem:$0x1F2C0] =	vst v20;
	v20 =	vld [tilespmem:$0x1580]  }
0x1fb: {  	[tilespmem:$0x1F300] =	vst v24;
	v24 =	vld [tilespmem:$0x15A0]  }
0x1fc: {  	[tilespmem:$0x1F560] =	vst v60;
	v60 =	vld [tilespmem:$0x1960]  }
0x1fd: {  	[tilespmem:$0x1FAC0] =	vst v62;
	v62 =	vld [tilespmem:$0x1C80]  }
0x1fe: {  	[tilespmem:$0x1F340] =	vst v28;
	v28 =	vld [tilespmem:$0x15C0]  }
0x1ff: {  	[tilespmem:$0x1F400] =	vst v34;
	v34 =	vld [tilespmem:$0x15E0]  }
0x200: {  	[tilespmem:$0x1F480] =	vst v39;
	v39 =	vld [tilespmem:$0x1600]  }
0x201: {  	[tilespmem:$0x1F5D0] =	vst v60;
	v60 =	vld [tilespmem:$0x19A0]  }
0x202: {  	[tilespmem:$0x1FAF0] =	vst v62;
	v62 =	vld [tilespmem:$0x1CA0]  }
0x203: {  	[tilespmem:$0x1F1E0] =	vst v46;
	v46 =	vld [tilespmem:$0x1620]  }
0x204: {  	[tilespmem:$0x1F210] =	vst v53;
	v53 =	vld [tilespmem:$0x1640]  }
0x205: {  	[tilespmem:$0x1F240] =	vst v57;
	v57 =	vld [tilespmem:$0x1660]  }
0x206: {  	[tilespmem:$0x1F650] =	vst v60;
	v60 =	vld [tilespmem:$0x19E0]  }
0x207: {  	[tilespmem:$0x1FB20] =	vst v62;
	v62 =	vld [tilespmem:$0x1CC0]  }
0x208: {  	[tilespmem:$0x1FC40] =	vst v49;
	v49 =	vld [tilespmem:$0x1F080]  }
0x209: {  	[tilespmem:$0x1F2F0] =	vst v17;
	v17 =	vld [tilespmem:$0x1410]  }
0x20a: {  	[tilespmem:$0x1F330] =	vst v20;
	v20 =	vld [tilespmem:$0x1450]  }
0x20b: {  	[tilespmem:$0x1F6D0] =	vst v60;
	v60 =	vld [tilespmem:$0x1A20]  }
0x20c: {  	v0 =	vadd.f32 v0, v1;
	[tilespmem:$0x1FB50] =	vst v62;
	v62 =	vld [tilespmem:$0x1CE0]  }
0x20d: {  	[tilespmem:$0x1F370] =	vst v24;
	v24 =	vld [tilespmem:$0x1470]  }
0x20e: {  	v0 =	vadd.f32 v2, v0;
	[tilespmem:$0x1F3B0] =	vst v28;
	v28 =	vld [tilespmem:$0x1490]  }
0x20f: {  	[tilespmem:$0x1F3F0] =	vst v34;
	v34 =	vld [tilespmem:$0x14B0]  }
0x210: {  	v0 =	vadd.f32 v3, v0;
	[tilespmem:$0x1F750] =	vst v60;
	v60 =	vld [tilespmem:$0x1A60]  }
0x211: {  	[tilespmem:$0x1FB80] =	vst v62;
	v62 =	vld [tilespmem:$0x1D00]  }
0x212: {  	v0 =	vadd.f32 v4, v0;
	[tilespmem:$0x1F430] =	vst v39;
	v39 =	vld [tilespmem:$0x14D0]  }
0x213: {  	[tilespmem:$0x1F470] =	vst v46;
	v46 =	vld [tilespmem:$0x14F0]  }
0x214: {  	v0 =	vadd.f32 v7, v0;
	[tilespmem:$0x1F4E0] =	vst v57;
	v57 =	vld [tilespmem:$0x1510]  }
0x215: {  	[tilespmem:$0x1F7D0] =	vst v60;
	v60 =	vld [tilespmem:$0x1AA0]  }
0x216: {  	v0 =	vadd.f32 v9, v0;
	[tilespmem:$0x1FBB0] =	vst v62;
	v62 =	vld [tilespmem:$0x1D20]  }
0x217: {  	[tilespmem:$0x1F4B0] =	vst v53;
	v53 =	vld [tilespmem:$0x1930]  }
0x218: {  	v9 =	vld [tilespmem:$0x1DD0];
	v0 =	vadd.f32 v11, v0  }
0x219: {  	v11 =	vld [tilespmem:$0x1EF90]  }
0x21a: {  	v0 =	vadd.f32 v16, v0;
	[tilespmem:$0x1F850] =	vst v60;
	v60 =	vld [tilespmem:$0x1AE0]  }
0x21b: {  	[tilespmem:$0x1FBD0] =	vst v62;
	v62 =	vld [tilespmem:$0x1D40]  }
0x21c: {  	v16 =	vld [tilespmem:$0x1D10];
	v0 =	vadd.f32 v21, v0  }
0x21d: {  	[tilespmem:$0x1FCE0] =	vst v9;
	v9 =	vld [tilespmem:$0x1F60]  }
0x21e: {  	v21 =	vld [tilespmem:$0x1EFD0];
	v0 =	vadd.f32 v25, v0  }
0x21f: {  	[tilespmem:$0x1F8D0] =	vst v60;
	v60 =	vld [tilespmem:$0x1B20]  }
0x220: {  	v0 =	vadd.f32 v29, v0;
	[tilespmem:$0x1FBF0] =	vst v62;
	v62 =	vld [tilespmem:$0x1D60]  }
0x221: {  	v25 =	vld [tilespmem:$0x1E40]  }
0x222: {  	v29 =	vld [tilespmem:$0x1F020];
	v0 =	vadd.f32 v35, v0  }
0x223: {  	v35 =	vld [tilespmem:$0x1E80]  }
0x224: {  	v0 =	vadd.f32 v40, v0;
	[tilespmem:$0x1F950] =	vst v60;
	v60 =	vld [tilespmem:$0x1B60]  }
0x225: {  	[tilespmem:$0x1FC20] =	vst v62;
	v62 =	vld [tilespmem:$0x1D80]  }
0x226: {  	v40 =	vld [tilespmem:$0x1F050];
	v0 =	vadd.f32 v48, v0  }
0x227: {  	v48 =	vld [tilespmem:$0x1F00]  }
0x228: {  	v5 =	vadd.f32 v5, v6;
	v0 =	vadd.f32 v58, v0;
	v58 =	vld [tilespmem:$0x1F0B0]  }
0x229: {  	[tilespmem:$0x1F9C0] =	vst v60;
	v60 =	vld [tilespmem:$0x1910]  }
0x22a: {  	v5 =	vadd.f32 v8, v5;
	[tilespmem:$0x1FC50] =	vst v62;
	v62 =	vadd.f32 v19, v14;
	v14 =	vld [tilespmem:$0x1DC0]  }
0x22b: {  	v19 =	vadd.f32 v47, v43;
	v43 =	vld [tilespmem:$0x1B90]  }
0x22c: {  	v47 =	vadd.f32 v10, v5;
	v10 =	vld [tilespmem:$0x1C10]  }
0x22d: {  	v6 =	vadd.f32 v23, v62;
	v62 =	vld [tilespmem:$0x1BD0]  }
0x22e: {  	v2 =	vadd.f32 v12, v47;
	v12 =	vld [tilespmem:$0x1EED0]  }
0x22f: {  	v1 =	vadd.f32 v52, v19;
	v19 =	vld [tilespmem:$0x1C90]  }
0x230: {  	v23 =	vld [tilespmem:$0x1CB0]  }
0x231: {  	v47 =	vld [tilespmem:$0x1EF40]  }
0x232: {  	v52 =	vadd.f32 v27, v6;
	v6 =	vld [tilespmem:$0x1BF0]  }
0x233: {  	v2 =	vadd.f32 v18, v2;
	v18 =	vld [tilespmem:$0x1C70]  }
0x234: {  	v27 =	vld [tilespmem:$0x1EF00]  }
0x235: {  	v1 =	vadd.f32 v61, v1;
	v61 =	vld [tilespmem:$0x1EF60]  }
0x236: {  	[tilespmem:$0x1FA00] =	vst v43;
	v43 =	vld [tilespmem:$0x1C30]  }
0x237: {  	[tilespmem:$0x1FCC0] =	vst v14;
	v14 =	vld [tilespmem:$0x1C50]  }
0x238: {  	[tilespmem:$0x1FA70] =	vst v10;
	v10 =	vld [tilespmem:$0x1EF80]  }
0x239: {  	v2 =	vadd.f32 v22, v2;
	v22 =	vld [tilespmem:$0x1EEF0]  }
0x23a: {  	v8 =	vadd.f32 v33, v52;
	v33 =	vld [tilespmem:$0x1EF10]  }
0x23b: {  	v52 =	vld [tilespmem:$0x1EF50]  }
0x23c: {  	[tilespmem:$0x1FA30] =	vst v62;
	v62 =	vld [tilespmem:$0x1DB0]  }
0x23d: {  	v1 =	vadd.f32 v12, v1;
	v12 =	vld [tilespmem:$0x1DF0]  }
0x23e: {  	[tilespmem:$0x1FB10] =	vst v19;
	v19 =	vld [tilespmem:$0x1EFC0]  }
0x23f: {  	[tilespmem:$0x1FB40] =	vst v23;
	v23 =	vld [tilespmem:$0x1EFF0]  }
0x240: {  	v2 =	vadd.f32 v26, v2;
	v26 =	vld [tilespmem:$0x1CD0]  }
0x241: {  	v3 =	vadd.f32 v38, v8;
	v38 =	vld [tilespmem:$0x1EF20]  }
0x242: {  	v8 =	vld [tilespmem:$0x1EF70]  }
0x243: {  	v1 =	vadd.f32 v15, v1;
	v15 =	vld [tilespmem:$0x1EFA0]  }
0x244: {  	[tilespmem:$0x1FAE0] =	vst v18;
	v18 =	vld [tilespmem:$0x1EFB0]  }
0x245: {  	v2 =	vadd.f32 v32, v2;
	v32 =	vld [tilespmem:$0x1CF0];
	v1 =	vadd.f32 v22, v1  }
0x246: {  	[tilespmem:$0x1FAB0] =	vst v14;
	v3 =	vadd.f32 v45, v3;
	v14 =	vld [tilespmem:$0x1D30]  }
0x247: {  	v45 =	vld [tilespmem:$0x1D50];
	v1 =	vadd.f32 v27, v1  }
0x248: {  	v22 =	vld [tilespmem:$0x1EFE0];
	v3 =	vadd.f32 v55, v3  }
0x249: {  	v55 =	vld [tilespmem:$0x1D90];
	v1 =	vadd.f32 v38, v1  }
0x24a: {  	v2 =	vadd.f32 v37, v2;
	v37 =	vld [tilespmem:$0x1EC0];
	v3 =	vadd.f32 v33, v3  }
0x24b: {  	[tilespmem:$0x1FCA0] =	vst v62;
	v62 =	vld [tilespmem:$0x1F0C0];
	v1 =	vadd.f32 v47, v1  }
0x24c: {  	[tilespmem:$0x1FB70] =	vst v26;
	v26 =	vld [tilespmem:$0x1F000];
	v3 =	vadd.f32 v42, v3  }
0x24d: {  	v27 =	vld [tilespmem:$0x1F010];
	v2 =	vadd.f32 v44, v2;
	v1 =	vadd.f32 v61, v1  }
0x24e: {  	v33 =	vld [tilespmem:$0x1F030];
	v3 =	vadd.f32 v52, v3  }
0x24f: {  	v44 =	vld [tilespmem:$0x1EE0];
	v2 =	vadd.f32 v51, v2;
	v1 =	vadd.f32 v10, v1  }
0x250: {  	[tilespmem:$0x1FBA0] =	vst v32;
	v32 =	vld [tilespmem:$0x1EA0];
	v3 =	vadd.f32 v8, v3  }
0x251: {  	v38 =	vld [tilespmem:$0x1F040];
	v2 =	vadd.f32 v11, v2;
	v1 =	vadd.f32 v18, v1  }
0x252: {  	[tilespmem:$0x1FC10] =	vst v45;
	v45 =	vld [tilespmem:$0x1F060];
	v3 =	vadd.f32 v15, v3  }
0x253: {  	v51 =	vld [tilespmem:$0x1F090];
	v2 =	vadd.f32 v19, v2;
	v1 =	vadd.f32 v22, v1  }
0x254: {  	[tilespmem:$0x1FC70] =	vst v55;
	v55 =	vld [tilespmem:$0x1F0A0];
	v3 =	vadd.f32 v21, v3  }
0x255: {  	[tilespmem:$0x1FBC0] =	vst v9;
	v52 =	vld [tilespmem:$0x1F20];
	v2 =	vadd.f32 v23, v2;
	v1 =	vadd.f32 v27, v1  }
0x256: {  	[tilespmem:$0x1FB30] =	vst v48;
	v61 =	vld [tilespmem:$0x1F40];
	v3 =	vadd.f32 v26, v3  }
0x257: {  	[tilespmem:$0x1FA50] =	vst v6;
	v8 =	vld [tilespmem:$0x1F0D0];
	v2 =	vadd.f32 v29, v2;
	v1 =	vadd.f32 v38, v1  }
0x258: {  	[tilespmem:$0x1FD20] =	vst v12;
	v19 =	vld [tilespmem:$0x1F100];
	v3 =	vadd.f32 v33, v3  }
0x259: {  	[tilespmem:$0x1FAD0] =	vst v37;
	v10 =	vld [tilespmem:$0x1F0E0];
	v2 =	vadd.f32 v40, v2;
	v1 =	vadd.f32 v49, v1  }
0x25a: {  	[tilespmem:$0x1FB00] =	vst v44;
	v18 =	vld [tilespmem:$0x1F80];
	v3 =	vadd.f32 v45, v3  }
0x25b: {  	v12 =	vld [tilespmem:$0x1E00];
	[tilespmem:$0x1FAA0] =	vst v32;
	v2 =	vadd.f32 v51, v2;
	v1 =	vadd.f32 v62, v1  }
0x25c: {  	v42 =	vld [tilespmem:$0x1E60];
	[tilespmem:$0x1FB60] =	vst v52;
	v3 =	vadd.f32 v55, v3  }
0x25d: {  	v23 =	vld [tilespmem:$0x1FA0];
	[tilespmem:$0x1FF10] =	vst v1;
	v1 =	vadd.f32 v8, v2  }
0x25e: {  	v47 =	vld [tilespmem:$0x1F070];
	[tilespmem:$0x1FB90] =	vst v61;
	v2 =	vadd.f32 v10, v3  }
0x25f: {  	v11 =	vld [tilespmem:$0x1E20];
	[tilespmem:$0x1FBE0] =	vst v18;
	v1 =	vadd.f32 v19, v1  }
0x260: {  	v15 =	vld [tilespmem:$0x1F0F0];
	[tilespmem:$0x1FF20] =	vst v2  }
0x261: {  	v21 =	vld [tilespmem:$0x1F110];
	[tilespmem:$0x1FF30] =	vst v1  }
0x262: {  	v22 =	vld [tilespmem:$0x1F120];
	[tilespmem:$0x1FC00] =	vst v23  }
0x263: {  	v2 =	vld [tilespmem:$0x1F130]  }
0x264: {  	v27 =	vld [tilespmem:$0x1FC0]  }
0x265: {  	v29 =	vld [tilespmem:$0x1F140]  }
0x266: {  	v30 =	vadd.f32 v30, v31;
	v31 =	vld [tilespmem:$0x1FE0]  }
0x267: {  	v33 =	vld [tilespmem:$0x2000]  }
0x268: {  	v37 =	vld [tilespmem:$0x1F150]  }
0x269: {  	v38 =	vld [tilespmem:$0x2020]  }
0x26a: {  	v40 =	vld [tilespmem:$0x1F160]  }
0x26b: {  	v0 =	vadd.f32 v47, v0;
	v44 =	vld [tilespmem:$0x2040]  }
0x26c: {  	v45 =	vld [tilespmem:$0x1F170]  }
0x26d: {  	v0 =	vadd.f32 v58, v0;
	v47 =	vld [tilespmem:$0x2060]  }
0x26e: {  	v48 =	vld [tilespmem:$0x1F180]  }
0x26f: {  	v0 =	vadd.f32 v15, v0;
	v15 =	vld [tilespmem:$0x1E10]  }
0x270: {  	v49 =	vld [tilespmem:$0x1F190]  }
0x271: {  	v58 =	vld [tilespmem:$0x1E30]  }
0x272: {  	v51 =	vld [tilespmem:$0x1F1A0]  }
0x273: {  	v62 =	vld [tilespmem:$0x1E50]  }
0x274: {  	v52 =	vld [tilespmem:$0x1F1B0]  }
0x275: {  	v26 =	vadd.f32 v54, v56;
	v54 =	vld [tilespmem:$0x1F1C0]  }
0x276: {  	v32 =	vadd.f32 v13, v17;
	v55 =	vld [tilespmem:$0x1F1D0]  }
0x277: {  	v56 =	vld [tilespmem:$0x1F1E0]  }
0x278: {  	v3 =	vadd.f32 v20, v32;
	v20 =	vld [tilespmem:$0x1EB0]  }
0x279: {  	v1 =	vadd.f32 v22, v21;
	v21 =	vld [tilespmem:$0x1ED0]  }
0x27a: {  	v61 =	vld [tilespmem:$0x1F200]  }
0x27b: {  	v3 =	vadd.f32 v24, v3;
	v24 =	vld [tilespmem:$0x1EF0]  }
0x27c: {  	v8 =	vld [tilespmem:$0x1F220]  }
0x27d: {  	v9 =	vld [tilespmem:$0x1F230]  }
0x27e: {  	v10 =	vld [tilespmem:$0x1F240]  }
0x27f: {  	v13 =	vld [tilespmem:$0x1F250]  }
0x280: {  	v17 =	vld [tilespmem:$0x1F260]  }
0x281: {  	v18 =	vld [tilespmem:$0x1F270]  }
0x282: {  	v19 =	vld [tilespmem:$0x1F280]  }
0x283: {  	v22 =	vld [tilespmem:$0x1F290]  }
0x284: {  	v23 =	vld [tilespmem:$0x1F2A0]  }
0x285: {  	v3 =	vadd.f32 v28, v3;
	v28 =	vld [tilespmem:$0x1F2D0]  }
0x286: {  	v32 =	vld [tilespmem:$0x1F300]  }
0x287: {  	v4 =	vld [tilespmem:$0x1F4F0]  }
0x288: {  	v5 =	vld [tilespmem:$0x1F500]  }
0x289: {  	v6 =	vld [tilespmem:$0x21E0]  }
0x28a: {  	v7 =	vld [tilespmem:$0x1F510];
	v3 =	vadd.f32 v34, v3  }
0x28b: {  	v34 =	vld [tilespmem:$0x2010]  }
0x28c: {  	v3 =	vadd.f32 v39, v3;
	v39 =	vld [tilespmem:$0x2030]  }
0x28d: {  	v0 =	vadd.f32 v2, v0;
	v2 =	vadd.f32 v36, v30;
	v30 =	vld [tilespmem:$0x1E90]  }
0x28e: {  	[tilespmem:$0x1FC30] =	vst v27;
	v27 =	vld [tilespmem:$0x1F2C0]  }
0x28f: {  	v1 =	vadd.f32 v29, v1;
	v29 =	vld [tilespmem:$0x1F2E0]  }
0x290: {  	[tilespmem:$0x1FC60] =	vst v31;
	v31 =	vld [tilespmem:$0x1F2F0]  }
0x291: {  	v3 =	vadd.f32 v46, v3;
	v46 =	vld [tilespmem:$0x1FF0]  }
0x292: {  	[tilespmem:$0x1FC90] =	vst v33;
	v33 =	vld [tilespmem:$0x1F310]  }
0x293: {  	v36 =	vld [tilespmem:$0x1F320]  }
0x294: {  	[tilespmem:$0x1FCD0] =	vst v38;
	v38 =	vld [tilespmem:$0x1F330]  }
0x295: {  	[tilespmem:$0x1FD10] =	vst v44;
	v44 =	vld [tilespmem:$0x1F350]  }
0x296: {  	[tilespmem:$0x1FD40] =	vst v47;
	v47 =	vld [tilespmem:$0x1F360]  }
0x297: {  	v58 =	vadd.f32 v58, v15;
	v15 =	vld [tilespmem:$0x1FA40]  }
0x298: {  	[tilespmem:$0x1FCB0] =	vst v34;
	v34 =	vld [tilespmem:$0x1F460]  }
0x299: {  	[tilespmem:$0x1FF40] =	vst v0;
	v0 =	vadd.f32 v63, v26;
	v63 =	vld [tilespmem:$0x1F210]  }
0x29a: {  	v1 =	vadd.f32 v37, v1;
	v37 =	vld [tilespmem:$0x1F10]  }
0x29b: {  	v26 =	vld [tilespmem:$0x1F2B0]  }
0x29c: {  	v2 =	vadd.f32 v41, v2;
	v41 =	vld [tilespmem:$0x1F340]  }
0x29d: {  	v3 =	vadd.f32 v57, v3;
	v57 =	vld [tilespmem:$0x2080]  }
0x29e: {  	[tilespmem:$0x1FCF0] =	vst v39;
	v39 =	vld [tilespmem:$0x1F480]  }
0x29f: {  	v0 =	vadd.f32 v40, v0;
	v40 =	vld [tilespmem:$0x1F30]  }
0x2a0: {  	v1 =	vadd.f32 v45, v1;
	v45 =	vld [tilespmem:$0x2050]  }
0x2a1: {  	v2 =	vadd.f32 v50, v2;
	v50 =	vld [tilespmem:$0x1F380]  }
0x2a2: {  	v3 =	vadd.f32 v22, v3;
	v22 =	vld [tilespmem:$0x1F400]  }
0x2a3: {  	v2 =	vadd.f32 v59, v2;
	v59 =	vld [tilespmem:$0x1F1F0]  }
0x2a4: {  	v0 =	vadd.f32 v48, v0;
	v48 =	vld [tilespmem:$0x1F370]  }
0x2a5: {  	v1 =	vadd.f32 v49, v1;
	v49 =	vld [tilespmem:$0x2070]  }
0x2a6: {  	v3 =	vadd.f32 v28, v3;
	v28 =	vld [tilespmem:$0x1F430]  }
0x2a7: {  	[tilespmem:$0x1FD50] =	vst v57;
	v57 =	vld [tilespmem:$0x21C0]  }
0x2a8: {  	v1 =	vadd.f32 v52, v1;
	v52 =	vld [tilespmem:$0x1E70]  }
0x2a9: {  	v2 =	vadd.f32 v56, v2;
	v56 =	vld [tilespmem:$0x1F90]  }
0x2aa: {  	v0 =	vadd.f32 v51, v0;
	v51 =	vld [tilespmem:$0x1FD0]  }
0x2ab: {  	v3 =	vadd.f32 v33, v3;
	v33 =	vld [tilespmem:$0x2140]  }
0x2ac: {  	[tilespmem:$0x1FD30] =	vst v45;
	v45 =	vld [tilespmem:$0x1F4A0]  }
0x2ad: {  	v0 =	vadd.f32 v54, v0;
	v54 =	vld [tilespmem:$0x1FB0]  }
0x2ae: {  	v1 =	vadd.f32 v55, v1;
	v55 =	vld [tilespmem:$0x1F390]  }
0x2af: {  	v2 =	vadd.f32 v63, v2;
	v63 =	vld [tilespmem:$0x1F3A0]  }
0x2b0: {  	v3 =	vadd.f32 v44, v3;
	v44 =	vld [tilespmem:$0x2180]  }
0x2b1: {  	[tilespmem:$0x1FD60] =	vst v49;
	v49 =	vld [tilespmem:$0x21A0]  }
0x2b2: {  	v1 =	vadd.f32 v61, v1;
	v61 =	vld [tilespmem:$0x1F50]  }
0x2b3: {  	v0 =	vadd.f32 v59, v0;
	v59 =	vld [tilespmem:$0x1F70]  }
0x2b4: {  	v2 =	vadd.f32 v10, v2;
	v10 =	vld [tilespmem:$0x1F3D0]  }
0x2b5: {  	[tilespmem:$0x1FDF0] =	vst v57;
	v57 =	vld [tilespmem:$0x1F650]  }
0x2b6: {  	[tilespmem:$0x1FDB0] =	vst v33;
	v33 =	vld [tilespmem:$0x2280]  }
0x2b7: {  	v0 =	vadd.f32 v8, v0;
	v8 =	vld [tilespmem:$0x1F3B0]  }
0x2b8: {  	v1 =	vadd.f32 v9, v1;
	v9 =	vld [tilespmem:$0x1F3C0]  }
0x2b9: {  	v2 =	vadd.f32 v18, v2;
	v18 =	vld [tilespmem:$0x1F3F0]  }
0x2ba: {  	v3 =	vadd.f32 v55, v3;
	v55 =	vld [tilespmem:$0x1F4D0]  }
0x2bb: {  	[tilespmem:$0x1FDD0] =	vst v44;
	v44 =	vld [tilespmem:$0x22C0]  }
0x2bc: {  	v0 =	vadd.f32 v13, v0;
	v13 =	vld [tilespmem:$0x20C0]  }
0x2bd: {  	v1 =	vadd.f32 v17, v1;
	v17 =	vld [tilespmem:$0x1F3E0]  }
0x2be: {  	v2 =	vadd.f32 v26, v2;
	v26 =	vld [tilespmem:$0x2100]  }
0x2bf: {  	[tilespmem:$0x1FDE0] =	vst v49;
	v49 =	vld [tilespmem:$0x22E0]  }
0x2c0: {  	v3 =	vadd.f32 v10, v3;
	v10 =	vld [tilespmem:$0x2200]  }
0x2c1: {  	v0 =	vadd.f32 v19, v0;
	v19 =	vld [tilespmem:$0x20E0]  }
0x2c2: {  	v1 =	vadd.f32 v23, v1;
	v23 =	vld [tilespmem:$0x1F410]  }
0x2c3: {  	v2 =	vadd.f32 v31, v2;
	v31 =	vld [tilespmem:$0x1F440]  }
0x2c4: {  	[tilespmem:$0x1FE90] =	vst v33;
	v33 =	vld [tilespmem:$0x1F760]  }
0x2c5: {  	v0 =	vadd.f32 v27, v0;
	v27 =	vld [tilespmem:$0x1F420]  }
0x2c6: {  	v1 =	vadd.f32 v29, v1;
	v29 =	vld [tilespmem:$0x2120]  }
0x2c7: {  	v2 =	vadd.f32 v38, v2;
	v38 =	vld [tilespmem:$0x2160]  }
0x2c8: {  	[tilespmem:$0x1FED0] =	vst v44;
	v44 =	vld [tilespmem:$0x20F0]  }
0x2c9: {  	[tilespmem:$0x1FD70] =	vst v13;
	v13 =	vld [tilespmem:$0x1F540]  }
0x2ca: {  	[tilespmem:$0x1FD90] =	vst v26;
	v26 =	vld [tilespmem:$0x2240]  }
0x2cb: {  	[tilespmem:$0x1FEF0] =	vst v49;
	v49 =	vld [tilespmem:$0x2130]  }
0x2cc: {  	v2 =	vadd.f32 v48, v2;
	v48 =	vld [tilespmem:$0x20A0]  }
0x2cd: {  	v0 =	vadd.f32 v32, v0;
	v32 =	vld [tilespmem:$0x1F450]  }
0x2ce: {  	v1 =	vadd.f32 v36, v1;
	v36 =	vld [tilespmem:$0x1F470]  }
0x2cf: {  	[tilespmem:$0x1FE10] =	vst v10;
	v10 =	vld [tilespmem:$0x1F6A0]  }
0x2d0: {  	[tilespmem:$0x1FD80] =	vst v19;
	v19 =	vld [tilespmem:$0x2220]  }
0x2d1: {  	v3 =	vadd.f32 v23, v3;
	v23 =	vadd.f32 v53, v60;
	v53 =	vld [tilespmem:$0x1F630]  }
0x2d2: {  	v60 =	vld [tilespmem:$0x1F660]  }
0x2d3: {  	v0 =	vadd.f32 v41, v0;
	v41 =	vld [tilespmem:$0x1F490]  }
0x2d4: {  	v1 =	vadd.f32 v47, v1;
	v47 =	vld [tilespmem:$0x1F4B0]  }
0x2d5: {  	v2 =	vadd.f32 v8, v2;
	v8 =	vld [tilespmem:$0x1F520]  }
0x2d6: {  	[tilespmem:$0x1FDA0] =	vst v29;
	v29 =	vld [tilespmem:$0x2260]  }
0x2d7: {  	[tilespmem:$0x1FDC0] =	vst v38;
	v38 =	vld [tilespmem:$0x22A0]  }
0x2d8: {  	v0 =	vadd.f32 v50, v0;
	v50 =	vld [tilespmem:$0x1F4C0]  }
0x2d9: {  	v1 =	vadd.f32 v63, v1;
	v63 =	vld [tilespmem:$0x1F4E0]  }
0x2da: {  	v2 =	vadd.f32 v18, v2;
	v18 =	vld [tilespmem:$0x1F560]  }
0x2db: {  	[tilespmem:$0x1FE50] =	vst v26;
	v26 =	vld [tilespmem:$0x1F710]  }
0x2dc: {  	v3 =	vadd.f32 v32, v3;
	v32 =	vld [tilespmem:$0x1F5B0]  }
0x2dd: {  	v0 =	vadd.f32 v9, v0;
	v9 =	vld [tilespmem:$0x1F530]  }
0x2de: {  	v1 =	vadd.f32 v17, v1;
	v17 =	vld [tilespmem:$0x1F550]  }
0x2df: {  	v2 =	vadd.f32 v28, v2;
	v28 =	vld [tilespmem:$0x1F590]  }
0x2e0: {  	[tilespmem:$0x1FE30] =	vst v19;
	v19 =	vld [tilespmem:$0x1F6E0]  }
0x2e1: {  	v3 =	vadd.f32 v41, v3;
	v41 =	vld [tilespmem:$0x1F5F0]  }
0x2e2: {  	v0 =	vadd.f32 v22, v0;
	v22 =	vld [tilespmem:$0x1F570]  }
0x2e3: {  	v1 =	vadd.f32 v27, v1;
	v27 =	vld [tilespmem:$0x1F580]  }
0x2e4: {  	v2 =	vadd.f32 v36, v2;
	v36 =	vld [tilespmem:$0x1F5D0]  }
0x2e5: {  	[tilespmem:$0x1FE70] =	vst v29;
	v29 =	vld [tilespmem:$0x1F740]  }
0x2e6: {  	[tilespmem:$0x1FEB0] =	vst v38;
	v38 =	vld [tilespmem:$0x1F780]  }
0x2e7: {  	v0 =	vadd.f32 v31, v0;
	v1 =	vadd.f32 v34, v1;
	v31 =	vld [tilespmem:$0x1F5A0]  }
0x2e8: {  	v34 =	vld [tilespmem:$0x1F5C0]  }
0x2e9: {  	v0 =	vadd.f32 v39, v0;
	v1 =	vadd.f32 v45, v1;
	v39 =	vld [tilespmem:$0x1F5E0]  }
0x2ea: {  	v45 =	vld [tilespmem:$0x1F600]  }
0x2eb: {  	[tilespmem:$0x1FF50] =	vst v1;
	v1 =	vadd.f32 v47, v2;
	v47 =	vld [tilespmem:$0x1F610]  }
0x2ec: {  	v0 =	vadd.f32 v50, v0;
	v50 =	vld [tilespmem:$0x1F620]  }
0x2ed: {  	v2 =	vadd.f32 v18, v17;
	v17 =	vld [tilespmem:$0x1F6C0]  }
0x2ee: {  	v18 =	vld [tilespmem:$0x1F6D0]  }
0x2ef: {  	[tilespmem:$0x1FF60] =	vst v0;
	v0 =	vadd.f32 v55, v3;
	v55 =	vld [tilespmem:$0x1F640]  }
0x2f0: {  	v3 =	vadd.f32 v32, v23;
	v32 =	vld [tilespmem:$0x20B0]  }
0x2f1: {  	v1 =	vadd.f32 v63, v1;
	v63 =	vld [tilespmem:$0x1F670]  }
0x2f2: {  	v2 =	vadd.f32 v28, v2;
	v23 =	vld [tilespmem:$0x1F700]  }
0x2f3: {  	v28 =	vld [tilespmem:$0x1F730]  }
0x2f4: {  	v0 =	vadd.f32 v7, v0;
	v2 =	vadd.f32 v36, v2;
	v36 =	vld [tilespmem:$0x1F770]  }
0x2f5: {  	[tilespmem:$0x1FF70] =	vst v1;
	v3 =	vadd.f32 v41, v3;
	v41 =	vld [tilespmem:$0x1F790]  }
0x2f6: {  	v1 =	vadd.f32 v5, v4;
	[tilespmem:$0x1FF80] =	vst v0;
	v0 =	vadd.f32 v9, v8;
	v8 =	vld [tilespmem:$0x1F680]  }
0x2f7: {  	v9 =	vld [tilespmem:$0x1F690]  }
0x2f8: {  	v1 =	vadd.f32 v13, v1;
	v13 =	vld [tilespmem:$0x1F6B0]  }
0x2f9: {  	v2 =	vadd.f32 v47, v2;
	v47 =	vld [tilespmem:$0x2110]  }
0x2fa: {  	v3 =	vadd.f32 v53, v3;
	v53 =	vld [tilespmem:$0x2170]  }
0x2fb: {  	v0 =	vadd.f32 v22, v0;
	v22 =	vld [tilespmem:$0x1F6F0]  }
0x2fc: {  	v1 =	vadd.f32 v27, v1;
	v27 =	vld [tilespmem:$0x1F720]  }
0x2fd: {  	v2 =	vadd.f32 v57, v2;
	v57 =	vld [tilespmem:$0x21B0]  }
0x2fe: {  	v3 =	vadd.f32 v63, v3;
	v63 =	vld [tilespmem:$0x21F0]  }
0x2ff: {  	v1 =	vadd.f32 v34, v1;
	v34 =	vld [tilespmem:$0x20D0]  }
0x300: {  	v0 =	vadd.f32 v31, v0;
	v31 =	vld [tilespmem:$0x1F750]  }
0x301: {  	v2 =	vadd.f32 v9, v2;
	v9 =	vld [tilespmem:$0x2210]  }
0x302: {  	v3 =	vadd.f32 v13, v3;
	v13 =	vld [tilespmem:$0x1F7D0]  }
0x303: {  	v0 =	vadd.f32 v39, v0;
	v39 =	vld [tilespmem:$0x2090]  }
0x304: {  	v1 =	vadd.f32 v45, v1;
	v45 =	vld [tilespmem:$0x1F7A0]  }
0x305: {  	v2 =	vadd.f32 v18, v2;
	v18 =	vld [tilespmem:$0x1F7E0]  }
0x306: {  	v3 =	vadd.f32 v22, v3;
	v22 =	vld [tilespmem:$0x2250]  }
0x307: {  	v0 =	vadd.f32 v50, v0;
	v50 =	vld [tilespmem:$0x2150]  }
0x308: {  	v1 =	vadd.f32 v55, v1;
	v55 =	vld [tilespmem:$0x2190]  }
0x309: {  	v2 =	vadd.f32 v26, v2;
	v26 =	vld [tilespmem:$0x1F810]  }
0x30a: {  	v3 =	vadd.f32 v28, v3;
	v28 =	vld [tilespmem:$0x1F820]  }
0x30b: {  	v0 =	vadd.f32 v60, v0;
	v60 =	vld [tilespmem:$0x21D0]  }
0x30c: {  	v1 =	vadd.f32 v8, v1;
	v8 =	vld [tilespmem:$0x1F7B0]  }
0x30d: {  	[tilespmem:$0x1FE20] =	vst v9;
	v9 =	vld [tilespmem:$0x1F880]  }
0x30e: {  	v2 =	vadd.f32 v31, v2;
	v31 =	vld [tilespmem:$0x2290]  }
0x30f: {  	v3 =	vadd.f32 v36, v3;
	v36 =	vld [tilespmem:$0x1F850]  }
0x310: {  	v0 =	vadd.f32 v10, v0;
	v10 =	vld [tilespmem:$0x1F7C0]  }
0x311: {  	v1 =	vadd.f32 v17, v1;
	v17 =	vld [tilespmem:$0x2230]  }
0x312: {  	[tilespmem:$0x1FE60] =	vst v22;
	v22 =	vld [tilespmem:$0x1F8D0]  }
0x313: {  	v2 =	vadd.f32 v41, v2;
	v41 =	vld [tilespmem:$0x1F860]  }
0x314: {  	v0 =	vadd.f32 v19, v0;
	v19 =	vld [tilespmem:$0x1F7F0]  }
0x315: {  	v1 =	vadd.f32 v23, v1;
	v23 =	vld [tilespmem:$0x1F800]  }
0x316: {  	v3 =	vadd.f32 v8, v3;
	v8 =	vld [tilespmem:$0x22D0]  }
0x317: {  	v2 =	vadd.f32 v13, v2;
	v13 =	vld [tilespmem:$0x22F0]  }
0x318: {  	v0 =	vadd.f32 v27, v0;
	v27 =	vld [tilespmem:$0x2270]  }
0x319: {  	v1 =	vadd.f32 v29, v1;
	v29 =	vld [tilespmem:$0x1F830]  }
0x31a: {  	[tilespmem:$0x1FE40] =	vst v17;
	v17 =	vld [tilespmem:$0x1F8A0]  }
0x31b: {  	v2 =	vadd.f32 v26, v2;
	v26 =	vld [tilespmem:$0x1F8E0]  }
0x31c: {  	v0 =	vadd.f32 v33, v0;
	v33 =	vld [tilespmem:$0x1F840]  }
0x31d: {  	v1 =	vadd.f32 v38, v1;
	v38 =	vld [tilespmem:$0x22B0]  }
0x31e: {  	v3 =	vadd.f32 v19, v3;
	v19 =	vld [tilespmem:$0x1F8C0]  }
0x31f: {  	v2 =	vadd.f32 v36, v2;
	v36 =	vld [tilespmem:$0x1F920]  }
0x320: {  	v0 =	vadd.f32 v45, v0;
	v45 =	vld [tilespmem:$0x1F870]  }
0x321: {  	v1 =	vadd.f32 v10, v1;
	v10 =	vld [tilespmem:$0x1F890]  }
0x322: {  	[tilespmem:$0x1FEE0] =	vst v8;
	v8 =	vld [tilespmem:$0x1FA00]  }
0x323: {  	[tilespmem:$0x1FE80] =	vst v27;
	v27 =	vld [tilespmem:$0x1F8F0]  }
0x324: {  	v3 =	vadd.f32 v29, v3;
	v29 =	vld [tilespmem:$0x1F900]  }
0x325: {  	v0 =	vadd.f32 v18, v0;
	v1 =	vadd.f32 v23, v1;
	v18 =	vld [tilespmem:$0x1F8B0]  }
0x326: {  	[tilespmem:$0x1FEC0] =	vst v38;
	v38 =	vld [tilespmem:$0x1F930]  }
0x327: {  	v1 =	vadd.f32 v33, v1;
	v33 =	vld [tilespmem:$0x1F910]  }
0x328: {  	v0 =	vadd.f32 v28, v0;
	v3 =	vadd.f32 v45, v3;
	v45 =	vld [tilespmem:$0x2320]  }
0x329: {  	v2 =	vadd.f32 v10, v2;
	v10 =	vld [tilespmem:$0x1F970]  }
0x32a: {  	v0 =	vadd.f32 v41, v0;
	v41 =	vld [tilespmem:$0x1F940]  }
0x32b: {  	v1 =	vadd.f32 v9, v1;
	v9 =	vld [tilespmem:$0x1F960]  }
0x32c: {  	v12 =	vadd.f32 v11, v12;
	v3 =	vadd.f32 v18, v3;
	v18 =	vld [tilespmem:$0x2340]  }
0x32d: {  	v23 =	vadd.f32 v22, v2;
	v22 =	vld [tilespmem:$0x2380]  }
0x32e: {  	v2 =	vadd.f32 v25, v12;
	v25 =	vld [tilespmem:$0x1FA50]  }
0x32f: {  	v12 =	vld [tilespmem:$0x1FB40]  }
0x330: {  	v0 =	vadd.f32 v17, v0;
	v17 =	vld [tilespmem:$0x2300]  }
0x331: {  	v4 =	vadd.f32 v19, v1;
	v19 =	vld [tilespmem:$0x2360]  }
0x332: {  	v5 =	vadd.f32 v33, v23;
	v23 =	vld [tilespmem:$0x23A0]  }
0x333: {  	v33 =	vld [tilespmem:$0x1F990]  }
0x334: {  	v28 =	vadd.f32 v27, v3;
	v27 =	vld [tilespmem:$0x23E0]  }
0x335: {  	v2 =	vadd.f32 v42, v2;
	v42 =	vld [tilespmem:$0x2520]  }
0x336: {  	v3 =	vld [tilespmem:$0x2310]  }
0x337: {  	[tilespmem:$0x1FEA0] =	vst v31;
	v31 =	vadd.f32 v29, v4;
	v4 =	vld [tilespmem:$0x1F950]  }
0x338: {  	v0 =	vadd.f32 v26, v0;
	v26 =	vld [tilespmem:$0x23C0]  }
0x339: {  	v29 =	vld [tilespmem:$0x2400]  }
0x33a: {  	[tilespmem:$0x1FE00] =	vst v6;
	v6 =	vadd.f32 v38, v28;
	v38 =	vld [tilespmem:$0x1F9A0]  }
0x33b: {  	v28 =	vadd.f32 v62, v58;
	v62 =	vld [tilespmem:$0x24C0]  }
0x33c: {  	v58 =	vld [tilespmem:$0x1FA60]  }
0x33d: {  	v2 =	vadd.f32 v35, v2;
	v35 =	vld [tilespmem:$0x2330]  }
0x33e: {  	v7 =	vadd.f32 v41, v31;
	v31 =	vld [tilespmem:$0x1F980]  }
0x33f: {  	v41 =	vld [tilespmem:$0x1F9B0]  }
0x340: {  	[tilespmem:$0x1FF00] =	vst v13;
	v13 =	vadd.f32 v10, v6;
	v6 =	vld [tilespmem:$0x1F9E0]  }
0x341: {  	v0 =	vadd.f32 v36, v0;
	v10 =	vld [tilespmem:$0x1FA20]  }
0x342: {  	v17 =	vadd.f32 v45, v17;
	v45 =	vld [tilespmem:$0x1FD80]  }
0x343: {  	v0 =	vadd.f32 v9, v0;
	v9 =	vld [tilespmem:$0x1FA10]  }
0x344: {  	v5 =	vadd.f32 v4, v5;
	v4 =	vld [tilespmem:$0x1F9C0]  }
0x345: {  	v17 =	vadd.f32 v18, v17;
	v18 =	vld [tilespmem:$0x2720]  }
0x346: {  	v0 =	vadd.f32 v38, v0;
	v38 =	vld [tilespmem:$0x2480]  }
0x347: {  	v3 =	vadd.f32 v35, v3;
	v35 =	vld [tilespmem:$0x1FD90]  }
0x348: {  	v36 =	vadd.f32 v33, v5;
	v5 =	vld [tilespmem:$0x1F9D0]  }
0x349: {  	v1 =	vadd.f32 v31, v7;
	v31 =	vld [tilespmem:$0x2420]  }
0x34a: {  	v7 =	vld [tilespmem:$0x1F9F0]  }
0x34b: {  	v33 =	vld [tilespmem:$0x2440]  }
0x34c: {  	[tilespmem:$0x1FFA0] =	vst v0;
	v0 =	vadd.f32 v41, v13;
	v13 =	vld [tilespmem:$0x1FA30]  }
0x34d: {  	v41 =	vld [tilespmem:$0x24A0]  }
0x34e: {  	[tilespmem:$0x1FF90] =	vst v1;
	v1 =	vadd.f32 v4, v36;
	v36 =	vld [tilespmem:$0x2460]  }
0x34f: {  	v4 =	vld [tilespmem:$0x2350]  }
0x350: {  	[tilespmem:$0x1FFB0] =	vst v1;
	v1 =	vadd.f32 v6, v5;
	v6 =	vld [tilespmem:$0x1FA70]  }
0x351: {  	v0 =	vadd.f32 v7, v0;
	v7 =	vld [tilespmem:$0x1FA80]  }
0x352: {  	v5 =	vld [tilespmem:$0x2390]  }
0x353: {  	[tilespmem:$0x1FFC0] =	vst v0;
	v0 =	vadd.f32 v9, v8;
	v1 =	vadd.f32 v10, v1;
	v8 =	vld [tilespmem:$0x1FA90]  }
0x354: {  	v9 =	vld [tilespmem:$0x1FAA0]  }
0x355: {  	v10 =	vld [tilespmem:$0x1FAB0];
	v1 =	vadd.f32 v15, v1  }
0x356: {  	v0 =	vadd.f32 v13, v0;
	v13 =	vld [tilespmem:$0x1FAC0]  }
0x357: {  	v1 =	vadd.f32 v58, v1;
	v58 =	vld [tilespmem:$0x24E0]  }
0x358: {  	v0 =	vadd.f32 v25, v0;
	v25 =	vadd.f32 v52, v28;
	v52 =	vld [tilespmem:$0x2500]  }
0x359: {  	v28 =	vld [tilespmem:$0x1FAE0]  }
0x35a: {  	v2 =	vadd.f32 v9, v2;
	v9 =	vld [tilespmem:$0x1FB10]  }
0x35b: {  	v30 =	vadd.f32 v30, v25;
	v25 =	vld [tilespmem:$0x2540]  }
0x35c: {  	v0 =	vadd.f32 v6, v0;
	v6 =	vld [tilespmem:$0x23B0]  }
0x35d: {  	v1 =	vadd.f32 v7, v1;
	v7 =	vld [tilespmem:$0x23D0]  }
0x35e: {  	v0 =	vadd.f32 v43, v0;
	v43 =	vld [tilespmem:$0x2560]  }
0x35f: {  	v11 =	vadd.f32 v20, v30;
	v20 =	vld [tilespmem:$0x1FAD0]  }
0x360: {  	v30 =	vld [tilespmem:$0x1FAF0]  }
0x361: {  	v1 =	vadd.f32 v8, v1;
	v8 =	vld [tilespmem:$0x1FB00]  }
0x362: {  	v0 =	vadd.f32 v10, v0;
	v10 =	vld [tilespmem:$0x1FB20]  }
0x363: {  	v15 =	vadd.f32 v21, v11;
	v11 =	vld [tilespmem:$0x1FB30]  }
0x364: {  	v1 =	vadd.f32 v13, v1;
	v13 =	vld [tilespmem:$0x1FB50]  }
0x365: {  	v21 =	vld [tilespmem:$0x1FB70]  }
0x366: {  	v0 =	vadd.f32 v28, v0;
	v28 =	vld [tilespmem:$0x2370]  }
0x367: {  	v15 =	vadd.f32 v24, v15;
	v24 =	vld [tilespmem:$0x1FB80]  }
0x368: {  	v2 =	vadd.f32 v20, v2;
	v20 =	vld [tilespmem:$0x1FB60]  }
0x369: {  	v1 =	vadd.f32 v30, v1;
	v30 =	vld [tilespmem:$0x1FB90]  }
0x36a: {  	v15 =	vadd.f32 v37, v15;
	v37 =	vld [tilespmem:$0x23F0]  }
0x36b: {  	v0 =	vadd.f32 v9, v0;
	v9 =	vld [tilespmem:$0x2430]  }
0x36c: {  	v2 =	vadd.f32 v8, v2;
	v8 =	vld [tilespmem:$0x2410]  }
0x36d: {  	v1 =	vadd.f32 v10, v1;
	v10 =	vld [tilespmem:$0x2450]  }
0x36e: {  	v15 =	vadd.f32 v40, v15;
	v40 =	vld [tilespmem:$0x1FBA0]  }
0x36f: {  	v0 =	vadd.f32 v12, v0;
	v12 =	vld [tilespmem:$0x1FBB0]  }
0x370: {  	v1 =	vadd.f32 v13, v1;
	v13 =	vld [tilespmem:$0x1FBC0];
	v15 =	vadd.f32 v61, v15  }
0x371: {  	v2 =	vadd.f32 v11, v2;
	v11 =	vld [tilespmem:$0x2470];
	v0 =	vadd.f32 v21, v0  }
0x372: {  	v21 =	vld [tilespmem:$0x1FBE0];
	v15 =	vadd.f32 v59, v15  }
0x373: {  	v61 =	vld [tilespmem:$0x1FC40];
	v2 =	vadd.f32 v20, v2;
	v0 =	vadd.f32 v40, v0  }
0x374: {  	v40 =	vld [tilespmem:$0x1FC10];
	v15 =	vadd.f32 v56, v15  }
0x375: {  	v20 =	vld [tilespmem:$0x1FBD0];
	v2 =	vadd.f32 v30, v2;
	v0 =	vadd.f32 v16, v0  }
0x376: {  	v1 =	vadd.f32 v24, v1;
	v30 =	vld [tilespmem:$0x1FC00];
	v15 =	vadd.f32 v54, v15  }
0x377: {  	v24 =	vld [tilespmem:$0x1FBF0];
	v2 =	vadd.f32 v13, v2;
	v0 =	vadd.f32 v14, v0  }
0x378: {  	v1 =	vadd.f32 v12, v1;
	v15 =	vadd.f32 v51, v15;
	v51 =	vld [tilespmem:$0x1FC70]  }
0x379: {  	v56 =	vld [tilespmem:$0x1FC20];
	v2 =	vadd.f32 v21, v2;
	v0 =	vadd.f32 v40, v0  }
0x37a: {  	v59 =	vld [tilespmem:$0x1FC30];
	v1 =	vadd.f32 v20, v1  }
0x37b: {  	v2 =	vadd.f32 v30, v2;
	v30 =	vld [tilespmem:$0x1FC50];
	v0 =	vadd.f32 v61, v0  }
0x37c: {  	v3 =	vadd.f32 v4, v3;
	v1 =	vadd.f32 v24, v1;
	v40 =	vld [tilespmem:$0x1FC60]  }
0x37d: {  	v20 =	vadd.f32 v51, v0;
	v51 =	vld [tilespmem:$0x1FCB0]  }
0x37e: {  	v3 =	vadd.f32 v28, v3;
	v28 =	vld [tilespmem:$0x2740];
	v1 =	vadd.f32 v56, v1  }
0x37f: {  	v56 =	vadd.f32 v46, v15;
	v46 =	vld [tilespmem:$0x1FCA0];
	v2 =	vadd.f32 v59, v2  }
0x380: {  	v61 =	vld [tilespmem:$0x1FC80]  }
0x381: {  	v2 =	vadd.f32 v40, v2;
	v40 =	vld [tilespmem:$0x1FC90]  }
0x382: {  	v1 =	vadd.f32 v30, v1;
	v30 =	vadd.f32 v51, v56;
	v56 =	vld [tilespmem:$0x1FCC0]  }
0x383: {  	v3 =	vadd.f32 v5, v3;
	v51 =	vld [tilespmem:$0x1FCE0]  }
0x384: {  	v12 =	vld [tilespmem:$0x2490]  }
0x385: {  	v3 =	vadd.f32 v6, v3;
	v6 =	vld [tilespmem:$0x2790];
	v1 =	vadd.f32 v61, v1  }
0x386: {  	v13 =	vld [tilespmem:$0x24B0];
	v2 =	vadd.f32 v40, v2;
	v40 =	vadd.f32 v46, v20  }
0x387: {  	v1 =	vadd.f32 v56, v1;
	v56 =	vld [tilespmem:$0x1FCF0]  }
0x388: {  	v40 =	vadd.f32 v51, v40;
	v51 =	vld [tilespmem:$0x1FD00]  }
0x389: {  	v16 =	vld [tilespmem:$0x24F0]  }
0x38a: {  	v3 =	vadd.f32 v7, v3;
	v54 =	vld [tilespmem:$0x2570]  }
0x38b: {  	v61 =	vld [tilespmem:$0x1FCD0]  }
0x38c: {  	v14 =	vld [tilespmem:$0x24D0];
	v3 =	vadd.f32 v37, v3  }
0x38d: {  	v46 =	vadd.f32 v56, v30;
	v30 =	vadd.f32 v51, v1;
	v51 =	vld [tilespmem:$0x1FD10]  }
0x38e: {  	v21 =	vld [tilespmem:$0x2530];
	v3 =	vadd.f32 v8, v3  }
0x38f: {  	v37 =	vld [tilespmem:$0x2610]  }
0x390: {  	v24 =	vld [tilespmem:$0x2510];
	v3 =	vadd.f32 v9, v3;
	v2 =	vadd.f32 v61, v2  }
0x391: {  	v8 =	vld [tilespmem:$0x1FE60]  }
0x392: {  	v3 =	vadd.f32 v10, v3;
	v1 =	vadd.f32 v51, v2;
	v2 =	vld [tilespmem:$0x1FD20]  }
0x393: {  	v15 =	vld [tilespmem:$0x2580]  }
0x394: {  	v59 =	vld [tilespmem:$0x2550];
	v3 =	vadd.f32 v11, v3  }
0x395: {  	v9 =	vld [tilespmem:$0x1FE70]  }
0x396: {  	v0 =	vld [tilespmem:$0x25A0];
	v3 =	vadd.f32 v12, v3  }
0x397: {  	v2 =	vadd.f32 v2, v40;
	v40 =	vld [tilespmem:$0x1FD30]  }
0x398: {  	v10 =	vld [tilespmem:$0x2750];
	v3 =	vadd.f32 v13, v3  }
0x399: {  	v11 =	vld [tilespmem:$0x26D0]  }
0x39a: {  	v12 =	vld [tilespmem:$0x2710];
	v3 =	vadd.f32 v14, v3  }
0x39b: {  	v20 =	vld [tilespmem:$0x25C0]  }
0x39c: {  	v3 =	vadd.f32 v16, v3;
	[tilespmem:$0x1FFD0] =	vst v2;
	v2 =	vadd.f32 v40, v46;
	v40 =	vld [tilespmem:$0x1FD40]  }
0x39d: {  	v61 =	vld [tilespmem:$0x25E0]  }
0x39e: {  	v0 =	vadd.f32 v0, v15;
	v13 =	vld [tilespmem:$0x1FE80];
	v3 =	vadd.f32 v24, v3  }
0x39f: {  	v14 =	vld [tilespmem:$0x1FE90]  }
0x3a0: {  	v0 =	vadd.f32 v20, v0;
	v3 =	vadd.f32 v21, v3;
	v56 =	vld [tilespmem:$0x2600]  }
0x3a1: {  	v1 =	vadd.f32 v40, v1;
	v40 =	vld [tilespmem:$0x1FD50]  }
0x3a2: {  	v0 =	vadd.f32 v61, v0;
	v61 =	vld [tilespmem:$0x1FF40];
	v3 =	vadd.f32 v59, v3  }
0x3a3: {  	v51 =	vld [tilespmem:$0x2620]  }
0x3a4: {  	v3 =	vadd.f32 v54, v3;
	v54 =	vld [tilespmem:$0x2960]  }
0x3a5: {  	v46 =	vld [tilespmem:$0x2640]  }
0x3a6: {  	v0 =	vadd.f32 v56, v0;
	[tilespmem:$0x1FFE0] =	vst v1;
	v1 =	vadd.f32 v48, v40;
	v40 =	vld [tilespmem:$0x1FD60]  }
0x3a7: {  	v48 =	vld [tilespmem:$0x2660]  }
0x3a8: {  	v56 =	vld [tilespmem:$0x2970];
	v0 =	vadd.f32 v51, v0  }
0x3a9: {  	v51 =	vld [tilespmem:$0x2930]  }
0x3aa: {  	v0 =	vadd.f32 v46, v0;
	v46 =	vld [tilespmem:$0x28F0]  }
0x3ab: {  	v2 =	vadd.f32 v40, v2;
	v40 =	vld [tilespmem:$0x2680]  }
0x3ac: {  	v0 =	vadd.f32 v48, v0;
	v48 =	vld [tilespmem:$0x2910]  }
0x3ad: {  	[tilespmem:$0x1FFF0] =	vst v2;
	v2 =	vadd.f32 v32, v39;
	v39 =	vld [tilespmem:$0x1FD70]  }
0x3ae: {  	v32 =	vld [tilespmem:$0x26C0]  }
0x3af: {  	v2 =	vadd.f32 v34, v2;
	v34 =	vld [tilespmem:$0x2700]  }
0x3b0: {  	v0 =	vadd.f32 v40, v0;
	v40 =	vld [tilespmem:$0x1FFA0]  }
0x3b1: {  	v2 =	vadd.f32 v44, v2;
	v44 =	vadd.f32 v19, v17;
	v19 =	vld [tilespmem:$0x1FDB0]  }
0x3b2: {  	v17 =	vld [tilespmem:$0x27C0]  }
0x3b3: {  	v1 =	vadd.f32 v39, v1;
	v39 =	vld [tilespmem:$0x26A0]  }
0x3b4: {  	v2 =	vadd.f32 v47, v2;
	v47 =	vld [tilespmem:$0x1FDA0]  }
0x3b5: {  	v4 =	vadd.f32 v22, v44;
	v44 =	vld [tilespmem:$0x2760]  }
0x3b6: {  	v22 =	vld [tilespmem:$0x2780]  }
0x3b7: {  	v1 =	vadd.f32 v45, v1;
	v45 =	vld [tilespmem:$0x26E0]  }
0x3b8: {  	v4 =	vadd.f32 v23, v4;
	v23 =	vld [tilespmem:$0x1FDC0]  }
0x3b9: {  	v2 =	vadd.f32 v49, v2;
	v49 =	vld [tilespmem:$0x1FDF0]  }
0x3ba: {  	v1 =	vadd.f32 v35, v1;
	v35 =	vld [tilespmem:$0x27A0]  }
0x3bb: {  	v4 =	vadd.f32 v26, v4;
	v26 =	vld [tilespmem:$0x1FDD0]  }
0x3bc: {  	v2 =	vadd.f32 v50, v2;
	v50 =	vld [tilespmem:$0x1FE00]  }
0x3bd: {  	v0 =	vadd.f32 v39, v0;
	v39 =	vld [tilespmem:$0x29F0]  }
0x3be: {  	v1 =	vadd.f32 v47, v1;
	v47 =	vld [tilespmem:$0x1FDE0]  }
0x3bf: {  	v4 =	vadd.f32 v27, v4;
	v27 =	vld [tilespmem:$0x25D0]  }
0x3c0: {  	v2 =	vadd.f32 v53, v2;
	v53 =	vld [tilespmem:$0x1FE10]  }
0x3c1: {  	v0 =	vadd.f32 v32, v0;
	v32 =	vld [tilespmem:$0x29C0]  }
0x3c2: {  	v1 =	vadd.f32 v19, v1;
	v19 =	vld [tilespmem:$0x27E0]  }
0x3c3: {  	v4 =	vadd.f32 v29, v4;
	v29 =	vld [tilespmem:$0x25F0]  }
0x3c4: {  	v2 =	vadd.f32 v55, v2;
	v55 =	vld [tilespmem:$0x1FE20]  }
0x3c5: {  	v0 =	vadd.f32 v45, v0;
	v45 =	vld [tilespmem:$0x1FFC0]  }
0x3c6: {  	v1 =	vadd.f32 v23, v1;
	v23 =	vld [tilespmem:$0x2590]  }
0x3c7: {  	v4 =	vadd.f32 v31, v4;
	v31 =	vld [tilespmem:$0x2630]  }
0x3c8: {  	v2 =	vadd.f32 v57, v2;
	v57 =	vld [tilespmem:$0x1FE30]  }
0x3c9: {  	v0 =	vadd.f32 v34, v0;
	v34 =	vld [tilespmem:$0x29D0]  }
0x3ca: {  	v1 =	vadd.f32 v26, v1;
	v26 =	vld [tilespmem:$0x25B0]  }
0x3cb: {  	v4 =	vadd.f32 v33, v4;
	v33 =	vld [tilespmem:$0x2670]  }
0x3cc: {  	v2 =	vadd.f32 v60, v2;
	v60 =	vld [tilespmem:$0x1FE40]  }
0x3cd: {  	v1 =	vadd.f32 v47, v1;
	v47 =	vld [tilespmem:$0x2650]  }
0x3ce: {  	v4 =	vadd.f32 v36, v4;
	v36 =	vld [tilespmem:$0x26B0]  }
0x3cf: {  	v0 =	vadd.f32 v18, v0;
	v2 =	vadd.f32 v63, v2;
	v63 =	vld [tilespmem:$0x1FE50]  }
0x3d0: {  	v1 =	vadd.f32 v49, v1;
	v49 =	vld [tilespmem:$0x2690]  }
0x3d1: {  	v0 =	vadd.f32 v28, v0;
	v4 =	vadd.f32 v38, v4;
	v38 =	vld [tilespmem:$0x26F0]  }
0x3d2: {  	v2 =	vadd.f32 v55, v2;
	v55 =	vld [tilespmem:$0x1FEB0]  }
0x3d3: {  	v0 =	vadd.f32 v44, v0;
	v44 =	vld [tilespmem:$0x2A10]  }
0x3d4: {  	v1 =	vadd.f32 v50, v1;
	v4 =	vadd.f32 v41, v4;
	v41 =	vld [tilespmem:$0x2730]  }
0x3d5: {  	v23 =	vadd.f32 v26, v23;
	v2 =	vadd.f32 v60, v2;
	v60 =	vld [tilespmem:$0x2820]  }
0x3d6: {  	v1 =	vadd.f32 v53, v1;
	v53 =	vld [tilespmem:$0x1FEA0]  }
0x3d7: {  	v59 =	vadd.f32 v27, v23;
	v2 =	vadd.f32 v8, v2;
	v8 =	vld [tilespmem:$0x2770]  }
0x3d8: {  	v4 =	vadd.f32 v62, v4;
	v62 =	vld [tilespmem:$0x1FEE0]  }
0x3d9: {  	v20 =	vadd.f32 v29, v59;
	v29 =	vld [tilespmem:$0x28B0]  }
0x3da: {  	v59 =	vld [tilespmem:$0x1FF30]  }
0x3db: {  	v1 =	vadd.f32 v57, v1;
	v57 =	vld [tilespmem:$0x1FEC0]  }
0x3dc: {  	v5 =	vadd.f32 v13, v2;
	v2 =	vld [tilespmem:$0x27B0]  }
0x3dd: {  	v13 =	vld [tilespmem:$0x2800]  }
0x3de: {  	v4 =	vadd.f32 v58, v4;
	v58 =	vld [tilespmem:$0x1FED0]  }
0x3df: {  	v20 =	vadd.f32 v37, v20;
	v37 =	vld [tilespmem:$0x28C0];
	v1 =	vadd.f32 v63, v1  }
0x3e0: {  	v63 =	vld [tilespmem:$0x2810]  }
0x3e1: {  	v4 =	vadd.f32 v52, v4;
	v52 =	vld [tilespmem:$0x1FF00];
	v1 =	vadd.f32 v9, v1  }
0x3e2: {  	v5 =	vadd.f32 v53, v5;
	v53 =	vld [tilespmem:$0x2840]  }
0x3e3: {  	v20 =	vadd.f32 v31, v20;
	v31 =	vld [tilespmem:$0x1FF60];
	v50 =	vadd.f32 v14, v1  }
0x3e4: {  	v9 =	vld [tilespmem:$0x27F0]  }
0x3e5: {  	v7 =	vadd.f32 v55, v50;
	v50 =	vld [tilespmem:$0x2830]  }
0x3e6: {  	v4 =	vadd.f32 v42, v4;
	v42 =	vld [tilespmem:$0x1FEF0]  }
0x3e7: {  	v55 =	vld [tilespmem:$0x2850]  }
0x3e8: {  	v5 =	vadd.f32 v57, v5;
	v57 =	vld [tilespmem:$0x2860]  }
0x3e9: {  	v13 =	vadd.f32 v60, v13;
	v7 =	vadd.f32 v58, v7;
	v58 =	vld [tilespmem:$0x2870]  }
0x3ea: {  	v60 =	vld [tilespmem:$0x2880];
	v16 =	vadd.f32 v50, v63  }
0x3eb: {  	v5 =	vadd.f32 v62, v5;
	v62 =	vld [tilespmem:$0x2890];
	v13 =	vadd.f32 v53, v13  }
0x3ec: {  	v63 =	vld [tilespmem:$0x28A0];
	v15 =	vadd.f32 v55, v16  }
0x3ed: {  	v20 =	vadd.f32 v47, v20;
	v47 =	vld [tilespmem:$0x2900];
	v13 =	vadd.f32 v57, v13  }
0x3ee: {  	v1 =	vld [tilespmem:$0x27D0];
	v4 =	vadd.f32 v25, v4;
	v14 =	vadd.f32 v58, v15  }
0x3ef: {  	v7 =	vadd.f32 v42, v7;
	v13 =	vadd.f32 v60, v13;
	v42 =	vld [tilespmem:$0x28D0]  }
0x3f0: {  	v4 =	vadd.f32 v43, v4;
	v43 =	vld [tilespmem:$0x28E0];
	v14 =	vadd.f32 v62, v14  }
0x3f1: {  	v20 =	vadd.f32 v33, v20;
	v33 =	vld [tilespmem:$0x1FF70];
	v13 =	vadd.f32 v63, v13  }
0x3f2: {  	v0 =	vadd.f32 v22, v0;
	v53 =	vld [tilespmem:$0x2950];
	v14 =	vadd.f32 v29, v14  }
0x3f3: {  	v5 =	vadd.f32 v52, v5;
	v52 =	vld [tilespmem:$0x2940];
	v13 =	vadd.f32 v37, v13  }
0x3f4: {  	v0 =	vadd.f32 v35, v0;
	v50 =	vld [tilespmem:$0x2920];
	v14 =	vadd.f32 v42, v14  }
0x3f5: {  	v20 =	vadd.f32 v49, v20;
	v49 =	vld [tilespmem:$0x2A30];
	v13 =	vadd.f32 v43, v13  }
0x3f6: {  	v0 =	vadd.f32 v17, v0;
	v57 =	vld [tilespmem:$0x1FF20];
	v14 =	vadd.f32 v46, v14  }
0x3f7: {  	v20 =	vadd.f32 v36, v20;
	v36 =	vld [tilespmem:$0x1FF80];
	v13 =	vadd.f32 v47, v13  }
0x3f8: {  	v0 =	vadd.f32 v19, v0;
	v60 =	vld [tilespmem:$0x2990];
	v14 =	vadd.f32 v48, v14  }
0x3f9: {  	v3 =	vmul.f32 $5.000000070e-02, v3;
	v11 =	vadd.f32 v11, v20;
	v55 =	vld [tilespmem:$0x1FF10];
	v13 =	vadd.f32 v50, v13  }
0x3fa: {  	v0 =	vmul.f32 $5.000000070e-02, v0;
	v58 =	vld [tilespmem:$0x2980];
	v14 =	vadd.f32 v51, v14  }
0x3fb: {  	[tilespmem:$0x2C30] =	vst v3;
	v5 =	vmul.f32 $5.000000070e-02, v5;
	v11 =	vadd.f32 v38, v11;
	v38 =	vld [tilespmem:$0x1FF90];
	v13 =	vadd.f32 v52, v13  }
0x3fc: {  	[tilespmem:$0x2C40] =	vst v0;
	v4 =	vmul.f32 $5.000000070e-02, v4;
	v62 =	vld [tilespmem:$0x29A0];
	v14 =	vadd.f32 v53, v14  }
0x3fd: {  	v18 =	vmul.f32 $5.000000070e-02, v33;
	[tilespmem:$0x2C10] =	vst v5;
	v11 =	vadd.f32 v12, v11;
	v29 =	vld [tilespmem:$0x29B0];
	v13 =	vadd.f32 v54, v13  }
0x3fe: {  	[tilespmem:$0x2C20] =	vst v4;
	v20 =	vmul.f32 $5.000000070e-02, v57;
	v57 =	vld [tilespmem:$0x2A60];
	v14 =	vadd.f32 v56, v14  }
0x3ff: {  	[tilespmem:$0x2B60] =	vst v18;
	v7 =	vmul.f32 $5.000000070e-02, v7;
	v63 =	vld [tilespmem:$0x1FF50];
	v11 =	vadd.f32 v41, v11;
	v13 =	vadd.f32 v58, v13  }
0x400: {  	[tilespmem:$0x2B10] =	vst v20;
	v20 =	vmul.f32 $5.000000070e-02, v61;
	v12 =	vmul.f32 $5.000000070e-02, v31;
	v37 =	vld [tilespmem:$0x29E0];
	v14 =	vadd.f32 v60, v14  }
0x401: {  	[tilespmem:$0x2C00] =	vst v7;
	v25 =	vmul.f32 $5.000000070e-02, v55;
	v55 =	vld [tilespmem:$0x1FFF0];
	v10 =	vadd.f32 v10, v11;
	v13 =	vadd.f32 v62, v13  }
0x402: {  	[tilespmem:$0x2B50] =	vst v12;
	v12 =	vmul.f32 $5.000000070e-02, v36;
	v42 =	vld [tilespmem:$0x2A00];
	v41 =	vadd.f32 v29, v14  }
0x403: {  	[tilespmem:$0x2B30] =	vst v20;
	v43 =	vld [tilespmem:$0x1FFB0];
	v8 =	vadd.f32 v8, v10;
	v13 =	vadd.f32 v32, v13  }
0x404: {  	v18 =	vmul.f32 $5.000000070e-02, v38;
	[tilespmem:$0x2B70] =	vst v12;
	v47 =	vld [tilespmem:$0x2A20];
	v46 =	vadd.f32 v34, v41  }
0x405: {  	v11 =	vmul.f32 $5.000000070e-02, v40;
	[tilespmem:$0x2B00] =	vst v25;
	v6 =	vadd.f32 v6, v8;
	v50 =	vld [tilespmem:$0x1FFD0];
	v13 =	vadd.f32 v37, v13  }
0x406: {  	v25 =	vmul.f32 $5.000000070e-02, v59;
	[tilespmem:$0x2B80] =	vst v18;
	v52 =	vld [tilespmem:$0x2A40];
	v51 =	vadd.f32 v39, v46  }
0x407: {  	[tilespmem:$0x2B90] =	vst v11;
	v10 =	vmul.f32 $5.000000070e-02, v45;
	v2 =	vadd.f32 v2, v6;
	v54 =	vld [tilespmem:$0x2A50];
	v13 =	vadd.f32 v42, v13  }
0x408: {  	[tilespmem:$0x2B20] =	vst v25;
	v25 =	vmul.f32 $5.000000070e-02, v63;
	v53 =	vld [tilespmem:$0x1FFE0];
	v56 =	vadd.f32 v44, v51  }
0x409: {  	[tilespmem:$0x2BB0] =	vst v10;
	v15 =	vmul.f32 $5.000000070e-02, v43;
	v1 =	vadd.f32 v1, v2;
	v58 =	vld [tilespmem:$0x2A70];
	v12 =	vadd.f32 v47, v13  }
0x40a: {  	[tilespmem:$0x2B40] =	vst v25;
	v48 =	vmul.f32 $5.000000070e-02, v30;
	v59 =	vadd.f32 v49, v56  }
0x40b: {  	v6 =	vmul.f32 $5.000000070e-02, v55;
	[tilespmem:$0x2BA0] =	vst v15;
	v1 =	vadd.f32 v9, v1;
	v60 =	vadd.f32 v52, v12  }
0x40c: {  	[tilespmem:$0x2BC0] =	vst v48;
	v8 =	vmul.f32 $5.000000070e-02, v50;
	v2 =	vadd.f32 v54, v59  }
0x40d: {  	[tilespmem:$0x2BF0] =	vst v6;
	v1 =	vmul.f32 $5.000000070e-02, v1;
	v61 =	vadd.f32 v57, v60  }
0x40e: {  	[tilespmem:$0x2BD0] =	vst v8;
	v15 =	vmul.f32 $5.000000070e-02, v53;
	v2 =	vadd.f32 v58, v2  }
0x40f: {  	[tilespmem:$0x2C50] =	vst v1;
	v62 =	vmul.f32 $5.000000070e-02, v61  }
0x410: {  	[tilespmem:$0x2BE0] =	vst v15;
	v63 =	vmul.f32 $5.000000070e-02, v2  }
0x411: {  	p0 =	sne.s32 s10, $0x1;
	[tilespmem:$0x2C60] =	vst v62  }
.Ltmp0:
0x412: {  	[tilespmem:$0x2C70] =	vst v63;
	(pc) =	sbr.rel @p0 .LBB2_1-.Ltmp0, $4  }
0x413: {  	[hbm4b:s9+s30] =	stream.strided.scatter [tilespmem:s1], [sflag:$0x2], $0x200, s31, s30, $0x38;
	[tilespmem:$0x2C80] =	vst v63  }
0x414: {  	_ =	swait.ge [sflag:s11], $0x200  }
0x415: {  	[sflag:s11] =	ssyncset.done $0x0  }
0x416: {  	s10 =	sadd.s32 $0xFFFFFFFF, s10;
	[sflag:s11] =	ssyncadd.s32 $0xFFFFFE00  }
0x417: {  	_ =	sfence.sel $0x180000  }
0x418: {  	[bflag:$0x0] =	sbarrier.arrive $0xFFFF  }
0x419: {  	_ =	strace $0x90000047  }
0x41a: {  	s0 =	stileid.u32;
	[bflag:$0x2] =	sbarrier.arrive $0xFFFF  }
0x41b: {  	p0 =	sne.s32 s0, $0x0;
	s0 =	rddreg [dreg:$0x2]  }
0x41c: {  	s0 =	sadd.s32 @!p0 $0x100000, s0  }
0x41d: {  	[sflag:s0] =	ssyncadd.tile.s32 @!p0 $0x1;
	_ =	shalt  }
.Lfunc_end2:
_tile_overlayer_lowered:
.L_overlay_start_2:
0x41e: {  	(tag) =	ssettag $0x2  }
0x41f: {  	s0 =	rddreg [dreg:$0x0];
	s2 =	stileid.u32  }
0x420: {  	s1 =	rddreg [dreg:$0x1];
	p0 =	sne.s32 s2, $0x0  }
0x421: {  	s3 =	rddreg [dreg:$0x2];
	[bflag:$0x3] =	sbarrier.arrive $0xFFFF;
	s2 =	simm.s32 @!p0 $0x1C02  }
0x422: {  	[timem:s3], [sflag:s2] =	dma.local @!p0 [hbm:s0], s1  }
0x423: {  	s0 =	simm.s32 @!p0 $0x2  }
0x424: {  	_ =	swait.ge @!p0 [sflag:s0], s1  }
0x425: {  	s1 =	ssub.s32 @!p0 $0x0, s1;
	[sflag:s0] =	ssyncset.done @!p0 $0x0  }
0x426: {  	[sflag:s0] =	ssyncadd.s32 @!p0 s1  }
0x427: {  	[bflag:$0x3] =	sbarrier.arrive $0xFFFF  }
0x428: {  	_ =	shalt  }

</sc_bundles>
